<compile_context>
chip_gen: v7x
topology: tpu7x:2x2x1
jax: 0.10.2.dev20260603
libtpu: 0.0.44.dev20260713+nightly
codegen_flags: <defaults>
</compile_context>

<pallas_src>
import functools

import jax
import jax.numpy as jnp
from jax import lax
from jax.experimental import pallas as pl
from jax.experimental.pallas import tpu as pltpu
from jax.experimental.pallas import tpu_sc as plsc

LANES = 16
IDX_GRP = 128
GATHERS_PER_CHUNK = 5


def _embed_sum(idx3, table, batch, ctx, embed, nw, nc):
    rows_per_w = batch // nw
    groups = rows_per_w * ctx // IDX_GRP
    chunks = groups // GATHERS_PER_CHUNK
    rows_per_chunk = GATHERS_PER_CHUNK * IDX_GRP // ctx
    mesh = plsc.VectorSubcoreMesh(core_axis_name="c", subcore_axis_name="s")

    @functools.partial(
        pl.kernel,
        out_type=jax.ShapeDtypeStruct((batch, embed), jnp.float32),
        mesh=mesh,
        scratch_types=[
            pltpu.VMEM((groups, IDX_GRP), jnp.int32),
            pltpu.VMEM((GATHERS_PER_CHUNK * IDX_GRP, embed), jnp.float32),
            pltpu.VMEM((rows_per_w, embed), jnp.float32),
            pltpu.SemaphoreType.DMA,
        ],
        compiler_params=pltpu.CompilerParams(use_tc_tiling_on_sc=False),
    )
    def body(idx_hbm, table_hbm, out_hbm, idx_v, rows_v, emb_v, sem):
        wid = lax.axis_index("s") * nc + lax.axis_index("c")
        pltpu.sync_copy(idx_hbm.at[wid], idx_v)
        for t in range(chunks):
            handles = [
                pltpu.async_copy(
                    table_hbm.at[idx_v.at[t * GATHERS_PER_CHUNK + g]],
                    rows_v.at[pl.ds(g * IDX_GRP, IDX_GRP)],
                    sem,
                )
                for g in range(GATHERS_PER_CHUNK)
            ]
            for h in handles:
                h.wait()

            def reduce_row(rr, _, t=t):
                for j in range(embed // LANES):
                    acc = rows_v[rr * ctx, pl.ds(j * LANES, LANES)]
                    for c in range(1, ctx):
                        acc = acc + rows_v[rr * ctx + c, pl.ds(j * LANES, LANES)]
                    emb_v[t * rows_per_chunk + rr, pl.ds(j * LANES, LANES)] = acc
                return 0

            lax.fori_loop(0, rows_per_chunk, reduce_row, 0)
        pltpu.sync_copy(emb_v, out_hbm.at[pl.ds(wid * rows_per_w, rows_per_w)])

    return body(idx3, table)


def _project(x, w, bt=32):
    batch, embed = x.shape
    _, vocab = w.shape
    steps = batch // bt

    def body(x_ref, w_ref, o_ref):
        o_ref[...] = jnp.dot(x_ref[...], w_ref[...],
                             preferred_element_type=jnp.float32)

    return pl.pallas_call(
        body,
        grid=(steps,),
        in_specs=[
            pl.BlockSpec((bt, embed), lambda j: (j, 0)),
            pl.BlockSpec((embed, vocab), lambda j: (0, 0)),
        ],
        out_specs=pl.BlockSpec((bt, vocab), lambda j: (j, 0)),
        out_shape=jax.ShapeDtypeStruct((batch, vocab), jnp.float32),
        compiler_params=pltpu.CompilerParams(
            dimension_semantics=("parallel",),
            vmem_limit_bytes=100 * 1024 * 1024),
    )(x, w)


def kernel(inputs, emb_table, W):
    batch, ctx = inputs.shape
    vocab, embed = emb_table.shape
    info = plsc.get_sparse_core_info()
    nw = info.num_cores * info.num_subcores
    idx3 = inputs.astype(jnp.int32).reshape(
        nw, (batch // nw) * ctx // IDX_GRP, IDX_GRP)
    emb = _embed_sum(idx3, emb_table, batch, ctx, embed, nw, info.num_cores)
    return _project(emb, W)

# --- scband reference (transcript-rebuilt; emitter-appended) ---
"""Pipeline reference for scband-cbo-w2-85813446574766 (READ-ONLY COPY).

The authoritative reference and input builder live on the scoring server;
editing this copy changes nothing except your own understanding.
"""

import jax, jax.numpy as jnp
import numpy as np

VOCAB = 100000
EMBED_DIM = 64
BATCH = 4096
CTX = 20

def setup_inputs(seed: int = 0) -> dict:
    key = jax.random.key(seed)
    k_idx, k_emb, k_w = jax.random.split(key, 3)
    inputs = jax.random.randint(k_idx, (BATCH, CTX), 0, VOCAB, dtype=jnp.int64 if jax.config.jax_enable_x64 else jnp.int32)
    emb_table = jax.random.normal(k_emb, (VOCAB, EMBED_DIM), dtype=jnp.float32)
    W = jax.random.normal(k_w, (EMBED_DIM, VOCAB), dtype=jnp.float32)
    return {"inputs": inputs, "emb_table": emb_table, "W": W}

def reference(inputs, emb_table, W):
    # embeds = sum over context window of embedding lookups: [B, CTX, E] -> [B, E]
    embeds = jnp.take(emb_table, inputs, axis=0).sum(axis=1)
    # out = einsum('be,ev->bv', embeds, W)
    out = jnp.einsum('be,ev->bv', embeds, W)
    return out

if __name__ == "__main__":
    import jax
    _d = setup_inputs()
    print(jax.jit(kernel)(*tuple(_d.values())))

</pallas_src>

<mosaic_0001>
#map = affine_map<(d0, d1) -> (0, 0, 0)>
#map1 = affine_map<(d0, d1) -> (0, 0)>
module attributes {stable_mosaic.version = 14 : i64} {
  func.func @body(%arg0: i32, %arg1: i32, %arg2: memref<32x20x128xi32, #tpu.memory_space<hbm>>, %arg3: memref<100000x64xf32, #tpu.memory_space<hbm>>, %arg4: memref<4096x64xf32, #tpu.memory_space<hbm>>, %arg5: memref<20x128xi32, #tpu.memory_space<vmem>>, %arg6: memref<640x64xf32, #tpu.memory_space<vmem>>, %arg7: memref<128x64xf32, #tpu.memory_space<vmem>>, %arg8: memref<!tpu.dma_semaphore, #tpu.memory_space<semaphore_mem>>) attributes {dimension_semantics = [#tpu.dimension_semantics<core_parallel>, #tpu.dimension_semantics<subcore_parallel>], iteration_bounds = array<i64: 2, 16>, scalar_prefetch = 0 : i64, scratch_operands = 4 : i64, tpu.core_type = #tpu.core_type<sc_vector_subcore>, window_params = [{transform_indices = #map}, {transform_indices = #map1}, {transform_indices = #map1}]} {
    %mul3A = arith.constant 2 : i32
    %mul3A_0 = arith.muli %arg1, %mul3A : i32
    %add3A = arith.addi %mul3A_0, %arg0 : i32
    "tpu.region"() ({
      %run_scoped3A = tpu.sem_alloc : memref<!tpu.dma_semaphore, #tpu.memory_space<semaphore_mem>>
      %dma_start3A_428 = arith.constant 0 : i32
      %dma_start3A_429 = arith.constant 0 : i32
      %dma_start3A_430 = tpu.memref_slice %arg2[%add3A, %dma_start3A_428, %dma_start3A_429] : memref<32x20x128xi32, #tpu.memory_space<hbm>> -> memref<1x20x128xi32, #tpu.memory_space<hbm>>
      %dma_start3A_431 = tpu.memref_squeeze %dma_start3A_430 : memref<1x20x128xi32, #tpu.memory_space<hbm>> -> memref<20x128xi32, #tpu.memory_space<hbm>>
      %dma_start3A_432 = arith.constant 0 : i32
      %dma_start3A_433 = arith.constant 0 : i32
      %dma_start3A_434 = tpu.memref_slice %arg2[%add3A, %dma_start3A_432, %dma_start3A_433] : memref<32x20x128xi32, #tpu.memory_space<hbm>> -> memref<1x20x128xi32, #tpu.memory_space<hbm>>
      %dma_start3A_435 = tpu.memref_squeeze %dma_start3A_434 : memref<1x20x128xi32, #tpu.memory_space<hbm>> -> memref<20x128xi32, #tpu.memory_space<hbm>>
      tpu.enqueue_dma source(%dma_start3A_435 : memref<20x128xi32, #tpu.memory_space<hbm>>) target(%arg5 : memref<20x128xi32, #tpu.memory_space<vmem>>) target_semaphore(%run_scoped3A : memref<!tpu.dma_semaphore, #tpu.memory_space<semaphore_mem>>)
      %dma_wait3A_436 = arith.constant 0 : i32
      %dma_wait3A_437 = arith.constant 0 : i32
      %dma_wait3A_438 = tpu.memref_slice %arg2[%add3A, %dma_wait3A_436, %dma_wait3A_437] : memref<32x20x128xi32, #tpu.memory_space<hbm>> -> memref<1x20x128xi32, #tpu.memory_space<hbm>>
      %dma_wait3A_439 = tpu.memref_squeeze %dma_wait3A_438 : memref<1x20x128xi32, #tpu.memory_space<hbm>> -> memref<20x128xi32, #tpu.memory_space<hbm>>
      %dma_wait3A_440 = arith.constant 0 : i32
      %dma_wait3A_441 = arith.constant 0 : i32
      %dma_wait3A_442 = tpu.memref_slice %arg2[%add3A, %dma_wait3A_440, %dma_wait3A_441] : memref<32x20x128xi32, #tpu.memory_space<hbm>> -> memref<1x20x128xi32, #tpu.memory_space<hbm>>
      %dma_wait3A_443 = tpu.memref_squeeze %dma_wait3A_442 : memref<1x20x128xi32, #tpu.memory_space<hbm>> -> memref<20x128xi32, #tpu.memory_space<hbm>>
      tpu.wait_dma2 semaphore(%run_scoped3A : memref<!tpu.dma_semaphore, #tpu.memory_space<semaphore_mem>>) src(%dma_wait3A_443 : memref<20x128xi32, #tpu.memory_space<hbm>>) dst(%arg5 : memref<20x128xi32, #tpu.memory_space<vmem>>)
      tpu.yield
    }) : () -> ()
    %dma_start3A = arith.constant 0 : i32
    %dma_start3A_1 = arith.constant 0 : i32
    %dma_start3A_2 = arith.constant 0 : i32
    %dma_start3A_3 = tpu.memref_slice %arg6[%dma_start3A_1, %dma_start3A_2] : memref<640x64xf32, #tpu.memory_space<vmem>> -> memref<128x64xf32, #tpu.memory_space<vmem>>
    %dma_start3A_4 = arith.constant 0 : i32
    %dma_start3A_5 = tpu.memref_slice %arg5[%dma_start3A, %dma_start3A_4] : memref<20x128xi32, #tpu.memory_space<vmem>> -> memref<1x128xi32, #tpu.memory_space<vmem>>
    %dma_start3A_6 = tpu.memref_squeeze %dma_start3A_5 : memref<1x128xi32, #tpu.memory_space<vmem>> -> memref<128xi32, #tpu.memory_space<vmem>>
    %dma_start3A_7 = arith.constant 0 : i32
    %dma_start3A_8 = arith.constant 0 : i32
    %dma_start3A_9 = tpu.memref_slice %arg3[%dma_start3A_7, %dma_start3A_8] : memref<100000x64xf32, #tpu.memory_space<hbm>> -> memref<100000x64xf32, #tpu.memory_space<hbm>>
    tpu.enqueue_indirect_dma source(%dma_start3A_9 : memref<100000x64xf32, #tpu.memory_space<hbm>>) target(%dma_start3A_3 : memref<128x64xf32, #tpu.memory_space<vmem>>) offsets(%dma_start3A_6 : memref<128xi32, #tpu.memory_space<vmem>>) semaphore(%arg8 : memref<!tpu.dma_semaphore, #tpu.memory_space<semaphore_mem>>)
    %dma_start3A_10 = arith.constant 1 : i32
    %dma_start3A_11 = arith.constant 128 : i32
    %dma_start3A_12 = arith.constant 0 : i32
    %dma_start3A_13 = tpu.memref_slice %arg6[%dma_start3A_11, %dma_start3A_12] : memref<640x64xf32, #tpu.memory_space<vmem>> -> memref<128x64xf32, #tpu.memory_space<vmem>>
    %dma_start3A_14 = arith.constant 0 : i32
    %dma_start3A_15 = tpu.memref_slice %arg5[%dma_start3A_10, %dma_start3A_14] : memref<20x128xi32, #tpu.memory_space<vmem>> -> memref<1x128xi32, #tpu.memory_space<vmem>>
    %dma_start3A_16 = tpu.memref_squeeze %dma_start3A_15 : memref<1x128xi32, #tpu.memory_space<vmem>> -> memref<128xi32, #tpu.memory_space<vmem>>
    %dma_start3A_17 = arith.constant 0 : i32
    %dma_start3A_18 = arith.constant 0 : i32
    %dma_start3A_19 = tpu.memref_slice %arg3[%dma_start3A_17, %dma_start3A_18] : memref<100000x64xf32, #tpu.memory_space<hbm>> -> memref<100000x64xf32, #tpu.memory_space<hbm>>
    tpu.enqueue_indirect_dma source(%dma_start3A_19 : memref<100000x64xf32, #tpu.memory_space<hbm>>) target(%dma_start3A_13 : memref<128x64xf32, #tpu.memory_space<vmem>>) offsets(%dma_start3A_16 : memref<128xi32, #tpu.memory_space<vmem>>) semaphore(%arg8 : memref<!tpu.dma_semaphore, #tpu.memory_space<semaphore_mem>>)
    %dma_start3A_20 = arith.constant 2 : i32
    %dma_start3A_21 = arith.constant 256 : i32
    %dma_start3A_22 = arith.constant 0 : i32
    %dma_start3A_23 = tpu.memref_slice %arg6[%dma_start3A_21, %dma_start3A_22] : memref<640x64xf32, #tpu.memory_space<vmem>> -> memref<128x64xf32, #tpu.memory_space<vmem>>
    %dma_start3A_24 = arith.constant 0 : i32
    %dma_start3A_25 = tpu.memref_slice %arg5[%dma_start3A_20, %dma_start3A_24] : memref<20x128xi32, #tpu.memory_space<vmem>> -> memref<1x128xi32, #tpu.memory_space<vmem>>
    %dma_start3A_26 = tpu.memref_squeeze %dma_start3A_25 : memref<1x128xi32, #tpu.memory_space<vmem>> -> memref<128xi32, #tpu.memory_space<vmem>>
    %dma_start3A_27 = arith.constant 0 : i32
    %dma_start3A_28 = arith.constant 0 : i32
    %dma_start3A_29 = tpu.memref_slice %arg3[%dma_start3A_27, %dma_start3A_28] : memref<100000x64xf32, #tpu.memory_space<hbm>> -> memref<100000x64xf32, #tpu.memory_space<hbm>>
    tpu.enqueue_indirect_dma source(%dma_start3A_29 : memref<100000x64xf32, #tpu.memory_space<hbm>>) target(%dma_start3A_23 : memref<128x64xf32, #tpu.memory_space<vmem>>) offsets(%dma_start3A_26 : memref<128xi32, #tpu.memory_space<vmem>>) semaphore(%arg8 : memref<!tpu.dma_semaphore, #tpu.memory_space<semaphore_mem>>)
    %dma_start3A_30 = arith.constant 3 : i32
    %dma_start3A_31 = arith.constant 384 : i32
    %dma_start3A_32 = arith.constant 0 : i32
    %dma_start3A_33 = tpu.memref_slice %arg6[%dma_start3A_31, %dma_start3A_32] : memref<640x64xf32, #tpu.memory_space<vmem>> -> memref<128x64xf32, #tpu.memory_space<vmem>>
    %dma_start3A_34 = arith.constant 0 : i32
    %dma_start3A_35 = tpu.memref_slice %arg5[%dma_start3A_30, %dma_start3A_34] : memref<20x128xi32, #tpu.memory_space<vmem>> -> memref<1x128xi32, #tpu.memory_space<vmem>>
    %dma_start3A_36 = tpu.memref_squeeze %dma_start3A_35 : memref<1x128xi32, #tpu.memory_space<vmem>> -> memref<128xi32, #tpu.memory_space<vmem>>
    %dma_start3A_37 = arith.constant 0 : i32
    %dma_start3A_38 = arith.constant 0 : i32
    %dma_start3A_39 = tpu.memref_slice %arg3[%dma_start3A_37, %dma_start3A_38] : memref<100000x64xf32, #tpu.memory_space<hbm>> -> memref<100000x64xf32, #tpu.memory_space<hbm>>
    tpu.enqueue_indirect_dma source(%dma_start3A_39 : memref<100000x64xf32, #tpu.memory_space<hbm>>) target(%dma_start3A_33 : memref<128x64xf32, #tpu.memory_space<vmem>>) offsets(%dma_start3A_36 : memref<128xi32, #tpu.memory_space<vmem>>) semaphore(%arg8 : memref<!tpu.dma_semaphore, #tpu.memory_space<semaphore_mem>>)
    %dma_start3A_40 = arith.constant 4 : i32
    %dma_start3A_41 = arith.constant 512 : i32
    %dma_start3A_42 = arith.constant 0 : i32
    %dma_start3A_43 = tpu.memref_slice %arg6[%dma_start3A_41, %dma_start3A_42] : memref<640x64xf32, #tpu.memory_space<vmem>> -> memref<128x64xf32, #tpu.memory_space<vmem>>
    %dma_start3A_44 = arith.constant 0 : i32
    %dma_start3A_45 = tpu.memref_slice %arg5[%dma_start3A_40, %dma_start3A_44] : memref<20x128xi32, #tpu.memory_space<vmem>> -> memref<1x128xi32, #tpu.memory_space<vmem>>
    %dma_start3A_46 = tpu.memref_squeeze %dma_start3A_45 : memref<1x128xi32, #tpu.memory_space<vmem>> -> memref<128xi32, #tpu.memory_space<vmem>>
    %dma_start3A_47 = arith.constant 0 : i32
    %dma_start3A_48 = arith.constant 0 : i32
    %dma_start3A_49 = tpu.memref_slice %arg3[%dma_start3A_47, %dma_start3A_48] : memref<100000x64xf32, #tpu.memory_space<hbm>> -> memref<100000x64xf32, #tpu.memory_space<hbm>>
    tpu.enqueue_indirect_dma source(%dma_start3A_49 : memref<100000x64xf32, #tpu.memory_space<hbm>>) target(%dma_start3A_43 : memref<128x64xf32, #tpu.memory_space<vmem>>) offsets(%dma_start3A_46 : memref<128xi32, #tpu.memory_space<vmem>>) semaphore(%arg8 : memref<!tpu.dma_semaphore, #tpu.memory_space<semaphore_mem>>)
    %dma_wait3A = arith.constant 0 : i32
    %dma_wait3A_50 = arith.constant 0 : i32
    %dma_wait3A_51 = arith.constant 0 : i32
    %dma_wait3A_52 = tpu.memref_slice %arg6[%dma_wait3A_50, %dma_wait3A_51] : memref<640x64xf32, #tpu.memory_space<vmem>> -> memref<128x64xf32, #tpu.memory_space<vmem>>
    %dma_wait3A_53 = arith.constant 0 : i32
    %dma_wait3A_54 = tpu.memref_slice %arg5[%dma_wait3A, %dma_wait3A_53] : memref<20x128xi32, #tpu.memory_space<vmem>> -> memref<1x128xi32, #tpu.memory_space<vmem>>
    %dma_wait3A_55 = tpu.memref_squeeze %dma_wait3A_54 : memref<1x128xi32, #tpu.memory_space<vmem>> -> memref<128xi32, #tpu.memory_space<vmem>>
    %dma_wait3A_56 = arith.constant 0 : i32
    %dma_wait3A_57 = arith.constant 0 : i32
    %dma_wait3A_58 = tpu.memref_slice %arg3[%dma_wait3A_56, %dma_wait3A_57] : memref<100000x64xf32, #tpu.memory_space<hbm>> -> memref<100000x64xf32, #tpu.memory_space<hbm>>
    tpu.wait_indirect_dma semaphore(%arg8 : memref<!tpu.dma_semaphore, #tpu.memory_space<semaphore_mem>>) src(%dma_wait3A_58 : memref<100000x64xf32, #tpu.memory_space<hbm>>) dst(%dma_wait3A_52 : memref<128x64xf32, #tpu.memory_space<vmem>>)
    %dma_wait3A_59 = arith.constant 1 : i32
    %dma_wait3A_60 = arith.constant 128 : i32
    %dma_wait3A_61 = arith.constant 0 : i32
    %dma_wait3A_62 = tpu.memref_slice %arg6[%dma_wait3A_60, %dma_wait3A_61] : memref<640x64xf32, #tpu.memory_space<vmem>> -> memref<128x64xf32, #tpu.memory_space<vmem>>
    %dma_wait3A_63 = arith.constant 0 : i32
    %dma_wait3A_64 = tpu.memref_slice %arg5[%dma_wait3A_59, %dma_wait3A_63] : memref<20x128xi32, #tpu.memory_space<vmem>> -> memref<1x128xi32, #tpu.memory_space<vmem>>
    %dma_wait3A_65 = tpu.memref_squeeze %dma_wait3A_64 : memref<1x128xi32, #tpu.memory_space<vmem>> -> memref<128xi32, #tpu.memory_space<vmem>>
    %dma_wait3A_66 = arith.constant 0 : i32
    %dma_wait3A_67 = arith.constant 0 : i32
    %dma_wait3A_68 = tpu.memref_slice %arg3[%dma_wait3A_66, %dma_wait3A_67] : memref<100000x64xf32, #tpu.memory_space<hbm>> -> memref<100000x64xf32, #tpu.memory_space<hbm>>
    tpu.wait_indirect_dma semaphore(%arg8 : memref<!tpu.dma_semaphore, #tpu.memory_space<semaphore_mem>>) src(%dma_wait3A_68 : memref<100000x64xf32, #tpu.memory_space<hbm>>) dst(%dma_wait3A_62 : memref<128x64xf32, #tpu.memory_space<vmem>>)
    %dma_wait3A_69 = arith.constant 2 : i32
    %dma_wait3A_70 = arith.constant 256 : i32
    %dma_wait3A_71 = arith.constant 0 : i32
    %dma_wait3A_72 = tpu.memref_slice %arg6[%dma_wait3A_70, %dma_wait3A_71] : memref<640x64xf32, #tpu.memory_space<vmem>> -> memref<128x64xf32, #tpu.memory_space<vmem>>
    %dma_wait3A_73 = arith.constant 0 : i32
    %dma_wait3A_74 = tpu.memref_slice %arg5[%dma_wait3A_69, %dma_wait3A_73] : memref<20x128xi32, #tpu.memory_space<vmem>> -> memref<1x128xi32, #tpu.memory_space<vmem>>
    %dma_wait3A_75 = tpu.memref_squeeze %dma_wait3A_74 : memref<1x128xi32, #tpu.memory_space<vmem>> -> memref<128xi32, #tpu.memory_space<vmem>>
    %dma_wait3A_76 = arith.constant 0 : i32
    %dma_wait3A_77 = arith.constant 0 : i32
    %dma_wait3A_78 = tpu.memref_slice %arg3[%dma_wait3A_76, %dma_wait3A_77] : memref<100000x64xf32, #tpu.memory_space<hbm>> -> memref<100000x64xf32, #tpu.memory_space<hbm>>
    tpu.wait_indirect_dma semaphore(%arg8 : memref<!tpu.dma_semaphore, #tpu.memory_space<semaphore_mem>>) src(%dma_wait3A_78 : memref<100000x64xf32, #tpu.memory_space<hbm>>) dst(%dma_wait3A_72 : memref<128x64xf32, #tpu.memory_space<vmem>>)
    %dma_wait3A_79 = arith.constant 3 : i32
    %dma_wait3A_80 = arith.constant 384 : i32
    %dma_wait3A_81 = arith.constant 0 : i32
    %dma_wait3A_82 = tpu.memref_slice %arg6[%dma_wait3A_80, %dma_wait3A_81] : memref<640x64xf32, #tpu.memory_space<vmem>> -> memref<128x64xf32, #tpu.memory_space<vmem>>
    %dma_wait3A_83 = arith.constant 0 : i32
    %dma_wait3A_84 = tpu.memref_slice %arg5[%dma_wait3A_79, %dma_wait3A_83] : memref<20x128xi32, #tpu.memory_space<vmem>> -> memref<1x128xi32, #tpu.memory_space<vmem>>
    %dma_wait3A_85 = tpu.memref_squeeze %dma_wait3A_84 : memref<1x128xi32, #tpu.memory_space<vmem>> -> memref<128xi32, #tpu.memory_space<vmem>>
    %dma_wait3A_86 = arith.constant 0 : i32
    %dma_wait3A_87 = arith.constant 0 : i32
    %dma_wait3A_88 = tpu.memref_slice %arg3[%dma_wait3A_86, %dma_wait3A_87] : memref<100000x64xf32, #tpu.memory_space<hbm>> -> memref<100000x64xf32, #tpu.memory_space<hbm>>
    tpu.wait_indirect_dma semaphore(%arg8 : memref<!tpu.dma_semaphore, #tpu.memory_space<semaphore_mem>>) src(%dma_wait3A_88 : memref<100000x64xf32, #tpu.memory_space<hbm>>) dst(%dma_wait3A_82 : memref<128x64xf32, #tpu.memory_space<vmem>>)
    %dma_wait3A_89 = arith.constant 4 : i32
    %dma_wait3A_90 = arith.constant 512 : i32
    %dma_wait3A_91 = arith.constant 0 : i32
    %dma_wait3A_92 = tpu.memref_slice %arg6[%dma_wait3A_90, %dma_wait3A_91] : memref<640x64xf32, #tpu.memory_space<vmem>> -> memref<128x64xf32, #tpu.memory_space<vmem>>
    %dma_wait3A_93 = arith.constant 0 : i32
    %dma_wait3A_94 = tpu.memref_slice %arg5[%dma_wait3A_89, %dma_wait3A_93] : memref<20x128xi32, #tpu.memory_space<vmem>> -> memref<1x128xi32, #tpu.memory_space<vmem>>
    %dma_wait3A_95 = tpu.memref_squeeze %dma_wait3A_94 : memref<1x128xi32, #tpu.memory_space<vmem>> -> memref<128xi32, #tpu.memory_space<vmem>>
    %dma_wait3A_96 = arith.constant 0 : i32
    %dma_wait3A_97 = arith.constant 0 : i32
    %dma_wait3A_98 = tpu.memref_slice %arg3[%dma_wait3A_96, %dma_wait3A_97] : memref<100000x64xf32, #tpu.memory_space<hbm>> -> memref<100000x64xf32, #tpu.memory_space<hbm>>
    tpu.wait_indirect_dma semaphore(%arg8 : memref<!tpu.dma_semaphore, #tpu.memory_space<semaphore_mem>>) src(%dma_wait3A_98 : memref<100000x64xf32, #tpu.memory_space<hbm>>) dst(%dma_wait3A_92 : memref<128x64xf32, #tpu.memory_space<vmem>>)
    %scan3A = arith.constant 0 : i32
    %scan3A_99 = arith.constant 0 : i32
    %scan3A_100 = arith.constant 32 : i32
    %scan3A_101 = arith.addi %scan3A_99, %scan3A_100 : i32
    %scan3A_102 = arith.constant 1 : i32
    %scan3A_103 = scf.for %scan3A_428 = %scan3A_99 to %scan3A_101 step %scan3A_102 iter_args(%scan3A_429 = %scan3A) -> (i32)  : i32 {
      %mul3A_430 = arith.constant 20 : i32
      %mul3A_431 = arith.muli %scan3A_428, %mul3A_430 : i32
      %get3A = arith.index_cast %mul3A_431 : i32 to index
      %get3A_432 = arith.constant 0 : index
      %get3A_433 = tpu.vector_load %arg6[%get3A, %get3A_432] {strides = array<i32>} : memref<640x64xf32, #tpu.memory_space<vmem>>, vector<1x16xf32>,
      %get3A_434 = vector.shape_cast %get3A_433 : vector<1x16xf32> to vector<16xf32>
      %mul3A_435 = arith.constant 20 : i32
      %mul3A_436 = arith.muli %scan3A_428, %mul3A_435 : i32
      %add3A_437 = arith.constant 1 : i32
      %add3A_438 = arith.addi %mul3A_436, %add3A_437 : i32
      %get3A_439 = arith.index_cast %add3A_438 : i32 to index
      %get3A_440 = arith.constant 0 : index
      %get3A_441 = tpu.vector_load %arg6[%get3A_439, %get3A_440] {strides = array<i32>} : memref<640x64xf32, #tpu.memory_space<vmem>>, vector<1x16xf32>,
      %get3A_442 = vector.shape_cast %get3A_441 : vector<1x16xf32> to vector<16xf32>
      %add3A_443 = arith.addf %get3A_434, %get3A_442 : vector<16xf32>
      %mul3A_444 = arith.constant 20 : i32
      %mul3A_445 = arith.muli %scan3A_428, %mul3A_444 : i32
      %add3A_446 = arith.constant 2 : i32
      %add3A_447 = arith.addi %mul3A_445, %add3A_446 : i32
      %get3A_448 = arith.index_cast %add3A_447 : i32 to index
      %get3A_449 = arith.constant 0 : index
      %get3A_450 = tpu.vector_load %arg6[%get3A_448, %get3A_449] {strides = array<i32>} : memref<640x64xf32, #tpu.memory_space<vmem>>, vector<1x16xf32>,
      %get3A_451 = vector.shape_cast %get3A_450 : vector<1x16xf32> to vector<16xf32>
      %add3A_452 = arith.addf %add3A_443, %get3A_451 : vector<16xf32>
      %mul3A_453 = arith.constant 20 : i32
      %mul3A_454 = arith.muli %scan3A_428, %mul3A_453 : i32
      %add3A_455 = arith.constant 3 : i32
      %add3A_456 = arith.addi %mul3A_454, %add3A_455 : i32
      %get3A_457 = arith.index_cast %add3A_456 : i32 to index
      %get3A_458 = arith.constant 0 : index
      %get3A_459 = tpu.vector_load %arg6[%get3A_457, %get3A_458] {strides = array<i32>} : memref<640x64xf32, #tpu.memory_space<vmem>>, vector<1x16xf32>,
      %get3A_460 = vector.shape_cast %get3A_459 : vector<1x16xf32> to vector<16xf32>
      %add3A_461 = arith.addf %add3A_452, %get3A_460 : vector<16xf32>
      %mul3A_462 = arith.constant 20 : i32
      %mul3A_463 = arith.muli %scan3A_428, %mul3A_462 : i32
      %add3A_464 = arith.constant 4 : i32
      %add3A_465 = arith.addi %mul3A_463, %add3A_464 : i32
      %get3A_466 = arith.index_cast %add3A_465 : i32 to index
      %get3A_467 = arith.constant 0 : index
      %get3A_468 = tpu.vector_load %arg6[%get3A_466, %get3A_467] {strides = array<i32>} : memref<640x64xf32, #tpu.memory_space<vmem>>, vector<1x16xf32>,
      %get3A_469 = vector.shape_cast %get3A_468 : vector<1x16xf32> to vector<16xf32>
      %add3A_470 = arith.addf %add3A_461, %get3A_469 : vector<16xf32>
      %mul3A_471 = arith.constant 20 : i32
      %mul3A_472 = arith.muli %scan3A_428, %mul3A_471 : i32
      %add3A_473 = arith.constant 5 : i32
      %add3A_474 = arith.addi %mul3A_472, %add3A_473 : i32
      %get3A_475 = arith.index_cast %add3A_474 : i32 to index
      %get3A_476 = arith.constant 0 : index
      %get3A_477 = tpu.vector_load %arg6[%get3A_475, %get3A_476] {strides = array<i32>} : memref<640x64xf32, #tpu.memory_space<vmem>>, vector<1x16xf32>,
      %get3A_478 = vector.shape_cast %get3A_477 : vector<1x16xf32> to vector<16xf32>
      %add3A_479 = arith.addf %add3A_470, %get3A_478 : vector<16xf32>
      %mul3A_480 = arith.constant 20 : i32
      %mul3A_481 = arith.muli %scan3A_428, %mul3A_480 : i32
      %add3A_482 = arith.constant 6 : i32
      %add3A_483 = arith.addi %mul3A_481, %add3A_482 : i32
      %get3A_484 = arith.index_cast %add3A_483 : i32 to index
      %get3A_485 = arith.constant 0 : index
      %get3A_486 = tpu.vector_load %arg6[%get3A_484, %get3A_485] {strides = array<i32>} : memref<640x64xf32, #tpu.memory_space<vmem>>, vector<1x16xf32>,
      %get3A_487 = vector.shape_cast %get3A_486 : vector<1x16xf32> to vector<16xf32>
      %add3A_488 = arith.addf %add3A_479, %get3A_487 : vector<16xf32>
      %mul3A_489 = arith.constant 20 : i32
      %mul3A_490 = arith.muli %scan3A_428, %mul3A_489 : i32
      %add3A_491 = arith.constant 7 : i32
      %add3A_492 = arith.addi %mul3A_490, %add3A_491 : i32
      %get3A_493 = arith.index_cast %add3A_492 : i32 to index
      %get3A_494 = arith.constant 0 : index
      %get3A_495 = tpu.vector_load %arg6[%get3A_493, %get3A_494] {strides = array<i32>} : memref<640x64xf32, #tpu.memory_space<vmem>>, vector<1x16xf32>,
      %get3A_496 = vector.shape_cast %get3A_495 : vector<1x16xf32> to vector<16xf32>
      %add3A_497 = arith.addf %add3A_488, %get3A_496 : vector<16xf32>
      %mul3A_498 = arith.constant 20 : i32
      %mul3A_499 = arith.muli %scan3A_428, %mul3A_498 : i32
      %add3A_500 = arith.constant 8 : i32
      %add3A_501 = arith.addi %mul3A_499, %add3A_500 : i32
      %get3A_502 = arith.index_cast %add3A_501 : i32 to index
      %get3A_503 = arith.constant 0 : index
      %get3A_504 = tpu.vector_load %arg6[%get3A_502, %get3A_503] {strides = array<i32>} : memref<640x64xf32, #tpu.memory_space<vmem>>, vector<1x16xf32>,
      %get3A_505 = vector.shape_cast %get3A_504 : vector<1x16xf32> to vector<16xf32>
      %add3A_506 = arith.addf %add3A_497, %get3A_505 : vector<16xf32>
      %mul3A_507 = arith.constant 20 : i32
      %mul3A_508 = arith.muli %scan3A_428, %mul3A_507 : i32
      %add3A_509 = arith.constant 9 : i32
      %add3A_510 = arith.addi %mul3A_508, %add3A_509 : i32
      %get3A_511 = arith.index_cast %add3A_510 : i32 to index
      %get3A_512 = arith.constant 0 : index
      %get3A_513 = tpu.vector_load %arg6[%get3A_511, %get3A_512] {strides = array<i32>} : memref<640x64xf32, #tpu.memory_space<vmem>>, vector<1x16xf32>,
      %get3A_514 = vector.shape_cast %get3A_513 : vector<1x16xf32> to vector<16xf32>
      %add3A_515 = arith.addf %add3A_506, %get3A_514 : vector<16xf32>
      %mul3A_516 = arith.constant 20 : i32
      %mul3A_517 = arith.muli %scan3A_428, %mul3A_516 : i32
      %add3A_518 = arith.constant 10 : i32
      %add3A_519 = arith.addi %mul3A_517, %add3A_518 : i32
      %get3A_520 = arith.index_cast %add3A_519 : i32 to index
      %get3A_521 = arith.constant 0 : index
      %get3A_522 = tpu.vector_load %arg6[%get3A_520, %get3A_521] {strides = array<i32>} : memref<640x64xf32, #tpu.memory_space<vmem>>, vector<1x16xf32>,
      %get3A_523 = vector.shape_cast %get3A_522 : vector<1x16xf32> to vector<16xf32>
      %add3A_524 = arith.addf %add3A_515, %get3A_523 : vector<16xf32>
      %mul3A_525 = arith.constant 20 : i32
      %mul3A_526 = arith.muli %scan3A_428, %mul3A_525 : i32
      %add3A_527 = arith.constant 11 : i32
      %add3A_528 = arith.addi %mul3A_526, %add3A_527 : i32
      %get3A_529 = arith.index_cast %add3A_528 : i32 to index
      %get3A_530 = arith.constant 0 : index
      %get3A_531 = tpu.vector_load %arg6[%get3A_529, %get3A_530] {strides = array<i32>} : memref<640x64xf32, #tpu.memory_space<vmem>>, vector<1x16xf32>,
      %get3A_532 = vector.shape_cast %get3A_531 : vector<1x16xf32> to vector<16xf32>
      %add3A_533 = arith.addf %add3A_524, %get3A_532 : vector<16xf32>
      %mul3A_534 = arith.constant 20 : i32
      %mul3A_535 = arith.muli %scan3A_428, %mul3A_534 : i32
      %add3A_536 = arith.constant 12 : i32
      %add3A_537 = arith.addi %mul3A_535, %add3A_536 : i32
      %get3A_538 = arith.index_cast %add3A_537 : i32 to index
      %get3A_539 = arith.constant 0 : index
      %get3A_540 = tpu.vector_load %arg6[%get3A_538, %get3A_539] {strides = array<i32>} : memref<640x64xf32, #tpu.memory_space<vmem>>, vector<1x16xf32>,
      %get3A_541 = vector.shape_cast %get3A_540 : vector<1x16xf32> to vector<16xf32>
      %add3A_542 = arith.addf %add3A_533, %get3A_541 : vector<16xf32>
      %mul3A_543 = arith.constant 20 : i32
      %mul3A_544 = arith.muli %scan3A_428, %mul3A_543 : i32
      %add3A_545 = arith.constant 13 : i32
      %add3A_546 = arith.addi %mul3A_544, %add3A_545 : i32
      %get3A_547 = arith.index_cast %add3A_546 : i32 to index
      %get3A_548 = arith.constant 0 : index
      %get3A_549 = tpu.vector_load %arg6[%get3A_547, %get3A_548] {strides = array<i32>} : memref<640x64xf32, #tpu.memory_space<vmem>>, vector<1x16xf32>,
      %get3A_550 = vector.shape_cast %get3A_549 : vector<1x16xf32> to vector<16xf32>
      %add3A_551 = arith.addf %add3A_542, %get3A_550 : vector<16xf32>
      %mul3A_552 = arith.constant 20 : i32
      %mul3A_553 = arith.muli %scan3A_428, %mul3A_552 : i32
      %add3A_554 = arith.constant 14 : i32
      %add3A_555 = arith.addi %mul3A_553, %add3A_554 : i32
      %get3A_556 = arith.index_cast %add3A_555 : i32 to index
      %get3A_557 = arith.constant 0 : index
      %get3A_558 = tpu.vector_load %arg6[%get3A_556, %get3A_557] {strides = array<i32>} : memref<640x64xf32, #tpu.memory_space<vmem>>, vector<1x16xf32>,
      %get3A_559 = vector.shape_cast %get3A_558 : vector<1x16xf32> to vector<16xf32>
      %add3A_560 = arith.addf %add3A_551, %get3A_559 : vector<16xf32>
      %mul3A_561 = arith.constant 20 : i32
      %mul3A_562 = arith.muli %scan3A_428, %mul3A_561 : i32
      %add3A_563 = arith.constant 15 : i32
      %add3A_564 = arith.addi %mul3A_562, %add3A_563 : i32
      %get3A_565 = arith.index_cast %add3A_564 : i32 to index
      %get3A_566 = arith.constant 0 : index
      %get3A_567 = tpu.vector_load %arg6[%get3A_565, %get3A_566] {strides = array<i32>} : memref<640x64xf32, #tpu.memory_space<vmem>>, vector<1x16xf32>,
      %get3A_568 = vector.shape_cast %get3A_567 : vector<1x16xf32> to vector<16xf32>
      %add3A_569 = arith.addf %add3A_560, %get3A_568 : vector<16xf32>
      %mul3A_570 = arith.constant 20 : i32
      %mul3A_571 = arith.muli %scan3A_428, %mul3A_570 : i32
      %add3A_572 = arith.constant 16 : i32
      %add3A_573 = arith.addi %mul3A_571, %add3A_572 : i32
      %get3A_574 = arith.index_cast %add3A_573 : i32 to index
      %get3A_575 = arith.constant 0 : index
      %get3A_576 = tpu.vector_load %arg6[%get3A_574, %get3A_575] {strides = array<i32>} : memref<640x64xf32, #tpu.memory_space<vmem>>, vector<1x16xf32>,
      %get3A_577 = vector.shape_cast %get3A_576 : vector<1x16xf32> to vector<16xf32>
      %add3A_578 = arith.addf %add3A_569, %get3A_577 : vector<16xf32>
      %mul3A_579 = arith.constant 20 : i32
      %mul3A_580 = arith.muli %scan3A_428, %mul3A_579 : i32
      %add3A_581 = arith.constant 17 : i32
      %add3A_582 = arith.addi %mul3A_580, %add3A_581 : i32
      %get3A_583 = arith.index_cast %add3A_582 : i32 to index
      %get3A_584 = arith.constant 0 : index
      %get3A_585 = tpu.vector_load %arg6[%get3A_583, %get3A_584] {strides = array<i32>} : memref<640x64xf32, #tpu.memory_space<vmem>>, vector<1x16xf32>,
      %get3A_586 = vector.shape_cast %get3A_585 : vector<1x16xf32> to vector<16xf32>
      %add3A_587 = arith.addf %add3A_578, %get3A_586 : vector<16xf32>
      %mul3A_588 = arith.constant 20 : i32
      %mul3A_589 = arith.muli %scan3A_428, %mul3A_588 : i32
      %add3A_590 = arith.constant 18 : i32
      %add3A_591 = arith.addi %mul3A_589, %add3A_590 : i32
      %get3A_592 = arith.index_cast %add3A_591 : i32 to index
      %get3A_593 = arith.constant 0 : index
      %get3A_594 = tpu.vector_load %arg6[%get3A_592, %get3A_593] {strides = array<i32>} : memref<640x64xf32, #tpu.memory_space<vmem>>, vector<1x16xf32>,
      %get3A_595 = vector.shape_cast %get3A_594 : vector<1x16xf32> to vector<16xf32>
      %add3A_596 = arith.addf %add3A_587, %get3A_595 : vector<16xf32>
      %mul3A_597 = arith.constant 20 : i32
      %mul3A_598 = arith.muli %scan3A_428, %mul3A_597 : i32
      %add3A_599 = arith.constant 19 : i32
      %add3A_600 = arith.addi %mul3A_598, %add3A_599 : i32
      %get3A_601 = arith.index_cast %add3A_600 : i32 to index
      %get3A_602 = arith.constant 0 : index
      %get3A_603 = tpu.vector_load %arg6[%get3A_601, %get3A_602] {strides = array<i32>} : memref<640x64xf32, #tpu.memory_space<vmem>>, vector<1x16xf32>,
      %get3A_604 = vector.shape_cast %get3A_603 : vector<1x16xf32> to vector<16xf32>
      %add3A_605 = arith.addf %add3A_596, %get3A_604 : vector<16xf32>
      %add3A_606 = arith.constant 0 : i32
      %add3A_607 = arith.addi %add3A_606, %scan3A_428 : i32
      %swap3A = arith.index_cast %add3A_607 : i32 to index
      %swap3A_608 = arith.constant 0 : index
      %swap3A_609 = tpu.vector_load %arg7[%swap3A, %swap3A_608] {strides = array<i32>} : memref<128x64xf32, #tpu.memory_space<vmem>>, vector<1x16xf32>,
      %swap3A_610 = vector.shape_cast %swap3A_609 : vector<1x16xf32> to vector<16xf32>
      %swap3A_611 = vector.shape_cast %add3A_605 : vector<16xf32> to vector<1x16xf32>
      tpu.vector_store %arg7[%swap3A, %swap3A_608], %swap3A_611 {strides = array<i32>} : memref<128x64xf32, #tpu.memory_space<vmem>>, vector<1x16xf32>,
      %mul3A_612 = arith.constant 20 : i32
      %mul3A_613 = arith.muli %scan3A_428, %mul3A_612 : i32
      %get3A_614 = arith.index_cast %mul3A_613 : i32 to index
      %get3A_615 = arith.constant 16 : index
      %get3A_616 = tpu.vector_load %arg6[%get3A_614, %get3A_615] {strides = array<i32>} : memref<640x64xf32, #tpu.memory_space<vmem>>, vector<1x16xf32>,
      %get3A_617 = vector.shape_cast %get3A_616 : vector<1x16xf32> to vector<16xf32>
      %mul3A_618 = arith.constant 20 : i32
      %mul3A_619 = arith.muli %scan3A_428, %mul3A_618 : i32
      %add3A_620 = arith.constant 1 : i32
      %add3A_621 = arith.addi %mul3A_619, %add3A_620 : i32
      %get3A_622 = arith.index_cast %add3A_621 : i32 to index
      %get3A_623 = arith.constant 16 : index
      %get3A_624 = tpu.vector_load %arg6[%get3A_622, %get3A_623] {strides = array<i32>} : memref<640x64xf32, #tpu.memory_space<vmem>>, vector<1x16xf32>,
      %get3A_625 = vector.shape_cast %get3A_624 : vector<1x16xf32> to vector<16xf32>
      %add3A_626 = arith.addf %get3A_617, %get3A_625 : vector<16xf32>
      %mul3A_627 = arith.constant 20 : i32
      %mul3A_628 = arith.muli %scan3A_428, %mul3A_627 : i32
      %add3A_629 = arith.constant 2 : i32
      %add3A_630 = arith.addi %mul3A_628, %add3A_629 : i32
      %get3A_631 = arith.index_cast %add3A_630 : i32 to index
      %get3A_632 = arith.constant 16 : index
      %get3A_633 = tpu.vector_load %arg6[%get3A_631, %get3A_632] {strides = array<i32>} : memref<640x64xf32, #tpu.memory_space<vmem>>, vector<1x16xf32>,
      %get3A_634 = vector.shape_cast %get3A_633 : vector<1x16xf32> to vector<16xf32>
      %add3A_635 = arith.addf %add3A_626, %get3A_634 : vector<16xf32>
      %mul3A_636 = arith.constant 20 : i32
      %mul3A_637 = arith.muli %scan3A_428, %mul3A_636 : i32
      %add3A_638 = arith.constant 3 : i32
      %add3A_639 = arith.addi %mul3A_637, %add3A_638 : i32
      %get3A_640 = arith.index_cast %add3A_639 : i32 to index
      %get3A_641 = arith.constant 16 : index
      %get3A_642 = tpu.vector_load %arg6[%get3A_640, %get3A_641] {strides = array<i32>} : memref<640x64xf32, #tpu.memory_space<vmem>>, vector<1x16xf32>,
      %get3A_643 = vector.shape_cast %get3A_642 : vector<1x16xf32> to vector<16xf32>
      %add3A_644 = arith.addf %add3A_635, %get3A_643 : vector<16xf32>
      %mul3A_645 = arith.constant 20 : i32
      %mul3A_646 = arith.muli %scan3A_428, %mul3A_645 : i32
      %add3A_647 = arith.constant 4 : i32
      %add3A_648 = arith.addi %mul3A_646, %add3A_647 : i32
      %get3A_649 = arith.index_cast %add3A_648 : i32 to index
      %get3A_650 = arith.constant 16 : index
      %get3A_651 = tpu.vector_load %arg6[%get3A_649, %get3A_650] {strides = array<i32>} : memref<640x64xf32, #tpu.memory_space<vmem>>, vector<1x16xf32>,
      %get3A_652 = vector.shape_cast %get3A_651 : vector<1x16xf32> to vector<16xf32>
      %add3A_653 = arith.addf %add3A_644, %get3A_652 : vector<16xf32>
      %mul3A_654 = arith.constant 20 : i32
      %mul3A_655 = arith.muli %scan3A_428, %mul3A_654 : i32
      %add3A_656 = arith.constant 5 : i32
      %add3A_657 = arith.addi %mul3A_655, %add3A_656 : i32
      %get3A_658 = arith.index_cast %add3A_657 : i32 to index
      %get3A_659 = arith.constant 16 : index
      %get3A_660 = tpu.vector_load %arg6[%get3A_658, %get3A_659] {strides = array<i32>} : memref<640x64xf32, #tpu.memory_space<vmem>>, vector<1x16xf32>,
      %get3A_661 = vector.shape_cast %get3A_660 : vector<1x16xf32> to vector<16xf32>
      %add3A_662 = arith.addf %add3A_653, %get3A_661 : vector<16xf32>
      %mul3A_663 = arith.constant 20 : i32
      %mul3A_664 = arith.muli %scan3A_428, %mul3A_663 : i32
      %add3A_665 = arith.constant 6 : i32
      %add3A_666 = arith.addi %mul3A_664, %add3A_665 : i32
      %get3A_667 = arith.index_cast %add3A_666 : i32 to index
      %get3A_668 = arith.constant 16 : index
      %get3A_669 = tpu.vector_load %arg6[%get3A_667, %get3A_668] {strides = array<i32>} : memref<640x64xf32, #tpu.memory_space<vmem>>, vector<1x16xf32>,
      %get3A_670 = vector.shape_cast %get3A_669 : vector<1x16xf32> to vector<16xf32>
      %add3A_671 = arith.addf %add3A_662, %get3A_670 : vector<16xf32>
      %mul3A_672 = arith.constant 20 : i32
      %mul3A_673 = arith.muli %scan3A_428, %mul3A_672 : i32
      %add3A_674 = arith.constant 7 : i32
      %add3A_675 = arith.addi %mul3A_673, %add3A_674 : i32
      %get3A_676 = arith.index_cast %add3A_675 : i32 to index
      %get3A_677 = arith.constant 16 : index
      %get3A_678 = tpu.vector_load %arg6[%get3A_676, %get3A_677] {strides = array<i32>} : memref<640x64xf32, #tpu.memory_space<vmem>>, vector<1x16xf32>,
      %get3A_679 = vector.shape_cast %get3A_678 : vector<1x16xf32> to vector<16xf32>
      %add3A_680 = arith.addf %add3A_671, %get3A_679 : vector<16xf32>
      %mul3A_681 = arith.constant 20 : i32
      %mul3A_682 = arith.muli %scan3A_428, %mul3A_681 : i32
      %add3A_683 = arith.constant 8 : i32
      %add3A_684 = arith.addi %mul3A_682, %add3A_683 : i32
      %get3A_685 = arith.index_cast %add3A_684 : i32 to index
      %get3A_686 = arith.constant 16 : index
      %get3A_687 = tpu.vector_load %arg6[%get3A_685, %get3A_686] {strides = array<i32>} : memref<640x64xf32, #tpu.memory_space<vmem>>, vector<1x16xf32>,
      %get3A_688 = vector.shape_cast %get3A_687 : vector<1x16xf32> to vector<16xf32>
      %add3A_689 = arith.addf %add3A_680, %get3A_688 : vector<16xf32>
      %mul3A_690 = arith.constant 20 : i32
      %mul3A_691 = arith.muli %scan3A_428, %mul3A_690 : i32
      %add3A_692 = arith.constant 9 : i32
      %add3A_693 = arith.addi %mul3A_691, %add3A_692 : i32
      %get3A_694 = arith.index_cast %add3A_693 : i32 to index
      %get3A_695 = arith.constant 16 : index
      %get3A_696 = tpu.vector_load %arg6[%get3A_694, %get3A_695] {strides = array<i32>} : memref<640x64xf32, #tpu.memory_space<vmem>>, vector<1x16xf32>,
      %get3A_697 = vector.shape_cast %get3A_696 : vector<1x16xf32> to vector<16xf32>
      %add3A_698 = arith.addf %add3A_689, %get3A_697 : vector<16xf32>
      %mul3A_699 = arith.constant 20 : i32
      %mul3A_700 = arith.muli %scan3A_428, %mul3A_699 : i32
      %add3A_701 = arith.constant 10 : i32
      %add3A_702 = arith.addi %mul3A_700, %add3A_701 : i32
      %get3A_703 = arith.index_cast %add3A_702 : i32 to index
      %get3A_704 = arith.constant 16 : index
      %get3A_705 = tpu.vector_load %arg6[%get3A_703, %get3A_704] {strides = array<i32>} : memref<640x64xf32, #tpu.memory_space<vmem>>, vector<1x16xf32>,
      %get3A_706 = vector.shape_cast %get3A_705 : vector<1x16xf32> to vector<16xf32>
      %add3A_707 = arith.addf %add3A_698, %get3A_706 : vector<16xf32>
      %mul3A_708 = arith.constant 20 : i32
      %mul3A_709 = arith.muli %scan3A_428, %mul3A_708 : i32
      %add3A_710 = arith.constant 11 : i32
      %add3A_711 = arith.addi %mul3A_709, %add3A_710 : i32
      %get3A_712 = arith.index_cast %add3A_711 : i32 to index
      %get3A_713 = arith.constant 16 : index
      %get3A_714 = tpu.vector_load %arg6[%get3A_712, %get3A_713] {strides = array<i32>} : memref<640x64xf32, #tpu.memory_space<vmem>>, vector<1x16xf32>,
      %get3A_715 = vector.shape_cast %get3A_714 : vector<1x16xf32> to vector<16xf32>
      %add3A_716 = arith.addf %add3A_707, %get3A_715 : vector<16xf32>
      %mul3A_717 = arith.constant 20 : i32
      %mul3A_718 = arith.muli %scan3A_428, %mul3A_717 : i32
      %add3A_719 = arith.constant 12 : i32
      %add3A_720 = arith.addi %mul3A_718, %add3A_719 : i32
      %get3A_721 = arith.index_cast %add3A_720 : i32 to index
      %get3A_722 = arith.constant 16 : index
      %get3A_723 = tpu.vector_load %arg6[%get3A_721, %get3A_722] {strides = array<i32>} : memref<640x64xf32, #tpu.memory_space<vmem>>, vector<1x16xf32>,
      %get3A_724 = vector.shape_cast %get3A_723 : vector<1x16xf32> to vector<16xf32>
      %add3A_725 = arith.addf %add3A_716, %get3A_724 : vector<16xf32>
      %mul3A_726 = arith.constant 20 : i32
      %mul3A_727 = arith.muli %scan3A_428, %mul3A_726 : i32
      %add3A_728 = arith.constant 13 : i32
      %add3A_729 = arith.addi %mul3A_727, %add3A_728 : i32
      %get3A_730 = arith.index_cast %add3A_729 : i32 to index
      %get3A_731 = arith.constant 16 : index
      %get3A_732 = tpu.vector_load %arg6[%get3A_730, %get3A_731] {strides = array<i32>} : memref<640x64xf32, #tpu.memory_space<vmem>>, vector<1x16xf32>,
      %get3A_733 = vector.shape_cast %get3A_732 : vector<1x16xf32> to vector<16xf32>
      %add3A_734 = arith.addf %add3A_725, %get3A_733 : vector<16xf32>
      %mul3A_735 = arith.constant 20 : i32
      %mul3A_736 = arith.muli %scan3A_428, %mul3A_735 : i32
      %add3A_737 = arith.constant 14 : i32
      %add3A_738 = arith.addi %mul3A_736, %add3A_737 : i32
      %get3A_739 = arith.index_cast %add3A_738 : i32 to index
      %get3A_740 = arith.constant 16 : index
      %get3A_741 = tpu.vector_load %arg6[%get3A_739, %get3A_740] {strides = array<i32>} : memref<640x64xf32, #tpu.memory_space<vmem>>, vector<1x16xf32>,
      %get3A_742 = vector.shape_cast %get3A_741 : vector<1x16xf32> to vector<16xf32>
      %add3A_743 = arith.addf %add3A_734, %get3A_742 : vector<16xf32>
      %mul3A_744 = arith.constant 20 : i32
      %mul3A_745 = arith.muli %scan3A_428, %mul3A_744 : i32
      %add3A_746 = arith.constant 15 : i32
      %add3A_747 = arith.addi %mul3A_745, %add3A_746 : i32
      %get3A_748 = arith.index_cast %add3A_747 : i32 to index
      %get3A_749 = arith.constant 16 : index
      %get3A_750 = tpu.vector_load %arg6[%get3A_748, %get3A_749] {strides = array<i32>} : memref<640x64xf32, #tpu.memory_space<vmem>>, vector<1x16xf32>,
      %get3A_751 = vector.shape_cast %get3A_750 : vector<1x16xf32> to vector<16xf32>
      %add3A_752 = arith.addf %add3A_743, %get3A_751 : vector<16xf32>
      %mul3A_753 = arith.constant 20 : i32
      %mul3A_754 = arith.muli %scan3A_428, %mul3A_753 : i32
      %add3A_755 = arith.constant 16 : i32
      %add3A_756 = arith.addi %mul3A_754, %add3A_755 : i32
      %get3A_757 = arith.index_cast %add3A_756 : i32 to index
      %get3A_758 = arith.constant 16 : index
      %get3A_759 = tpu.vector_load %arg6[%get3A_757, %get3A_758] {strides = array<i32>} : memref<640x64xf32, #tpu.memory_space<vmem>>, vector<1x16xf32>,
      %get3A_760 = vector.shape_cast %get3A_759 : vector<1x16xf32> to vector<16xf32>
      %add3A_761 = arith.addf %add3A_752, %get3A_760 : vector<16xf32>
      %mul3A_762 = arith.constant 20 : i32
      %mul3A_763 = arith.muli %scan3A_428, %mul3A_762 : i32
      %add3A_764 = arith.constant 17 : i32
      %add3A_765 = arith.addi %mul3A_763, %add3A_764 : i32
      %get3A_766 = arith.index_cast %add3A_765 : i32 to index
      %get3A_767 = arith.constant 16 : index
      %get3A_768 = tpu.vector_load %arg6[%get3A_766, %get3A_767] {strides = array<i32>} : memref<640x64xf32, #tpu.memory_space<vmem>>, vector<1x16xf32>,
      %get3A_769 = vector.shape_cast %get3A_768 : vector<1x16xf32> to vector<16xf32>
      %add3A_770 = arith.addf %add3A_761, %get3A_769 : vector<16xf32>
      %mul3A_771 = arith.constant 20 : i32
      %mul3A_772 = arith.muli %scan3A_428, %mul3A_771 : i32
      %add3A_773 = arith.constant 18 : i32
      %add3A_774 = arith.addi %mul3A_772, %add3A_773 : i32
      %get3A_775 = arith.index_cast %add3A_774 : i32 to index
      %get3A_776 = arith.constant 16 : index
      %get3A_777 = tpu.vector_load %arg6[%get3A_775, %get3A_776] {strides = array<i32>} : memref<640x64xf32, #tpu.memory_space<vmem>>, vector<1x16xf32>,
      %get3A_778 = vector.shape_cast %get3A_777 : vector<1x16xf32> to vector<16xf32>
      %add3A_779 = arith.addf %add3A_770, %get3A_778 : vector<16xf32>
      %mul3A_780 = arith.constant 20 : i32
      %mul3A_781 = arith.muli %scan3A_428, %mul3A_780 : i32
      %add3A_782 = arith.constant 19 : i32
      %add3A_783 = arith.addi %mul3A_781, %add3A_782 : i32
      %get3A_784 = arith.index_cast %add3A_783 : i32 to index
      %get3A_785 = arith.constant 16 : index
      %get3A_786 = tpu.vector_load %arg6[%get3A_784, %get3A_785] {strides = array<i32>} : memref<640x64xf32, #tpu.memory_space<vmem>>, vector<1x16xf32>,
      %get3A_787 = vector.shape_cast %get3A_786 : vector<1x16xf32> to vector<16xf32>
      %add3A_788 = arith.addf %add3A_779, %get3A_787 : vector<16xf32>
      %add3A_789 = arith.constant 0 : i32
      %add3A_790 = arith.addi %add3A_789, %scan3A_428 : i32
      %swap3A_791 = arith.index_cast %add3A_790 : i32 to index
      %swap3A_792 = arith.constant 16 : index
      %swap3A_793 = tpu.vector_load %arg7[%swap3A_791, %swap3A_792] {strides = array<i32>} : memref<128x64xf32, #tpu.memory_space<vmem>>, vector<1x16xf32>,
      %swap3A_794 = vector.shape_cast %swap3A_793 : vector<1x16xf32> to vector<16xf32>
      %swap3A_795 = vector.shape_cast %add3A_788 : vector<16xf32> to vector<1x16xf32>
      tpu.vector_store %arg7[%swap3A_791, %swap3A_792], %swap3A_795 {strides = array<i32>} : memref<128x64xf32, #tpu.memory_space<vmem>>, vector<1x16xf32>,
      %mul3A_796 = arith.constant 20 : i32
      %mul3A_797 = arith.muli %scan3A_428, %mul3A_796 : i32
      %get3A_798 = arith.index_cast %mul3A_797 : i32 to index
      %get3A_799 = arith.constant 32 : index
      %get3A_800 = tpu.vector_load %arg6[%get3A_798, %get3A_799] {strides = array<i32>} : memref<640x64xf32, #tpu.memory_space<vmem>>, vector<1x16xf32>,
      %get3A_801 = vector.shape_cast %get3A_800 : vector<1x16xf32> to vector<16xf32>
      %mul3A_802 = arith.constant 20 : i32
      %mul3A_803 = arith.muli %scan3A_428, %mul3A_802 : i32
      %add3A_804 = arith.constant 1 : i32
      %add3A_805 = arith.addi %mul3A_803, %add3A_804 : i32
      %get3A_806 = arith.index_cast %add3A_805 : i32 to index
      %get3A_807 = arith.constant 32 : index
      %get3A_808 = tpu.vector_load %arg6[%get3A_806, %get3A_807] {strides = array<i32>} : memref<640x64xf32, #tpu.memory_space<vmem>>, vector<1x16xf32>,
      %get3A_809 = vector.shape_cast %get3A_808 : vector<1x16xf32> to vector<16xf32>
      %add3A_810 = arith.addf %get3A_801, %get3A_809 : vector<16xf32>
      %mul3A_811 = arith.constant 20 : i32
      %mul3A_812 = arith.muli %scan3A_428, %mul3A_811 : i32
      %add3A_813 = arith.constant 2 : i32
      %add3A_814 = arith.addi %mul3A_812, %add3A_813 : i32
      %get3A_815 = arith.index_cast %add3A_814 : i32 to index
      %get3A_816 = arith.constant 32 : index
      %get3A_817 = tpu.vector_load %arg6[%get3A_815, %get3A_816] {strides = array<i32>} : memref<640x64xf32, #tpu.memory_space<vmem>>, vector<1x16xf32>,
      %get3A_818 = vector.shape_cast %get3A_817 : vector<1x16xf32> to vector<16xf32>
      %add3A_819 = arith.addf %add3A_810, %get3A_818 : vector<16xf32>
      %mul3A_820 = arith.constant 20 : i32
      %mul3A_821 = arith.muli %scan3A_428, %mul3A_820 : i32
      %add3A_822 = arith.constant 3 : i32
      %add3A_823 = arith.addi %mul3A_821, %add3A_822 : i32
      %get3A_824 = arith.index_cast %add3A_823 : i32 to index
      %get3A_825 = arith.constant 32 : index
      %get3A_826 = tpu.vector_load %arg6[%get3A_824, %get3A_825] {strides = array<i32>} : memref<640x64xf32, #tpu.memory_space<vmem>>, vector<1x16xf32>,
      %get3A_827 = vector.shape_cast %get3A_826 : vector<1x16xf32> to vector<16xf32>
      %add3A_828 = arith.addf %add3A_819, %get3A_827 : vector<16xf32>
      %mul3A_829 = arith.constant 20 : i32
      %mul3A_830 = arith.muli %scan3A_428, %mul3A_829 : i32
      %add3A_831 = arith.constant 4 : i32
      %add3A_832 = arith.addi %mul3A_830, %add3A_831 : i32
      %get3A_833 = arith.index_cast %add3A_832 : i32 to index
      %get3A_834 = arith.constant 32 : index
      %get3A_835 = tpu.vector_load %arg6[%get3A_833, %get3A_834] {strides = array<i32>} : memref<640x64xf32, #tpu.memory_space<vmem>>, vector<1x16xf32>,
      %get3A_836 = vector.shape_cast %get3A_835 : vector<1x16xf32> to vector<16xf32>
      %add3A_837 = arith.addf %add3A_828, %get3A_836 : vector<16xf32>
      %mul3A_838 = arith.constant 20 : i32
      %mul3A_839 = arith.muli %scan3A_428, %mul3A_838 : i32
      %add3A_840 = arith.constant 5 : i32
      %add3A_841 = arith.addi %mul3A_839, %add3A_840 : i32
      %get3A_842 = arith.index_cast %add3A_841 : i32 to index
      %get3A_843 = arith.constant 32 : index
      %get3A_844 = tpu.vector_load %arg6[%get3A_842, %get3A_843] {strides = array<i32>} : memref<640x64xf32, #tpu.memory_space<vmem>>, vector<1x16xf32>,
      %get3A_845 = vector.shape_cast %get3A_844 : vector<1x16xf32> to vector<16xf32>
      %add3A_846 = arith.addf %add3A_837, %get3A_845 : vector<16xf32>
      %mul3A_847 = arith.constant 20 : i32
      %mul3A_848 = arith.muli %scan3A_428, %mul3A_847 : i32
      %add3A_849 = arith.constant 6 : i32
      %add3A_850 = arith.addi %mul3A_848, %add3A_849 : i32
      %get3A_851 = arith.index_cast %add3A_850 : i32 to index
      %get3A_852 = arith.constant 32 : index
      %get3A_853 = tpu.vector_load %arg6[%get3A_851, %get3A_852] {strides = array<i32>} : memref<640x64xf32, #tpu.memory_space<vmem>>, vector<1x16xf32>,
      %get3A_854 = vector.shape_cast %get3A_853 : vector<1x16xf32> to vector<16xf32>
      %add3A_855 = arith.addf %add3A_846, %get3A_854 : vector<16xf32>
      %mul3A_856 = arith.constant 20 : i32
      %mul3A_857 = arith.muli %scan3A_428, %mul3A_856 : i32
      %add3A_858 = arith.constant 7 : i32
      %add3A_859 = arith.addi %mul3A_857, %add3A_858 : i32
      %get3A_860 = arith.index_cast %add3A_859 : i32 to index
      %get3A_861 = arith.constant 32 : index
      %get3A_862 = tpu.vector_load %arg6[%get3A_860, %get3A_861] {strides = array<i32>} : memref<640x64xf32, #tpu.memory_space<vmem>>, vector<1x16xf32>,
      %get3A_863 = vector.shape_cast %get3A_862 : vector<1x16xf32> to vector<16xf32>
      %add3A_864 = arith.addf %add3A_855, %get3A_863 : vector<16xf32>
      %mul3A_865 = arith.constant 20 : i32
      %mul3A_866 = arith.muli %scan3A_428, %mul3A_865 : i32
      %add3A_867 = arith.constant 8 : i32
      %add3A_868 = arith.addi %mul3A_866, %add3A_867 : i32
      %get3A_869 = arith.index_cast %add3A_868 : i32 to index
      %get3A_870 = arith.constant 32 : index
      %get3A_871 = tpu.vector_load %arg6[%get3A_869, %get3A_870] {strides = array<i32>} : memref<640x64xf32, #tpu.memory_space<vmem>>, vector<1x16xf32>,
      %get3A_872 = vector.shape_cast %get3A_871 : vector<1x16xf32> to vector<16xf32>
      %add3A_873 = arith.addf %add3A_864, %get3A_872 : vector<16xf32>
      %mul3A_874 = arith.constant 20 : i32
      %mul3A_875 = arith.muli %scan3A_428, %mul3A_874 : i32
      %add3A_876 = arith.constant 9 : i32
      %add3A_877 = arith.addi %mul3A_875, %add3A_876 : i32
      %get3A_878 = arith.index_cast %add3A_877 : i32 to index
      %get3A_879 = arith.constant 32 : index
      %get3A_880 = tpu.vector_load %arg6[%get3A_878, %get3A_879] {strides = array<i32>} : memref<640x64xf32, #tpu.memory_space<vmem>>, vector<1x16xf32>,
      %get3A_881 = vector.shape_cast %get3A_880 : vector<1x16xf32> to vector<16xf32>
      %add3A_882 = arith.addf %add3A_873, %get3A_881 : vector<16xf32>
      %mul3A_883 = arith.constant 20 : i32
      %mul3A_884 = arith.muli %scan3A_428, %mul3A_883 : i32
      %add3A_885 = arith.constant 10 : i32
      %add3A_886 = arith.addi %mul3A_884, %add3A_885 : i32
      %get3A_887 = arith.index_cast %add3A_886 : i32 to index
      %get3A_888 = arith.constant 32 : index
      %get3A_889 = tpu.vector_load %arg6[%get3A_887, %get3A_888] {strides = array<i32>} : memref<640x64xf32, #tpu.memory_space<vmem>>, vector<1x16xf32>,
      %get3A_890 = vector.shape_cast %get3A_889 : vector<1x16xf32> to vector<16xf32>
      %add3A_891 = arith.addf %add3A_882, %get3A_890 : vector<16xf32>
      %mul3A_892 = arith.constant 20 : i32
      %mul3A_893 = arith.muli %scan3A_428, %mul3A_892 : i32
      %add3A_894 = arith.constant 11 : i32
      %add3A_895 = arith.addi %mul3A_893, %add3A_894 : i32
      %get3A_896 = arith.index_cast %add3A_895 : i32 to index
      %get3A_897 = arith.constant 32 : index
      %get3A_898 = tpu.vector_load %arg6[%get3A_896, %get3A_897] {strides = array<i32>} : memref<640x64xf32, #tpu.memory_space<vmem>>, vector<1x16xf32>,
      %get3A_899 = vector.shape_cast %get3A_898 : vector<1x16xf32> to vector<16xf32>
      %add3A_900 = arith.addf %add3A_891, %get3A_899 : vector<16xf32>
      %mul3A_901 = arith.constant 20 : i32
      %mul3A_902 = arith.muli %scan3A_428, %mul3A_901 : i32
      %add3A_903 = arith.constant 12 : i32
      %add3A_904 = arith.addi %mul3A_902, %add3A_903 : i32
      %get3A_905 = arith.index_cast %add3A_904 : i32 to index
      %get3A_906 = arith.constant 32 : index
      %get3A_907 = tpu.vector_load %arg6[%get3A_905, %get3A_906] {strides = array<i32>} : memref<640x64xf32, #tpu.memory_space<vmem>>, vector<1x16xf32>,
      %get3A_908 = vector.shape_cast %get3A_907 : vector<1x16xf32> to vector<16xf32>
      %add3A_909 = arith.addf %add3A_900, %get3A_908 : vector<16xf32>
      %mul3A_910 = arith.constant 20 : i32
      %mul3A_911 = arith.muli %scan3A_428, %mul3A_910 : i32
      %add3A_912 = arith.constant 13 : i32
      %add3A_913 = arith.addi %mul3A_911, %add3A_912 : i32
      %get3A_914 = arith.index_cast %add3A_913 : i32 to index
      %get3A_915 = arith.constant 32 : index
      %get3A_916 = tpu.vector_load %arg6[%get3A_914, %get3A_915] {strides = array<i32>} : memref<640x64xf32, #tpu.memory_space<vmem>>, vector<1x16xf32>,
      %get3A_917 = vector.shape_cast %get3A_916 : vector<1x16xf32> to vector<16xf32>
      %add3A_918 = arith.addf %add3A_909, %get3A_917 : vector<16xf32>
      %mul3A_919 = arith.constant 20 : i32
      %mul3A_920 = arith.muli %scan3A_428, %mul3A_919 : i32
      %add3A_921 = arith.constant 14 : i32
      %add3A_922 = arith.addi %mul3A_920, %add3A_921 : i32
      %get3A_923 = arith.index_cast %add3A_922 : i32 to index
      %get3A_924 = arith.constant 32 : index
      %get3A_925 = tpu.vector_load %arg6[%get3A_923, %get3A_924] {strides = array<i32>} : memref<640x64xf32, #tpu.memory_space<vmem>>, vector<1x16xf32>,
      %get3A_926 = vector.shape_cast %get3A_925 : vector<1x16xf32> to vector<16xf32>
      %add3A_927 = arith.addf %add3A_918, %get3A_926 : vector<16xf32>
      %mul3A_928 = arith.constant 20 : i32
      %mul3A_929 = arith.muli %scan3A_428, %mul3A_928 : i32
      %add3A_930 = arith.constant 15 : i32
      %add3A_931 = arith.addi %mul3A_929, %add3A_930 : i32
      %get3A_932 = arith.index_cast %add3A_931 : i32 to index
      %get3A_933 = arith.constant 32 : index
      %get3A_934 = tpu.vector_load %arg6[%get3A_932, %get3A_933] {strides = array<i32>} : memref<640x64xf32, #tpu.memory_space<vmem>>, vector<1x16xf32>,
      %get3A_935 = vector.shape_cast %get3A_934 : vector<1x16xf32> to vector<16xf32>
      %add3A_936 = arith.addf %add3A_927, %get3A_935 : vector<16xf32>
      %mul3A_937 = arith.constant 20 : i32
      %mul3A_938 = arith.muli %scan3A_428, %mul3A_937 : i32
      %add3A_939 = arith.constant 16 : i32
      %add3A_940 = arith.addi %mul3A_938, %add3A_939 : i32
      %get3A_941 = arith.index_cast %add3A_940 : i32 to index
      %get3A_942 = arith.constant 32 : index
      %get3A_943 = tpu.vector_load %arg6[%get3A_941, %get3A_942] {strides = array<i32>} : memref<640x64xf32, #tpu.memory_space<vmem>>, vector<1x16xf32>,
      %get3A_944 = vector.shape_cast %get3A_943 : vector<1x16xf32> to vector<16xf32>
      %add3A_945 = arith.addf %add3A_936, %get3A_944 : vector<16xf32>
      %mul3A_946 = arith.constant 20 : i32
      %mul3A_947 = arith.muli %scan3A_428, %mul3A_946 : i32
      %add3A_948 = arith.constant 17 : i32
      %add3A_949 = arith.addi %mul3A_947, %add3A_948 : i32
      %get3A_950 = arith.index_cast %add3A_949 : i32 to index
      %get3A_951 = arith.constant 32 : index
      %get3A_952 = tpu.vector_load %arg6[%get3A_950, %get3A_951] {strides = array<i32>} : memref<640x64xf32, #tpu.memory_space<vmem>>, vector<1x16xf32>,
      %get3A_953 = vector.shape_cast %get3A_952 : vector<1x16xf32> to vector<16xf32>
      %add3A_954 = arith.addf %add3A_945, %get3A_953 : vector<16xf32>
      %mul3A_955 = arith.constant 20 : i32
      %mul3A_956 = arith.muli %scan3A_428, %mul3A_955 : i32
      %add3A_957 = arith.constant 18 : i32
      %add3A_958 = arith.addi %mul3A_956, %add3A_957 : i32
      %get3A_959 = arith.index_cast %add3A_958 : i32 to index
      %get3A_960 = arith.constant 32 : index
      %get3A_961 = tpu.vector_load %arg6[%get3A_959, %get3A_960] {strides = array<i32>} : memref<640x64xf32, #tpu.memory_space<vmem>>, vector<1x16xf32>,
      %get3A_962 = vector.shape_cast %get3A_961 : vector<1x16xf32> to vector<16xf32>
      %add3A_963 = arith.addf %add3A_954, %get3A_962 : vector<16xf32>
      %mul3A_964 = arith.constant 20 : i32
      %mul3A_965 = arith.muli %scan3A_428, %mul3A_964 : i32
      %add3A_966 = arith.constant 19 : i32
      %add3A_967 = arith.addi %mul3A_965, %add3A_966 : i32
      %get3A_968 = arith.index_cast %add3A_967 : i32 to index
      %get3A_969 = arith.constant 32 : index
      %get3A_970 = tpu.vector_load %arg6[%get3A_968, %get3A_969] {strides = array<i32>} : memref<640x64xf32, #tpu.memory_space<vmem>>, vector<1x16xf32>,
      %get3A_971 = vector.shape_cast %get3A_970 : vector<1x16xf32> to vector<16xf32>
      %add3A_972 = arith.addf %add3A_963, %get3A_971 : vector<16xf32>
      %add3A_973 = arith.constant 0 : i32
      %add3A_974 = arith.addi %add3A_973, %scan3A_428 : i32
      %swap3A_975 = arith.index_cast %add3A_974 : i32 to index
      %swap3A_976 = arith.constant 32 : index
      %swap3A_977 = tpu.vector_load %arg7[%swap3A_975, %swap3A_976] {strides = array<i32>} : memref<128x64xf32, #tpu.memory_space<vmem>>, vector<1x16xf32>,
      %swap3A_978 = vector.shape_cast %swap3A_977 : vector<1x16xf32> to vector<16xf32>
      %swap3A_979 = vector.shape_cast %add3A_972 : vector<16xf32> to vector<1x16xf32>
      tpu.vector_store %arg7[%swap3A_975, %swap3A_976], %swap3A_979 {strides = array<i32>} : memref<128x64xf32, #tpu.memory_space<vmem>>, vector<1x16xf32>,
      %mul3A_980 = arith.constant 20 : i32
      %mul3A_981 = arith.muli %scan3A_428, %mul3A_980 : i32
      %get3A_982 = arith.index_cast %mul3A_981 : i32 to index
      %get3A_983 = arith.constant 48 : index
      %get3A_984 = tpu.vector_load %arg6[%get3A_982, %get3A_983] {strides = array<i32>} : memref<640x64xf32, #tpu.memory_space<vmem>>, vector<1x16xf32>,
      %get3A_985 = vector.shape_cast %get3A_984 : vector<1x16xf32> to vector<16xf32>
      %mul3A_986 = arith.constant 20 : i32
      %mul3A_987 = arith.muli %scan3A_428, %mul3A_986 : i32
      %add3A_988 = arith.constant 1 : i32
      %add3A_989 = arith.addi %mul3A_987, %add3A_988 : i32
      %get3A_990 = arith.index_cast %add3A_989 : i32 to index
      %get3A_991 = arith.constant 48 : index
      %get3A_992 = tpu.vector_load %arg6[%get3A_990, %get3A_991] {strides = array<i32>} : memref<640x64xf32, #tpu.memory_space<vmem>>, vector<1x16xf32>,
      %get3A_993 = vector.shape_cast %get3A_992 : vector<1x16xf32> to vector<16xf32>
      %add3A_994 = arith.addf %get3A_985, %get3A_993 : vector<16xf32>
      %mul3A_995 = arith.constant 20 : i32
      %mul3A_996 = arith.muli %scan3A_428, %mul3A_995 : i32
      %add3A_997 = arith.constant 2 : i32
      %add3A_998 = arith.addi %mul3A_996, %add3A_997 : i32
      %get3A_999 = arith.index_cast %add3A_998 : i32 to index
      %get3A_1000 = arith.constant 48 : index
      %get3A_1001 = tpu.vector_load %arg6[%get3A_999, %get3A_1000] {strides = array<i32>} : memref<640x64xf32, #tpu.memory_space<vmem>>, vector<1x16xf32>,
      %get3A_1002 = vector.shape_cast %get3A_1001 : vector<1x16xf32> to vector<16xf32>
      %add3A_1003 = arith.addf %add3A_994, %get3A_1002 : vector<16xf32>
      %mul3A_1004 = arith.constant 20 : i32
      %mul3A_1005 = arith.muli %scan3A_428, %mul3A_1004 : i32
      %add3A_1006 = arith.constant 3 : i32
      %add3A_1007 = arith.addi %mul3A_1005, %add3A_1006 : i32
      %get3A_1008 = arith.index_cast %add3A_1007 : i32 to index
      %get3A_1009 = arith.constant 48 : index
      %get3A_1010 = tpu.vector_load %arg6[%get3A_1008, %get3A_1009] {strides = array<i32>} : memref<640x64xf32, #tpu.memory_space<vmem>>, vector<1x16xf32>,
      %get3A_1011 = vector.shape_cast %get3A_1010 : vector<1x16xf32> to vector<16xf32>
      %add3A_1012 = arith.addf %add3A_1003, %get3A_1011 : vector<16xf32>
      %mul3A_1013 = arith.constant 20 : i32
      %mul3A_1014 = arith.muli %scan3A_428, %mul3A_1013 : i32
      %add3A_1015 = arith.constant 4 : i32
      %add3A_1016 = arith.addi %mul3A_1014, %add3A_1015 : i32
      %get3A_1017 = arith.index_cast %add3A_1016 : i32 to index
      %get3A_1018 = arith.constant 48 : index
      %get3A_1019 = tpu.vector_load %arg6[%get3A_1017, %get3A_1018] {strides = array<i32>} : memref<640x64xf32, #tpu.memory_space<vmem>>, vector<1x16xf32>,
      %get3A_1020 = vector.shape_cast %get3A_1019 : vector<1x16xf32> to vector<16xf32>
      %add3A_1021 = arith.addf %add3A_1012, %get3A_1020 : vector<16xf32>
      %mul3A_1022 = arith.constant 20 : i32
      %mul3A_1023 = arith.muli %scan3A_428, %mul3A_1022 : i32
      %add3A_1024 = arith.constant 5 : i32
      %add3A_1025 = arith.addi %mul3A_1023, %add3A_1024 : i32
      %get3A_1026 = arith.index_cast %add3A_1025 : i32 to index
      %get3A_1027 = arith.constant 48 : index
      %get3A_1028 = tpu.vector_load %arg6[%get3A_1026, %get3A_1027] {strides = array<i32>} : memref<640x64xf32, #tpu.memory_space<vmem>>, vector<1x16xf32>,
      %get3A_1029 = vector.shape_cast %get3A_1028 : vector<1x16xf32> to vector<16xf32>
      %add3A_1030 = arith.addf %add3A_1021, %get3A_1029 : vector<16xf32>
      %mul3A_1031 = arith.constant 20 : i32
      %mul3A_1032 = arith.muli %scan3A_428, %mul3A_1031 : i32
      %add3A_1033 = arith.constant 6 : i32
      %add3A_1034 = arith.addi %mul3A_1032, %add3A_1033 : i32
      %get3A_1035 = arith.index_cast %add3A_1034 : i32 to index
      %get3A_1036 = arith.constant 48 : index
      %get3A_1037 = tpu.vector_load %arg6[%get3A_1035, %get3A_1036] {strides = array<i32>} : memref<640x64xf32, #tpu.memory_space<vmem>>, vector<1x16xf32>,
      %get3A_1038 = vector.shape_cast %get3A_1037 : vector<1x16xf32> to vector<16xf32>
      %add3A_1039 = arith.addf %add3A_1030, %get3A_1038 : vector<16xf32>
      %mul3A_1040 = arith.constant 20 : i32
      %mul3A_1041 = arith.muli %scan3A_428, %mul3A_1040 : i32
      %add3A_1042 = arith.constant 7 : i32
      %add3A_1043 = arith.addi %mul3A_1041, %add3A_1042 : i32
      %get3A_1044 = arith.index_cast %add3A_1043 : i32 to index
      %get3A_1045 = arith.constant 48 : index
      %get3A_1046 = tpu.vector_load %arg6[%get3A_1044, %get3A_1045] {strides = array<i32>} : memref<640x64xf32, #tpu.memory_space<vmem>>, vector<1x16xf32>,
      %get3A_1047 = vector.shape_cast %get3A_1046 : vector<1x16xf32> to vector<16xf32>
      %add3A_1048 = arith.addf %add3A_1039, %get3A_1047 : vector<16xf32>
      %mul3A_1049 = arith.constant 20 : i32
      %mul3A_1050 = arith.muli %scan3A_428, %mul3A_1049 : i32
      %add3A_1051 = arith.constant 8 : i32
      %add3A_1052 = arith.addi %mul3A_1050, %add3A_1051 : i32
      %get3A_1053 = arith.index_cast %add3A_1052 : i32 to index
      %get3A_1054 = arith.constant 48 : index
      %get3A_1055 = tpu.vector_load %arg6[%get3A_1053, %get3A_1054] {strides = array<i32>} : memref<640x64xf32, #tpu.memory_space<vmem>>, vector<1x16xf32>,
      %get3A_1056 = vector.shape_cast %get3A_1055 : vector<1x16xf32> to vector<16xf32>
      %add3A_1057 = arith.addf %add3A_1048, %get3A_1056 : vector<16xf32>
      %mul3A_1058 = arith.constant 20 : i32
      %mul3A_1059 = arith.muli %scan3A_428, %mul3A_1058 : i32
      %add3A_1060 = arith.constant 9 : i32
      %add3A_1061 = arith.addi %mul3A_1059, %add3A_1060 : i32
      %get3A_1062 = arith.index_cast %add3A_1061 : i32 to index
      %get3A_1063 = arith.constant 48 : index
      %get3A_1064 = tpu.vector_load %arg6[%get3A_1062, %get3A_1063] {strides = array<i32>} : memref<640x64xf32, #tpu.memory_space<vmem>>, vector<1x16xf32>,
      %get3A_1065 = vector.shape_cast %get3A_1064 : vector<1x16xf32> to vector<16xf32>
      %add3A_1066 = arith.addf %add3A_1057, %get3A_1065 : vector<16xf32>
      %mul3A_1067 = arith.constant 20 : i32
      %mul3A_1068 = arith.muli %scan3A_428, %mul3A_1067 : i32
      %add3A_1069 = arith.constant 10 : i32
      %add3A_1070 = arith.addi %mul3A_1068, %add3A_1069 : i32
      %get3A_1071 = arith.index_cast %add3A_1070 : i32 to index
      %get3A_1072 = arith.constant 48 : index
      %get3A_1073 = tpu.vector_load %arg6[%get3A_1071, %get3A_1072] {strides = array<i32>} : memref<640x64xf32, #tpu.memory_space<vmem>>, vector<1x16xf32>,
      %get3A_1074 = vector.shape_cast %get3A_1073 : vector<1x16xf32> to vector<16xf32>
      %add3A_1075 = arith.addf %add3A_1066, %get3A_1074 : vector<16xf32>
      %mul3A_1076 = arith.constant 20 : i32
      %mul3A_1077 = arith.muli %scan3A_428, %mul3A_1076 : i32
      %add3A_1078 = arith.constant 11 : i32
      %add3A_1079 = arith.addi %mul3A_1077, %add3A_1078 : i32
      %get3A_1080 = arith.index_cast %add3A_1079 : i32 to index
      %get3A_1081 = arith.constant 48 : index
      %get3A_1082 = tpu.vector_load %arg6[%get3A_1080, %get3A_1081] {strides = array<i32>} : memref<640x64xf32, #tpu.memory_space<vmem>>, vector<1x16xf32>,
      %get3A_1083 = vector.shape_cast %get3A_1082 : vector<1x16xf32> to vector<16xf32>
      %add3A_1084 = arith.addf %add3A_1075, %get3A_1083 : vector<16xf32>
      %mul3A_1085 = arith.constant 20 : i32
      %mul3A_1086 = arith.muli %scan3A_428, %mul3A_1085 : i32
      %add3A_1087 = arith.constant 12 : i32
      %add3A_1088 = arith.addi %mul3A_1086, %add3A_1087 : i32
      %get3A_1089 = arith.index_cast %add3A_1088 : i32 to index
      %get3A_1090 = arith.constant 48 : index
      %get3A_1091 = tpu.vector_load %arg6[%get3A_1089, %get3A_1090] {strides = array<i32>} : memref<640x64xf32, #tpu.memory_space<vmem>>, vector<1x16xf32>,
      %get3A_1092 = vector.shape_cast %get3A_1091 : vector<1x16xf32> to vector<16xf32>
      %add3A_1093 = arith.addf %add3A_1084, %get3A_1092 : vector<16xf32>
      %mul3A_1094 = arith.constant 20 : i32
      %mul3A_1095 = arith.muli %scan3A_428, %mul3A_1094 : i32
      %add3A_1096 = arith.constant 13 : i32
      %add3A_1097 = arith.addi %mul3A_1095, %add3A_1096 : i32
      %get3A_1098 = arith.index_cast %add3A_1097 : i32 to index
      %get3A_1099 = arith.constant 48 : index
      %get3A_1100 = tpu.vector_load %arg6[%get3A_1098, %get3A_1099] {strides = array<i32>} : memref<640x64xf32, #tpu.memory_space<vmem>>, vector<1x16xf32>,
      %get3A_1101 = vector.shape_cast %get3A_1100 : vector<1x16xf32> to vector<16xf32>
      %add3A_1102 = arith.addf %add3A_1093, %get3A_1101 : vector<16xf32>
      %mul3A_1103 = arith.constant 20 : i32
      %mul3A_1104 = arith.muli %scan3A_428, %mul3A_1103 : i32
      %add3A_1105 = arith.constant 14 : i32
      %add3A_1106 = arith.addi %mul3A_1104, %add3A_1105 : i32
      %get3A_1107 = arith.index_cast %add3A_1106 : i32 to index
      %get3A_1108 = arith.constant 48 : index
      %get3A_1109 = tpu.vector_load %arg6[%get3A_1107, %get3A_1108] {strides = array<i32>} : memref<640x64xf32, #tpu.memory_space<vmem>>, vector<1x16xf32>,
      %get3A_1110 = vector.shape_cast %get3A_1109 : vector<1x16xf32> to vector<16xf32>
      %add3A_1111 = arith.addf %add3A_1102, %get3A_1110 : vector<16xf32>
      %mul3A_1112 = arith.constant 20 : i32
      %mul3A_1113 = arith.muli %scan3A_428, %mul3A_1112 : i32
      %add3A_1114 = arith.constant 15 : i32
      %add3A_1115 = arith.addi %mul3A_1113, %add3A_1114 : i32
      %get3A_1116 = arith.index_cast %add3A_1115 : i32 to index
      %get3A_1117 = arith.constant 48 : index
      %get3A_1118 = tpu.vector_load %arg6[%get3A_1116, %get3A_1117] {strides = array<i32>} : memref<640x64xf32, #tpu.memory_space<vmem>>, vector<1x16xf32>,
      %get3A_1119 = vector.shape_cast %get3A_1118 : vector<1x16xf32> to vector<16xf32>
      %add3A_1120 = arith.addf %add3A_1111, %get3A_1119 : vector<16xf32>
      %mul3A_1121 = arith.constant 20 : i32
      %mul3A_1122 = arith.muli %scan3A_428, %mul3A_1121 : i32
      %add3A_1123 = arith.constant 16 : i32
      %add3A_1124 = arith.addi %mul3A_1122, %add3A_1123 : i32
      %get3A_1125 = arith.index_cast %add3A_1124 : i32 to index
      %get3A_1126 = arith.constant 48 : index
      %get3A_1127 = tpu.vector_load %arg6[%get3A_1125, %get3A_1126] {strides = array<i32>} : memref<640x64xf32, #tpu.memory_space<vmem>>, vector<1x16xf32>,
      %get3A_1128 = vector.shape_cast %get3A_1127 : vector<1x16xf32> to vector<16xf32>
      %add3A_1129 = arith.addf %add3A_1120, %get3A_1128 : vector<16xf32>
      %mul3A_1130 = arith.constant 20 : i32
      %mul3A_1131 = arith.muli %scan3A_428, %mul3A_1130 : i32
      %add3A_1132 = arith.constant 17 : i32
      %add3A_1133 = arith.addi %mul3A_1131, %add3A_1132 : i32
      %get3A_1134 = arith.index_cast %add3A_1133 : i32 to index
      %get3A_1135 = arith.constant 48 : index
      %get3A_1136 = tpu.vector_load %arg6[%get3A_1134, %get3A_1135] {strides = array<i32>} : memref<640x64xf32, #tpu.memory_space<vmem>>, vector<1x16xf32>,
      %get3A_1137 = vector.shape_cast %get3A_1136 : vector<1x16xf32> to vector<16xf32>
      %add3A_1138 = arith.addf %add3A_1129, %get3A_1137 : vector<16xf32>
      %mul3A_1139 = arith.constant 20 : i32
      %mul3A_1140 = arith.muli %scan3A_428, %mul3A_1139 : i32
      %add3A_1141 = arith.constant 18 : i32
      %add3A_1142 = arith.addi %mul3A_1140, %add3A_1141 : i32
      %get3A_1143 = arith.index_cast %add3A_1142 : i32 to index
      %get3A_1144 = arith.constant 48 : index
      %get3A_1145 = tpu.vector_load %arg6[%get3A_1143, %get3A_1144] {strides = array<i32>} : memref<640x64xf32, #tpu.memory_space<vmem>>, vector<1x16xf32>,
      %get3A_1146 = vector.shape_cast %get3A_1145 : vector<1x16xf32> to vector<16xf32>
      %add3A_1147 = arith.addf %add3A_1138, %get3A_1146 : vector<16xf32>
      %mul3A_1148 = arith.constant 20 : i32
      %mul3A_1149 = arith.muli %scan3A_428, %mul3A_1148 : i32
      %add3A_1150 = arith.constant 19 : i32
      %add3A_1151 = arith.addi %mul3A_1149, %add3A_1150 : i32
      %get3A_1152 = arith.index_cast %add3A_1151 : i32 to index
      %get3A_1153 = arith.constant 48 : index
      %get3A_1154 = tpu.vector_load %arg6[%get3A_1152, %get3A_1153] {strides = array<i32>} : memref<640x64xf32, #tpu.memory_space<vmem>>, vector<1x16xf32>,
      %get3A_1155 = vector.shape_cast %get3A_1154 : vector<1x16xf32> to vector<16xf32>
      %add3A_1156 = arith.addf %add3A_1147, %get3A_1155 : vector<16xf32>
      %add3A_1157 = arith.constant 0 : i32
      %add3A_1158 = arith.addi %add3A_1157, %scan3A_428 : i32
      %swap3A_1159 = arith.index_cast %add3A_1158 : i32 to index
      %swap3A_1160 = arith.constant 48 : index
      %swap3A_1161 = tpu.vector_load %arg7[%swap3A_1159, %swap3A_1160] {strides = array<i32>} : memref<128x64xf32, #tpu.memory_space<vmem>>, vector<1x16xf32>,
      %swap3A_1162 = vector.shape_cast %swap3A_1161 : vector<1x16xf32> to vector<16xf32>
      %swap3A_1163 = vector.shape_cast %add3A_1156 : vector<16xf32> to vector<1x16xf32>
      tpu.vector_store %arg7[%swap3A_1159, %swap3A_1160], %swap3A_1163 {strides = array<i32>} : memref<128x64xf32, #tpu.memory_space<vmem>>, vector<1x16xf32>,
      %scan3A_1164 = arith.constant 0 : i32
      scf.yield %scan3A_1164 : i32
    }
    %scan3A_104 = arith.constant 32 : i32
    %dma_start3A_105 = arith.constant 5 : i32
    %dma_start3A_106 = arith.constant 0 : i32
    %dma_start3A_107 = arith.constant 0 : i32
    %dma_start3A_108 = tpu.memref_slice %arg6[%dma_start3A_106, %dma_start3A_107] : memref<640x64xf32, #tpu.memory_space<vmem>> -> memref<128x64xf32, #tpu.memory_space<vmem>>
    %dma_start3A_109 = arith.constant 0 : i32
    %dma_start3A_110 = tpu.memref_slice %arg5[%dma_start3A_105, %dma_start3A_109] : memref<20x128xi32, #tpu.memory_space<vmem>> -> memref<1x128xi32, #tpu.memory_space<vmem>>
    %dma_start3A_111 = tpu.memref_squeeze %dma_start3A_110 : memref<1x128xi32, #tpu.memory_space<vmem>> -> memref<128xi32, #tpu.memory_space<vmem>>
    %dma_start3A_112 = arith.constant 0 : i32
    %dma_start3A_113 = arith.constant 0 : i32
    %dma_start3A_114 = tpu.memref_slice %arg3[%dma_start3A_112, %dma_start3A_113] : memref<100000x64xf32, #tpu.memory_space<hbm>> -> memref<100000x64xf32, #tpu.memory_space<hbm>>
    tpu.enqueue_indirect_dma source(%dma_start3A_114 : memref<100000x64xf32, #tpu.memory_space<hbm>>) target(%dma_start3A_108 : memref<128x64xf32, #tpu.memory_space<vmem>>) offsets(%dma_start3A_111 : memref<128xi32, #tpu.memory_space<vmem>>) semaphore(%arg8 : memref<!tpu.dma_semaphore, #tpu.memory_space<semaphore_mem>>)
    %dma_start3A_115 = arith.constant 6 : i32
    %dma_start3A_116 = arith.constant 128 : i32
    %dma_start3A_117 = arith.constant 0 : i32
    %dma_start3A_118 = tpu.memref_slice %arg6[%dma_start3A_116, %dma_start3A_117] : memref<640x64xf32, #tpu.memory_space<vmem>> -> memref<128x64xf32, #tpu.memory_space<vmem>>
    %dma_start3A_119 = arith.constant 0 : i32
    %dma_start3A_120 = tpu.memref_slice %arg5[%dma_start3A_115, %dma_start3A_119] : memref<20x128xi32, #tpu.memory_space<vmem>> -> memref<1x128xi32, #tpu.memory_space<vmem>>
    %dma_start3A_121 = tpu.memref_squeeze %dma_start3A_120 : memref<1x128xi32, #tpu.memory_space<vmem>> -> memref<128xi32, #tpu.memory_space<vmem>>
    %dma_start3A_122 = arith.constant 0 : i32
    %dma_start3A_123 = arith.constant 0 : i32
    %dma_start3A_124 = tpu.memref_slice %arg3[%dma_start3A_122, %dma_start3A_123] : memref<100000x64xf32, #tpu.memory_space<hbm>> -> memref<100000x64xf32, #tpu.memory_space<hbm>>
    tpu.enqueue_indirect_dma source(%dma_start3A_124 : memref<100000x64xf32, #tpu.memory_space<hbm>>) target(%dma_start3A_118 : memref<128x64xf32, #tpu.memory_space<vmem>>) offsets(%dma_start3A_121 : memref<128xi32, #tpu.memory_space<vmem>>) semaphore(%arg8 : memref<!tpu.dma_semaphore, #tpu.memory_space<semaphore_mem>>)
    %dma_start3A_125 = arith.constant 7 : i32
    %dma_start3A_126 = arith.constant 256 : i32
    %dma_start3A_127 = arith.constant 0 : i32
    %dma_start3A_128 = tpu.memref_slice %arg6[%dma_start3A_126, %dma_start3A_127] : memref<640x64xf32, #tpu.memory_space<vmem>> -> memref<128x64xf32, #tpu.memory_space<vmem>>
    %dma_start3A_129 = arith.constant 0 : i32
    %dma_start3A_130 = tpu.memref_slice %arg5[%dma_start3A_125, %dma_start3A_129] : memref<20x128xi32, #tpu.memory_space<vmem>> -> memref<1x128xi32, #tpu.memory_space<vmem>>
    %dma_start3A_131 = tpu.memref_squeeze %dma_start3A_130 : memref<1x128xi32, #tpu.memory_space<vmem>> -> memref<128xi32, #tpu.memory_space<vmem>>
    %dma_start3A_132 = arith.constant 0 : i32
    %dma_start3A_133 = arith.constant 0 : i32
    %dma_start3A_134 = tpu.memref_slice %arg3[%dma_start3A_132, %dma_start3A_133] : memref<100000x64xf32, #tpu.memory_space<hbm>> -> memref<100000x64xf32, #tpu.memory_space<hbm>>
    tpu.enqueue_indirect_dma source(%dma_start3A_134 : memref<100000x64xf32, #tpu.memory_space<hbm>>) target(%dma_start3A_128 : memref<128x64xf32, #tpu.memory_space<vmem>>) offsets(%dma_start3A_131 : memref<128xi32, #tpu.memory_space<vmem>>) semaphore(%arg8 : memref<!tpu.dma_semaphore, #tpu.memory_space<semaphore_mem>>)
    %dma_start3A_135 = arith.constant 8 : i32
    %dma_start3A_136 = arith.constant 384 : i32
    %dma_start3A_137 = arith.constant 0 : i32
    %dma_start3A_138 = tpu.memref_slice %arg6[%dma_start3A_136, %dma_start3A_137] : memref<640x64xf32, #tpu.memory_space<vmem>> -> memref<128x64xf32, #tpu.memory_space<vmem>>
    %dma_start3A_139 = arith.constant 0 : i32
    %dma_start3A_140 = tpu.memref_slice %arg5[%dma_start3A_135, %dma_start3A_139] : memref<20x128xi32, #tpu.memory_space<vmem>> -> memref<1x128xi32, #tpu.memory_space<vmem>>
    %dma_start3A_141 = tpu.memref_squeeze %dma_start3A_140 : memref<1x128xi32, #tpu.memory_space<vmem>> -> memref<128xi32, #tpu.memory_space<vmem>>
    %dma_start3A_142 = arith.constant 0 : i32
    %dma_start3A_143 = arith.constant 0 : i32
    %dma_start3A_144 = tpu.memref_slice %arg3[%dma_start3A_142, %dma_start3A_143] : memref<100000x64xf32, #tpu.memory_space<hbm>> -> memref<100000x64xf32, #tpu.memory_space<hbm>>
    tpu.enqueue_indirect_dma source(%dma_start3A_144 : memref<100000x64xf32, #tpu.memory_space<hbm>>) target(%dma_start3A_138 : memref<128x64xf32, #tpu.memory_space<vmem>>) offsets(%dma_start3A_141 : memref<128xi32, #tpu.memory_space<vmem>>) semaphore(%arg8 : memref<!tpu.dma_semaphore, #tpu.memory_space<semaphore_mem>>)
    %dma_start3A_145 = arith.constant 9 : i32
    %dma_start3A_146 = arith.constant 512 : i32
    %dma_start3A_147 = arith.constant 0 : i32
    %dma_start3A_148 = tpu.memref_slice %arg6[%dma_start3A_146, %dma_start3A_147] : memref<640x64xf32, #tpu.memory_space<vmem>> -> memref<128x64xf32, #tpu.memory_space<vmem>>
    %dma_start3A_149 = arith.constant 0 : i32
    %dma_start3A_150 = tpu.memref_slice %arg5[%dma_start3A_145, %dma_start3A_149] : memref<20x128xi32, #tpu.memory_space<vmem>> -> memref<1x128xi32, #tpu.memory_space<vmem>>
    %dma_start3A_151 = tpu.memref_squeeze %dma_start3A_150 : memref<1x128xi32, #tpu.memory_space<vmem>> -> memref<128xi32, #tpu.memory_space<vmem>>
    %dma_start3A_152 = arith.constant 0 : i32
    %dma_start3A_153 = arith.constant 0 : i32
    %dma_start3A_154 = tpu.memref_slice %arg3[%dma_start3A_152, %dma_start3A_153] : memref<100000x64xf32, #tpu.memory_space<hbm>> -> memref<100000x64xf32, #tpu.memory_space<hbm>>
    tpu.enqueue_indirect_dma source(%dma_start3A_154 : memref<100000x64xf32, #tpu.memory_space<hbm>>) target(%dma_start3A_148 : memref<128x64xf32, #tpu.memory_space<vmem>>) offsets(%dma_start3A_151 : memref<128xi32, #tpu.memory_space<vmem>>) semaphore(%arg8 : memref<!tpu.dma_semaphore, #tpu.memory_space<semaphore_mem>>)
    %dma_wait3A_155 = arith.constant 5 : i32
    %dma_wait3A_156 = arith.constant 0 : i32
    %dma_wait3A_157 = arith.constant 0 : i32
    %dma_wait3A_158 = tpu.memref_slice %arg6[%dma_wait3A_156, %dma_wait3A_157] : memref<640x64xf32, #tpu.memory_space<vmem>> -> memref<128x64xf32, #tpu.memory_space<vmem>>
    %dma_wait3A_159 = arith.constant 0 : i32
    %dma_wait3A_160 = tpu.memref_slice %arg5[%dma_wait3A_155, %dma_wait3A_159] : memref<20x128xi32, #tpu.memory_space<vmem>> -> memref<1x128xi32, #tpu.memory_space<vmem>>
    %dma_wait3A_161 = tpu.memref_squeeze %dma_wait3A_160 : memref<1x128xi32, #tpu.memory_space<vmem>> -> memref<128xi32, #tpu.memory_space<vmem>>
    %dma_wait3A_162 = arith.constant 0 : i32
    %dma_wait3A_163 = arith.constant 0 : i32
    %dma_wait3A_164 = tpu.memref_slice %arg3[%dma_wait3A_162, %dma_wait3A_163] : memref<100000x64xf32, #tpu.memory_space<hbm>> -> memref<100000x64xf32, #tpu.memory_space<hbm>>
    tpu.wait_indirect_dma semaphore(%arg8 : memref<!tpu.dma_semaphore, #tpu.memory_space<semaphore_mem>>) src(%dma_wait3A_164 : memref<100000x64xf32, #tpu.memory_space<hbm>>) dst(%dma_wait3A_158 : memref<128x64xf32, #tpu.memory_space<vmem>>)
    %dma_wait3A_165 = arith.constant 6 : i32
    %dma_wait3A_166 = arith.constant 128 : i32
    %dma_wait3A_167 = arith.constant 0 : i32
    %dma_wait3A_168 = tpu.memref_slice %arg6[%dma_wait3A_166, %dma_wait3A_167] : memref<640x64xf32, #tpu.memory_space<vmem>> -> memref<128x64xf32, #tpu.memory_space<vmem>>
    %dma_wait3A_169 = arith.constant 0 : i32
    %dma_wait3A_170 = tpu.memref_slice %arg5[%dma_wait3A_165, %dma_wait3A_169] : memref<20x128xi32, #tpu.memory_space<vmem>> -> memref<1x128xi32, #tpu.memory_space<vmem>>
    %dma_wait3A_171 = tpu.memref_squeeze %dma_wait3A_170 : memref<1x128xi32, #tpu.memory_space<vmem>> -> memref<128xi32, #tpu.memory_space<vmem>>
    %dma_wait3A_172 = arith.constant 0 : i32
    %dma_wait3A_173 = arith.constant 0 : i32
    %dma_wait3A_174 = tpu.memref_slice %arg3[%dma_wait3A_172, %dma_wait3A_173] : memref<100000x64xf32, #tpu.memory_space<hbm>> -> memref<100000x64xf32, #tpu.memory_space<hbm>>
    tpu.wait_indirect_dma semaphore(%arg8 : memref<!tpu.dma_semaphore, #tpu.memory_space<semaphore_mem>>) src(%dma_wait3A_174 : memref<100000x64xf32, #tpu.memory_space<hbm>>) dst(%dma_wait3A_168 : memref<128x64xf32, #tpu.memory_space<vmem>>)
    %dma_wait3A_175 = arith.constant 7 : i32
    %dma_wait3A_176 = arith.constant 256 : i32
    %dma_wait3A_177 = arith.constant 0 : i32
    %dma_wait3A_178 = tpu.memref_slice %arg6[%dma_wait3A_176, %dma_wait3A_177] : memref<640x64xf32, #tpu.memory_space<vmem>> -> memref<128x64xf32, #tpu.memory_space<vmem>>
    %dma_wait3A_179 = arith.constant 0 : i32
    %dma_wait3A_180 = tpu.memref_slice %arg5[%dma_wait3A_175, %dma_wait3A_179] : memref<20x128xi32, #tpu.memory_space<vmem>> -> memref<1x128xi32, #tpu.memory_space<vmem>>
    %dma_wait3A_181 = tpu.memref_squeeze %dma_wait3A_180 : memref<1x128xi32, #tpu.memory_space<vmem>> -> memref<128xi32, #tpu.memory_space<vmem>>
    %dma_wait3A_182 = arith.constant 0 : i32
    %dma_wait3A_183 = arith.constant 0 : i32
    %dma_wait3A_184 = tpu.memref_slice %arg3[%dma_wait3A_182, %dma_wait3A_183] : memref<100000x64xf32, #tpu.memory_space<hbm>> -> memref<100000x64xf32, #tpu.memory_space<hbm>>
    tpu.wait_indirect_dma semaphore(%arg8 : memref<!tpu.dma_semaphore, #tpu.memory_space<semaphore_mem>>) src(%dma_wait3A_184 : memref<100000x64xf32, #tpu.memory_space<hbm>>) dst(%dma_wait3A_178 : memref<128x64xf32, #tpu.memory_space<vmem>>)
    %dma_wait3A_185 = arith.constant 8 : i32
    %dma_wait3A_186 = arith.constant 384 : i32
    %dma_wait3A_187 = arith.constant 0 : i32
    %dma_wait3A_188 = tpu.memref_slice %arg6[%dma_wait3A_186, %dma_wait3A_187] : memref<640x64xf32, #tpu.memory_space<vmem>> -> memref<128x64xf32, #tpu.memory_space<vmem>>
    %dma_wait3A_189 = arith.constant 0 : i32
    %dma_wait3A_190 = tpu.memref_slice %arg5[%dma_wait3A_185, %dma_wait3A_189] : memref<20x128xi32, #tpu.memory_space<vmem>> -> memref<1x128xi32, #tpu.memory_space<vmem>>
    %dma_wait3A_191 = tpu.memref_squeeze %dma_wait3A_190 : memref<1x128xi32, #tpu.memory_space<vmem>> -> memref<128xi32, #tpu.memory_space<vmem>>
    %dma_wait3A_192 = arith.constant 0 : i32
    %dma_wait3A_193 = arith.constant 0 : i32
    %dma_wait3A_194 = tpu.memref_slice %arg3[%dma_wait3A_192, %dma_wait3A_193] : memref<100000x64xf32, #tpu.memory_space<hbm>> -> memref<100000x64xf32, #tpu.memory_space<hbm>>
    tpu.wait_indirect_dma semaphore(%arg8 : memref<!tpu.dma_semaphore, #tpu.memory_space<semaphore_mem>>) src(%dma_wait3A_194 : memref<100000x64xf32, #tpu.memory_space<hbm>>) dst(%dma_wait3A_188 : memref<128x64xf32, #tpu.memory_space<vmem>>)
    %dma_wait3A_195 = arith.constant 9 : i32
    %dma_wait3A_196 = arith.constant 512 : i32
    %dma_wait3A_197 = arith.constant 0 : i32
    %dma_wait3A_198 = tpu.memref_slice %arg6[%dma_wait3A_196, %dma_wait3A_197] : memref<640x64xf32, #tpu.memory_space<vmem>> -> memref<128x64xf32, #tpu.memory_space<vmem>>
    %dma_wait3A_199 = arith.constant 0 : i32
    %dma_wait3A_200 = tpu.memref_slice %arg5[%dma_wait3A_195, %dma_wait3A_199] : memref<20x128xi32, #tpu.memory_space<vmem>> -> memref<1x128xi32, #tpu.memory_space<vmem>>
    %dma_wait3A_201 = tpu.memref_squeeze %dma_wait3A_200 : memref<1x128xi32, #tpu.memory_space<vmem>> -> memref<128xi32, #tpu.memory_space<vmem>>
    %dma_wait3A_202 = arith.constant 0 : i32
    %dma_wait3A_203 = arith.constant 0 : i32
    %dma_wait3A_204 = tpu.memref_slice %arg3[%dma_wait3A_202, %dma_wait3A_203] : memref<100000x64xf32, #tpu.memory_space<hbm>> -> memref<100000x64xf32, #tpu.memory_space<hbm>>
    tpu.wait_indirect_dma semaphore(%arg8 : memref<!tpu.dma_semaphore, #tpu.memory_space<semaphore_mem>>) src(%dma_wait3A_204 : memref<100000x64xf32, #tpu.memory_space<hbm>>) dst(%dma_wait3A_198 : memref<128x64xf32, #tpu.memory_space<vmem>>)
    %scan3A_205 = arith.constant 0 : i32
    %scan3A_206 = arith.constant 0 : i32
    %scan3A_207 = arith.constant 32 : i32
    %scan3A_208 = arith.addi %scan3A_206, %scan3A_207 : i32
    %scan3A_209 = arith.constant 1 : i32
    %scan3A_210 = scf.for %scan3A_428 = %scan3A_206 to %scan3A_208 step %scan3A_209 iter_args(%scan3A_429 = %scan3A_205) -> (i32)  : i32 {
      %mul3A_430 = arith.constant 20 : i32
      %mul3A_431 = arith.muli %scan3A_428, %mul3A_430 : i32
      %get3A = arith.index_cast %mul3A_431 : i32 to index
      %get3A_432 = arith.constant 0 : index
      %get3A_433 = tpu.vector_load %arg6[%get3A, %get3A_432] {strides = array<i32>} : memref<640x64xf32, #tpu.memory_space<vmem>>, vector<1x16xf32>,
      %get3A_434 = vector.shape_cast %get3A_433 : vector<1x16xf32> to vector<16xf32>
      %mul3A_435 = arith.constant 20 : i32
      %mul3A_436 = arith.muli %scan3A_428, %mul3A_435 : i32
      %add3A_437 = arith.constant 1 : i32
      %add3A_438 = arith.addi %mul3A_436, %add3A_437 : i32
      %get3A_439 = arith.index_cast %add3A_438 : i32 to index
      %get3A_440 = arith.constant 0 : index
      %get3A_441 = tpu.vector_load %arg6[%get3A_439, %get3A_440] {strides = array<i32>} : memref<640x64xf32, #tpu.memory_space<vmem>>, vector<1x16xf32>,
      %get3A_442 = vector.shape_cast %get3A_441 : vector<1x16xf32> to vector<16xf32>
      %add3A_443 = arith.addf %get3A_434, %get3A_442 : vector<16xf32>
      %mul3A_444 = arith.constant 20 : i32
      %mul3A_445 = arith.muli %scan3A_428, %mul3A_444 : i32
      %add3A_446 = arith.constant 2 : i32
      %add3A_447 = arith.addi %mul3A_445, %add3A_446 : i32
      %get3A_448 = arith.index_cast %add3A_447 : i32 to index
      %get3A_449 = arith.constant 0 : index
      %get3A_450 = tpu.vector_load %arg6[%get3A_448, %get3A_449] {strides = array<i32>} : memref<640x64xf32, #tpu.memory_space<vmem>>, vector<1x16xf32>,
      %get3A_451 = vector.shape_cast %get3A_450 : vector<1x16xf32> to vector<16xf32>
      %add3A_452 = arith.addf %add3A_443, %get3A_451 : vector<16xf32>
      %mul3A_453 = arith.constant 20 : i32
      %mul3A_454 = arith.muli %scan3A_428, %mul3A_453 : i32
      %add3A_455 = arith.constant 3 : i32
      %add3A_456 = arith.addi %mul3A_454, %add3A_455 : i32
      %get3A_457 = arith.index_cast %add3A_456 : i32 to index
      %get3A_458 = arith.constant 0 : index
      %get3A_459 = tpu.vector_load %arg6[%get3A_457, %get3A_458] {strides = array<i32>} : memref<640x64xf32, #tpu.memory_space<vmem>>, vector<1x16xf32>,
      %get3A_460 = vector.shape_cast %get3A_459 : vector<1x16xf32> to vector<16xf32>
      %add3A_461 = arith.addf %add3A_452, %get3A_460 : vector<16xf32>
      %mul3A_462 = arith.constant 20 : i32
      %mul3A_463 = arith.muli %scan3A_428, %mul3A_462 : i32
      %add3A_464 = arith.constant 4 : i32
      %add3A_465 = arith.addi %mul3A_463, %add3A_464 : i32
      %get3A_466 = arith.index_cast %add3A_465 : i32 to index
      %get3A_467 = arith.constant 0 : index
      %get3A_468 = tpu.vector_load %arg6[%get3A_466, %get3A_467] {strides = array<i32>} : memref<640x64xf32, #tpu.memory_space<vmem>>, vector<1x16xf32>,
      %get3A_469 = vector.shape_cast %get3A_468 : vector<1x16xf32> to vector<16xf32>
      %add3A_470 = arith.addf %add3A_461, %get3A_469 : vector<16xf32>
      %mul3A_471 = arith.constant 20 : i32
      %mul3A_472 = arith.muli %scan3A_428, %mul3A_471 : i32
      %add3A_473 = arith.constant 5 : i32
      %add3A_474 = arith.addi %mul3A_472, %add3A_473 : i32
      %get3A_475 = arith.index_cast %add3A_474 : i32 to index
      %get3A_476 = arith.constant 0 : index
      %get3A_477 = tpu.vector_load %arg6[%get3A_475, %get3A_476] {strides = array<i32>} : memref<640x64xf32, #tpu.memory_space<vmem>>, vector<1x16xf32>,
      %get3A_478 = vector.shape_cast %get3A_477 : vector<1x16xf32> to vector<16xf32>
      %add3A_479 = arith.addf %add3A_470, %get3A_478 : vector<16xf32>
      %mul3A_480 = arith.constant 20 : i32
      %mul3A_481 = arith.muli %scan3A_428, %mul3A_480 : i32
      %add3A_482 = arith.constant 6 : i32
      %add3A_483 = arith.addi %mul3A_481, %add3A_482 : i32
      %get3A_484 = arith.index_cast %add3A_483 : i32 to index
      %get3A_485 = arith.constant 0 : index
      %get3A_486 = tpu.vector_load %arg6[%get3A_484, %get3A_485] {strides = array<i32>} : memref<640x64xf32, #tpu.memory_space<vmem>>, vector<1x16xf32>,
      %get3A_487 = vector.shape_cast %get3A_486 : vector<1x16xf32> to vector<16xf32>
      %add3A_488 = arith.addf %add3A_479, %get3A_487 : vector<16xf32>
      %mul3A_489 = arith.constant 20 : i32
      %mul3A_490 = arith.muli %scan3A_428, %mul3A_489 : i32
      %add3A_491 = arith.constant 7 : i32
      %add3A_492 = arith.addi %mul3A_490, %add3A_491 : i32
      %get3A_493 = arith.index_cast %add3A_492 : i32 to index
      %get3A_494 = arith.constant 0 : index
      %get3A_495 = tpu.vector_load %arg6[%get3A_493, %get3A_494] {strides = array<i32>} : memref<640x64xf32, #tpu.memory_space<vmem>>, vector<1x16xf32>,
      %get3A_496 = vector.shape_cast %get3A_495 : vector<1x16xf32> to vector<16xf32>
      %add3A_497 = arith.addf %add3A_488, %get3A_496 : vector<16xf32>
      %mul3A_498 = arith.constant 20 : i32
      %mul3A_499 = arith.muli %scan3A_428, %mul3A_498 : i32
      %add3A_500 = arith.constant 8 : i32
      %add3A_501 = arith.addi %mul3A_499, %add3A_500 : i32
      %get3A_502 = arith.index_cast %add3A_501 : i32 to index
      %get3A_503 = arith.constant 0 : index
      %get3A_504 = tpu.vector_load %arg6[%get3A_502, %get3A_503] {strides = array<i32>} : memref<640x64xf32, #tpu.memory_space<vmem>>, vector<1x16xf32>,
      %get3A_505 = vector.shape_cast %get3A_504 : vector<1x16xf32> to vector<16xf32>
      %add3A_506 = arith.addf %add3A_497, %get3A_505 : vector<16xf32>
      %mul3A_507 = arith.constant 20 : i32
      %mul3A_508 = arith.muli %scan3A_428, %mul3A_507 : i32
      %add3A_509 = arith.constant 9 : i32
      %add3A_510 = arith.addi %mul3A_508, %add3A_509 : i32
      %get3A_511 = arith.index_cast %add3A_510 : i32 to index
      %get3A_512 = arith.constant 0 : index
      %get3A_513 = tpu.vector_load %arg6[%get3A_511, %get3A_512] {strides = array<i32>} : memref<640x64xf32, #tpu.memory_space<vmem>>, vector<1x16xf32>,
      %get3A_514 = vector.shape_cast %get3A_513 : vector<1x16xf32> to vector<16xf32>
      %add3A_515 = arith.addf %add3A_506, %get3A_514 : vector<16xf32>
      %mul3A_516 = arith.constant 20 : i32
      %mul3A_517 = arith.muli %scan3A_428, %mul3A_516 : i32
      %add3A_518 = arith.constant 10 : i32
      %add3A_519 = arith.addi %mul3A_517, %add3A_518 : i32
      %get3A_520 = arith.index_cast %add3A_519 : i32 to index
      %get3A_521 = arith.constant 0 : index
      %get3A_522 = tpu.vector_load %arg6[%get3A_520, %get3A_521] {strides = array<i32>} : memref<640x64xf32, #tpu.memory_space<vmem>>, vector<1x16xf32>,
      %get3A_523 = vector.shape_cast %get3A_522 : vector<1x16xf32> to vector<16xf32>
      %add3A_524 = arith.addf %add3A_515, %get3A_523 : vector<16xf32>
      %mul3A_525 = arith.constant 20 : i32
      %mul3A_526 = arith.muli %scan3A_428, %mul3A_525 : i32
      %add3A_527 = arith.constant 11 : i32
      %add3A_528 = arith.addi %mul3A_526, %add3A_527 : i32
      %get3A_529 = arith.index_cast %add3A_528 : i32 to index
      %get3A_530 = arith.constant 0 : index
      %get3A_531 = tpu.vector_load %arg6[%get3A_529, %get3A_530] {strides = array<i32>} : memref<640x64xf32, #tpu.memory_space<vmem>>, vector<1x16xf32>,
      %get3A_532 = vector.shape_cast %get3A_531 : vector<1x16xf32> to vector<16xf32>
      %add3A_533 = arith.addf %add3A_524, %get3A_532 : vector<16xf32>
      %mul3A_534 = arith.constant 20 : i32
      %mul3A_535 = arith.muli %scan3A_428, %mul3A_534 : i32
      %add3A_536 = arith.constant 12 : i32
      %add3A_537 = arith.addi %mul3A_535, %add3A_536 : i32
      %get3A_538 = arith.index_cast %add3A_537 : i32 to index
      %get3A_539 = arith.constant 0 : index
      %get3A_540 = tpu.vector_load %arg6[%get3A_538, %get3A_539] {strides = array<i32>} : memref<640x64xf32, #tpu.memory_space<vmem>>, vector<1x16xf32>,
      %get3A_541 = vector.shape_cast %get3A_540 : vector<1x16xf32> to vector<16xf32>
      %add3A_542 = arith.addf %add3A_533, %get3A_541 : vector<16xf32>
      %mul3A_543 = arith.constant 20 : i32
      %mul3A_544 = arith.muli %scan3A_428, %mul3A_543 : i32
      %add3A_545 = arith.constant 13 : i32
      %add3A_546 = arith.addi %mul3A_544, %add3A_545 : i32
      %get3A_547 = arith.index_cast %add3A_546 : i32 to index
      %get3A_548 = arith.constant 0 : index
      %get3A_549 = tpu.vector_load %arg6[%get3A_547, %get3A_548] {strides = array<i32>} : memref<640x64xf32, #tpu.memory_space<vmem>>, vector<1x16xf32>,
      %get3A_550 = vector.shape_cast %get3A_549 : vector<1x16xf32> to vector<16xf32>
      %add3A_551 = arith.addf %add3A_542, %get3A_550 : vector<16xf32>
      %mul3A_552 = arith.constant 20 : i32
      %mul3A_553 = arith.muli %scan3A_428, %mul3A_552 : i32
      %add3A_554 = arith.constant 14 : i32
      %add3A_555 = arith.addi %mul3A_553, %add3A_554 : i32
      %get3A_556 = arith.index_cast %add3A_555 : i32 to index
      %get3A_557 = arith.constant 0 : index
      %get3A_558 = tpu.vector_load %arg6[%get3A_556, %get3A_557] {strides = array<i32>} : memref<640x64xf32, #tpu.memory_space<vmem>>, vector<1x16xf32>,
      %get3A_559 = vector.shape_cast %get3A_558 : vector<1x16xf32> to vector<16xf32>
      %add3A_560 = arith.addf %add3A_551, %get3A_559 : vector<16xf32>
      %mul3A_561 = arith.constant 20 : i32
      %mul3A_562 = arith.muli %scan3A_428, %mul3A_561 : i32
      %add3A_563 = arith.constant 15 : i32
      %add3A_564 = arith.addi %mul3A_562, %add3A_563 : i32
      %get3A_565 = arith.index_cast %add3A_564 : i32 to index
      %get3A_566 = arith.constant 0 : index
      %get3A_567 = tpu.vector_load %arg6[%get3A_565, %get3A_566] {strides = array<i32>} : memref<640x64xf32, #tpu.memory_space<vmem>>, vector<1x16xf32>,
      %get3A_568 = vector.shape_cast %get3A_567 : vector<1x16xf32> to vector<16xf32>
      %add3A_569 = arith.addf %add3A_560, %get3A_568 : vector<16xf32>
      %mul3A_570 = arith.constant 20 : i32
      %mul3A_571 = arith.muli %scan3A_428, %mul3A_570 : i32
      %add3A_572 = arith.constant 16 : i32
      %add3A_573 = arith.addi %mul3A_571, %add3A_572 : i32
      %get3A_574 = arith.index_cast %add3A_573 : i32 to index
      %get3A_575 = arith.constant 0 : index
      %get3A_576 = tpu.vector_load %arg6[%get3A_574, %get3A_575] {strides = array<i32>} : memref<640x64xf32, #tpu.memory_space<vmem>>, vector<1x16xf32>,
      %get3A_577 = vector.shape_cast %get3A_576 : vector<1x16xf32> to vector<16xf32>
      %add3A_578 = arith.addf %add3A_569, %get3A_577 : vector<16xf32>
      %mul3A_579 = arith.constant 20 : i32
      %mul3A_580 = arith.muli %scan3A_428, %mul3A_579 : i32
      %add3A_581 = arith.constant 17 : i32
      %add3A_582 = arith.addi %mul3A_580, %add3A_581 : i32
      %get3A_583 = arith.index_cast %add3A_582 : i32 to index
      %get3A_584 = arith.constant 0 : index
      %get3A_585 = tpu.vector_load %arg6[%get3A_583, %get3A_584] {strides = array<i32>} : memref<640x64xf32, #tpu.memory_space<vmem>>, vector<1x16xf32>,
      %get3A_586 = vector.shape_cast %get3A_585 : vector<1x16xf32> to vector<16xf32>
      %add3A_587 = arith.addf %add3A_578, %get3A_586 : vector<16xf32>
      %mul3A_588 = arith.constant 20 : i32
      %mul3A_589 = arith.muli %scan3A_428, %mul3A_588 : i32
      %add3A_590 = arith.constant 18 : i32
      %add3A_591 = arith.addi %mul3A_589, %add3A_590 : i32
      %get3A_592 = arith.index_cast %add3A_591 : i32 to index
      %get3A_593 = arith.constant 0 : index
      %get3A_594 = tpu.vector_load %arg6[%get3A_592, %get3A_593] {strides = array<i32>} : memref<640x64xf32, #tpu.memory_space<vmem>>, vector<1x16xf32>,
      %get3A_595 = vector.shape_cast %get3A_594 : vector<1x16xf32> to vector<16xf32>
      %add3A_596 = arith.addf %add3A_587, %get3A_595 : vector<16xf32>
      %mul3A_597 = arith.constant 20 : i32
      %mul3A_598 = arith.muli %scan3A_428, %mul3A_597 : i32
      %add3A_599 = arith.constant 19 : i32
      %add3A_600 = arith.addi %mul3A_598, %add3A_599 : i32
      %get3A_601 = arith.index_cast %add3A_600 : i32 to index
      %get3A_602 = arith.constant 0 : index
      %get3A_603 = tpu.vector_load %arg6[%get3A_601, %get3A_602] {strides = array<i32>} : memref<640x64xf32, #tpu.memory_space<vmem>>, vector<1x16xf32>,
      %get3A_604 = vector.shape_cast %get3A_603 : vector<1x16xf32> to vector<16xf32>
      %add3A_605 = arith.addf %add3A_596, %get3A_604 : vector<16xf32>
      %add3A_606 = arith.constant 32 : i32
      %add3A_607 = arith.addi %add3A_606, %scan3A_428 : i32
      %swap3A = arith.index_cast %add3A_607 : i32 to index
      %swap3A_608 = arith.constant 0 : index
      %swap3A_609 = tpu.vector_load %arg7[%swap3A, %swap3A_608] {strides = array<i32>} : memref<128x64xf32, #tpu.memory_space<vmem>>, vector<1x16xf32>,
      %swap3A_610 = vector.shape_cast %swap3A_609 : vector<1x16xf32> to vector<16xf32>
      %swap3A_611 = vector.shape_cast %add3A_605 : vector<16xf32> to vector<1x16xf32>
      tpu.vector_store %arg7[%swap3A, %swap3A_608], %swap3A_611 {strides = array<i32>} : memref<128x64xf32, #tpu.memory_space<vmem>>, vector<1x16xf32>,
      %mul3A_612 = arith.constant 20 : i32
      %mul3A_613 = arith.muli %scan3A_428, %mul3A_612 : i32
      %get3A_614 = arith.index_cast %mul3A_613 : i32 to index
      %get3A_615 = arith.constant 16 : index
      %get3A_616 = tpu.vector_load %arg6[%get3A_614, %get3A_615] {strides = array<i32>} : memref<640x64xf32, #tpu.memory_space<vmem>>, vector<1x16xf32>,
      %get3A_617 = vector.shape_cast %get3A_616 : vector<1x16xf32> to vector<16xf32>
      %mul3A_618 = arith.constant 20 : i32
      %mul3A_619 = arith.muli %scan3A_428, %mul3A_618 : i32
      %add3A_620 = arith.constant 1 : i32
      %add3A_621 = arith.addi %mul3A_619, %add3A_620 : i32
      %get3A_622 = arith.index_cast %add3A_621 : i32 to index
      %get3A_623 = arith.constant 16 : index
      %get3A_624 = tpu.vector_load %arg6[%get3A_622, %get3A_623] {strides = array<i32>} : memref<640x64xf32, #tpu.memory_space<vmem>>, vector<1x16xf32>,
      %get3A_625 = vector.shape_cast %get3A_624 : vector<1x16xf32> to vector<16xf32>
      %add3A_626 = arith.addf %get3A_617, %get3A_625 : vector<16xf32>
      %mul3A_627 = arith.constant 20 : i32
      %mul3A_628 = arith.muli %scan3A_428, %mul3A_627 : i32
      %add3A_629 = arith.constant 2 : i32
      %add3A_630 = arith.addi %mul3A_628, %add3A_629 : i32
      %get3A_631 = arith.index_cast %add3A_630 : i32 to index
      %get3A_632 = arith.constant 16 : index
      %get3A_633 = tpu.vector_load %arg6[%get3A_631, %get3A_632] {strides = array<i32>} : memref<640x64xf32, #tpu.memory_space<vmem>>, vector<1x16xf32>,
      %get3A_634 = vector.shape_cast %get3A_633 : vector<1x16xf32> to vector<16xf32>
      %add3A_635 = arith.addf %add3A_626, %get3A_634 : vector<16xf32>
      %mul3A_636 = arith.constant 20 : i32
      %mul3A_637 = arith.muli %scan3A_428, %mul3A_636 : i32
      %add3A_638 = arith.constant 3 : i32
      %add3A_639 = arith.addi %mul3A_637, %add3A_638 : i32
      %get3A_640 = arith.index_cast %add3A_639 : i32 to index
      %get3A_641 = arith.constant 16 : index
      %get3A_642 = tpu.vector_load %arg6[%get3A_640, %get3A_641] {strides = array<i32>} : memref<640x64xf32, #tpu.memory_space<vmem>>, vector<1x16xf32>,
      %get3A_643 = vector.shape_cast %get3A_642 : vector<1x16xf32> to vector<16xf32>
      %add3A_644 = arith.addf %add3A_635, %get3A_643 : vector<16xf32>
      %mul3A_645 = arith.constant 20 : i32
      %mul3A_646 = arith.muli %scan3A_428, %mul3A_645 : i32
      %add3A_647 = arith.constant 4 : i32
      %add3A_648 = arith.addi %mul3A_646, %add3A_647 : i32
      %get3A_649 = arith.index_cast %add3A_648 : i32 to index
      %get3A_650 = arith.constant 16 : index
      %get3A_651 = tpu.vector_load %arg6[%get3A_649, %get3A_650] {strides = array<i32>} : memref<640x64xf32, #tpu.memory_space<vmem>>, vector<1x16xf32>,
      %get3A_652 = vector.shape_cast %get3A_651 : vector<1x16xf32> to vector<16xf32>
      %add3A_653 = arith.addf %add3A_644, %get3A_652 : vector<16xf32>
      %mul3A_654 = arith.constant 20 : i32
      %mul3A_655 = arith.muli %scan3A_428, %mul3A_654 : i32
      %add3A_656 = arith.constant 5 : i32
      %add3A_657 = arith.addi %mul3A_655, %add3A_656 : i32
      %get3A_658 = arith.index_cast %add3A_657 : i32 to index
      %get3A_659 = arith.constant 16 : index
      %get3A_660 = tpu.vector_load %arg6[%get3A_658, %get3A_659] {strides = array<i32>} : memref<640x64xf32, #tpu.memory_space<vmem>>, vector<1x16xf32>,
      %get3A_661 = vector.shape_cast %get3A_660 : vector<1x16xf32> to vector<16xf32>
      %add3A_662 = arith.addf %add3A_653, %get3A_661 : vector<16xf32>
      %mul3A_663 = arith.constant 20 : i32
      %mul3A_664 = arith.muli %scan3A_428, %mul3A_663 : i32
      %add3A_665 = arith.constant 6 : i32
      %add3A_666 = arith.addi %mul3A_664, %add3A_665 : i32
      %get3A_667 = arith.index_cast %add3A_666 : i32 to index
      %get3A_668 = arith.constant 16 : index
      %get3A_669 = tpu.vector_load %arg6[%get3A_667, %get3A_668] {strides = array<i32>} : memref<640x64xf32, #tpu.memory_space<vmem>>, vector<1x16xf32>,
      %get3A_670 = vector.shape_cast %get3A_669 : vector<1x16xf32> to vector<16xf32>
      %add3A_671 = arith.addf %add3A_662, %get3A_670 : vector<16xf32>
      %mul3A_672 = arith.constant 20 : i32
      %mul3A_673 = arith.muli %scan3A_428, %mul3A_672 : i32
      %add3A_674 = arith.constant 7 : i32
      %add3A_675 = arith.addi %mul3A_673, %add3A_674 : i32
      %get3A_676 = arith.index_cast %add3A_675 : i32 to index
      %get3A_677 = arith.constant 16 : index
      %get3A_678 = tpu.vector_load %arg6[%get3A_676, %get3A_677] {strides = array<i32>} : memref<640x64xf32, #tpu.memory_space<vmem>>, vector<1x16xf32>,
      %get3A_679 = vector.shape_cast %get3A_678 : vector<1x16xf32> to vector<16xf32>
      %add3A_680 = arith.addf %add3A_671, %get3A_679 : vector<16xf32>
      %mul3A_681 = arith.constant 20 : i32
      %mul3A_682 = arith.muli %scan3A_428, %mul3A_681 : i32
      %add3A_683 = arith.constant 8 : i32
      %add3A_684 = arith.addi %mul3A_682, %add3A_683 : i32
      %get3A_685 = arith.index_cast %add3A_684 : i32 to index
      %get3A_686 = arith.constant 16 : index
      %get3A_687 = tpu.vector_load %arg6[%get3A_685, %get3A_686] {strides = array<i32>} : memref<640x64xf32, #tpu.memory_space<vmem>>, vector<1x16xf32>,
      %get3A_688 = vector.shape_cast %get3A_687 : vector<1x16xf32> to vector<16xf32>
      %add3A_689 = arith.addf %add3A_680, %get3A_688 : vector<16xf32>
      %mul3A_690 = arith.constant 20 : i32
      %mul3A_691 = arith.muli %scan3A_428, %mul3A_690 : i32
      %add3A_692 = arith.constant 9 : i32
      %add3A_693 = arith.addi %mul3A_691, %add3A_692 : i32
      %get3A_694 = arith.index_cast %add3A_693 : i32 to index
      %get3A_695 = arith.constant 16 : index
      %get3A_696 = tpu.vector_load %arg6[%get3A_694, %get3A_695] {strides = array<i32>} : memref<640x64xf32, #tpu.memory_space<vmem>>, vector<1x16xf32>,
      %get3A_697 = vector.shape_cast %get3A_696 : vector<1x16xf32> to vector<16xf32>
      %add3A_698 = arith.addf %add3A_689, %get3A_697 : vector<16xf32>
      %mul3A_699 = arith.constant 20 : i32
      %mul3A_700 = arith.muli %scan3A_428, %mul3A_699 : i32
      %add3A_701 = arith.constant 10 : i32
      %add3A_702 = arith.addi %mul3A_700, %add3A_701 : i32
      %get3A_703 = arith.index_cast %add3A_702 : i32 to index
      %get3A_704 = arith.constant 16 : index
      %get3A_705 = tpu.vector_load %arg6[%get3A_703, %get3A_704] {strides = array<i32>} : memref<640x64xf32, #tpu.memory_space<vmem>>, vector<1x16xf32>,
      %get3A_706 = vector.shape_cast %get3A_705 : vector<1x16xf32> to vector<16xf32>
      %add3A_707 = arith.addf %add3A_698, %get3A_706 : vector<16xf32>
      %mul3A_708 = arith.constant 20 : i32
      %mul3A_709 = arith.muli %scan3A_428, %mul3A_708 : i32
      %add3A_710 = arith.constant 11 : i32
      %add3A_711 = arith.addi %mul3A_709, %add3A_710 : i32
      %get3A_712 = arith.index_cast %add3A_711 : i32 to index
      %get3A_713 = arith.constant 16 : index
      %get3A_714 = tpu.vector_load %arg6[%get3A_712, %get3A_713] {strides = array<i32>} : memref<640x64xf32, #tpu.memory_space<vmem>>, vector<1x16xf32>,
      %get3A_715 = vector.shape_cast %get3A_714 : vector<1x16xf32> to vector<16xf32>
      %add3A_716 = arith.addf %add3A_707, %get3A_715 : vector<16xf32>
      %mul3A_717 = arith.constant 20 : i32
      %mul3A_718 = arith.muli %scan3A_428, %mul3A_717 : i32
      %add3A_719 = arith.constant 12 : i32
      %add3A_720 = arith.addi %mul3A_718, %add3A_719 : i32
      %get3A_721 = arith.index_cast %add3A_720 : i32 to index
      %get3A_722 = arith.constant 16 : index
      %get3A_723 = tpu.vector_load %arg6[%get3A_721, %get3A_722] {strides = array<i32>} : memref<640x64xf32, #tpu.memory_space<vmem>>, vector<1x16xf32>,
      %get3A_724 = vector.shape_cast %get3A_723 : vector<1x16xf32> to vector<16xf32>
      %add3A_725 = arith.addf %add3A_716, %get3A_724 : vector<16xf32>
      %mul3A_726 = arith.constant 20 : i32
      %mul3A_727 = arith.muli %scan3A_428, %mul3A_726 : i32
      %add3A_728 = arith.constant 13 : i32
      %add3A_729 = arith.addi %mul3A_727, %add3A_728 : i32
      %get3A_730 = arith.index_cast %add3A_729 : i32 to index
      %get3A_731 = arith.constant 16 : index
      %get3A_732 = tpu.vector_load %arg6[%get3A_730, %get3A_731] {strides = array<i32>} : memref<640x64xf32, #tpu.memory_space<vmem>>, vector<1x16xf32>,
      %get3A_733 = vector.shape_cast %get3A_732 : vector<1x16xf32> to vector<16xf32>
      %add3A_734 = arith.addf %add3A_725, %get3A_733 : vector<16xf32>
      %mul3A_735 = arith.constant 20 : i32
      %mul3A_736 = arith.muli %scan3A_428, %mul3A_735 : i32
      %add3A_737 = arith.constant 14 : i32
      %add3A_738 = arith.addi %mul3A_736, %add3A_737 : i32
      %get3A_739 = arith.index_cast %add3A_738 : i32 to index
      %get3A_740 = arith.constant 16 : index
      %get3A_741 = tpu.vector_load %arg6[%get3A_739, %get3A_740] {strides = array<i32>} : memref<640x64xf32, #tpu.memory_space<vmem>>, vector<1x16xf32>,
      %get3A_742 = vector.shape_cast %get3A_741 : vector<1x16xf32> to vector<16xf32>
      %add3A_743 = arith.addf %add3A_734, %get3A_742 : vector<16xf32>
      %mul3A_744 = arith.constant 20 : i32
      %mul3A_745 = arith.muli %scan3A_428, %mul3A_744 : i32
      %add3A_746 = arith.constant 15 : i32
      %add3A_747 = arith.addi %mul3A_745, %add3A_746 : i32
      %get3A_748 = arith.index_cast %add3A_747 : i32 to index
      %get3A_749 = arith.constant 16 : index
      %get3A_750 = tpu.vector_load %arg6[%get3A_748, %get3A_749] {strides = array<i32>} : memref<640x64xf32, #tpu.memory_space<vmem>>, vector<1x16xf32>,
      %get3A_751 = vector.shape_cast %get3A_750 : vector<1x16xf32> to vector<16xf32>
      %add3A_752 = arith.addf %add3A_743, %get3A_751 : vector<16xf32>
      %mul3A_753 = arith.constant 20 : i32
      %mul3A_754 = arith.muli %scan3A_428, %mul3A_753 : i32
      %add3A_755 = arith.constant 16 : i32
      %add3A_756 = arith.addi %mul3A_754, %add3A_755 : i32
      %get3A_757 = arith.index_cast %add3A_756 : i32 to index
      %get3A_758 = arith.constant 16 : index
      %get3A_759 = tpu.vector_load %arg6[%get3A_757, %get3A_758] {strides = array<i32>} : memref<640x64xf32, #tpu.memory_space<vmem>>, vector<1x16xf32>,
      %get3A_760 = vector.shape_cast %get3A_759 : vector<1x16xf32> to vector<16xf32>
      %add3A_761 = arith.addf %add3A_752, %get3A_760 : vector<16xf32>
      %mul3A_762 = arith.constant 20 : i32
      %mul3A_763 = arith.muli %scan3A_428, %mul3A_762 : i32
      %add3A_764 = arith.constant 17 : i32
      %add3A_765 = arith.addi %mul3A_763, %add3A_764 : i32
      %get3A_766 = arith.index_cast %add3A_765 : i32 to index
      %get3A_767 = arith.constant 16 : index
      %get3A_768 = tpu.vector_load %arg6[%get3A_766, %get3A_767] {strides = array<i32>} : memref<640x64xf32, #tpu.memory_space<vmem>>, vector<1x16xf32>,
      %get3A_769 = vector.shape_cast %get3A_768 : vector<1x16xf32> to vector<16xf32>
      %add3A_770 = arith.addf %add3A_761, %get3A_769 : vector<16xf32>
      %mul3A_771 = arith.constant 20 : i32
      %mul3A_772 = arith.muli %scan3A_428, %mul3A_771 : i32
      %add3A_773 = arith.constant 18 : i32
      %add3A_774 = arith.addi %mul3A_772, %add3A_773 : i32
      %get3A_775 = arith.index_cast %add3A_774 : i32 to index
      %get3A_776 = arith.constant 16 : index
      %get3A_777 = tpu.vector_load %arg6[%get3A_775, %get3A_776] {strides = array<i32>} : memref<640x64xf32, #tpu.memory_space<vmem>>, vector<1x16xf32>,
      %get3A_778 = vector.shape_cast %get3A_777 : vector<1x16xf32> to vector<16xf32>
      %add3A_779 = arith.addf %add3A_770, %get3A_778 : vector<16xf32>
      %mul3A_780 = arith.constant 20 : i32
      %mul3A_781 = arith.muli %scan3A_428, %mul3A_780 : i32
      %add3A_782 = arith.constant 19 : i32
      %add3A_783 = arith.addi %mul3A_781, %add3A_782 : i32
      %get3A_784 = arith.index_cast %add3A_783 : i32 to index
      %get3A_785 = arith.constant 16 : index
      %get3A_786 = tpu.vector_load %arg6[%get3A_784, %get3A_785] {strides = array<i32>} : memref<640x64xf32, #tpu.memory_space<vmem>>, vector<1x16xf32>,
      %get3A_787 = vector.shape_cast %get3A_786 : vector<1x16xf32> to vector<16xf32>
      %add3A_788 = arith.addf %add3A_779, %get3A_787 : vector<16xf32>
      %add3A_789 = arith.constant 32 : i32
      %add3A_790 = arith.addi %add3A_789, %scan3A_428 : i32
      %swap3A_791 = arith.index_cast %add3A_790 : i32 to index
      %swap3A_792 = arith.constant 16 : index
      %swap3A_793 = tpu.vector_load %arg7[%swap3A_791, %swap3A_792] {strides = array<i32>} : memref<128x64xf32, #tpu.memory_space<vmem>>, vector<1x16xf32>,
      %swap3A_794 = vector.shape_cast %swap3A_793 : vector<1x16xf32> to vector<16xf32>
      %swap3A_795 = vector.shape_cast %add3A_788 : vector<16xf32> to vector<1x16xf32>
      tpu.vector_store %arg7[%swap3A_791, %swap3A_792], %swap3A_795 {strides = array<i32>} : memref<128x64xf32, #tpu.memory_space<vmem>>, vector<1x16xf32>,
      %mul3A_796 = arith.constant 20 : i32
      %mul3A_797 = arith.muli %scan3A_428, %mul3A_796 : i32
      %get3A_798 = arith.index_cast %mul3A_797 : i32 to index
      %get3A_799 = arith.constant 32 : index
      %get3A_800 = tpu.vector_load %arg6[%get3A_798, %get3A_799] {strides = array<i32>} : memref<640x64xf32, #tpu.memory_space<vmem>>, vector<1x16xf32>,
      %get3A_801 = vector.shape_cast %get3A_800 : vector<1x16xf32> to vector<16xf32>
      %mul3A_802 = arith.constant 20 : i32
      %mul3A_803 = arith.muli %scan3A_428, %mul3A_802 : i32
      %add3A_804 = arith.constant 1 : i32
      %add3A_805 = arith.addi %mul3A_803, %add3A_804 : i32
      %get3A_806 = arith.index_cast %add3A_805 : i32 to index
      %get3A_807 = arith.constant 32 : index
      %get3A_808 = tpu.vector_load %arg6[%get3A_806, %get3A_807] {strides = array<i32>} : memref<640x64xf32, #tpu.memory_space<vmem>>, vector<1x16xf32>,
      %get3A_809 = vector.shape_cast %get3A_808 : vector<1x16xf32> to vector<16xf32>
      %add3A_810 = arith.addf %get3A_801, %get3A_809 : vector<16xf32>
      %mul3A_811 = arith.constant 20 : i32
      %mul3A_812 = arith.muli %scan3A_428, %mul3A_811 : i32
      %add3A_813 = arith.constant 2 : i32
      %add3A_814 = arith.addi %mul3A_812, %add3A_813 : i32
      %get3A_815 = arith.index_cast %add3A_814 : i32 to index
      %get3A_816 = arith.constant 32 : index
      %get3A_817 = tpu.vector_load %arg6[%get3A_815, %get3A_816] {strides = array<i32>} : memref<640x64xf32, #tpu.memory_space<vmem>>, vector<1x16xf32>,
      %get3A_818 = vector.shape_cast %get3A_817 : vector<1x16xf32> to vector<16xf32>
      %add3A_819 = arith.addf %add3A_810, %get3A_818 : vector<16xf32>
      %mul3A_820 = arith.constant 20 : i32
      %mul3A_821 = arith.muli %scan3A_428, %mul3A_820 : i32
      %add3A_822 = arith.constant 3 : i32
      %add3A_823 = arith.addi %mul3A_821, %add3A_822 : i32
      %get3A_824 = arith.index_cast %add3A_823 : i32 to index
      %get3A_825 = arith.constant 32 : index
      %get3A_826 = tpu.vector_load %arg6[%get3A_824, %get3A_825] {strides = array<i32>} : memref<640x64xf32, #tpu.memory_space<vmem>>, vector<1x16xf32>,
      %get3A_827 = vector.shape_cast %get3A_826 : vector<1x16xf32> to vector<16xf32>
      %add3A_828 = arith.addf %add3A_819, %get3A_827 : vector<16xf32>
      %mul3A_829 = arith.constant 20 : i32
      %mul3A_830 = arith.muli %scan3A_428, %mul3A_829 : i32
      %add3A_831 = arith.constant 4 : i32
      %add3A_832 = arith.addi %mul3A_830, %add3A_831 : i32
      %get3A_833 = arith.index_cast %add3A_832 : i32 to index
      %get3A_834 = arith.constant 32 : index
      %get3A_835 = tpu.vector_load %arg6[%get3A_833, %get3A_834] {strides = array<i32>} : memref<640x64xf32, #tpu.memory_space<vmem>>, vector<1x16xf32>,
      %get3A_836 = vector.shape_cast %get3A_835 : vector<1x16xf32> to vector<16xf32>
      %add3A_837 = arith.addf %add3A_828, %get3A_836 : vector<16xf32>
      %mul3A_838 = arith.constant 20 : i32
      %mul3A_839 = arith.muli %scan3A_428, %mul3A_838 : i32
      %add3A_840 = arith.constant 5 : i32
      %add3A_841 = arith.addi %mul3A_839, %add3A_840 : i32
      %get3A_842 = arith.index_cast %add3A_841 : i32 to index
      %get3A_843 = arith.constant 32 : index
      %get3A_844 = tpu.vector_load %arg6[%get3A_842, %get3A_843] {strides = array<i32>} : memref<640x64xf32, #tpu.memory_space<vmem>>, vector<1x16xf32>,
      %get3A_845 = vector.shape_cast %get3A_844 : vector<1x16xf32> to vector<16xf32>
      %add3A_846 = arith.addf %add3A_837, %get3A_845 : vector<16xf32>
      %mul3A_847 = arith.constant 20 : i32
      %mul3A_848 = arith.muli %scan3A_428, %mul3A_847 : i32
      %add3A_849 = arith.constant 6 : i32
      %add3A_850 = arith.addi %mul3A_848, %add3A_849 : i32
      %get3A_851 = arith.index_cast %add3A_850 : i32 to index
      %get3A_852 = arith.constant 32 : index
      %get3A_853 = tpu.vector_load %arg6[%get3A_851, %get3A_852] {strides = array<i32>} : memref<640x64xf32, #tpu.memory_space<vmem>>, vector<1x16xf32>,
      %get3A_854 = vector.shape_cast %get3A_853 : vector<1x16xf32> to vector<16xf32>
      %add3A_855 = arith.addf %add3A_846, %get3A_854 : vector<16xf32>
      %mul3A_856 = arith.constant 20 : i32
      %mul3A_857 = arith.muli %scan3A_428, %mul3A_856 : i32
      %add3A_858 = arith.constant 7 : i32
      %add3A_859 = arith.addi %mul3A_857, %add3A_858 : i32
      %get3A_860 = arith.index_cast %add3A_859 : i32 to index
      %get3A_861 = arith.constant 32 : index
      %get3A_862 = tpu.vector_load %arg6[%get3A_860, %get3A_861] {strides = array<i32>} : memref<640x64xf32, #tpu.memory_space<vmem>>, vector<1x16xf32>,
      %get3A_863 = vector.shape_cast %get3A_862 : vector<1x16xf32> to vector<16xf32>
      %add3A_864 = arith.addf %add3A_855, %get3A_863 : vector<16xf32>
      %mul3A_865 = arith.constant 20 : i32
      %mul3A_866 = arith.muli %scan3A_428, %mul3A_865 : i32
      %add3A_867 = arith.constant 8 : i32
      %add3A_868 = arith.addi %mul3A_866, %add3A_867 : i32
      %get3A_869 = arith.index_cast %add3A_868 : i32 to index
      %get3A_870 = arith.constant 32 : index
      %get3A_871 = tpu.vector_load %arg6[%get3A_869, %get3A_870] {strides = array<i32>} : memref<640x64xf32, #tpu.memory_space<vmem>>, vector<1x16xf32>,
      %get3A_872 = vector.shape_cast %get3A_871 : vector<1x16xf32> to vector<16xf32>
      %add3A_873 = arith.addf %add3A_864, %get3A_872 : vector<16xf32>
      %mul3A_874 = arith.constant 20 : i32
      %mul3A_875 = arith.muli %scan3A_428, %mul3A_874 : i32
      %add3A_876 = arith.constant 9 : i32
      %add3A_877 = arith.addi %mul3A_875, %add3A_876 : i32
      %get3A_878 = arith.index_cast %add3A_877 : i32 to index
      %get3A_879 = arith.constant 32 : index
      %get3A_880 = tpu.vector_load %arg6[%get3A_878, %get3A_879] {strides = array<i32>} : memref<640x64xf32, #tpu.memory_space<vmem>>, vector<1x16xf32>,
      %get3A_881 = vector.shape_cast %get3A_880 : vector<1x16xf32> to vector<16xf32>
      %add3A_882 = arith.addf %add3A_873, %get3A_881 : vector<16xf32>
      %mul3A_883 = arith.constant 20 : i32
      %mul3A_884 = arith.muli %scan3A_428, %mul3A_883 : i32
      %add3A_885 = arith.constant 10 : i32
      %add3A_886 = arith.addi %mul3A_884, %add3A_885 : i32
      %get3A_887 = arith.index_cast %add3A_886 : i32 to index
      %get3A_888 = arith.constant 32 : index
      %get3A_889 = tpu.vector_load %arg6[%get3A_887, %get3A_888] {strides = array<i32>} : memref<640x64xf32, #tpu.memory_space<vmem>>, vector<1x16xf32>,
      %get3A_890 = vector.shape_cast %get3A_889 : vector<1x16xf32> to vector<16xf32>
      %add3A_891 = arith.addf %add3A_882, %get3A_890 : vector<16xf32>
      %mul3A_892 = arith.constant 20 : i32
      %mul3A_893 = arith.muli %scan3A_428, %mul3A_892 : i32
      %add3A_894 = arith.constant 11 : i32
      %add3A_895 = arith.addi %mul3A_893, %add3A_894 : i32
      %get3A_896 = arith.index_cast %add3A_895 : i32 to index
      %get3A_897 = arith.constant 32 : index
      %get3A_898 = tpu.vector_load %arg6[%get3A_896, %get3A_897] {strides = array<i32>} : memref<640x64xf32, #tpu.memory_space<vmem>>, vector<1x16xf32>,
      %get3A_899 = vector.shape_cast %get3A_898 : vector<1x16xf32> to vector<16xf32>
      %add3A_900 = arith.addf %add3A_891, %get3A_899 : vector<16xf32>
      %mul3A_901 = arith.constant 20 : i32
      %mul3A_902 = arith.muli %scan3A_428, %mul3A_901 : i32
      %add3A_903 = arith.constant 12 : i32
      %add3A_904 = arith.addi %mul3A_902, %add3A_903 : i32
      %get3A_905 = arith.index_cast %add3A_904 : i32 to index
      %get3A_906 = arith.constant 32 : index
      %get3A_907 = tpu.vector_load %arg6[%get3A_905, %get3A_906] {strides = array<i32>} : memref<640x64xf32, #tpu.memory_space<vmem>>, vector<1x16xf32>,
      %get3A_908 = vector.shape_cast %get3A_907 : vector<1x16xf32> to vector<16xf32>
      %add3A_909 = arith.addf %add3A_900, %get3A_908 : vector<16xf32>
      %mul3A_910 = arith.constant 20 : i32
      %mul3A_911 = arith.muli %scan3A_428, %mul3A_910 : i32
      %add3A_912 = arith.constant 13 : i32
      %add3A_913 = arith.addi %mul3A_911, %add3A_912 : i32
      %get3A_914 = arith.index_cast %add3A_913 : i32 to index
      %get3A_915 = arith.constant 32 : index
      %get3A_916 = tpu.vector_load %arg6[%get3A_914, %get3A_915] {strides = array<i32>} : memref<640x64xf32, #tpu.memory_space<vmem>>, vector<1x16xf32>,
      %get3A_917 = vector.shape_cast %get3A_916 : vector<1x16xf32> to vector<16xf32>
      %add3A_918 = arith.addf %add3A_909, %get3A_917 : vector<16xf32>
      %mul3A_919 = arith.constant 20 : i32
      %mul3A_920 = arith.muli %scan3A_428, %mul3A_919 : i32
      %add3A_921 = arith.constant 14 : i32
      %add3A_922 = arith.addi %mul3A_920, %add3A_921 : i32
      %get3A_923 = arith.index_cast %add3A_922 : i32 to index
      %get3A_924 = arith.constant 32 : index
      %get3A_925 = tpu.vector_load %arg6[%get3A_923, %get3A_924] {strides = array<i32>} : memref<640x64xf32, #tpu.memory_space<vmem>>, vector<1x16xf32>,
      %get3A_926 = vector.shape_cast %get3A_925 : vector<1x16xf32> to vector<16xf32>
      %add3A_927 = arith.addf %add3A_918, %get3A_926 : vector<16xf32>
      %mul3A_928 = arith.constant 20 : i32
      %mul3A_929 = arith.muli %scan3A_428, %mul3A_928 : i32
      %add3A_930 = arith.constant 15 : i32
      %add3A_931 = arith.addi %mul3A_929, %add3A_930 : i32
      %get3A_932 = arith.index_cast %add3A_931 : i32 to index
      %get3A_933 = arith.constant 32 : index
      %get3A_934 = tpu.vector_load %arg6[%get3A_932, %get3A_933] {strides = array<i32>} : memref<640x64xf32, #tpu.memory_space<vmem>>, vector<1x16xf32>,
      %get3A_935 = vector.shape_cast %get3A_934 : vector<1x16xf32> to vector<16xf32>
      %add3A_936 = arith.addf %add3A_927, %get3A_935 : vector<16xf32>
      %mul3A_937 = arith.constant 20 : i32
      %mul3A_938 = arith.muli %scan3A_428, %mul3A_937 : i32
      %add3A_939 = arith.constant 16 : i32
      %add3A_940 = arith.addi %mul3A_938, %add3A_939 : i32
      %get3A_941 = arith.index_cast %add3A_940 : i32 to index
      %get3A_942 = arith.constant 32 : index
      %get3A_943 = tpu.vector_load %arg6[%get3A_941, %get3A_942] {strides = array<i32>} : memref<640x64xf32, #tpu.memory_space<vmem>>, vector<1x16xf32>,
      %get3A_944 = vector.shape_cast %get3A_943 : vector<1x16xf32> to vector<16xf32>
      %add3A_945 = arith.addf %add3A_936, %get3A_944 : vector<16xf32>
      %mul3A_946 = arith.constant 20 : i32
      %mul3A_947 = arith.muli %scan3A_428, %mul3A_946 : i32
      %add3A_948 = arith.constant 17 : i32
      %add3A_949 = arith.addi %mul3A_947, %add3A_948 : i32
      %get3A_950 = arith.index_cast %add3A_949 : i32 to index
      %get3A_951 = arith.constant 32 : index
      %get3A_952 = tpu.vector_load %arg6[%get3A_950, %get3A_951] {strides = array<i32>} : memref<640x64xf32, #tpu.memory_space<vmem>>, vector<1x16xf32>,
      %get3A_953 = vector.shape_cast %get3A_952 : vector<1x16xf32> to vector<16xf32>
      %add3A_954 = arith.addf %add3A_945, %get3A_953 : vector<16xf32>
      %mul3A_955 = arith.constant 20 : i32
      %mul3A_956 = arith.muli %scan3A_428, %mul3A_955 : i32
      %add3A_957 = arith.constant 18 : i32
      %add3A_958 = arith.addi %mul3A_956, %add3A_957 : i32
      %get3A_959 = arith.index_cast %add3A_958 : i32 to index
      %get3A_960 = arith.constant 32 : index
      %get3A_961 = tpu.vector_load %arg6[%get3A_959, %get3A_960] {strides = array<i32>} : memref<640x64xf32, #tpu.memory_space<vmem>>, vector<1x16xf32>,
      %get3A_962 = vector.shape_cast %get3A_961 : vector<1x16xf32> to vector<16xf32>
      %add3A_963 = arith.addf %add3A_954, %get3A_962 : vector<16xf32>
      %mul3A_964 = arith.constant 20 : i32
      %mul3A_965 = arith.muli %scan3A_428, %mul3A_964 : i32
      %add3A_966 = arith.constant 19 : i32
      %add3A_967 = arith.addi %mul3A_965, %add3A_966 : i32
      %get3A_968 = arith.index_cast %add3A_967 : i32 to index
      %get3A_969 = arith.constant 32 : index
      %get3A_970 = tpu.vector_load %arg6[%get3A_968, %get3A_969] {strides = array<i32>} : memref<640x64xf32, #tpu.memory_space<vmem>>, vector<1x16xf32>,
      %get3A_971 = vector.shape_cast %get3A_970 : vector<1x16xf32> to vector<16xf32>
      %add3A_972 = arith.addf %add3A_963, %get3A_971 : vector<16xf32>
      %add3A_973 = arith.constant 32 : i32
      %add3A_974 = arith.addi %add3A_973, %scan3A_428 : i32
      %swap3A_975 = arith.index_cast %add3A_974 : i32 to index
      %swap3A_976 = arith.constant 32 : index
      %swap3A_977 = tpu.vector_load %arg7[%swap3A_975, %swap3A_976] {strides = array<i32>} : memref<128x64xf32, #tpu.memory_space<vmem>>, vector<1x16xf32>,
      %swap3A_978 = vector.shape_cast %swap3A_977 : vector<1x16xf32> to vector<16xf32>
      %swap3A_979 = vector.shape_cast %add3A_972 : vector<16xf32> to vector<1x16xf32>
      tpu.vector_store %arg7[%swap3A_975, %swap3A_976], %swap3A_979 {strides = array<i32>} : memref<128x64xf32, #tpu.memory_space<vmem>>, vector<1x16xf32>,
      %mul3A_980 = arith.constant 20 : i32
      %mul3A_981 = arith.muli %scan3A_428, %mul3A_980 : i32
      %get3A_982 = arith.index_cast %mul3A_981 : i32 to index
      %get3A_983 = arith.constant 48 : index
      %get3A_984 = tpu.vector_load %arg6[%get3A_982, %get3A_983] {strides = array<i32>} : memref<640x64xf32, #tpu.memory_space<vmem>>, vector<1x16xf32>,
      %get3A_985 = vector.shape_cast %get3A_984 : vector<1x16xf32> to vector<16xf32>
      %mul3A_986 = arith.constant 20 : i32
      %mul3A_987 = arith.muli %scan3A_428, %mul3A_986 : i32
      %add3A_988 = arith.constant 1 : i32
      %add3A_989 = arith.addi %mul3A_987, %add3A_988 : i32
      %get3A_990 = arith.index_cast %add3A_989 : i32 to index
      %get3A_991 = arith.constant 48 : index
      %get3A_992 = tpu.vector_load %arg6[%get3A_990, %get3A_991] {strides = array<i32>} : memref<640x64xf32, #tpu.memory_space<vmem>>, vector<1x16xf32>,
      %get3A_993 = vector.shape_cast %get3A_992 : vector<1x16xf32> to vector<16xf32>
      %add3A_994 = arith.addf %get3A_985, %get3A_993 : vector<16xf32>
      %mul3A_995 = arith.constant 20 : i32
      %mul3A_996 = arith.muli %scan3A_428, %mul3A_995 : i32
      %add3A_997 = arith.constant 2 : i32
      %add3A_998 = arith.addi %mul3A_996, %add3A_997 : i32
      %get3A_999 = arith.index_cast %add3A_998 : i32 to index
      %get3A_1000 = arith.constant 48 : index
      %get3A_1001 = tpu.vector_load %arg6[%get3A_999, %get3A_1000] {strides = array<i32>} : memref<640x64xf32, #tpu.memory_space<vmem>>, vector<1x16xf32>,
      %get3A_1002 = vector.shape_cast %get3A_1001 : vector<1x16xf32> to vector<16xf32>
      %add3A_1003 = arith.addf %add3A_994, %get3A_1002 : vector<16xf32>
      %mul3A_1004 = arith.constant 20 : i32
      %mul3A_1005 = arith.muli %scan3A_428, %mul3A_1004 : i32
      %add3A_1006 = arith.constant 3 : i32
      %add3A_1007 = arith.addi %mul3A_1005, %add3A_1006 : i32
      %get3A_1008 = arith.index_cast %add3A_1007 : i32 to index
      %get3A_1009 = arith.constant 48 : index
      %get3A_1010 = tpu.vector_load %arg6[%get3A_1008, %get3A_1009] {strides = array<i32>} : memref<640x64xf32, #tpu.memory_space<vmem>>, vector<1x16xf32>,
      %get3A_1011 = vector.shape_cast %get3A_1010 : vector<1x16xf32> to vector<16xf32>
      %add3A_1012 = arith.addf %add3A_1003, %get3A_1011 : vector<16xf32>
      %mul3A_1013 = arith.constant 20 : i32
      %mul3A_1014 = arith.muli %scan3A_428, %mul3A_1013 : i32
      %add3A_1015 = arith.constant 4 : i32
      %add3A_1016 = arith.addi %mul3A_1014, %add3A_1015 : i32
      %get3A_1017 = arith.index_cast %add3A_1016 : i32 to index
      %get3A_1018 = arith.constant 48 : index
      %get3A_1019 = tpu.vector_load %arg6[%get3A_1017, %get3A_1018] {strides = array<i32>} : memref<640x64xf32, #tpu.memory_space<vmem>>, vector<1x16xf32>,
      %get3A_1020 = vector.shape_cast %get3A_1019 : vector<1x16xf32> to vector<16xf32>
      %add3A_1021 = arith.addf %add3A_1012, %get3A_1020 : vector<16xf32>
      %mul3A_1022 = arith.constant 20 : i32
      %mul3A_1023 = arith.muli %scan3A_428, %mul3A_1022 : i32
      %add3A_1024 = arith.constant 5 : i32
      %add3A_1025 = arith.addi %mul3A_1023, %add3A_1024 : i32
      %get3A_1026 = arith.index_cast %add3A_1025 : i32 to index
      %get3A_1027 = arith.constant 48 : index
      %get3A_1028 = tpu.vector_load %arg6[%get3A_1026, %get3A_1027] {strides = array<i32>} : memref<640x64xf32, #tpu.memory_space<vmem>>, vector<1x16xf32>,
      %get3A_1029 = vector.shape_cast %get3A_1028 : vector<1x16xf32> to vector<16xf32>
      %add3A_1030 = arith.addf %add3A_1021, %get3A_1029 : vector<16xf32>
      %mul3A_1031 = arith.constant 20 : i32
      %mul3A_1032 = arith.muli %scan3A_428, %mul3A_1031 : i32
      %add3A_1033 = arith.constant 6 : i32
      %add3A_1034 = arith.addi %mul3A_1032, %add3A_1033 : i32
      %get3A_1035 = arith.index_cast %add3A_1034 : i32 to index
      %get3A_1036 = arith.constant 48 : index
      %get3A_1037 = tpu.vector_load %arg6[%get3A_1035, %get3A_1036] {strides = array<i32>} : memref<640x64xf32, #tpu.memory_space<vmem>>, vector<1x16xf32>,
      %get3A_1038 = vector.shape_cast %get3A_1037 : vector<1x16xf32> to vector<16xf32>
      %add3A_1039 = arith.addf %add3A_1030, %get3A_1038 : vector<16xf32>
      %mul3A_1040 = arith.constant 20 : i32
      %mul3A_1041 = arith.muli %scan3A_428, %mul3A_1040 : i32
      %add3A_1042 = arith.constant 7 : i32
      %add3A_1043 = arith.addi %mul3A_1041, %add3A_1042 : i32
      %get3A_1044 = arith.index_cast %add3A_1043 : i32 to index
      %get3A_1045 = arith.constant 48 : index
      %get3A_1046 = tpu.vector_load %arg6[%get3A_1044, %get3A_1045] {strides = array<i32>} : memref<640x64xf32, #tpu.memory_space<vmem>>, vector<1x16xf32>,
      %get3A_1047 = vector.shape_cast %get3A_1046 : vector<1x16xf32> to vector<16xf32>
      %add3A_1048 = arith.addf %add3A_1039, %get3A_1047 : vector<16xf32>
      %mul3A_1049 = arith.constant 20 : i32
      %mul3A_1050 = arith.muli %scan3A_428, %mul3A_1049 : i32
      %add3A_1051 = arith.constant 8 : i32
      %add3A_1052 = arith.addi %mul3A_1050, %add3A_1051 : i32
      %get3A_1053 = arith.index_cast %add3A_1052 : i32 to index
      %get3A_1054 = arith.constant 48 : index
      %get3A_1055 = tpu.vector_load %arg6[%get3A_1053, %get3A_1054] {strides = array<i32>} : memref<640x64xf32, #tpu.memory_space<vmem>>, vector<1x16xf32>,
      %get3A_1056 = vector.shape_cast %get3A_1055 : vector<1x16xf32> to vector<16xf32>
      %add3A_1057 = arith.addf %add3A_1048, %get3A_1056 : vector<16xf32>
      %mul3A_1058 = arith.constant 20 : i32
      %mul3A_1059 = arith.muli %scan3A_428, %mul3A_1058 : i32
      %add3A_1060 = arith.constant 9 : i32
      %add3A_1061 = arith.addi %mul3A_1059, %add3A_1060 : i32
      %get3A_1062 = arith.index_cast %add3A_1061 : i32 to index
      %get3A_1063 = arith.constant 48 : index
      %get3A_1064 = tpu.vector_load %arg6[%get3A_1062, %get3A_1063] {strides = array<i32>} : memref<640x64xf32, #tpu.memory_space<vmem>>, vector<1x16xf32>,
      %get3A_1065 = vector.shape_cast %get3A_1064 : vector<1x16xf32> to vector<16xf32>
      %add3A_1066 = arith.addf %add3A_1057, %get3A_1065 : vector<16xf32>
      %mul3A_1067 = arith.constant 20 : i32
      %mul3A_1068 = arith.muli %scan3A_428, %mul3A_1067 : i32
      %add3A_1069 = arith.constant 10 : i32
      %add3A_1070 = arith.addi %mul3A_1068, %add3A_1069 : i32
      %get3A_1071 = arith.index_cast %add3A_1070 : i32 to index
      %get3A_1072 = arith.constant 48 : index
      %get3A_1073 = tpu.vector_load %arg6[%get3A_1071, %get3A_1072] {strides = array<i32>} : memref<640x64xf32, #tpu.memory_space<vmem>>, vector<1x16xf32>,
      %get3A_1074 = vector.shape_cast %get3A_1073 : vector<1x16xf32> to vector<16xf32>
      %add3A_1075 = arith.addf %add3A_1066, %get3A_1074 : vector<16xf32>
      %mul3A_1076 = arith.constant 20 : i32
      %mul3A_1077 = arith.muli %scan3A_428, %mul3A_1076 : i32
      %add3A_1078 = arith.constant 11 : i32
      %add3A_1079 = arith.addi %mul3A_1077, %add3A_1078 : i32
      %get3A_1080 = arith.index_cast %add3A_1079 : i32 to index
      %get3A_1081 = arith.constant 48 : index
      %get3A_1082 = tpu.vector_load %arg6[%get3A_1080, %get3A_1081] {strides = array<i32>} : memref<640x64xf32, #tpu.memory_space<vmem>>, vector<1x16xf32>,
      %get3A_1083 = vector.shape_cast %get3A_1082 : vector<1x16xf32> to vector<16xf32>
      %add3A_1084 = arith.addf %add3A_1075, %get3A_1083 : vector<16xf32>
      %mul3A_1085 = arith.constant 20 : i32
      %mul3A_1086 = arith.muli %scan3A_428, %mul3A_1085 : i32
      %add3A_1087 = arith.constant 12 : i32
      %add3A_1088 = arith.addi %mul3A_1086, %add3A_1087 : i32
      %get3A_1089 = arith.index_cast %add3A_1088 : i32 to index
      %get3A_1090 = arith.constant 48 : index
      %get3A_1091 = tpu.vector_load %arg6[%get3A_1089, %get3A_1090] {strides = array<i32>} : memref<640x64xf32, #tpu.memory_space<vmem>>, vector<1x16xf32>,
      %get3A_1092 = vector.shape_cast %get3A_1091 : vector<1x16xf32> to vector<16xf32>
      %add3A_1093 = arith.addf %add3A_1084, %get3A_1092 : vector<16xf32>
      %mul3A_1094 = arith.constant 20 : i32
      %mul3A_1095 = arith.muli %scan3A_428, %mul3A_1094 : i32
      %add3A_1096 = arith.constant 13 : i32
      %add3A_1097 = arith.addi %mul3A_1095, %add3A_1096 : i32
      %get3A_1098 = arith.index_cast %add3A_1097 : i32 to index
      %get3A_1099 = arith.constant 48 : index
      %get3A_1100 = tpu.vector_load %arg6[%get3A_1098, %get3A_1099] {strides = array<i32>} : memref<640x64xf32, #tpu.memory_space<vmem>>, vector<1x16xf32>,
      %get3A_1101 = vector.shape_cast %get3A_1100 : vector<1x16xf32> to vector<16xf32>
      %add3A_1102 = arith.addf %add3A_1093, %get3A_1101 : vector<16xf32>
      %mul3A_1103 = arith.constant 20 : i32
      %mul3A_1104 = arith.muli %scan3A_428, %mul3A_1103 : i32
      %add3A_1105 = arith.constant 14 : i32
      %add3A_1106 = arith.addi %mul3A_1104, %add3A_1105 : i32
      %get3A_1107 = arith.index_cast %add3A_1106 : i32 to index
      %get3A_1108 = arith.constant 48 : index
      %get3A_1109 = tpu.vector_load %arg6[%get3A_1107, %get3A_1108] {strides = array<i32>} : memref<640x64xf32, #tpu.memory_space<vmem>>, vector<1x16xf32>,
      %get3A_1110 = vector.shape_cast %get3A_1109 : vector<1x16xf32> to vector<16xf32>
      %add3A_1111 = arith.addf %add3A_1102, %get3A_1110 : vector<16xf32>
      %mul3A_1112 = arith.constant 20 : i32
      %mul3A_1113 = arith.muli %scan3A_428, %mul3A_1112 : i32
      %add3A_1114 = arith.constant 15 : i32
      %add3A_1115 = arith.addi %mul3A_1113, %add3A_1114 : i32
      %get3A_1116 = arith.index_cast %add3A_1115 : i32 to index
      %get3A_1117 = arith.constant 48 : index
      %get3A_1118 = tpu.vector_load %arg6[%get3A_1116, %get3A_1117] {strides = array<i32>} : memref<640x64xf32, #tpu.memory_space<vmem>>, vector<1x16xf32>,
      %get3A_1119 = vector.shape_cast %get3A_1118 : vector<1x16xf32> to vector<16xf32>
      %add3A_1120 = arith.addf %add3A_1111, %get3A_1119 : vector<16xf32>
      %mul3A_1121 = arith.constant 20 : i32
      %mul3A_1122 = arith.muli %scan3A_428, %mul3A_1121 : i32
      %add3A_1123 = arith.constant 16 : i32
      %add3A_1124 = arith.addi %mul3A_1122, %add3A_1123 : i32
      %get3A_1125 = arith.index_cast %add3A_1124 : i32 to index
      %get3A_1126 = arith.constant 48 : index
      %get3A_1127 = tpu.vector_load %arg6[%get3A_1125, %get3A_1126] {strides = array<i32>} : memref<640x64xf32, #tpu.memory_space<vmem>>, vector<1x16xf32>,
      %get3A_1128 = vector.shape_cast %get3A_1127 : vector<1x16xf32> to vector<16xf32>
      %add3A_1129 = arith.addf %add3A_1120, %get3A_1128 : vector<16xf32>
      %mul3A_1130 = arith.constant 20 : i32
      %mul3A_1131 = arith.muli %scan3A_428, %mul3A_1130 : i32
      %add3A_1132 = arith.constant 17 : i32
      %add3A_1133 = arith.addi %mul3A_1131, %add3A_1132 : i32
      %get3A_1134 = arith.index_cast %add3A_1133 : i32 to index
      %get3A_1135 = arith.constant 48 : index
      %get3A_1136 = tpu.vector_load %arg6[%get3A_1134, %get3A_1135] {strides = array<i32>} : memref<640x64xf32, #tpu.memory_space<vmem>>, vector<1x16xf32>,
      %get3A_1137 = vector.shape_cast %get3A_1136 : vector<1x16xf32> to vector<16xf32>
      %add3A_1138 = arith.addf %add3A_1129, %get3A_1137 : vector<16xf32>
      %mul3A_1139 = arith.constant 20 : i32
      %mul3A_1140 = arith.muli %scan3A_428, %mul3A_1139 : i32
      %add3A_1141 = arith.constant 18 : i32
      %add3A_1142 = arith.addi %mul3A_1140, %add3A_1141 : i32
      %get3A_1143 = arith.index_cast %add3A_1142 : i32 to index
      %get3A_1144 = arith.constant 48 : index
      %get3A_1145 = tpu.vector_load %arg6[%get3A_1143, %get3A_1144] {strides = array<i32>} : memref<640x64xf32, #tpu.memory_space<vmem>>, vector<1x16xf32>,
      %get3A_1146 = vector.shape_cast %get3A_1145 : vector<1x16xf32> to vector<16xf32>
      %add3A_1147 = arith.addf %add3A_1138, %get3A_1146 : vector<16xf32>
      %mul3A_1148 = arith.constant 20 : i32
      %mul3A_1149 = arith.muli %scan3A_428, %mul3A_1148 : i32
      %add3A_1150 = arith.constant 19 : i32
      %add3A_1151 = arith.addi %mul3A_1149, %add3A_1150 : i32
      %get3A_1152 = arith.index_cast %add3A_1151 : i32 to index
      %get3A_1153 = arith.constant 48 : index
      %get3A_1154 = tpu.vector_load %arg6[%get3A_1152, %get3A_1153] {strides = array<i32>} : memref<640x64xf32, #tpu.memory_space<vmem>>, vector<1x16xf32>,
      %get3A_1155 = vector.shape_cast %get3A_1154 : vector<1x16xf32> to vector<16xf32>
      %add3A_1156 = arith.addf %add3A_1147, %get3A_1155 : vector<16xf32>
      %add3A_1157 = arith.constant 32 : i32
      %add3A_1158 = arith.addi %add3A_1157, %scan3A_428 : i32
      %swap3A_1159 = arith.index_cast %add3A_1158 : i32 to index
      %swap3A_1160 = arith.constant 48 : index
      %swap3A_1161 = tpu.vector_load %arg7[%swap3A_1159, %swap3A_1160] {strides = array<i32>} : memref<128x64xf32, #tpu.memory_space<vmem>>, vector<1x16xf32>,
      %swap3A_1162 = vector.shape_cast %swap3A_1161 : vector<1x16xf32> to vector<16xf32>
      %swap3A_1163 = vector.shape_cast %add3A_1156 : vector<16xf32> to vector<1x16xf32>
      tpu.vector_store %arg7[%swap3A_1159, %swap3A_1160], %swap3A_1163 {strides = array<i32>} : memref<128x64xf32, #tpu.memory_space<vmem>>, vector<1x16xf32>,
      %scan3A_1164 = arith.constant 0 : i32
      scf.yield %scan3A_1164 : i32
    }
    %scan3A_211 = arith.constant 32 : i32
    %dma_start3A_212 = arith.constant 10 : i32
    %dma_start3A_213 = arith.constant 0 : i32
    %dma_start3A_214 = arith.constant 0 : i32
    %dma_start3A_215 = tpu.memref_slice %arg6[%dma_start3A_213, %dma_start3A_214] : memref<640x64xf32, #tpu.memory_space<vmem>> -> memref<128x64xf32, #tpu.memory_space<vmem>>
    %dma_start3A_216 = arith.constant 0 : i32
    %dma_start3A_217 = tpu.memref_slice %arg5[%dma_start3A_212, %dma_start3A_216] : memref<20x128xi32, #tpu.memory_space<vmem>> -> memref<1x128xi32, #tpu.memory_space<vmem>>
    %dma_start3A_218 = tpu.memref_squeeze %dma_start3A_217 : memref<1x128xi32, #tpu.memory_space<vmem>> -> memref<128xi32, #tpu.memory_space<vmem>>
    %dma_start3A_219 = arith.constant 0 : i32
    %dma_start3A_220 = arith.constant 0 : i32
    %dma_start3A_221 = tpu.memref_slice %arg3[%dma_start3A_219, %dma_start3A_220] : memref<100000x64xf32, #tpu.memory_space<hbm>> -> memref<100000x64xf32, #tpu.memory_space<hbm>>
    tpu.enqueue_indirect_dma source(%dma_start3A_221 : memref<100000x64xf32, #tpu.memory_space<hbm>>) target(%dma_start3A_215 : memref<128x64xf32, #tpu.memory_space<vmem>>) offsets(%dma_start3A_218 : memref<128xi32, #tpu.memory_space<vmem>>) semaphore(%arg8 : memref<!tpu.dma_semaphore, #tpu.memory_space<semaphore_mem>>)
    %dma_start3A_222 = arith.constant 11 : i32
    %dma_start3A_223 = arith.constant 128 : i32
    %dma_start3A_224 = arith.constant 0 : i32
    %dma_start3A_225 = tpu.memref_slice %arg6[%dma_start3A_223, %dma_start3A_224] : memref<640x64xf32, #tpu.memory_space<vmem>> -> memref<128x64xf32, #tpu.memory_space<vmem>>
    %dma_start3A_226 = arith.constant 0 : i32
    %dma_start3A_227 = tpu.memref_slice %arg5[%dma_start3A_222, %dma_start3A_226] : memref<20x128xi32, #tpu.memory_space<vmem>> -> memref<1x128xi32, #tpu.memory_space<vmem>>
    %dma_start3A_228 = tpu.memref_squeeze %dma_start3A_227 : memref<1x128xi32, #tpu.memory_space<vmem>> -> memref<128xi32, #tpu.memory_space<vmem>>
    %dma_start3A_229 = arith.constant 0 : i32
    %dma_start3A_230 = arith.constant 0 : i32
    %dma_start3A_231 = tpu.memref_slice %arg3[%dma_start3A_229, %dma_start3A_230] : memref<100000x64xf32, #tpu.memory_space<hbm>> -> memref<100000x64xf32, #tpu.memory_space<hbm>>
    tpu.enqueue_indirect_dma source(%dma_start3A_231 : memref<100000x64xf32, #tpu.memory_space<hbm>>) target(%dma_start3A_225 : memref<128x64xf32, #tpu.memory_space<vmem>>) offsets(%dma_start3A_228 : memref<128xi32, #tpu.memory_space<vmem>>) semaphore(%arg8 : memref<!tpu.dma_semaphore, #tpu.memory_space<semaphore_mem>>)
    %dma_start3A_232 = arith.constant 12 : i32
    %dma_start3A_233 = arith.constant 256 : i32
    %dma_start3A_234 = arith.constant 0 : i32
    %dma_start3A_235 = tpu.memref_slice %arg6[%dma_start3A_233, %dma_start3A_234] : memref<640x64xf32, #tpu.memory_space<vmem>> -> memref<128x64xf32, #tpu.memory_space<vmem>>
    %dma_start3A_236 = arith.constant 0 : i32
    %dma_start3A_237 = tpu.memref_slice %arg5[%dma_start3A_232, %dma_start3A_236] : memref<20x128xi32, #tpu.memory_space<vmem>> -> memref<1x128xi32, #tpu.memory_space<vmem>>
    %dma_start3A_238 = tpu.memref_squeeze %dma_start3A_237 : memref<1x128xi32, #tpu.memory_space<vmem>> -> memref<128xi32, #tpu.memory_space<vmem>>
    %dma_start3A_239 = arith.constant 0 : i32
    %dma_start3A_240 = arith.constant 0 : i32
    %dma_start3A_241 = tpu.memref_slice %arg3[%dma_start3A_239, %dma_start3A_240] : memref<100000x64xf32, #tpu.memory_space<hbm>> -> memref<100000x64xf32, #tpu.memory_space<hbm>>
    tpu.enqueue_indirect_dma source(%dma_start3A_241 : memref<100000x64xf32, #tpu.memory_space<hbm>>) target(%dma_start3A_235 : memref<128x64xf32, #tpu.memory_space<vmem>>) offsets(%dma_start3A_238 : memref<128xi32, #tpu.memory_space<vmem>>) semaphore(%arg8 : memref<!tpu.dma_semaphore, #tpu.memory_space<semaphore_mem>>)
    %dma_start3A_242 = arith.constant 13 : i32
    %dma_start3A_243 = arith.constant 384 : i32
    %dma_start3A_244 = arith.constant 0 : i32
    %dma_start3A_245 = tpu.memref_slice %arg6[%dma_start3A_243, %dma_start3A_244] : memref<640x64xf32, #tpu.memory_space<vmem>> -> memref<128x64xf32, #tpu.memory_space<vmem>>
    %dma_start3A_246 = arith.constant 0 : i32
    %dma_start3A_247 = tpu.memref_slice %arg5[%dma_start3A_242, %dma_start3A_246] : memref<20x128xi32, #tpu.memory_space<vmem>> -> memref<1x128xi32, #tpu.memory_space<vmem>>
    %dma_start3A_248 = tpu.memref_squeeze %dma_start3A_247 : memref<1x128xi32, #tpu.memory_space<vmem>> -> memref<128xi32, #tpu.memory_space<vmem>>
    %dma_start3A_249 = arith.constant 0 : i32
    %dma_start3A_250 = arith.constant 0 : i32
    %dma_start3A_251 = tpu.memref_slice %arg3[%dma_start3A_249, %dma_start3A_250] : memref<100000x64xf32, #tpu.memory_space<hbm>> -> memref<100000x64xf32, #tpu.memory_space<hbm>>
    tpu.enqueue_indirect_dma source(%dma_start3A_251 : memref<100000x64xf32, #tpu.memory_space<hbm>>) target(%dma_start3A_245 : memref<128x64xf32, #tpu.memory_space<vmem>>) offsets(%dma_start3A_248 : memref<128xi32, #tpu.memory_space<vmem>>) semaphore(%arg8 : memref<!tpu.dma_semaphore, #tpu.memory_space<semaphore_mem>>)
    %dma_start3A_252 = arith.constant 14 : i32
    %dma_start3A_253 = arith.constant 512 : i32
    %dma_start3A_254 = arith.constant 0 : i32
    %dma_start3A_255 = tpu.memref_slice %arg6[%dma_start3A_253, %dma_start3A_254] : memref<640x64xf32, #tpu.memory_space<vmem>> -> memref<128x64xf32, #tpu.memory_space<vmem>>
    %dma_start3A_256 = arith.constant 0 : i32
    %dma_start3A_257 = tpu.memref_slice %arg5[%dma_start3A_252, %dma_start3A_256] : memref<20x128xi32, #tpu.memory_space<vmem>> -> memref<1x128xi32, #tpu.memory_space<vmem>>
    %dma_start3A_258 = tpu.memref_squeeze %dma_start3A_257 : memref<1x128xi32, #tpu.memory_space<vmem>> -> memref<128xi32, #tpu.memory_space<vmem>>
    %dma_start3A_259 = arith.constant 0 : i32
    %dma_start3A_260 = arith.constant 0 : i32
    %dma_start3A_261 = tpu.memref_slice %arg3[%dma_start3A_259, %dma_start3A_260] : memref<100000x64xf32, #tpu.memory_space<hbm>> -> memref<100000x64xf32, #tpu.memory_space<hbm>>
    tpu.enqueue_indirect_dma source(%dma_start3A_261 : memref<100000x64xf32, #tpu.memory_space<hbm>>) target(%dma_start3A_255 : memref<128x64xf32, #tpu.memory_space<vmem>>) offsets(%dma_start3A_258 : memref<128xi32, #tpu.memory_space<vmem>>) semaphore(%arg8 : memref<!tpu.dma_semaphore, #tpu.memory_space<semaphore_mem>>)
    %dma_wait3A_262 = arith.constant 10 : i32
    %dma_wait3A_263 = arith.constant 0 : i32
    %dma_wait3A_264 = arith.constant 0 : i32
    %dma_wait3A_265 = tpu.memref_slice %arg6[%dma_wait3A_263, %dma_wait3A_264] : memref<640x64xf32, #tpu.memory_space<vmem>> -> memref<128x64xf32, #tpu.memory_space<vmem>>
    %dma_wait3A_266 = arith.constant 0 : i32
    %dma_wait3A_267 = tpu.memref_slice %arg5[%dma_wait3A_262, %dma_wait3A_266] : memref<20x128xi32, #tpu.memory_space<vmem>> -> memref<1x128xi32, #tpu.memory_space<vmem>>
    %dma_wait3A_268 = tpu.memref_squeeze %dma_wait3A_267 : memref<1x128xi32, #tpu.memory_space<vmem>> -> memref<128xi32, #tpu.memory_space<vmem>>
    %dma_wait3A_269 = arith.constant 0 : i32
    %dma_wait3A_270 = arith.constant 0 : i32
    %dma_wait3A_271 = tpu.memref_slice %arg3[%dma_wait3A_269, %dma_wait3A_270] : memref<100000x64xf32, #tpu.memory_space<hbm>> -> memref<100000x64xf32, #tpu.memory_space<hbm>>
    tpu.wait_indirect_dma semaphore(%arg8 : memref<!tpu.dma_semaphore, #tpu.memory_space<semaphore_mem>>) src(%dma_wait3A_271 : memref<100000x64xf32, #tpu.memory_space<hbm>>) dst(%dma_wait3A_265 : memref<128x64xf32, #tpu.memory_space<vmem>>)
    %dma_wait3A_272 = arith.constant 11 : i32
    %dma_wait3A_273 = arith.constant 128 : i32
    %dma_wait3A_274 = arith.constant 0 : i32
    %dma_wait3A_275 = tpu.memref_slice %arg6[%dma_wait3A_273, %dma_wait3A_274] : memref<640x64xf32, #tpu.memory_space<vmem>> -> memref<128x64xf32, #tpu.memory_space<vmem>>
    %dma_wait3A_276 = arith.constant 0 : i32
    %dma_wait3A_277 = tpu.memref_slice %arg5[%dma_wait3A_272, %dma_wait3A_276] : memref<20x128xi32, #tpu.memory_space<vmem>> -> memref<1x128xi32, #tpu.memory_space<vmem>>
    %dma_wait3A_278 = tpu.memref_squeeze %dma_wait3A_277 : memref<1x128xi32, #tpu.memory_space<vmem>> -> memref<128xi32, #tpu.memory_space<vmem>>
    %dma_wait3A_279 = arith.constant 0 : i32
    %dma_wait3A_280 = arith.constant 0 : i32
    %dma_wait3A_281 = tpu.memref_slice %arg3[%dma_wait3A_279, %dma_wait3A_280] : memref<100000x64xf32, #tpu.memory_space<hbm>> -> memref<100000x64xf32, #tpu.memory_space<hbm>>
    tpu.wait_indirect_dma semaphore(%arg8 : memref<!tpu.dma_semaphore, #tpu.memory_space<semaphore_mem>>) src(%dma_wait3A_281 : memref<100000x64xf32, #tpu.memory_space<hbm>>) dst(%dma_wait3A_275 : memref<128x64xf32, #tpu.memory_space<vmem>>)
    %dma_wait3A_282 = arith.constant 12 : i32
    %dma_wait3A_283 = arith.constant 256 : i32
    %dma_wait3A_284 = arith.constant 0 : i32
    %dma_wait3A_285 = tpu.memref_slice %arg6[%dma_wait3A_283, %dma_wait3A_284] : memref<640x64xf32, #tpu.memory_space<vmem>> -> memref<128x64xf32, #tpu.memory_space<vmem>>
    %dma_wait3A_286 = arith.constant 0 : i32
    %dma_wait3A_287 = tpu.memref_slice %arg5[%dma_wait3A_282, %dma_wait3A_286] : memref<20x128xi32, #tpu.memory_space<vmem>> -> memref<1x128xi32, #tpu.memory_space<vmem>>
    %dma_wait3A_288 = tpu.memref_squeeze %dma_wait3A_287 : memref<1x128xi32, #tpu.memory_space<vmem>> -> memref<128xi32, #tpu.memory_space<vmem>>
    %dma_wait3A_289 = arith.constant 0 : i32
    %dma_wait3A_290 = arith.constant 0 : i32
    %dma_wait3A_291 = tpu.memref_slice %arg3[%dma_wait3A_289, %dma_wait3A_290] : memref<100000x64xf32, #tpu.memory_space<hbm>> -> memref<100000x64xf32, #tpu.memory_space<hbm>>
    tpu.wait_indirect_dma semaphore(%arg8 : memref<!tpu.dma_semaphore, #tpu.memory_space<semaphore_mem>>) src(%dma_wait3A_291 : memref<100000x64xf32, #tpu.memory_space<hbm>>) dst(%dma_wait3A_285 : memref<128x64xf32, #tpu.memory_space<vmem>>)
    %dma_wait3A_292 = arith.constant 13 : i32
    %dma_wait3A_293 = arith.constant 384 : i32
    %dma_wait3A_294 = arith.constant 0 : i32
    %dma_wait3A_295 = tpu.memref_slice %arg6[%dma_wait3A_293, %dma_wait3A_294] : memref<640x64xf32, #tpu.memory_space<vmem>> -> memref<128x64xf32, #tpu.memory_space<vmem>>
    %dma_wait3A_296 = arith.constant 0 : i32
    %dma_wait3A_297 = tpu.memref_slice %arg5[%dma_wait3A_292, %dma_wait3A_296] : memref<20x128xi32, #tpu.memory_space<vmem>> -> memref<1x128xi32, #tpu.memory_space<vmem>>
    %dma_wait3A_298 = tpu.memref_squeeze %dma_wait3A_297 : memref<1x128xi32, #tpu.memory_space<vmem>> -> memref<128xi32, #tpu.memory_space<vmem>>
    %dma_wait3A_299 = arith.constant 0 : i32
    %dma_wait3A_300 = arith.constant 0 : i32
    %dma_wait3A_301 = tpu.memref_slice %arg3[%dma_wait3A_299, %dma_wait3A_300] : memref<100000x64xf32, #tpu.memory_space<hbm>> -> memref<100000x64xf32, #tpu.memory_space<hbm>>
    tpu.wait_indirect_dma semaphore(%arg8 : memref<!tpu.dma_semaphore, #tpu.memory_space<semaphore_mem>>) src(%dma_wait3A_301 : memref<100000x64xf32, #tpu.memory_space<hbm>>) dst(%dma_wait3A_295 : memref<128x64xf32, #tpu.memory_space<vmem>>)
    %dma_wait3A_302 = arith.constant 14 : i32
    %dma_wait3A_303 = arith.constant 512 : i32
    %dma_wait3A_304 = arith.constant 0 : i32
    %dma_wait3A_305 = tpu.memref_slice %arg6[%dma_wait3A_303, %dma_wait3A_304] : memref<640x64xf32, #tpu.memory_space<vmem>> -> memref<128x64xf32, #tpu.memory_space<vmem>>
    %dma_wait3A_306 = arith.constant 0 : i32
    %dma_wait3A_307 = tpu.memref_slice %arg5[%dma_wait3A_302, %dma_wait3A_306] : memref<20x128xi32, #tpu.memory_space<vmem>> -> memref<1x128xi32, #tpu.memory_space<vmem>>
    %dma_wait3A_308 = tpu.memref_squeeze %dma_wait3A_307 : memref<1x128xi32, #tpu.memory_space<vmem>> -> memref<128xi32, #tpu.memory_space<vmem>>
    %dma_wait3A_309 = arith.constant 0 : i32
    %dma_wait3A_310 = arith.constant 0 : i32
    %dma_wait3A_311 = tpu.memref_slice %arg3[%dma_wait3A_309, %dma_wait3A_310] : memref<100000x64xf32, #tpu.memory_space<hbm>> -> memref<100000x64xf32, #tpu.memory_space<hbm>>
    tpu.wait_indirect_dma semaphore(%arg8 : memref<!tpu.dma_semaphore, #tpu.memory_space<semaphore_mem>>) src(%dma_wait3A_311 : memref<100000x64xf32, #tpu.memory_space<hbm>>) dst(%dma_wait3A_305 : memref<128x64xf32, #tpu.memory_space<vmem>>)
    %scan3A_312 = arith.constant 0 : i32
    %scan3A_313 = arith.constant 0 : i32
    %scan3A_314 = arith.constant 32 : i32
    %scan3A_315 = arith.addi %scan3A_313, %scan3A_314 : i32
    %scan3A_316 = arith.constant 1 : i32
    %scan3A_317 = scf.for %scan3A_428 = %scan3A_313 to %scan3A_315 step %scan3A_316 iter_args(%scan3A_429 = %scan3A_312) -> (i32)  : i32 {
      %mul3A_430 = arith.constant 20 : i32
      %mul3A_431 = arith.muli %scan3A_428, %mul3A_430 : i32
      %get3A = arith.index_cast %mul3A_431 : i32 to index
      %get3A_432 = arith.constant 0 : index
      %get3A_433 = tpu.vector_load %arg6[%get3A, %get3A_432] {strides = array<i32>} : memref<640x64xf32, #tpu.memory_space<vmem>>, vector<1x16xf32>,
      %get3A_434 = vector.shape_cast %get3A_433 : vector<1x16xf32> to vector<16xf32>
      %mul3A_435 = arith.constant 20 : i32
      %mul3A_436 = arith.muli %scan3A_428, %mul3A_435 : i32
      %add3A_437 = arith.constant 1 : i32
      %add3A_438 = arith.addi %mul3A_436, %add3A_437 : i32
      %get3A_439 = arith.index_cast %add3A_438 : i32 to index
      %get3A_440 = arith.constant 0 : index
      %get3A_441 = tpu.vector_load %arg6[%get3A_439, %get3A_440] {strides = array<i32>} : memref<640x64xf32, #tpu.memory_space<vmem>>, vector<1x16xf32>,
      %get3A_442 = vector.shape_cast %get3A_441 : vector<1x16xf32> to vector<16xf32>
      %add3A_443 = arith.addf %get3A_434, %get3A_442 : vector<16xf32>
      %mul3A_444 = arith.constant 20 : i32
      %mul3A_445 = arith.muli %scan3A_428, %mul3A_444 : i32
      %add3A_446 = arith.constant 2 : i32
      %add3A_447 = arith.addi %mul3A_445, %add3A_446 : i32
      %get3A_448 = arith.index_cast %add3A_447 : i32 to index
      %get3A_449 = arith.constant 0 : index
      %get3A_450 = tpu.vector_load %arg6[%get3A_448, %get3A_449] {strides = array<i32>} : memref<640x64xf32, #tpu.memory_space<vmem>>, vector<1x16xf32>,
      %get3A_451 = vector.shape_cast %get3A_450 : vector<1x16xf32> to vector<16xf32>
      %add3A_452 = arith.addf %add3A_443, %get3A_451 : vector<16xf32>
      %mul3A_453 = arith.constant 20 : i32
      %mul3A_454 = arith.muli %scan3A_428, %mul3A_453 : i32
      %add3A_455 = arith.constant 3 : i32
      %add3A_456 = arith.addi %mul3A_454, %add3A_455 : i32
      %get3A_457 = arith.index_cast %add3A_456 : i32 to index
      %get3A_458 = arith.constant 0 : index
      %get3A_459 = tpu.vector_load %arg6[%get3A_457, %get3A_458] {strides = array<i32>} : memref<640x64xf32, #tpu.memory_space<vmem>>, vector<1x16xf32>,
      %get3A_460 = vector.shape_cast %get3A_459 : vector<1x16xf32> to vector<16xf32>
      %add3A_461 = arith.addf %add3A_452, %get3A_460 : vector<16xf32>
      %mul3A_462 = arith.constant 20 : i32
      %mul3A_463 = arith.muli %scan3A_428, %mul3A_462 : i32
      %add3A_464 = arith.constant 4 : i32
      %add3A_465 = arith.addi %mul3A_463, %add3A_464 : i32
      %get3A_466 = arith.index_cast %add3A_465 : i32 to index
      %get3A_467 = arith.constant 0 : index
      %get3A_468 = tpu.vector_load %arg6[%get3A_466, %get3A_467] {strides = array<i32>} : memref<640x64xf32, #tpu.memory_space<vmem>>, vector<1x16xf32>,
      %get3A_469 = vector.shape_cast %get3A_468 : vector<1x16xf32> to vector<16xf32>
      %add3A_470 = arith.addf %add3A_461, %get3A_469 : vector<16xf32>
      %mul3A_471 = arith.constant 20 : i32
      %mul3A_472 = arith.muli %scan3A_428, %mul3A_471 : i32
      %add3A_473 = arith.constant 5 : i32
      %add3A_474 = arith.addi %mul3A_472, %add3A_473 : i32
      %get3A_475 = arith.index_cast %add3A_474 : i32 to index
      %get3A_476 = arith.constant 0 : index
      %get3A_477 = tpu.vector_load %arg6[%get3A_475, %get3A_476] {strides = array<i32>} : memref<640x64xf32, #tpu.memory_space<vmem>>, vector<1x16xf32>,
      %get3A_478 = vector.shape_cast %get3A_477 : vector<1x16xf32> to vector<16xf32>
      %add3A_479 = arith.addf %add3A_470, %get3A_478 : vector<16xf32>
      %mul3A_480 = arith.constant 20 : i32
      %mul3A_481 = arith.muli %scan3A_428, %mul3A_480 : i32
      %add3A_482 = arith.constant 6 : i32
      %add3A_483 = arith.addi %mul3A_481, %add3A_482 : i32
      %get3A_484 = arith.index_cast %add3A_483 : i32 to index
      %get3A_485 = arith.constant 0 : index
      %get3A_486 = tpu.vector_load %arg6[%get3A_484, %get3A_485] {strides = array<i32>} : memref<640x64xf32, #tpu.memory_space<vmem>>, vector<1x16xf32>,
      %get3A_487 = vector.shape_cast %get3A_486 : vector<1x16xf32> to vector<16xf32>
      %add3A_488 = arith.addf %add3A_479, %get3A_487 : vector<16xf32>
      %mul3A_489 = arith.constant 20 : i32
      %mul3A_490 = arith.muli %scan3A_428, %mul3A_489 : i32
      %add3A_491 = arith.constant 7 : i32
      %add3A_492 = arith.addi %mul3A_490, %add3A_491 : i32
      %get3A_493 = arith.index_cast %add3A_492 : i32 to index
      %get3A_494 = arith.constant 0 : index
      %get3A_495 = tpu.vector_load %arg6[%get3A_493, %get3A_494] {strides = array<i32>} : memref<640x64xf32, #tpu.memory_space<vmem>>, vector<1x16xf32>,
      %get3A_496 = vector.shape_cast %get3A_495 : vector<1x16xf32> to vector<16xf32>
      %add3A_497 = arith.addf %add3A_488, %get3A_496 : vector<16xf32>
      %mul3A_498 = arith.constant 20 : i32
      %mul3A_499 = arith.muli %scan3A_428, %mul3A_498 : i32
      %add3A_500 = arith.constant 8 : i32
      %add3A_501 = arith.addi %mul3A_499, %add3A_500 : i32
      %get3A_502 = arith.index_cast %add3A_501 : i32 to index
      %get3A_503 = arith.constant 0 : index
      %get3A_504 = tpu.vector_load %arg6[%get3A_502, %get3A_503] {strides = array<i32>} : memref<640x64xf32, #tpu.memory_space<vmem>>, vector<1x16xf32>,
      %get3A_505 = vector.shape_cast %get3A_504 : vector<1x16xf32> to vector<16xf32>
      %add3A_506 = arith.addf %add3A_497, %get3A_505 : vector<16xf32>
      %mul3A_507 = arith.constant 20 : i32
      %mul3A_508 = arith.muli %scan3A_428, %mul3A_507 : i32
      %add3A_509 = arith.constant 9 : i32
      %add3A_510 = arith.addi %mul3A_508, %add3A_509 : i32
      %get3A_511 = arith.index_cast %add3A_510 : i32 to index
      %get3A_512 = arith.constant 0 : index
      %get3A_513 = tpu.vector_load %arg6[%get3A_511, %get3A_512] {strides = array<i32>} : memref<640x64xf32, #tpu.memory_space<vmem>>, vector<1x16xf32>,
      %get3A_514 = vector.shape_cast %get3A_513 : vector<1x16xf32> to vector<16xf32>
      %add3A_515 = arith.addf %add3A_506, %get3A_514 : vector<16xf32>
      %mul3A_516 = arith.constant 20 : i32
      %mul3A_517 = arith.muli %scan3A_428, %mul3A_516 : i32
      %add3A_518 = arith.constant 10 : i32
      %add3A_519 = arith.addi %mul3A_517, %add3A_518 : i32
      %get3A_520 = arith.index_cast %add3A_519 : i32 to index
      %get3A_521 = arith.constant 0 : index
      %get3A_522 = tpu.vector_load %arg6[%get3A_520, %get3A_521] {strides = array<i32>} : memref<640x64xf32, #tpu.memory_space<vmem>>, vector<1x16xf32>,
      %get3A_523 = vector.shape_cast %get3A_522 : vector<1x16xf32> to vector<16xf32>
      %add3A_524 = arith.addf %add3A_515, %get3A_523 : vector<16xf32>
      %mul3A_525 = arith.constant 20 : i32
      %mul3A_526 = arith.muli %scan3A_428, %mul3A_525 : i32
      %add3A_527 = arith.constant 11 : i32
      %add3A_528 = arith.addi %mul3A_526, %add3A_527 : i32
      %get3A_529 = arith.index_cast %add3A_528 : i32 to index
      %get3A_530 = arith.constant 0 : index
      %get3A_531 = tpu.vector_load %arg6[%get3A_529, %get3A_530] {strides = array<i32>} : memref<640x64xf32, #tpu.memory_space<vmem>>, vector<1x16xf32>,
      %get3A_532 = vector.shape_cast %get3A_531 : vector<1x16xf32> to vector<16xf32>
      %add3A_533 = arith.addf %add3A_524, %get3A_532 : vector<16xf32>
      %mul3A_534 = arith.constant 20 : i32
      %mul3A_535 = arith.muli %scan3A_428, %mul3A_534 : i32
      %add3A_536 = arith.constant 12 : i32
      %add3A_537 = arith.addi %mul3A_535, %add3A_536 : i32
      %get3A_538 = arith.index_cast %add3A_537 : i32 to index
      %get3A_539 = arith.constant 0 : index
      %get3A_540 = tpu.vector_load %arg6[%get3A_538, %get3A_539] {strides = array<i32>} : memref<640x64xf32, #tpu.memory_space<vmem>>, vector<1x16xf32>,
      %get3A_541 = vector.shape_cast %get3A_540 : vector<1x16xf32> to vector<16xf32>
      %add3A_542 = arith.addf %add3A_533, %get3A_541 : vector<16xf32>
      %mul3A_543 = arith.constant 20 : i32
      %mul3A_544 = arith.muli %scan3A_428, %mul3A_543 : i32
      %add3A_545 = arith.constant 13 : i32
      %add3A_546 = arith.addi %mul3A_544, %add3A_545 : i32
      %get3A_547 = arith.index_cast %add3A_546 : i32 to index
      %get3A_548 = arith.constant 0 : index
      %get3A_549 = tpu.vector_load %arg6[%get3A_547, %get3A_548] {strides = array<i32>} : memref<640x64xf32, #tpu.memory_space<vmem>>, vector<1x16xf32>,
      %get3A_550 = vector.shape_cast %get3A_549 : vector<1x16xf32> to vector<16xf32>
      %add3A_551 = arith.addf %add3A_542, %get3A_550 : vector<16xf32>
      %mul3A_552 = arith.constant 20 : i32
      %mul3A_553 = arith.muli %scan3A_428, %mul3A_552 : i32
      %add3A_554 = arith.constant 14 : i32
      %add3A_555 = arith.addi %mul3A_553, %add3A_554 : i32
      %get3A_556 = arith.index_cast %add3A_555 : i32 to index
      %get3A_557 = arith.constant 0 : index
      %get3A_558 = tpu.vector_load %arg6[%get3A_556, %get3A_557] {strides = array<i32>} : memref<640x64xf32, #tpu.memory_space<vmem>>, vector<1x16xf32>,
      %get3A_559 = vector.shape_cast %get3A_558 : vector<1x16xf32> to vector<16xf32>
      %add3A_560 = arith.addf %add3A_551, %get3A_559 : vector<16xf32>
      %mul3A_561 = arith.constant 20 : i32
      %mul3A_562 = arith.muli %scan3A_428, %mul3A_561 : i32
      %add3A_563 = arith.constant 15 : i32
      %add3A_564 = arith.addi %mul3A_562, %add3A_563 : i32
      %get3A_565 = arith.index_cast %add3A_564 : i32 to index
      %get3A_566 = arith.constant 0 : index
      %get3A_567 = tpu.vector_load %arg6[%get3A_565, %get3A_566] {strides = array<i32>} : memref<640x64xf32, #tpu.memory_space<vmem>>, vector<1x16xf32>,
      %get3A_568 = vector.shape_cast %get3A_567 : vector<1x16xf32> to vector<16xf32>
      %add3A_569 = arith.addf %add3A_560, %get3A_568 : vector<16xf32>
      %mul3A_570 = arith.constant 20 : i32
      %mul3A_571 = arith.muli %scan3A_428, %mul3A_570 : i32
      %add3A_572 = arith.constant 16 : i32
      %add3A_573 = arith.addi %mul3A_571, %add3A_572 : i32
      %get3A_574 = arith.index_cast %add3A_573 : i32 to index
      %get3A_575 = arith.constant 0 : index
      %get3A_576 = tpu.vector_load %arg6[%get3A_574, %get3A_575] {strides = array<i32>} : memref<640x64xf32, #tpu.memory_space<vmem>>, vector<1x16xf32>,
      %get3A_577 = vector.shape_cast %get3A_576 : vector<1x16xf32> to vector<16xf32>
      %add3A_578 = arith.addf %add3A_569, %get3A_577 : vector<16xf32>
      %mul3A_579 = arith.constant 20 : i32
      %mul3A_580 = arith.muli %scan3A_428, %mul3A_579 : i32
      %add3A_581 = arith.constant 17 : i32
      %add3A_582 = arith.addi %mul3A_580, %add3A_581 : i32
      %get3A_583 = arith.index_cast %add3A_582 : i32 to index
      %get3A_584 = arith.constant 0 : index
      %get3A_585 = tpu.vector_load %arg6[%get3A_583, %get3A_584] {strides = array<i32>} : memref<640x64xf32, #tpu.memory_space<vmem>>, vector<1x16xf32>,
      %get3A_586 = vector.shape_cast %get3A_585 : vector<1x16xf32> to vector<16xf32>
      %add3A_587 = arith.addf %add3A_578, %get3A_586 : vector<16xf32>
      %mul3A_588 = arith.constant 20 : i32
      %mul3A_589 = arith.muli %scan3A_428, %mul3A_588 : i32
      %add3A_590 = arith.constant 18 : i32
      %add3A_591 = arith.addi %mul3A_589, %add3A_590 : i32
      %get3A_592 = arith.index_cast %add3A_591 : i32 to index
      %get3A_593 = arith.constant 0 : index
      %get3A_594 = tpu.vector_load %arg6[%get3A_592, %get3A_593] {strides = array<i32>} : memref<640x64xf32, #tpu.memory_space<vmem>>, vector<1x16xf32>,
      %get3A_595 = vector.shape_cast %get3A_594 : vector<1x16xf32> to vector<16xf32>
      %add3A_596 = arith.addf %add3A_587, %get3A_595 : vector<16xf32>
      %mul3A_597 = arith.constant 20 : i32
      %mul3A_598 = arith.muli %scan3A_428, %mul3A_597 : i32
      %add3A_599 = arith.constant 19 : i32
      %add3A_600 = arith.addi %mul3A_598, %add3A_599 : i32
      %get3A_601 = arith.index_cast %add3A_600 : i32 to index
      %get3A_602 = arith.constant 0 : index
      %get3A_603 = tpu.vector_load %arg6[%get3A_601, %get3A_602] {strides = array<i32>} : memref<640x64xf32, #tpu.memory_space<vmem>>, vector<1x16xf32>,
      %get3A_604 = vector.shape_cast %get3A_603 : vector<1x16xf32> to vector<16xf32>
      %add3A_605 = arith.addf %add3A_596, %get3A_604 : vector<16xf32>
      %add3A_606 = arith.constant 64 : i32
      %add3A_607 = arith.addi %add3A_606, %scan3A_428 : i32
      %swap3A = arith.index_cast %add3A_607 : i32 to index
      %swap3A_608 = arith.constant 0 : index
      %swap3A_609 = tpu.vector_load %arg7[%swap3A, %swap3A_608] {strides = array<i32>} : memref<128x64xf32, #tpu.memory_space<vmem>>, vector<1x16xf32>,
      %swap3A_610 = vector.shape_cast %swap3A_609 : vector<1x16xf32> to vector<16xf32>
      %swap3A_611 = vector.shape_cast %add3A_605 : vector<16xf32> to vector<1x16xf32>
      tpu.vector_store %arg7[%swap3A, %swap3A_608], %swap3A_611 {strides = array<i32>} : memref<128x64xf32, #tpu.memory_space<vmem>>, vector<1x16xf32>,
      %mul3A_612 = arith.constant 20 : i32
      %mul3A_613 = arith.muli %scan3A_428, %mul3A_612 : i32
      %get3A_614 = arith.index_cast %mul3A_613 : i32 to index
      %get3A_615 = arith.constant 16 : index
      %get3A_616 = tpu.vector_load %arg6[%get3A_614, %get3A_615] {strides = array<i32>} : memref<640x64xf32, #tpu.memory_space<vmem>>, vector<1x16xf32>,
      %get3A_617 = vector.shape_cast %get3A_616 : vector<1x16xf32> to vector<16xf32>
      %mul3A_618 = arith.constant 20 : i32
      %mul3A_619 = arith.muli %scan3A_428, %mul3A_618 : i32
      %add3A_620 = arith.constant 1 : i32
      %add3A_621 = arith.addi %mul3A_619, %add3A_620 : i32
      %get3A_622 = arith.index_cast %add3A_621 : i32 to index
      %get3A_623 = arith.constant 16 : index
      %get3A_624 = tpu.vector_load %arg6[%get3A_622, %get3A_623] {strides = array<i32>} : memref<640x64xf32, #tpu.memory_space<vmem>>, vector<1x16xf32>,
      %get3A_625 = vector.shape_cast %get3A_624 : vector<1x16xf32> to vector<16xf32>
      %add3A_626 = arith.addf %get3A_617, %get3A_625 : vector<16xf32>
      %mul3A_627 = arith.constant 20 : i32
      %mul3A_628 = arith.muli %scan3A_428, %mul3A_627 : i32
      %add3A_629 = arith.constant 2 : i32
      %add3A_630 = arith.addi %mul3A_628, %add3A_629 : i32
      %get3A_631 = arith.index_cast %add3A_630 : i32 to index
      %get3A_632 = arith.constant 16 : index
      %get3A_633 = tpu.vector_load %arg6[%get3A_631, %get3A_632] {strides = array<i32>} : memref<640x64xf32, #tpu.memory_space<vmem>>, vector<1x16xf32>,
      %get3A_634 = vector.shape_cast %get3A_633 : vector<1x16xf32> to vector<16xf32>
      %add3A_635 = arith.addf %add3A_626, %get3A_634 : vector<16xf32>
      %mul3A_636 = arith.constant 20 : i32
      %mul3A_637 = arith.muli %scan3A_428, %mul3A_636 : i32
      %add3A_638 = arith.constant 3 : i32
      %add3A_639 = arith.addi %mul3A_637, %add3A_638 : i32
      %get3A_640 = arith.index_cast %add3A_639 : i32 to index
      %get3A_641 = arith.constant 16 : index
      %get3A_642 = tpu.vector_load %arg6[%get3A_640, %get3A_641] {strides = array<i32>} : memref<640x64xf32, #tpu.memory_space<vmem>>, vector<1x16xf32>,
      %get3A_643 = vector.shape_cast %get3A_642 : vector<1x16xf32> to vector<16xf32>
      %add3A_644 = arith.addf %add3A_635, %get3A_643 : vector<16xf32>
      %mul3A_645 = arith.constant 20 : i32
      %mul3A_646 = arith.muli %scan3A_428, %mul3A_645 : i32
      %add3A_647 = arith.constant 4 : i32
      %add3A_648 = arith.addi %mul3A_646, %add3A_647 : i32
      %get3A_649 = arith.index_cast %add3A_648 : i32 to index
      %get3A_650 = arith.constant 16 : index
      %get3A_651 = tpu.vector_load %arg6[%get3A_649, %get3A_650] {strides = array<i32>} : memref<640x64xf32, #tpu.memory_space<vmem>>, vector<1x16xf32>,
      %get3A_652 = vector.shape_cast %get3A_651 : vector<1x16xf32> to vector<16xf32>
      %add3A_653 = arith.addf %add3A_644, %get3A_652 : vector<16xf32>
      %mul3A_654 = arith.constant 20 : i32
      %mul3A_655 = arith.muli %scan3A_428, %mul3A_654 : i32
      %add3A_656 = arith.constant 5 : i32
      %add3A_657 = arith.addi %mul3A_655, %add3A_656 : i32
      %get3A_658 = arith.index_cast %add3A_657 : i32 to index
      %get3A_659 = arith.constant 16 : index
      %get3A_660 = tpu.vector_load %arg6[%get3A_658, %get3A_659] {strides = array<i32>} : memref<640x64xf32, #tpu.memory_space<vmem>>, vector<1x16xf32>,
      %get3A_661 = vector.shape_cast %get3A_660 : vector<1x16xf32> to vector<16xf32>
      %add3A_662 = arith.addf %add3A_653, %get3A_661 : vector<16xf32>
      %mul3A_663 = arith.constant 20 : i32
      %mul3A_664 = arith.muli %scan3A_428, %mul3A_663 : i32
      %add3A_665 = arith.constant 6 : i32
      %add3A_666 = arith.addi %mul3A_664, %add3A_665 : i32
      %get3A_667 = arith.index_cast %add3A_666 : i32 to index
      %get3A_668 = arith.constant 16 : index
      %get3A_669 = tpu.vector_load %arg6[%get3A_667, %get3A_668] {strides = array<i32>} : memref<640x64xf32, #tpu.memory_space<vmem>>, vector<1x16xf32>,
      %get3A_670 = vector.shape_cast %get3A_669 : vector<1x16xf32> to vector<16xf32>
      %add3A_671 = arith.addf %add3A_662, %get3A_670 : vector<16xf32>
      %mul3A_672 = arith.constant 20 : i32
      %mul3A_673 = arith.muli %scan3A_428, %mul3A_672 : i32
      %add3A_674 = arith.constant 7 : i32
      %add3A_675 = arith.addi %mul3A_673, %add3A_674 : i32
      %get3A_676 = arith.index_cast %add3A_675 : i32 to index
      %get3A_677 = arith.constant 16 : index
      %get3A_678 = tpu.vector_load %arg6[%get3A_676, %get3A_677] {strides = array<i32>} : memref<640x64xf32, #tpu.memory_space<vmem>>, vector<1x16xf32>,
      %get3A_679 = vector.shape_cast %get3A_678 : vector<1x16xf32> to vector<16xf32>
      %add3A_680 = arith.addf %add3A_671, %get3A_679 : vector<16xf32>
      %mul3A_681 = arith.constant 20 : i32
      %mul3A_682 = arith.muli %scan3A_428, %mul3A_681 : i32
      %add3A_683 = arith.constant 8 : i32
      %add3A_684 = arith.addi %mul3A_682, %add3A_683 : i32
      %get3A_685 = arith.index_cast %add3A_684 : i32 to index
      %get3A_686 = arith.constant 16 : index
      %get3A_687 = tpu.vector_load %arg6[%get3A_685, %get3A_686] {strides = array<i32>} : memref<640x64xf32, #tpu.memory_space<vmem>>, vector<1x16xf32>,
      %get3A_688 = vector.shape_cast %get3A_687 : vector<1x16xf32> to vector<16xf32>
      %add3A_689 = arith.addf %add3A_680, %get3A_688 : vector<16xf32>
      %mul3A_690 = arith.constant 20 : i32
      %mul3A_691 = arith.muli %scan3A_428, %mul3A_690 : i32
      %add3A_692 = arith.constant 9 : i32
      %add3A_693 = arith.addi %mul3A_691, %add3A_692 : i32
      %get3A_694 = arith.index_cast %add3A_693 : i32 to index
      %get3A_695 = arith.constant 16 : index
      %get3A_696 = tpu.vector_load %arg6[%get3A_694, %get3A_695] {strides = array<i32>} : memref<640x64xf32, #tpu.memory_space<vmem>>, vector<1x16xf32>,
      %get3A_697 = vector.shape_cast %get3A_696 : vector<1x16xf32> to vector<16xf32>
      %add3A_698 = arith.addf %add3A_689, %get3A_697 : vector<16xf32>
      %mul3A_699 = arith.constant 20 : i32
      %mul3A_700 = arith.muli %scan3A_428, %mul3A_699 : i32
      %add3A_701 = arith.constant 10 : i32
      %add3A_702 = arith.addi %mul3A_700, %add3A_701 : i32
      %get3A_703 = arith.index_cast %add3A_702 : i32 to index
      %get3A_704 = arith.constant 16 : index
      %get3A_705 = tpu.vector_load %arg6[%get3A_703, %get3A_704] {strides = array<i32>} : memref<640x64xf32, #tpu.memory_space<vmem>>, vector<1x16xf32>,
      %get3A_706 = vector.shape_cast %get3A_705 : vector<1x16xf32> to vector<16xf32>
      %add3A_707 = arith.addf %add3A_698, %get3A_706 : vector<16xf32>
      %mul3A_708 = arith.constant 20 : i32
      %mul3A_709 = arith.muli %scan3A_428, %mul3A_708 : i32
      %add3A_710 = arith.constant 11 : i32
      %add3A_711 = arith.addi %mul3A_709, %add3A_710 : i32
      %get3A_712 = arith.index_cast %add3A_711 : i32 to index
      %get3A_713 = arith.constant 16 : index
      %get3A_714 = tpu.vector_load %arg6[%get3A_712, %get3A_713] {strides = array<i32>} : memref<640x64xf32, #tpu.memory_space<vmem>>, vector<1x16xf32>,
      %get3A_715 = vector.shape_cast %get3A_714 : vector<1x16xf32> to vector<16xf32>
      %add3A_716 = arith.addf %add3A_707, %get3A_715 : vector<16xf32>
      %mul3A_717 = arith.constant 20 : i32
      %mul3A_718 = arith.muli %scan3A_428, %mul3A_717 : i32
      %add3A_719 = arith.constant 12 : i32
      %add3A_720 = arith.addi %mul3A_718, %add3A_719 : i32
      %get3A_721 = arith.index_cast %add3A_720 : i32 to index
      %get3A_722 = arith.constant 16 : index
      %get3A_723 = tpu.vector_load %arg6[%get3A_721, %get3A_722] {strides = array<i32>} : memref<640x64xf32, #tpu.memory_space<vmem>>, vector<1x16xf32>,
      %get3A_724 = vector.shape_cast %get3A_723 : vector<1x16xf32> to vector<16xf32>
      %add3A_725 = arith.addf %add3A_716, %get3A_724 : vector<16xf32>
      %mul3A_726 = arith.constant 20 : i32
      %mul3A_727 = arith.muli %scan3A_428, %mul3A_726 : i32
      %add3A_728 = arith.constant 13 : i32
      %add3A_729 = arith.addi %mul3A_727, %add3A_728 : i32
      %get3A_730 = arith.index_cast %add3A_729 : i32 to index
      %get3A_731 = arith.constant 16 : index
      %get3A_732 = tpu.vector_load %arg6[%get3A_730, %get3A_731] {strides = array<i32>} : memref<640x64xf32, #tpu.memory_space<vmem>>, vector<1x16xf32>,
      %get3A_733 = vector.shape_cast %get3A_732 : vector<1x16xf32> to vector<16xf32>
      %add3A_734 = arith.addf %add3A_725, %get3A_733 : vector<16xf32>
      %mul3A_735 = arith.constant 20 : i32
      %mul3A_736 = arith.muli %scan3A_428, %mul3A_735 : i32
      %add3A_737 = arith.constant 14 : i32
      %add3A_738 = arith.addi %mul3A_736, %add3A_737 : i32
      %get3A_739 = arith.index_cast %add3A_738 : i32 to index
      %get3A_740 = arith.constant 16 : index
      %get3A_741 = tpu.vector_load %arg6[%get3A_739, %get3A_740] {strides = array<i32>} : memref<640x64xf32, #tpu.memory_space<vmem>>, vector<1x16xf32>,
      %get3A_742 = vector.shape_cast %get3A_741 : vector<1x16xf32> to vector<16xf32>
      %add3A_743 = arith.addf %add3A_734, %get3A_742 : vector<16xf32>
      %mul3A_744 = arith.constant 20 : i32
      %mul3A_745 = arith.muli %scan3A_428, %mul3A_744 : i32
      %add3A_746 = arith.constant 15 : i32
      %add3A_747 = arith.addi %mul3A_745, %add3A_746 : i32
      %get3A_748 = arith.index_cast %add3A_747 : i32 to index
      %get3A_749 = arith.constant 16 : index
      %get3A_750 = tpu.vector_load %arg6[%get3A_748, %get3A_749] {strides = array<i32>} : memref<640x64xf32, #tpu.memory_space<vmem>>, vector<1x16xf32>,
      %get3A_751 = vector.shape_cast %get3A_750 : vector<1x16xf32> to vector<16xf32>
      %add3A_752 = arith.addf %add3A_743, %get3A_751 : vector<16xf32>
      %mul3A_753 = arith.constant 20 : i32
      %mul3A_754 = arith.muli %scan3A_428, %mul3A_753 : i32
      %add3A_755 = arith.constant 16 : i32
      %add3A_756 = arith.addi %mul3A_754, %add3A_755 : i32
      %get3A_757 = arith.index_cast %add3A_756 : i32 to index
      %get3A_758 = arith.constant 16 : index
      %get3A_759 = tpu.vector_load %arg6[%get3A_757, %get3A_758] {strides = array<i32>} : memref<640x64xf32, #tpu.memory_space<vmem>>, vector<1x16xf32>,
      %get3A_760 = vector.shape_cast %get3A_759 : vector<1x16xf32> to vector<16xf32>
      %add3A_761 = arith.addf %add3A_752, %get3A_760 : vector<16xf32>
      %mul3A_762 = arith.constant 20 : i32
      %mul3A_763 = arith.muli %scan3A_428, %mul3A_762 : i32
      %add3A_764 = arith.constant 17 : i32
      %add3A_765 = arith.addi %mul3A_763, %add3A_764 : i32
      %get3A_766 = arith.index_cast %add3A_765 : i32 to index
      %get3A_767 = arith.constant 16 : index
      %get3A_768 = tpu.vector_load %arg6[%get3A_766, %get3A_767] {strides = array<i32>} : memref<640x64xf32, #tpu.memory_space<vmem>>, vector<1x16xf32>,
      %get3A_769 = vector.shape_cast %get3A_768 : vector<1x16xf32> to vector<16xf32>
      %add3A_770 = arith.addf %add3A_761, %get3A_769 : vector<16xf32>
      %mul3A_771 = arith.constant 20 : i32
      %mul3A_772 = arith.muli %scan3A_428, %mul3A_771 : i32
      %add3A_773 = arith.constant 18 : i32
      %add3A_774 = arith.addi %mul3A_772, %add3A_773 : i32
      %get3A_775 = arith.index_cast %add3A_774 : i32 to index
      %get3A_776 = arith.constant 16 : index
      %get3A_777 = tpu.vector_load %arg6[%get3A_775, %get3A_776] {strides = array<i32>} : memref<640x64xf32, #tpu.memory_space<vmem>>, vector<1x16xf32>,
      %get3A_778 = vector.shape_cast %get3A_777 : vector<1x16xf32> to vector<16xf32>
      %add3A_779 = arith.addf %add3A_770, %get3A_778 : vector<16xf32>
      %mul3A_780 = arith.constant 20 : i32
      %mul3A_781 = arith.muli %scan3A_428, %mul3A_780 : i32
      %add3A_782 = arith.constant 19 : i32
      %add3A_783 = arith.addi %mul3A_781, %add3A_782 : i32
      %get3A_784 = arith.index_cast %add3A_783 : i32 to index
      %get3A_785 = arith.constant 16 : index
      %get3A_786 = tpu.vector_load %arg6[%get3A_784, %get3A_785] {strides = array<i32>} : memref<640x64xf32, #tpu.memory_space<vmem>>, vector<1x16xf32>,
      %get3A_787 = vector.shape_cast %get3A_786 : vector<1x16xf32> to vector<16xf32>
      %add3A_788 = arith.addf %add3A_779, %get3A_787 : vector<16xf32>
      %add3A_789 = arith.constant 64 : i32
      %add3A_790 = arith.addi %add3A_789, %scan3A_428 : i32
      %swap3A_791 = arith.index_cast %add3A_790 : i32 to index
      %swap3A_792 = arith.constant 16 : index
      %swap3A_793 = tpu.vector_load %arg7[%swap3A_791, %swap3A_792] {strides = array<i32>} : memref<128x64xf32, #tpu.memory_space<vmem>>, vector<1x16xf32>,
      %swap3A_794 = vector.shape_cast %swap3A_793 : vector<1x16xf32> to vector<16xf32>
      %swap3A_795 = vector.shape_cast %add3A_788 : vector<16xf32> to vector<1x16xf32>
      tpu.vector_store %arg7[%swap3A_791, %swap3A_792], %swap3A_795 {strides = array<i32>} : memref<128x64xf32, #tpu.memory_space<vmem>>, vector<1x16xf32>,
      %mul3A_796 = arith.constant 20 : i32
      %mul3A_797 = arith.muli %scan3A_428, %mul3A_796 : i32
      %get3A_798 = arith.index_cast %mul3A_797 : i32 to index
      %get3A_799 = arith.constant 32 : index
      %get3A_800 = tpu.vector_load %arg6[%get3A_798, %get3A_799] {strides = array<i32>} : memref<640x64xf32, #tpu.memory_space<vmem>>, vector<1x16xf32>,
      %get3A_801 = vector.shape_cast %get3A_800 : vector<1x16xf32> to vector<16xf32>
      %mul3A_802 = arith.constant 20 : i32
      %mul3A_803 = arith.muli %scan3A_428, %mul3A_802 : i32
      %add3A_804 = arith.constant 1 : i32
      %add3A_805 = arith.addi %mul3A_803, %add3A_804 : i32
      %get3A_806 = arith.index_cast %add3A_805 : i32 to index
      %get3A_807 = arith.constant 32 : index
      %get3A_808 = tpu.vector_load %arg6[%get3A_806, %get3A_807] {strides = array<i32>} : memref<640x64xf32, #tpu.memory_space<vmem>>, vector<1x16xf32>,
      %get3A_809 = vector.shape_cast %get3A_808 : vector<1x16xf32> to vector<16xf32>
      %add3A_810 = arith.addf %get3A_801, %get3A_809 : vector<16xf32>
      %mul3A_811 = arith.constant 20 : i32
      %mul3A_812 = arith.muli %scan3A_428, %mul3A_811 : i32
      %add3A_813 = arith.constant 2 : i32
      %add3A_814 = arith.addi %mul3A_812, %add3A_813 : i32
      %get3A_815 = arith.index_cast %add3A_814 : i32 to index
      %get3A_816 = arith.constant 32 : index
      %get3A_817 = tpu.vector_load %arg6[%get3A_815, %get3A_816] {strides = array<i32>} : memref<640x64xf32, #tpu.memory_space<vmem>>, vector<1x16xf32>,
      %get3A_818 = vector.shape_cast %get3A_817 : vector<1x16xf32> to vector<16xf32>
      %add3A_819 = arith.addf %add3A_810, %get3A_818 : vector<16xf32>
      %mul3A_820 = arith.constant 20 : i32
      %mul3A_821 = arith.muli %scan3A_428, %mul3A_820 : i32
      %add3A_822 = arith.constant 3 : i32
      %add3A_823 = arith.addi %mul3A_821, %add3A_822 : i32
      %get3A_824 = arith.index_cast %add3A_823 : i32 to index
      %get3A_825 = arith.constant 32 : index
      %get3A_826 = tpu.vector_load %arg6[%get3A_824, %get3A_825] {strides = array<i32>} : memref<640x64xf32, #tpu.memory_space<vmem>>, vector<1x16xf32>,
      %get3A_827 = vector.shape_cast %get3A_826 : vector<1x16xf32> to vector<16xf32>
      %add3A_828 = arith.addf %add3A_819, %get3A_827 : vector<16xf32>
      %mul3A_829 = arith.constant 20 : i32
      %mul3A_830 = arith.muli %scan3A_428, %mul3A_829 : i32
      %add3A_831 = arith.constant 4 : i32
      %add3A_832 = arith.addi %mul3A_830, %add3A_831 : i32
      %get3A_833 = arith.index_cast %add3A_832 : i32 to index
      %get3A_834 = arith.constant 32 : index
      %get3A_835 = tpu.vector_load %arg6[%get3A_833, %get3A_834] {strides = array<i32>} : memref<640x64xf32, #tpu.memory_space<vmem>>, vector<1x16xf32>,
      %get3A_836 = vector.shape_cast %get3A_835 : vector<1x16xf32> to vector<16xf32>
      %add3A_837 = arith.addf %add3A_828, %get3A_836 : vector<16xf32>
      %mul3A_838 = arith.constant 20 : i32
      %mul3A_839 = arith.muli %scan3A_428, %mul3A_838 : i32
      %add3A_840 = arith.constant 5 : i32
      %add3A_841 = arith.addi %mul3A_839, %add3A_840 : i32
      %get3A_842 = arith.index_cast %add3A_841 : i32 to index
      %get3A_843 = arith.constant 32 : index
      %get3A_844 = tpu.vector_load %arg6[%get3A_842, %get3A_843] {strides = array<i32>} : memref<640x64xf32, #tpu.memory_space<vmem>>, vector<1x16xf32>,
      %get3A_845 = vector.shape_cast %get3A_844 : vector<1x16xf32> to vector<16xf32>
      %add3A_846 = arith.addf %add3A_837, %get3A_845 : vector<16xf32>
      %mul3A_847 = arith.constant 20 : i32
      %mul3A_848 = arith.muli %scan3A_428, %mul3A_847 : i32
      %add3A_849 = arith.constant 6 : i32
      %add3A_850 = arith.addi %mul3A_848, %add3A_849 : i32
      %get3A_851 = arith.index_cast %add3A_850 : i32 to index
      %get3A_852 = arith.constant 32 : index
      %get3A_853 = tpu.vector_load %arg6[%get3A_851, %get3A_852] {strides = array<i32>} : memref<640x64xf32, #tpu.memory_space<vmem>>, vector<1x16xf32>,
      %get3A_854 = vector.shape_cast %get3A_853 : vector<1x16xf32> to vector<16xf32>
      %add3A_855 = arith.addf %add3A_846, %get3A_854 : vector<16xf32>
      %mul3A_856 = arith.constant 20 : i32
      %mul3A_857 = arith.muli %scan3A_428, %mul3A_856 : i32
      %add3A_858 = arith.constant 7 : i32
      %add3A_859 = arith.addi %mul3A_857, %add3A_858 : i32
      %get3A_860 = arith.index_cast %add3A_859 : i32 to index
      %get3A_861 = arith.constant 32 : index
      %get3A_862 = tpu.vector_load %arg6[%get3A_860, %get3A_861] {strides = array<i32>} : memref<640x64xf32, #tpu.memory_space<vmem>>, vector<1x16xf32>,
      %get3A_863 = vector.shape_cast %get3A_862 : vector<1x16xf32> to vector<16xf32>
      %add3A_864 = arith.addf %add3A_855, %get3A_863 : vector<16xf32>
      %mul3A_865 = arith.constant 20 : i32
      %mul3A_866 = arith.muli %scan3A_428, %mul3A_865 : i32
      %add3A_867 = arith.constant 8 : i32
      %add3A_868 = arith.addi %mul3A_866, %add3A_867 : i32
      %get3A_869 = arith.index_cast %add3A_868 : i32 to index
      %get3A_870 = arith.constant 32 : index
      %get3A_871 = tpu.vector_load %arg6[%get3A_869, %get3A_870] {strides = array<i32>} : memref<640x64xf32, #tpu.memory_space<vmem>>, vector<1x16xf32>,
      %get3A_872 = vector.shape_cast %get3A_871 : vector<1x16xf32> to vector<16xf32>
      %add3A_873 = arith.addf %add3A_864, %get3A_872 : vector<16xf32>
      %mul3A_874 = arith.constant 20 : i32
      %mul3A_875 = arith.muli %scan3A_428, %mul3A_874 : i32
      %add3A_876 = arith.constant 9 : i32
      %add3A_877 = arith.addi %mul3A_875, %add3A_876 : i32
      %get3A_878 = arith.index_cast %add3A_877 : i32 to index
      %get3A_879 = arith.constant 32 : index
      %get3A_880 = tpu.vector_load %arg6[%get3A_878, %get3A_879] {strides = array<i32>} : memref<640x64xf32, #tpu.memory_space<vmem>>, vector<1x16xf32>,
      %get3A_881 = vector.shape_cast %get3A_880 : vector<1x16xf32> to vector<16xf32>
      %add3A_882 = arith.addf %add3A_873, %get3A_881 : vector<16xf32>
      %mul3A_883 = arith.constant 20 : i32
      %mul3A_884 = arith.muli %scan3A_428, %mul3A_883 : i32
      %add3A_885 = arith.constant 10 : i32
      %add3A_886 = arith.addi %mul3A_884, %add3A_885 : i32
      %get3A_887 = arith.index_cast %add3A_886 : i32 to index
      %get3A_888 = arith.constant 32 : index
      %get3A_889 = tpu.vector_load %arg6[%get3A_887, %get3A_888] {strides = array<i32>} : memref<640x64xf32, #tpu.memory_space<vmem>>, vector<1x16xf32>,
      %get3A_890 = vector.shape_cast %get3A_889 : vector<1x16xf32> to vector<16xf32>
      %add3A_891 = arith.addf %add3A_882, %get3A_890 : vector<16xf32>
      %mul3A_892 = arith.constant 20 : i32
      %mul3A_893 = arith.muli %scan3A_428, %mul3A_892 : i32
      %add3A_894 = arith.constant 11 : i32
      %add3A_895 = arith.addi %mul3A_893, %add3A_894 : i32
      %get3A_896 = arith.index_cast %add3A_895 : i32 to index
      %get3A_897 = arith.constant 32 : index
      %get3A_898 = tpu.vector_load %arg6[%get3A_896, %get3A_897] {strides = array<i32>} : memref<640x64xf32, #tpu.memory_space<vmem>>, vector<1x16xf32>,
      %get3A_899 = vector.shape_cast %get3A_898 : vector<1x16xf32> to vector<16xf32>
      %add3A_900 = arith.addf %add3A_891, %get3A_899 : vector<16xf32>
      %mul3A_901 = arith.constant 20 : i32
      %mul3A_902 = arith.muli %scan3A_428, %mul3A_901 : i32
      %add3A_903 = arith.constant 12 : i32
      %add3A_904 = arith.addi %mul3A_902, %add3A_903 : i32
      %get3A_905 = arith.index_cast %add3A_904 : i32 to index
      %get3A_906 = arith.constant 32 : index
      %get3A_907 = tpu.vector_load %arg6[%get3A_905, %get3A_906] {strides = array<i32>} : memref<640x64xf32, #tpu.memory_space<vmem>>, vector<1x16xf32>,
      %get3A_908 = vector.shape_cast %get3A_907 : vector<1x16xf32> to vector<16xf32>
      %add3A_909 = arith.addf %add3A_900, %get3A_908 : vector<16xf32>
      %mul3A_910 = arith.constant 20 : i32
      %mul3A_911 = arith.muli %scan3A_428, %mul3A_910 : i32
      %add3A_912 = arith.constant 13 : i32
      %add3A_913 = arith.addi %mul3A_911, %add3A_912 : i32
      %get3A_914 = arith.index_cast %add3A_913 : i32 to index
      %get3A_915 = arith.constant 32 : index
      %get3A_916 = tpu.vector_load %arg6[%get3A_914, %get3A_915] {strides = array<i32>} : memref<640x64xf32, #tpu.memory_space<vmem>>, vector<1x16xf32>,
      %get3A_917 = vector.shape_cast %get3A_916 : vector<1x16xf32> to vector<16xf32>
      %add3A_918 = arith.addf %add3A_909, %get3A_917 : vector<16xf32>
      %mul3A_919 = arith.constant 20 : i32
      %mul3A_920 = arith.muli %scan3A_428, %mul3A_919 : i32
      %add3A_921 = arith.constant 14 : i32
      %add3A_922 = arith.addi %mul3A_920, %add3A_921 : i32
      %get3A_923 = arith.index_cast %add3A_922 : i32 to index
      %get3A_924 = arith.constant 32 : index
      %get3A_925 = tpu.vector_load %arg6[%get3A_923, %get3A_924] {strides = array<i32>} : memref<640x64xf32, #tpu.memory_space<vmem>>, vector<1x16xf32>,
      %get3A_926 = vector.shape_cast %get3A_925 : vector<1x16xf32> to vector<16xf32>
      %add3A_927 = arith.addf %add3A_918, %get3A_926 : vector<16xf32>
      %mul3A_928 = arith.constant 20 : i32
      %mul3A_929 = arith.muli %scan3A_428, %mul3A_928 : i32
      %add3A_930 = arith.constant 15 : i32
      %add3A_931 = arith.addi %mul3A_929, %add3A_930 : i32
      %get3A_932 = arith.index_cast %add3A_931 : i32 to index
      %get3A_933 = arith.constant 32 : index
      %get3A_934 = tpu.vector_load %arg6[%get3A_932, %get3A_933] {strides = array<i32>} : memref<640x64xf32, #tpu.memory_space<vmem>>, vector<1x16xf32>,
      %get3A_935 = vector.shape_cast %get3A_934 : vector<1x16xf32> to vector<16xf32>
      %add3A_936 = arith.addf %add3A_927, %get3A_935 : vector<16xf32>
      %mul3A_937 = arith.constant 20 : i32
      %mul3A_938 = arith.muli %scan3A_428, %mul3A_937 : i32
      %add3A_939 = arith.constant 16 : i32
      %add3A_940 = arith.addi %mul3A_938, %add3A_939 : i32
      %get3A_941 = arith.index_cast %add3A_940 : i32 to index
      %get3A_942 = arith.constant 32 : index
      %get3A_943 = tpu.vector_load %arg6[%get3A_941, %get3A_942] {strides = array<i32>} : memref<640x64xf32, #tpu.memory_space<vmem>>, vector<1x16xf32>,
      %get3A_944 = vector.shape_cast %get3A_943 : vector<1x16xf32> to vector<16xf32>
      %add3A_945 = arith.addf %add3A_936, %get3A_944 : vector<16xf32>
      %mul3A_946 = arith.constant 20 : i32
      %mul3A_947 = arith.muli %scan3A_428, %mul3A_946 : i32
      %add3A_948 = arith.constant 17 : i32
      %add3A_949 = arith.addi %mul3A_947, %add3A_948 : i32
      %get3A_950 = arith.index_cast %add3A_949 : i32 to index
      %get3A_951 = arith.constant 32 : index
      %get3A_952 = tpu.vector_load %arg6[%get3A_950, %get3A_951] {strides = array<i32>} : memref<640x64xf32, #tpu.memory_space<vmem>>, vector<1x16xf32>,
      %get3A_953 = vector.shape_cast %get3A_952 : vector<1x16xf32> to vector<16xf32>
      %add3A_954 = arith.addf %add3A_945, %get3A_953 : vector<16xf32>
      %mul3A_955 = arith.constant 20 : i32
      %mul3A_956 = arith.muli %scan3A_428, %mul3A_955 : i32
      %add3A_957 = arith.constant 18 : i32
      %add3A_958 = arith.addi %mul3A_956, %add3A_957 : i32
      %get3A_959 = arith.index_cast %add3A_958 : i32 to index
      %get3A_960 = arith.constant 32 : index
      %get3A_961 = tpu.vector_load %arg6[%get3A_959, %get3A_960] {strides = array<i32>} : memref<640x64xf32, #tpu.memory_space<vmem>>, vector<1x16xf32>,
      %get3A_962 = vector.shape_cast %get3A_961 : vector<1x16xf32> to vector<16xf32>
      %add3A_963 = arith.addf %add3A_954, %get3A_962 : vector<16xf32>
      %mul3A_964 = arith.constant 20 : i32
      %mul3A_965 = arith.muli %scan3A_428, %mul3A_964 : i32
      %add3A_966 = arith.constant 19 : i32
      %add3A_967 = arith.addi %mul3A_965, %add3A_966 : i32
      %get3A_968 = arith.index_cast %add3A_967 : i32 to index
      %get3A_969 = arith.constant 32 : index
      %get3A_970 = tpu.vector_load %arg6[%get3A_968, %get3A_969] {strides = array<i32>} : memref<640x64xf32, #tpu.memory_space<vmem>>, vector<1x16xf32>,
      %get3A_971 = vector.shape_cast %get3A_970 : vector<1x16xf32> to vector<16xf32>
      %add3A_972 = arith.addf %add3A_963, %get3A_971 : vector<16xf32>
      %add3A_973 = arith.constant 64 : i32
      %add3A_974 = arith.addi %add3A_973, %scan3A_428 : i32
      %swap3A_975 = arith.index_cast %add3A_974 : i32 to index
      %swap3A_976 = arith.constant 32 : index
      %swap3A_977 = tpu.vector_load %arg7[%swap3A_975, %swap3A_976] {strides = array<i32>} : memref<128x64xf32, #tpu.memory_space<vmem>>, vector<1x16xf32>,
      %swap3A_978 = vector.shape_cast %swap3A_977 : vector<1x16xf32> to vector<16xf32>
      %swap3A_979 = vector.shape_cast %add3A_972 : vector<16xf32> to vector<1x16xf32>
      tpu.vector_store %arg7[%swap3A_975, %swap3A_976], %swap3A_979 {strides = array<i32>} : memref<128x64xf32, #tpu.memory_space<vmem>>, vector<1x16xf32>,
      %mul3A_980 = arith.constant 20 : i32
      %mul3A_981 = arith.muli %scan3A_428, %mul3A_980 : i32
      %get3A_982 = arith.index_cast %mul3A_981 : i32 to index
      %get3A_983 = arith.constant 48 : index
      %get3A_984 = tpu.vector_load %arg6[%get3A_982, %get3A_983] {strides = array<i32>} : memref<640x64xf32, #tpu.memory_space<vmem>>, vector<1x16xf32>,
      %get3A_985 = vector.shape_cast %get3A_984 : vector<1x16xf32> to vector<16xf32>
      %mul3A_986 = arith.constant 20 : i32
      %mul3A_987 = arith.muli %scan3A_428, %mul3A_986 : i32
      %add3A_988 = arith.constant 1 : i32
      %add3A_989 = arith.addi %mul3A_987, %add3A_988 : i32
      %get3A_990 = arith.index_cast %add3A_989 : i32 to index
      %get3A_991 = arith.constant 48 : index
      %get3A_992 = tpu.vector_load %arg6[%get3A_990, %get3A_991] {strides = array<i32>} : memref<640x64xf32, #tpu.memory_space<vmem>>, vector<1x16xf32>,
      %get3A_993 = vector.shape_cast %get3A_992 : vector<1x16xf32> to vector<16xf32>
      %add3A_994 = arith.addf %get3A_985, %get3A_993 : vector<16xf32>
      %mul3A_995 = arith.constant 20 : i32
      %mul3A_996 = arith.muli %scan3A_428, %mul3A_995 : i32
      %add3A_997 = arith.constant 2 : i32
      %add3A_998 = arith.addi %mul3A_996, %add3A_997 : i32
      %get3A_999 = arith.index_cast %add3A_998 : i32 to index
      %get3A_1000 = arith.constant 48 : index
      %get3A_1001 = tpu.vector_load %arg6[%get3A_999, %get3A_1000] {strides = array<i32>} : memref<640x64xf32, #tpu.memory_space<vmem>>, vector<1x16xf32>,
      %get3A_1002 = vector.shape_cast %get3A_1001 : vector<1x16xf32> to vector<16xf32>
      %add3A_1003 = arith.addf %add3A_994, %get3A_1002 : vector<16xf32>
      %mul3A_1004 = arith.constant 20 : i32
      %mul3A_1005 = arith.muli %scan3A_428, %mul3A_1004 : i32
      %add3A_1006 = arith.constant 3 : i32
      %add3A_1007 = arith.addi %mul3A_1005, %add3A_1006 : i32
      %get3A_1008 = arith.index_cast %add3A_1007 : i32 to index
      %get3A_1009 = arith.constant 48 : index
      %get3A_1010 = tpu.vector_load %arg6[%get3A_1008, %get3A_1009] {strides = array<i32>} : memref<640x64xf32, #tpu.memory_space<vmem>>, vector<1x16xf32>,
      %get3A_1011 = vector.shape_cast %get3A_1010 : vector<1x16xf32> to vector<16xf32>
      %add3A_1012 = arith.addf %add3A_1003, %get3A_1011 : vector<16xf32>
      %mul3A_1013 = arith.constant 20 : i32
      %mul3A_1014 = arith.muli %scan3A_428, %mul3A_1013 : i32
      %add3A_1015 = arith.constant 4 : i32
      %add3A_1016 = arith.addi %mul3A_1014, %add3A_1015 : i32
      %get3A_1017 = arith.index_cast %add3A_1016 : i32 to index
      %get3A_1018 = arith.constant 48 : index
      %get3A_1019 = tpu.vector_load %arg6[%get3A_1017, %get3A_1018] {strides = array<i32>} : memref<640x64xf32, #tpu.memory_space<vmem>>, vector<1x16xf32>,
      %get3A_1020 = vector.shape_cast %get3A_1019 : vector<1x16xf32> to vector<16xf32>
      %add3A_1021 = arith.addf %add3A_1012, %get3A_1020 : vector<16xf32>
      %mul3A_1022 = arith.constant 20 : i32
      %mul3A_1023 = arith.muli %scan3A_428, %mul3A_1022 : i32
      %add3A_1024 = arith.constant 5 : i32
      %add3A_1025 = arith.addi %mul3A_1023, %add3A_1024 : i32
      %get3A_1026 = arith.index_cast %add3A_1025 : i32 to index
      %get3A_1027 = arith.constant 48 : index
      %get3A_1028 = tpu.vector_load %arg6[%get3A_1026, %get3A_1027] {strides = array<i32>} : memref<640x64xf32, #tpu.memory_space<vmem>>, vector<1x16xf32>,
      %get3A_1029 = vector.shape_cast %get3A_1028 : vector<1x16xf32> to vector<16xf32>
      %add3A_1030 = arith.addf %add3A_1021, %get3A_1029 : vector<16xf32>
      %mul3A_1031 = arith.constant 20 : i32
      %mul3A_1032 = arith.muli %scan3A_428, %mul3A_1031 : i32
      %add3A_1033 = arith.constant 6 : i32
      %add3A_1034 = arith.addi %mul3A_1032, %add3A_1033 : i32
      %get3A_1035 = arith.index_cast %add3A_1034 : i32 to index
      %get3A_1036 = arith.constant 48 : index
      %get3A_1037 = tpu.vector_load %arg6[%get3A_1035, %get3A_1036] {strides = array<i32>} : memref<640x64xf32, #tpu.memory_space<vmem>>, vector<1x16xf32>,
      %get3A_1038 = vector.shape_cast %get3A_1037 : vector<1x16xf32> to vector<16xf32>
      %add3A_1039 = arith.addf %add3A_1030, %get3A_1038 : vector<16xf32>
      %mul3A_1040 = arith.constant 20 : i32
      %mul3A_1041 = arith.muli %scan3A_428, %mul3A_1040 : i32
      %add3A_1042 = arith.constant 7 : i32
      %add3A_1043 = arith.addi %mul3A_1041, %add3A_1042 : i32
      %get3A_1044 = arith.index_cast %add3A_1043 : i32 to index
      %get3A_1045 = arith.constant 48 : index
      %get3A_1046 = tpu.vector_load %arg6[%get3A_1044, %get3A_1045] {strides = array<i32>} : memref<640x64xf32, #tpu.memory_space<vmem>>, vector<1x16xf32>,
      %get3A_1047 = vector.shape_cast %get3A_1046 : vector<1x16xf32> to vector<16xf32>
      %add3A_1048 = arith.addf %add3A_1039, %get3A_1047 : vector<16xf32>
      %mul3A_1049 = arith.constant 20 : i32
      %mul3A_1050 = arith.muli %scan3A_428, %mul3A_1049 : i32
      %add3A_1051 = arith.constant 8 : i32
      %add3A_1052 = arith.addi %mul3A_1050, %add3A_1051 : i32
      %get3A_1053 = arith.index_cast %add3A_1052 : i32 to index
      %get3A_1054 = arith.constant 48 : index
      %get3A_1055 = tpu.vector_load %arg6[%get3A_1053, %get3A_1054] {strides = array<i32>} : memref<640x64xf32, #tpu.memory_space<vmem>>, vector<1x16xf32>,
      %get3A_1056 = vector.shape_cast %get3A_1055 : vector<1x16xf32> to vector<16xf32>
      %add3A_1057 = arith.addf %add3A_1048, %get3A_1056 : vector<16xf32>
      %mul3A_1058 = arith.constant 20 : i32
      %mul3A_1059 = arith.muli %scan3A_428, %mul3A_1058 : i32
      %add3A_1060 = arith.constant 9 : i32
      %add3A_1061 = arith.addi %mul3A_1059, %add3A_1060 : i32
      %get3A_1062 = arith.index_cast %add3A_1061 : i32 to index
      %get3A_1063 = arith.constant 48 : index
      %get3A_1064 = tpu.vector_load %arg6[%get3A_1062, %get3A_1063] {strides = array<i32>} : memref<640x64xf32, #tpu.memory_space<vmem>>, vector<1x16xf32>,
      %get3A_1065 = vector.shape_cast %get3A_1064 : vector<1x16xf32> to vector<16xf32>
      %add3A_1066 = arith.addf %add3A_1057, %get3A_1065 : vector<16xf32>
      %mul3A_1067 = arith.constant 20 : i32
      %mul3A_1068 = arith.muli %scan3A_428, %mul3A_1067 : i32
      %add3A_1069 = arith.constant 10 : i32
      %add3A_1070 = arith.addi %mul3A_1068, %add3A_1069 : i32
      %get3A_1071 = arith.index_cast %add3A_1070 : i32 to index
      %get3A_1072 = arith.constant 48 : index
      %get3A_1073 = tpu.vector_load %arg6[%get3A_1071, %get3A_1072] {strides = array<i32>} : memref<640x64xf32, #tpu.memory_space<vmem>>, vector<1x16xf32>,
      %get3A_1074 = vector.shape_cast %get3A_1073 : vector<1x16xf32> to vector<16xf32>
      %add3A_1075 = arith.addf %add3A_1066, %get3A_1074 : vector<16xf32>
      %mul3A_1076 = arith.constant 20 : i32
      %mul3A_1077 = arith.muli %scan3A_428, %mul3A_1076 : i32
      %add3A_1078 = arith.constant 11 : i32
      %add3A_1079 = arith.addi %mul3A_1077, %add3A_1078 : i32
      %get3A_1080 = arith.index_cast %add3A_1079 : i32 to index
      %get3A_1081 = arith.constant 48 : index
      %get3A_1082 = tpu.vector_load %arg6[%get3A_1080, %get3A_1081] {strides = array<i32>} : memref<640x64xf32, #tpu.memory_space<vmem>>, vector<1x16xf32>,
      %get3A_1083 = vector.shape_cast %get3A_1082 : vector<1x16xf32> to vector<16xf32>
      %add3A_1084 = arith.addf %add3A_1075, %get3A_1083 : vector<16xf32>
      %mul3A_1085 = arith.constant 20 : i32
      %mul3A_1086 = arith.muli %scan3A_428, %mul3A_1085 : i32
      %add3A_1087 = arith.constant 12 : i32
      %add3A_1088 = arith.addi %mul3A_1086, %add3A_1087 : i32
      %get3A_1089 = arith.index_cast %add3A_1088 : i32 to index
      %get3A_1090 = arith.constant 48 : index
      %get3A_1091 = tpu.vector_load %arg6[%get3A_1089, %get3A_1090] {strides = array<i32>} : memref<640x64xf32, #tpu.memory_space<vmem>>, vector<1x16xf32>,
      %get3A_1092 = vector.shape_cast %get3A_1091 : vector<1x16xf32> to vector<16xf32>
      %add3A_1093 = arith.addf %add3A_1084, %get3A_1092 : vector<16xf32>
      %mul3A_1094 = arith.constant 20 : i32
      %mul3A_1095 = arith.muli %scan3A_428, %mul3A_1094 : i32
      %add3A_1096 = arith.constant 13 : i32
      %add3A_1097 = arith.addi %mul3A_1095, %add3A_1096 : i32
      %get3A_1098 = arith.index_cast %add3A_1097 : i32 to index
      %get3A_1099 = arith.constant 48 : index
      %get3A_1100 = tpu.vector_load %arg6[%get3A_1098, %get3A_1099] {strides = array<i32>} : memref<640x64xf32, #tpu.memory_space<vmem>>, vector<1x16xf32>,
      %get3A_1101 = vector.shape_cast %get3A_1100 : vector<1x16xf32> to vector<16xf32>
      %add3A_1102 = arith.addf %add3A_1093, %get3A_1101 : vector<16xf32>
      %mul3A_1103 = arith.constant 20 : i32
      %mul3A_1104 = arith.muli %scan3A_428, %mul3A_1103 : i32
      %add3A_1105 = arith.constant 14 : i32
      %add3A_1106 = arith.addi %mul3A_1104, %add3A_1105 : i32
      %get3A_1107 = arith.index_cast %add3A_1106 : i32 to index
      %get3A_1108 = arith.constant 48 : index
      %get3A_1109 = tpu.vector_load %arg6[%get3A_1107, %get3A_1108] {strides = array<i32>} : memref<640x64xf32, #tpu.memory_space<vmem>>, vector<1x16xf32>,
      %get3A_1110 = vector.shape_cast %get3A_1109 : vector<1x16xf32> to vector<16xf32>
      %add3A_1111 = arith.addf %add3A_1102, %get3A_1110 : vector<16xf32>
      %mul3A_1112 = arith.constant 20 : i32
      %mul3A_1113 = arith.muli %scan3A_428, %mul3A_1112 : i32
      %add3A_1114 = arith.constant 15 : i32
      %add3A_1115 = arith.addi %mul3A_1113, %add3A_1114 : i32
      %get3A_1116 = arith.index_cast %add3A_1115 : i32 to index
      %get3A_1117 = arith.constant 48 : index
      %get3A_1118 = tpu.vector_load %arg6[%get3A_1116, %get3A_1117] {strides = array<i32>} : memref<640x64xf32, #tpu.memory_space<vmem>>, vector<1x16xf32>,
      %get3A_1119 = vector.shape_cast %get3A_1118 : vector<1x16xf32> to vector<16xf32>
      %add3A_1120 = arith.addf %add3A_1111, %get3A_1119 : vector<16xf32>
      %mul3A_1121 = arith.constant 20 : i32
      %mul3A_1122 = arith.muli %scan3A_428, %mul3A_1121 : i32
      %add3A_1123 = arith.constant 16 : i32
      %add3A_1124 = arith.addi %mul3A_1122, %add3A_1123 : i32
      %get3A_1125 = arith.index_cast %add3A_1124 : i32 to index
      %get3A_1126 = arith.constant 48 : index
      %get3A_1127 = tpu.vector_load %arg6[%get3A_1125, %get3A_1126] {strides = array<i32>} : memref<640x64xf32, #tpu.memory_space<vmem>>, vector<1x16xf32>,
      %get3A_1128 = vector.shape_cast %get3A_1127 : vector<1x16xf32> to vector<16xf32>
      %add3A_1129 = arith.addf %add3A_1120, %get3A_1128 : vector<16xf32>
      %mul3A_1130 = arith.constant 20 : i32
      %mul3A_1131 = arith.muli %scan3A_428, %mul3A_1130 : i32
      %add3A_1132 = arith.constant 17 : i32
      %add3A_1133 = arith.addi %mul3A_1131, %add3A_1132 : i32
      %get3A_1134 = arith.index_cast %add3A_1133 : i32 to index
      %get3A_1135 = arith.constant 48 : index
      %get3A_1136 = tpu.vector_load %arg6[%get3A_1134, %get3A_1135] {strides = array<i32>} : memref<640x64xf32, #tpu.memory_space<vmem>>, vector<1x16xf32>,
      %get3A_1137 = vector.shape_cast %get3A_1136 : vector<1x16xf32> to vector<16xf32>
      %add3A_1138 = arith.addf %add3A_1129, %get3A_1137 : vector<16xf32>
      %mul3A_1139 = arith.constant 20 : i32
      %mul3A_1140 = arith.muli %scan3A_428, %mul3A_1139 : i32
      %add3A_1141 = arith.constant 18 : i32
      %add3A_1142 = arith.addi %mul3A_1140, %add3A_1141 : i32
      %get3A_1143 = arith.index_cast %add3A_1142 : i32 to index
      %get3A_1144 = arith.constant 48 : index
      %get3A_1145 = tpu.vector_load %arg6[%get3A_1143, %get3A_1144] {strides = array<i32>} : memref<640x64xf32, #tpu.memory_space<vmem>>, vector<1x16xf32>,
      %get3A_1146 = vector.shape_cast %get3A_1145 : vector<1x16xf32> to vector<16xf32>
      %add3A_1147 = arith.addf %add3A_1138, %get3A_1146 : vector<16xf32>
      %mul3A_1148 = arith.constant 20 : i32
      %mul3A_1149 = arith.muli %scan3A_428, %mul3A_1148 : i32
      %add3A_1150 = arith.constant 19 : i32
      %add3A_1151 = arith.addi %mul3A_1149, %add3A_1150 : i32
      %get3A_1152 = arith.index_cast %add3A_1151 : i32 to index
      %get3A_1153 = arith.constant 48 : index
      %get3A_1154 = tpu.vector_load %arg6[%get3A_1152, %get3A_1153] {strides = array<i32>} : memref<640x64xf32, #tpu.memory_space<vmem>>, vector<1x16xf32>,
      %get3A_1155 = vector.shape_cast %get3A_1154 : vector<1x16xf32> to vector<16xf32>
      %add3A_1156 = arith.addf %add3A_1147, %get3A_1155 : vector<16xf32>
      %add3A_1157 = arith.constant 64 : i32
      %add3A_1158 = arith.addi %add3A_1157, %scan3A_428 : i32
      %swap3A_1159 = arith.index_cast %add3A_1158 : i32 to index
      %swap3A_1160 = arith.constant 48 : index
      %swap3A_1161 = tpu.vector_load %arg7[%swap3A_1159, %swap3A_1160] {strides = array<i32>} : memref<128x64xf32, #tpu.memory_space<vmem>>, vector<1x16xf32>,
      %swap3A_1162 = vector.shape_cast %swap3A_1161 : vector<1x16xf32> to vector<16xf32>
      %swap3A_1163 = vector.shape_cast %add3A_1156 : vector<16xf32> to vector<1x16xf32>
      tpu.vector_store %arg7[%swap3A_1159, %swap3A_1160], %swap3A_1163 {strides = array<i32>} : memref<128x64xf32, #tpu.memory_space<vmem>>, vector<1x16xf32>,
      %scan3A_1164 = arith.constant 0 : i32
      scf.yield %scan3A_1164 : i32
    }
    %scan3A_318 = arith.constant 32 : i32
    %dma_start3A_319 = arith.constant 15 : i32
    %dma_start3A_320 = arith.constant 0 : i32
    %dma_start3A_321 = arith.constant 0 : i32
    %dma_start3A_322 = tpu.memref_slice %arg6[%dma_start3A_320, %dma_start3A_321] : memref<640x64xf32, #tpu.memory_space<vmem>> -> memref<128x64xf32, #tpu.memory_space<vmem>>
    %dma_start3A_323 = arith.constant 0 : i32
    %dma_start3A_324 = tpu.memref_slice %arg5[%dma_start3A_319, %dma_start3A_323] : memref<20x128xi32, #tpu.memory_space<vmem>> -> memref<1x128xi32, #tpu.memory_space<vmem>>
    %dma_start3A_325 = tpu.memref_squeeze %dma_start3A_324 : memref<1x128xi32, #tpu.memory_space<vmem>> -> memref<128xi32, #tpu.memory_space<vmem>>
    %dma_start3A_326 = arith.constant 0 : i32
    %dma_start3A_327 = arith.constant 0 : i32
    %dma_start3A_328 = tpu.memref_slice %arg3[%dma_start3A_326, %dma_start3A_327] : memref<100000x64xf32, #tpu.memory_space<hbm>> -> memref<100000x64xf32, #tpu.memory_space<hbm>>
    tpu.enqueue_indirect_dma source(%dma_start3A_328 : memref<100000x64xf32, #tpu.memory_space<hbm>>) target(%dma_start3A_322 : memref<128x64xf32, #tpu.memory_space<vmem>>) offsets(%dma_start3A_325 : memref<128xi32, #tpu.memory_space<vmem>>) semaphore(%arg8 : memref<!tpu.dma_semaphore, #tpu.memory_space<semaphore_mem>>)
    %dma_start3A_329 = arith.constant 16 : i32
    %dma_start3A_330 = arith.constant 128 : i32
    %dma_start3A_331 = arith.constant 0 : i32
    %dma_start3A_332 = tpu.memref_slice %arg6[%dma_start3A_330, %dma_start3A_331] : memref<640x64xf32, #tpu.memory_space<vmem>> -> memref<128x64xf32, #tpu.memory_space<vmem>>
    %dma_start3A_333 = arith.constant 0 : i32
    %dma_start3A_334 = tpu.memref_slice %arg5[%dma_start3A_329, %dma_start3A_333] : memref<20x128xi32, #tpu.memory_space<vmem>> -> memref<1x128xi32, #tpu.memory_space<vmem>>
    %dma_start3A_335 = tpu.memref_squeeze %dma_start3A_334 : memref<1x128xi32, #tpu.memory_space<vmem>> -> memref<128xi32, #tpu.memory_space<vmem>>
    %dma_start3A_336 = arith.constant 0 : i32
    %dma_start3A_337 = arith.constant 0 : i32
    %dma_start3A_338 = tpu.memref_slice %arg3[%dma_start3A_336, %dma_start3A_337] : memref<100000x64xf32, #tpu.memory_space<hbm>> -> memref<100000x64xf32, #tpu.memory_space<hbm>>
    tpu.enqueue_indirect_dma source(%dma_start3A_338 : memref<100000x64xf32, #tpu.memory_space<hbm>>) target(%dma_start3A_332 : memref<128x64xf32, #tpu.memory_space<vmem>>) offsets(%dma_start3A_335 : memref<128xi32, #tpu.memory_space<vmem>>) semaphore(%arg8 : memref<!tpu.dma_semaphore, #tpu.memory_space<semaphore_mem>>)
    %dma_start3A_339 = arith.constant 17 : i32
    %dma_start3A_340 = arith.constant 256 : i32
    %dma_start3A_341 = arith.constant 0 : i32
    %dma_start3A_342 = tpu.memref_slice %arg6[%dma_start3A_340, %dma_start3A_341] : memref<640x64xf32, #tpu.memory_space<vmem>> -> memref<128x64xf32, #tpu.memory_space<vmem>>
    %dma_start3A_343 = arith.constant 0 : i32
    %dma_start3A_344 = tpu.memref_slice %arg5[%dma_start3A_339, %dma_start3A_343] : memref<20x128xi32, #tpu.memory_space<vmem>> -> memref<1x128xi32, #tpu.memory_space<vmem>>
    %dma_start3A_345 = tpu.memref_squeeze %dma_start3A_344 : memref<1x128xi32, #tpu.memory_space<vmem>> -> memref<128xi32, #tpu.memory_space<vmem>>
    %dma_start3A_346 = arith.constant 0 : i32
    %dma_start3A_347 = arith.constant 0 : i32
    %dma_start3A_348 = tpu.memref_slice %arg3[%dma_start3A_346, %dma_start3A_347] : memref<100000x64xf32, #tpu.memory_space<hbm>> -> memref<100000x64xf32, #tpu.memory_space<hbm>>
    tpu.enqueue_indirect_dma source(%dma_start3A_348 : memref<100000x64xf32, #tpu.memory_space<hbm>>) target(%dma_start3A_342 : memref<128x64xf32, #tpu.memory_space<vmem>>) offsets(%dma_start3A_345 : memref<128xi32, #tpu.memory_space<vmem>>) semaphore(%arg8 : memref<!tpu.dma_semaphore, #tpu.memory_space<semaphore_mem>>)
    %dma_start3A_349 = arith.constant 18 : i32
    %dma_start3A_350 = arith.constant 384 : i32
    %dma_start3A_351 = arith.constant 0 : i32
    %dma_start3A_352 = tpu.memref_slice %arg6[%dma_start3A_350, %dma_start3A_351] : memref<640x64xf32, #tpu.memory_space<vmem>> -> memref<128x64xf32, #tpu.memory_space<vmem>>
    %dma_start3A_353 = arith.constant 0 : i32
    %dma_start3A_354 = tpu.memref_slice %arg5[%dma_start3A_349, %dma_start3A_353] : memref<20x128xi32, #tpu.memory_space<vmem>> -> memref<1x128xi32, #tpu.memory_space<vmem>>
    %dma_start3A_355 = tpu.memref_squeeze %dma_start3A_354 : memref<1x128xi32, #tpu.memory_space<vmem>> -> memref<128xi32, #tpu.memory_space<vmem>>
    %dma_start3A_356 = arith.constant 0 : i32
    %dma_start3A_357 = arith.constant 0 : i32
    %dma_start3A_358 = tpu.memref_slice %arg3[%dma_start3A_356, %dma_start3A_357] : memref<100000x64xf32, #tpu.memory_space<hbm>> -> memref<100000x64xf32, #tpu.memory_space<hbm>>
    tpu.enqueue_indirect_dma source(%dma_start3A_358 : memref<100000x64xf32, #tpu.memory_space<hbm>>) target(%dma_start3A_352 : memref<128x64xf32, #tpu.memory_space<vmem>>) offsets(%dma_start3A_355 : memref<128xi32, #tpu.memory_space<vmem>>) semaphore(%arg8 : memref<!tpu.dma_semaphore, #tpu.memory_space<semaphore_mem>>)
    %dma_start3A_359 = arith.constant 19 : i32
    %dma_start3A_360 = arith.constant 512 : i32
    %dma_start3A_361 = arith.constant 0 : i32
    %dma_start3A_362 = tpu.memref_slice %arg6[%dma_start3A_360, %dma_start3A_361] : memref<640x64xf32, #tpu.memory_space<vmem>> -> memref<128x64xf32, #tpu.memory_space<vmem>>
    %dma_start3A_363 = arith.constant 0 : i32
    %dma_start3A_364 = tpu.memref_slice %arg5[%dma_start3A_359, %dma_start3A_363] : memref<20x128xi32, #tpu.memory_space<vmem>> -> memref<1x128xi32, #tpu.memory_space<vmem>>
    %dma_start3A_365 = tpu.memref_squeeze %dma_start3A_364 : memref<1x128xi32, #tpu.memory_space<vmem>> -> memref<128xi32, #tpu.memory_space<vmem>>
    %dma_start3A_366 = arith.constant 0 : i32
    %dma_start3A_367 = arith.constant 0 : i32
    %dma_start3A_368 = tpu.memref_slice %arg3[%dma_start3A_366, %dma_start3A_367] : memref<100000x64xf32, #tpu.memory_space<hbm>> -> memref<100000x64xf32, #tpu.memory_space<hbm>>
    tpu.enqueue_indirect_dma source(%dma_start3A_368 : memref<100000x64xf32, #tpu.memory_space<hbm>>) target(%dma_start3A_362 : memref<128x64xf32, #tpu.memory_space<vmem>>) offsets(%dma_start3A_365 : memref<128xi32, #tpu.memory_space<vmem>>) semaphore(%arg8 : memref<!tpu.dma_semaphore, #tpu.memory_space<semaphore_mem>>)
    %dma_wait3A_369 = arith.constant 15 : i32
    %dma_wait3A_370 = arith.constant 0 : i32
    %dma_wait3A_371 = arith.constant 0 : i32
    %dma_wait3A_372 = tpu.memref_slice %arg6[%dma_wait3A_370, %dma_wait3A_371] : memref<640x64xf32, #tpu.memory_space<vmem>> -> memref<128x64xf32, #tpu.memory_space<vmem>>
    %dma_wait3A_373 = arith.constant 0 : i32
    %dma_wait3A_374 = tpu.memref_slice %arg5[%dma_wait3A_369, %dma_wait3A_373] : memref<20x128xi32, #tpu.memory_space<vmem>> -> memref<1x128xi32, #tpu.memory_space<vmem>>
    %dma_wait3A_375 = tpu.memref_squeeze %dma_wait3A_374 : memref<1x128xi32, #tpu.memory_space<vmem>> -> memref<128xi32, #tpu.memory_space<vmem>>
    %dma_wait3A_376 = arith.constant 0 : i32
    %dma_wait3A_377 = arith.constant 0 : i32
    %dma_wait3A_378 = tpu.memref_slice %arg3[%dma_wait3A_376, %dma_wait3A_377] : memref<100000x64xf32, #tpu.memory_space<hbm>> -> memref<100000x64xf32, #tpu.memory_space<hbm>>
    tpu.wait_indirect_dma semaphore(%arg8 : memref<!tpu.dma_semaphore, #tpu.memory_space<semaphore_mem>>) src(%dma_wait3A_378 : memref<100000x64xf32, #tpu.memory_space<hbm>>) dst(%dma_wait3A_372 : memref<128x64xf32, #tpu.memory_space<vmem>>)
    %dma_wait3A_379 = arith.constant 16 : i32
    %dma_wait3A_380 = arith.constant 128 : i32
    %dma_wait3A_381 = arith.constant 0 : i32
    %dma_wait3A_382 = tpu.memref_slice %arg6[%dma_wait3A_380, %dma_wait3A_381] : memref<640x64xf32, #tpu.memory_space<vmem>> -> memref<128x64xf32, #tpu.memory_space<vmem>>
    %dma_wait3A_383 = arith.constant 0 : i32
    %dma_wait3A_384 = tpu.memref_slice %arg5[%dma_wait3A_379, %dma_wait3A_383] : memref<20x128xi32, #tpu.memory_space<vmem>> -> memref<1x128xi32, #tpu.memory_space<vmem>>
    %dma_wait3A_385 = tpu.memref_squeeze %dma_wait3A_384 : memref<1x128xi32, #tpu.memory_space<vmem>> -> memref<128xi32, #tpu.memory_space<vmem>>
    %dma_wait3A_386 = arith.constant 0 : i32
    %dma_wait3A_387 = arith.constant 0 : i32
    %dma_wait3A_388 = tpu.memref_slice %arg3[%dma_wait3A_386, %dma_wait3A_387] : memref<100000x64xf32, #tpu.memory_space<hbm>> -> memref<100000x64xf32, #tpu.memory_space<hbm>>
    tpu.wait_indirect_dma semaphore(%arg8 : memref<!tpu.dma_semaphore, #tpu.memory_space<semaphore_mem>>) src(%dma_wait3A_388 : memref<100000x64xf32, #tpu.memory_space<hbm>>) dst(%dma_wait3A_382 : memref<128x64xf32, #tpu.memory_space<vmem>>)
    %dma_wait3A_389 = arith.constant 17 : i32
    %dma_wait3A_390 = arith.constant 256 : i32
    %dma_wait3A_391 = arith.constant 0 : i32
    %dma_wait3A_392 = tpu.memref_slice %arg6[%dma_wait3A_390, %dma_wait3A_391] : memref<640x64xf32, #tpu.memory_space<vmem>> -> memref<128x64xf32, #tpu.memory_space<vmem>>
    %dma_wait3A_393 = arith.constant 0 : i32
    %dma_wait3A_394 = tpu.memref_slice %arg5[%dma_wait3A_389, %dma_wait3A_393] : memref<20x128xi32, #tpu.memory_space<vmem>> -> memref<1x128xi32, #tpu.memory_space<vmem>>
    %dma_wait3A_395 = tpu.memref_squeeze %dma_wait3A_394 : memref<1x128xi32, #tpu.memory_space<vmem>> -> memref<128xi32, #tpu.memory_space<vmem>>
    %dma_wait3A_396 = arith.constant 0 : i32
    %dma_wait3A_397 = arith.constant 0 : i32
    %dma_wait3A_398 = tpu.memref_slice %arg3[%dma_wait3A_396, %dma_wait3A_397] : memref<100000x64xf32, #tpu.memory_space<hbm>> -> memref<100000x64xf32, #tpu.memory_space<hbm>>
    tpu.wait_indirect_dma semaphore(%arg8 : memref<!tpu.dma_semaphore, #tpu.memory_space<semaphore_mem>>) src(%dma_wait3A_398 : memref<100000x64xf32, #tpu.memory_space<hbm>>) dst(%dma_wait3A_392 : memref<128x64xf32, #tpu.memory_space<vmem>>)
    %dma_wait3A_399 = arith.constant 18 : i32
    %dma_wait3A_400 = arith.constant 384 : i32
    %dma_wait3A_401 = arith.constant 0 : i32
    %dma_wait3A_402 = tpu.memref_slice %arg6[%dma_wait3A_400, %dma_wait3A_401] : memref<640x64xf32, #tpu.memory_space<vmem>> -> memref<128x64xf32, #tpu.memory_space<vmem>>
    %dma_wait3A_403 = arith.constant 0 : i32
    %dma_wait3A_404 = tpu.memref_slice %arg5[%dma_wait3A_399, %dma_wait3A_403] : memref<20x128xi32, #tpu.memory_space<vmem>> -> memref<1x128xi32, #tpu.memory_space<vmem>>
    %dma_wait3A_405 = tpu.memref_squeeze %dma_wait3A_404 : memref<1x128xi32, #tpu.memory_space<vmem>> -> memref<128xi32, #tpu.memory_space<vmem>>
    %dma_wait3A_406 = arith.constant 0 : i32
    %dma_wait3A_407 = arith.constant 0 : i32
    %dma_wait3A_408 = tpu.memref_slice %arg3[%dma_wait3A_406, %dma_wait3A_407] : memref<100000x64xf32, #tpu.memory_space<hbm>> -> memref<100000x64xf32, #tpu.memory_space<hbm>>
    tpu.wait_indirect_dma semaphore(%arg8 : memref<!tpu.dma_semaphore, #tpu.memory_space<semaphore_mem>>) src(%dma_wait3A_408 : memref<100000x64xf32, #tpu.memory_space<hbm>>) dst(%dma_wait3A_402 : memref<128x64xf32, #tpu.memory_space<vmem>>)
    %dma_wait3A_409 = arith.constant 19 : i32
    %dma_wait3A_410 = arith.constant 512 : i32
    %dma_wait3A_411 = arith.constant 0 : i32
    %dma_wait3A_412 = tpu.memref_slice %arg6[%dma_wait3A_410, %dma_wait3A_411] : memref<640x64xf32, #tpu.memory_space<vmem>> -> memref<128x64xf32, #tpu.memory_space<vmem>>
    %dma_wait3A_413 = arith.constant 0 : i32
    %dma_wait3A_414 = tpu.memref_slice %arg5[%dma_wait3A_409, %dma_wait3A_413] : memref<20x128xi32, #tpu.memory_space<vmem>> -> memref<1x128xi32, #tpu.memory_space<vmem>>
    %dma_wait3A_415 = tpu.memref_squeeze %dma_wait3A_414 : memref<1x128xi32, #tpu.memory_space<vmem>> -> memref<128xi32, #tpu.memory_space<vmem>>
    %dma_wait3A_416 = arith.constant 0 : i32
    %dma_wait3A_417 = arith.constant 0 : i32
    %dma_wait3A_418 = tpu.memref_slice %arg3[%dma_wait3A_416, %dma_wait3A_417] : memref<100000x64xf32, #tpu.memory_space<hbm>> -> memref<100000x64xf32, #tpu.memory_space<hbm>>
    tpu.wait_indirect_dma semaphore(%arg8 : memref<!tpu.dma_semaphore, #tpu.memory_space<semaphore_mem>>) src(%dma_wait3A_418 : memref<100000x64xf32, #tpu.memory_space<hbm>>) dst(%dma_wait3A_412 : memref<128x64xf32, #tpu.memory_space<vmem>>)
    %scan3A_419 = arith.constant 0 : i32
    %scan3A_420 = arith.constant 0 : i32
    %scan3A_421 = arith.constant 32 : i32
    %scan3A_422 = arith.addi %scan3A_420, %scan3A_421 : i32
    %scan3A_423 = arith.constant 1 : i32
    %scan3A_424 = scf.for %scan3A_428 = %scan3A_420 to %scan3A_422 step %scan3A_423 iter_args(%scan3A_429 = %scan3A_419) -> (i32)  : i32 {
      %mul3A_430 = arith.constant 20 : i32
      %mul3A_431 = arith.muli %scan3A_428, %mul3A_430 : i32
      %get3A = arith.index_cast %mul3A_431 : i32 to index
      %get3A_432 = arith.constant 0 : index
      %get3A_433 = tpu.vector_load %arg6[%get3A, %get3A_432] {strides = array<i32>} : memref<640x64xf32, #tpu.memory_space<vmem>>, vector<1x16xf32>,
      %get3A_434 = vector.shape_cast %get3A_433 : vector<1x16xf32> to vector<16xf32>
      %mul3A_435 = arith.constant 20 : i32
      %mul3A_436 = arith.muli %scan3A_428, %mul3A_435 : i32
      %add3A_437 = arith.constant 1 : i32
      %add3A_438 = arith.addi %mul3A_436, %add3A_437 : i32
      %get3A_439 = arith.index_cast %add3A_438 : i32 to index
      %get3A_440 = arith.constant 0 : index
      %get3A_441 = tpu.vector_load %arg6[%get3A_439, %get3A_440] {strides = array<i32>} : memref<640x64xf32, #tpu.memory_space<vmem>>, vector<1x16xf32>,
      %get3A_442 = vector.shape_cast %get3A_441 : vector<1x16xf32> to vector<16xf32>
      %add3A_443 = arith.addf %get3A_434, %get3A_442 : vector<16xf32>
      %mul3A_444 = arith.constant 20 : i32
      %mul3A_445 = arith.muli %scan3A_428, %mul3A_444 : i32
      %add3A_446 = arith.constant 2 : i32
      %add3A_447 = arith.addi %mul3A_445, %add3A_446 : i32
      %get3A_448 = arith.index_cast %add3A_447 : i32 to index
      %get3A_449 = arith.constant 0 : index
      %get3A_450 = tpu.vector_load %arg6[%get3A_448, %get3A_449] {strides = array<i32>} : memref<640x64xf32, #tpu.memory_space<vmem>>, vector<1x16xf32>,
      %get3A_451 = vector.shape_cast %get3A_450 : vector<1x16xf32> to vector<16xf32>
      %add3A_452 = arith.addf %add3A_443, %get3A_451 : vector<16xf32>
      %mul3A_453 = arith.constant 20 : i32
      %mul3A_454 = arith.muli %scan3A_428, %mul3A_453 : i32
      %add3A_455 = arith.constant 3 : i32
      %add3A_456 = arith.addi %mul3A_454, %add3A_455 : i32
      %get3A_457 = arith.index_cast %add3A_456 : i32 to index
      %get3A_458 = arith.constant 0 : index
      %get3A_459 = tpu.vector_load %arg6[%get3A_457, %get3A_458] {strides = array<i32>} : memref<640x64xf32, #tpu.memory_space<vmem>>, vector<1x16xf32>,
      %get3A_460 = vector.shape_cast %get3A_459 : vector<1x16xf32> to vector<16xf32>
      %add3A_461 = arith.addf %add3A_452, %get3A_460 : vector<16xf32>
      %mul3A_462 = arith.constant 20 : i32
      %mul3A_463 = arith.muli %scan3A_428, %mul3A_462 : i32
      %add3A_464 = arith.constant 4 : i32
      %add3A_465 = arith.addi %mul3A_463, %add3A_464 : i32
      %get3A_466 = arith.index_cast %add3A_465 : i32 to index
      %get3A_467 = arith.constant 0 : index
      %get3A_468 = tpu.vector_load %arg6[%get3A_466, %get3A_467] {strides = array<i32>} : memref<640x64xf32, #tpu.memory_space<vmem>>, vector<1x16xf32>,
      %get3A_469 = vector.shape_cast %get3A_468 : vector<1x16xf32> to vector<16xf32>
      %add3A_470 = arith.addf %add3A_461, %get3A_469 : vector<16xf32>
      %mul3A_471 = arith.constant 20 : i32
      %mul3A_472 = arith.muli %scan3A_428, %mul3A_471 : i32
      %add3A_473 = arith.constant 5 : i32
      %add3A_474 = arith.addi %mul3A_472, %add3A_473 : i32
      %get3A_475 = arith.index_cast %add3A_474 : i32 to index
      %get3A_476 = arith.constant 0 : index
      %get3A_477 = tpu.vector_load %arg6[%get3A_475, %get3A_476] {strides = array<i32>} : memref<640x64xf32, #tpu.memory_space<vmem>>, vector<1x16xf32>,
      %get3A_478 = vector.shape_cast %get3A_477 : vector<1x16xf32> to vector<16xf32>
      %add3A_479 = arith.addf %add3A_470, %get3A_478 : vector<16xf32>
      %mul3A_480 = arith.constant 20 : i32
      %mul3A_481 = arith.muli %scan3A_428, %mul3A_480 : i32
      %add3A_482 = arith.constant 6 : i32
      %add3A_483 = arith.addi %mul3A_481, %add3A_482 : i32
      %get3A_484 = arith.index_cast %add3A_483 : i32 to index
      %get3A_485 = arith.constant 0 : index
      %get3A_486 = tpu.vector_load %arg6[%get3A_484, %get3A_485] {strides = array<i32>} : memref<640x64xf32, #tpu.memory_space<vmem>>, vector<1x16xf32>,
      %get3A_487 = vector.shape_cast %get3A_486 : vector<1x16xf32> to vector<16xf32>
      %add3A_488 = arith.addf %add3A_479, %get3A_487 : vector<16xf32>
      %mul3A_489 = arith.constant 20 : i32
      %mul3A_490 = arith.muli %scan3A_428, %mul3A_489 : i32
      %add3A_491 = arith.constant 7 : i32
      %add3A_492 = arith.addi %mul3A_490, %add3A_491 : i32
      %get3A_493 = arith.index_cast %add3A_492 : i32 to index
      %get3A_494 = arith.constant 0 : index
      %get3A_495 = tpu.vector_load %arg6[%get3A_493, %get3A_494] {strides = array<i32>} : memref<640x64xf32, #tpu.memory_space<vmem>>, vector<1x16xf32>,
      %get3A_496 = vector.shape_cast %get3A_495 : vector<1x16xf32> to vector<16xf32>
      %add3A_497 = arith.addf %add3A_488, %get3A_496 : vector<16xf32>
      %mul3A_498 = arith.constant 20 : i32
      %mul3A_499 = arith.muli %scan3A_428, %mul3A_498 : i32
      %add3A_500 = arith.constant 8 : i32
      %add3A_501 = arith.addi %mul3A_499, %add3A_500 : i32
      %get3A_502 = arith.index_cast %add3A_501 : i32 to index
      %get3A_503 = arith.constant 0 : index
      %get3A_504 = tpu.vector_load %arg6[%get3A_502, %get3A_503] {strides = array<i32>} : memref<640x64xf32, #tpu.memory_space<vmem>>, vector<1x16xf32>,
      %get3A_505 = vector.shape_cast %get3A_504 : vector<1x16xf32> to vector<16xf32>
      %add3A_506 = arith.addf %add3A_497, %get3A_505 : vector<16xf32>
      %mul3A_507 = arith.constant 20 : i32
      %mul3A_508 = arith.muli %scan3A_428, %mul3A_507 : i32
      %add3A_509 = arith.constant 9 : i32
      %add3A_510 = arith.addi %mul3A_508, %add3A_509 : i32
      %get3A_511 = arith.index_cast %add3A_510 : i32 to index
      %get3A_512 = arith.constant 0 : index
      %get3A_513 = tpu.vector_load %arg6[%get3A_511, %get3A_512] {strides = array<i32>} : memref<640x64xf32, #tpu.memory_space<vmem>>, vector<1x16xf32>,
      %get3A_514 = vector.shape_cast %get3A_513 : vector<1x16xf32> to vector<16xf32>
      %add3A_515 = arith.addf %add3A_506, %get3A_514 : vector<16xf32>
      %mul3A_516 = arith.constant 20 : i32
      %mul3A_517 = arith.muli %scan3A_428, %mul3A_516 : i32
      %add3A_518 = arith.constant 10 : i32
      %add3A_519 = arith.addi %mul3A_517, %add3A_518 : i32
      %get3A_520 = arith.index_cast %add3A_519 : i32 to index
      %get3A_521 = arith.constant 0 : index
      %get3A_522 = tpu.vector_load %arg6[%get3A_520, %get3A_521] {strides = array<i32>} : memref<640x64xf32, #tpu.memory_space<vmem>>, vector<1x16xf32>,
      %get3A_523 = vector.shape_cast %get3A_522 : vector<1x16xf32> to vector<16xf32>
      %add3A_524 = arith.addf %add3A_515, %get3A_523 : vector<16xf32>
      %mul3A_525 = arith.constant 20 : i32
      %mul3A_526 = arith.muli %scan3A_428, %mul3A_525 : i32
      %add3A_527 = arith.constant 11 : i32
      %add3A_528 = arith.addi %mul3A_526, %add3A_527 : i32
      %get3A_529 = arith.index_cast %add3A_528 : i32 to index
      %get3A_530 = arith.constant 0 : index
      %get3A_531 = tpu.vector_load %arg6[%get3A_529, %get3A_530] {strides = array<i32>} : memref<640x64xf32, #tpu.memory_space<vmem>>, vector<1x16xf32>,
      %get3A_532 = vector.shape_cast %get3A_531 : vector<1x16xf32> to vector<16xf32>
      %add3A_533 = arith.addf %add3A_524, %get3A_532 : vector<16xf32>
      %mul3A_534 = arith.constant 20 : i32
      %mul3A_535 = arith.muli %scan3A_428, %mul3A_534 : i32
      %add3A_536 = arith.constant 12 : i32
      %add3A_537 = arith.addi %mul3A_535, %add3A_536 : i32
      %get3A_538 = arith.index_cast %add3A_537 : i32 to index
      %get3A_539 = arith.constant 0 : index
      %get3A_540 = tpu.vector_load %arg6[%get3A_538, %get3A_539] {strides = array<i32>} : memref<640x64xf32, #tpu.memory_space<vmem>>, vector<1x16xf32>,
      %get3A_541 = vector.shape_cast %get3A_540 : vector<1x16xf32> to vector<16xf32>
      %add3A_542 = arith.addf %add3A_533, %get3A_541 : vector<16xf32>
      %mul3A_543 = arith.constant 20 : i32
      %mul3A_544 = arith.muli %scan3A_428, %mul3A_543 : i32
      %add3A_545 = arith.constant 13 : i32
      %add3A_546 = arith.addi %mul3A_544, %add3A_545 : i32
      %get3A_547 = arith.index_cast %add3A_546 : i32 to index
      %get3A_548 = arith.constant 0 : index
      %get3A_549 = tpu.vector_load %arg6[%get3A_547, %get3A_548] {strides = array<i32>} : memref<640x64xf32, #tpu.memory_space<vmem>>, vector<1x16xf32>,
      %get3A_550 = vector.shape_cast %get3A_549 : vector<1x16xf32> to vector<16xf32>
      %add3A_551 = arith.addf %add3A_542, %get3A_550 : vector<16xf32>
      %mul3A_552 = arith.constant 20 : i32
      %mul3A_553 = arith.muli %scan3A_428, %mul3A_552 : i32
      %add3A_554 = arith.constant 14 : i32
      %add3A_555 = arith.addi %mul3A_553, %add3A_554 : i32
      %get3A_556 = arith.index_cast %add3A_555 : i32 to index
      %get3A_557 = arith.constant 0 : index
      %get3A_558 = tpu.vector_load %arg6[%get3A_556, %get3A_557] {strides = array<i32>} : memref<640x64xf32, #tpu.memory_space<vmem>>, vector<1x16xf32>,
      %get3A_559 = vector.shape_cast %get3A_558 : vector<1x16xf32> to vector<16xf32>
      %add3A_560 = arith.addf %add3A_551, %get3A_559 : vector<16xf32>
      %mul3A_561 = arith.constant 20 : i32
      %mul3A_562 = arith.muli %scan3A_428, %mul3A_561 : i32
      %add3A_563 = arith.constant 15 : i32
      %add3A_564 = arith.addi %mul3A_562, %add3A_563 : i32
      %get3A_565 = arith.index_cast %add3A_564 : i32 to index
      %get3A_566 = arith.constant 0 : index
      %get3A_567 = tpu.vector_load %arg6[%get3A_565, %get3A_566] {strides = array<i32>} : memref<640x64xf32, #tpu.memory_space<vmem>>, vector<1x16xf32>,
      %get3A_568 = vector.shape_cast %get3A_567 : vector<1x16xf32> to vector<16xf32>
      %add3A_569 = arith.addf %add3A_560, %get3A_568 : vector<16xf32>
      %mul3A_570 = arith.constant 20 : i32
      %mul3A_571 = arith.muli %scan3A_428, %mul3A_570 : i32
      %add3A_572 = arith.constant 16 : i32
      %add3A_573 = arith.addi %mul3A_571, %add3A_572 : i32
      %get3A_574 = arith.index_cast %add3A_573 : i32 to index
      %get3A_575 = arith.constant 0 : index
      %get3A_576 = tpu.vector_load %arg6[%get3A_574, %get3A_575] {strides = array<i32>} : memref<640x64xf32, #tpu.memory_space<vmem>>, vector<1x16xf32>,
      %get3A_577 = vector.shape_cast %get3A_576 : vector<1x16xf32> to vector<16xf32>
      %add3A_578 = arith.addf %add3A_569, %get3A_577 : vector<16xf32>
      %mul3A_579 = arith.constant 20 : i32
      %mul3A_580 = arith.muli %scan3A_428, %mul3A_579 : i32
      %add3A_581 = arith.constant 17 : i32
      %add3A_582 = arith.addi %mul3A_580, %add3A_581 : i32
      %get3A_583 = arith.index_cast %add3A_582 : i32 to index
      %get3A_584 = arith.constant 0 : index
      %get3A_585 = tpu.vector_load %arg6[%get3A_583, %get3A_584] {strides = array<i32>} : memref<640x64xf32, #tpu.memory_space<vmem>>, vector<1x16xf32>,
      %get3A_586 = vector.shape_cast %get3A_585 : vector<1x16xf32> to vector<16xf32>
      %add3A_587 = arith.addf %add3A_578, %get3A_586 : vector<16xf32>
      %mul3A_588 = arith.constant 20 : i32
      %mul3A_589 = arith.muli %scan3A_428, %mul3A_588 : i32
      %add3A_590 = arith.constant 18 : i32
      %add3A_591 = arith.addi %mul3A_589, %add3A_590 : i32
      %get3A_592 = arith.index_cast %add3A_591 : i32 to index
      %get3A_593 = arith.constant 0 : index
      %get3A_594 = tpu.vector_load %arg6[%get3A_592, %get3A_593] {strides = array<i32>} : memref<640x64xf32, #tpu.memory_space<vmem>>, vector<1x16xf32>,
      %get3A_595 = vector.shape_cast %get3A_594 : vector<1x16xf32> to vector<16xf32>
      %add3A_596 = arith.addf %add3A_587, %get3A_595 : vector<16xf32>
      %mul3A_597 = arith.constant 20 : i32
      %mul3A_598 = arith.muli %scan3A_428, %mul3A_597 : i32
      %add3A_599 = arith.constant 19 : i32
      %add3A_600 = arith.addi %mul3A_598, %add3A_599 : i32
      %get3A_601 = arith.index_cast %add3A_600 : i32 to index
      %get3A_602 = arith.constant 0 : index
      %get3A_603 = tpu.vector_load %arg6[%get3A_601, %get3A_602] {strides = array<i32>} : memref<640x64xf32, #tpu.memory_space<vmem>>, vector<1x16xf32>,
      %get3A_604 = vector.shape_cast %get3A_603 : vector<1x16xf32> to vector<16xf32>
      %add3A_605 = arith.addf %add3A_596, %get3A_604 : vector<16xf32>
      %add3A_606 = arith.constant 96 : i32
      %add3A_607 = arith.addi %add3A_606, %scan3A_428 : i32
      %swap3A = arith.index_cast %add3A_607 : i32 to index
      %swap3A_608 = arith.constant 0 : index
      %swap3A_609 = tpu.vector_load %arg7[%swap3A, %swap3A_608] {strides = array<i32>} : memref<128x64xf32, #tpu.memory_space<vmem>>, vector<1x16xf32>,
      %swap3A_610 = vector.shape_cast %swap3A_609 : vector<1x16xf32> to vector<16xf32>
      %swap3A_611 = vector.shape_cast %add3A_605 : vector<16xf32> to vector<1x16xf32>
      tpu.vector_store %arg7[%swap3A, %swap3A_608], %swap3A_611 {strides = array<i32>} : memref<128x64xf32, #tpu.memory_space<vmem>>, vector<1x16xf32>,
      %mul3A_612 = arith.constant 20 : i32
      %mul3A_613 = arith.muli %scan3A_428, %mul3A_612 : i32
      %get3A_614 = arith.index_cast %mul3A_613 : i32 to index
      %get3A_615 = arith.constant 16 : index
      %get3A_616 = tpu.vector_load %arg6[%get3A_614, %get3A_615] {strides = array<i32>} : memref<640x64xf32, #tpu.memory_space<vmem>>, vector<1x16xf32>,
      %get3A_617 = vector.shape_cast %get3A_616 : vector<1x16xf32> to vector<16xf32>
      %mul3A_618 = arith.constant 20 : i32
      %mul3A_619 = arith.muli %scan3A_428, %mul3A_618 : i32
      %add3A_620 = arith.constant 1 : i32
      %add3A_621 = arith.addi %mul3A_619, %add3A_620 : i32
      %get3A_622 = arith.index_cast %add3A_621 : i32 to index
      %get3A_623 = arith.constant 16 : index
      %get3A_624 = tpu.vector_load %arg6[%get3A_622, %get3A_623] {strides = array<i32>} : memref<640x64xf32, #tpu.memory_space<vmem>>, vector<1x16xf32>,
      %get3A_625 = vector.shape_cast %get3A_624 : vector<1x16xf32> to vector<16xf32>
      %add3A_626 = arith.addf %get3A_617, %get3A_625 : vector<16xf32>
      %mul3A_627 = arith.constant 20 : i32
      %mul3A_628 = arith.muli %scan3A_428, %mul3A_627 : i32
      %add3A_629 = arith.constant 2 : i32
      %add3A_630 = arith.addi %mul3A_628, %add3A_629 : i32
      %get3A_631 = arith.index_cast %add3A_630 : i32 to index
      %get3A_632 = arith.constant 16 : index
      %get3A_633 = tpu.vector_load %arg6[%get3A_631, %get3A_632] {strides = array<i32>} : memref<640x64xf32, #tpu.memory_space<vmem>>, vector<1x16xf32>,
      %get3A_634 = vector.shape_cast %get3A_633 : vector<1x16xf32> to vector<16xf32>
      %add3A_635 = arith.addf %add3A_626, %get3A_634 : vector<16xf32>
      %mul3A_636 = arith.constant 20 : i32
      %mul3A_637 = arith.muli %scan3A_428, %mul3A_636 : i32
      %add3A_638 = arith.constant 3 : i32
      %add3A_639 = arith.addi %mul3A_637, %add3A_638 : i32
      %get3A_640 = arith.index_cast %add3A_639 : i32 to index
      %get3A_641 = arith.constant 16 : index
      %get3A_642 = tpu.vector_load %arg6[%get3A_640, %get3A_641] {strides = array<i32>} : memref<640x64xf32, #tpu.memory_space<vmem>>, vector<1x16xf32>,
      %get3A_643 = vector.shape_cast %get3A_642 : vector<1x16xf32> to vector<16xf32>
      %add3A_644 = arith.addf %add3A_635, %get3A_643 : vector<16xf32>
      %mul3A_645 = arith.constant 20 : i32
      %mul3A_646 = arith.muli %scan3A_428, %mul3A_645 : i32
      %add3A_647 = arith.constant 4 : i32
      %add3A_648 = arith.addi %mul3A_646, %add3A_647 : i32
      %get3A_649 = arith.index_cast %add3A_648 : i32 to index
      %get3A_650 = arith.constant 16 : index
      %get3A_651 = tpu.vector_load %arg6[%get3A_649, %get3A_650] {strides = array<i32>} : memref<640x64xf32, #tpu.memory_space<vmem>>, vector<1x16xf32>,
      %get3A_652 = vector.shape_cast %get3A_651 : vector<1x16xf32> to vector<16xf32>
      %add3A_653 = arith.addf %add3A_644, %get3A_652 : vector<16xf32>
      %mul3A_654 = arith.constant 20 : i32
      %mul3A_655 = arith.muli %scan3A_428, %mul3A_654 : i32
      %add3A_656 = arith.constant 5 : i32
      %add3A_657 = arith.addi %mul3A_655, %add3A_656 : i32
      %get3A_658 = arith.index_cast %add3A_657 : i32 to index
      %get3A_659 = arith.constant 16 : index
      %get3A_660 = tpu.vector_load %arg6[%get3A_658, %get3A_659] {strides = array<i32>} : memref<640x64xf32, #tpu.memory_space<vmem>>, vector<1x16xf32>,
      %get3A_661 = vector.shape_cast %get3A_660 : vector<1x16xf32> to vector<16xf32>
      %add3A_662 = arith.addf %add3A_653, %get3A_661 : vector<16xf32>
      %mul3A_663 = arith.constant 20 : i32
      %mul3A_664 = arith.muli %scan3A_428, %mul3A_663 : i32
      %add3A_665 = arith.constant 6 : i32
      %add3A_666 = arith.addi %mul3A_664, %add3A_665 : i32
      %get3A_667 = arith.index_cast %add3A_666 : i32 to index
      %get3A_668 = arith.constant 16 : index
      %get3A_669 = tpu.vector_load %arg6[%get3A_667, %get3A_668] {strides = array<i32>} : memref<640x64xf32, #tpu.memory_space<vmem>>, vector<1x16xf32>,
      %get3A_670 = vector.shape_cast %get3A_669 : vector<1x16xf32> to vector<16xf32>
      %add3A_671 = arith.addf %add3A_662, %get3A_670 : vector<16xf32>
      %mul3A_672 = arith.constant 20 : i32
      %mul3A_673 = arith.muli %scan3A_428, %mul3A_672 : i32
      %add3A_674 = arith.constant 7 : i32
      %add3A_675 = arith.addi %mul3A_673, %add3A_674 : i32
      %get3A_676 = arith.index_cast %add3A_675 : i32 to index
      %get3A_677 = arith.constant 16 : index
      %get3A_678 = tpu.vector_load %arg6[%get3A_676, %get3A_677] {strides = array<i32>} : memref<640x64xf32, #tpu.memory_space<vmem>>, vector<1x16xf32>,
      %get3A_679 = vector.shape_cast %get3A_678 : vector<1x16xf32> to vector<16xf32>
      %add3A_680 = arith.addf %add3A_671, %get3A_679 : vector<16xf32>
      %mul3A_681 = arith.constant 20 : i32
      %mul3A_682 = arith.muli %scan3A_428, %mul3A_681 : i32
      %add3A_683 = arith.constant 8 : i32
      %add3A_684 = arith.addi %mul3A_682, %add3A_683 : i32
      %get3A_685 = arith.index_cast %add3A_684 : i32 to index
      %get3A_686 = arith.constant 16 : index
      %get3A_687 = tpu.vector_load %arg6[%get3A_685, %get3A_686] {strides = array<i32>} : memref<640x64xf32, #tpu.memory_space<vmem>>, vector<1x16xf32>,
      %get3A_688 = vector.shape_cast %get3A_687 : vector<1x16xf32> to vector<16xf32>
      %add3A_689 = arith.addf %add3A_680, %get3A_688 : vector<16xf32>
      %mul3A_690 = arith.constant 20 : i32
      %mul3A_691 = arith.muli %scan3A_428, %mul3A_690 : i32
      %add3A_692 = arith.constant 9 : i32
      %add3A_693 = arith.addi %mul3A_691, %add3A_692 : i32
      %get3A_694 = arith.index_cast %add3A_693 : i32 to index
      %get3A_695 = arith.constant 16 : index
      %get3A_696 = tpu.vector_load %arg6[%get3A_694, %get3A_695] {strides = array<i32>} : memref<640x64xf32, #tpu.memory_space<vmem>>, vector<1x16xf32>,
      %get3A_697 = vector.shape_cast %get3A_696 : vector<1x16xf32> to vector<16xf32>
      %add3A_698 = arith.addf %add3A_689, %get3A_697 : vector<16xf32>
      %mul3A_699 = arith.constant 20 : i32
      %mul3A_700 = arith.muli %scan3A_428, %mul3A_699 : i32
      %add3A_701 = arith.constant 10 : i32
      %add3A_702 = arith.addi %mul3A_700, %add3A_701 : i32
      %get3A_703 = arith.index_cast %add3A_702 : i32 to index
      %get3A_704 = arith.constant 16 : index
      %get3A_705 = tpu.vector_load %arg6[%get3A_703, %get3A_704] {strides = array<i32>} : memref<640x64xf32, #tpu.memory_space<vmem>>, vector<1x16xf32>,
      %get3A_706 = vector.shape_cast %get3A_705 : vector<1x16xf32> to vector<16xf32>
      %add3A_707 = arith.addf %add3A_698, %get3A_706 : vector<16xf32>
      %mul3A_708 = arith.constant 20 : i32
      %mul3A_709 = arith.muli %scan3A_428, %mul3A_708 : i32
      %add3A_710 = arith.constant 11 : i32
      %add3A_711 = arith.addi %mul3A_709, %add3A_710 : i32
      %get3A_712 = arith.index_cast %add3A_711 : i32 to index
      %get3A_713 = arith.constant 16 : index
      %get3A_714 = tpu.vector_load %arg6[%get3A_712, %get3A_713] {strides = array<i32>} : memref<640x64xf32, #tpu.memory_space<vmem>>, vector<1x16xf32>,
      %get3A_715 = vector.shape_cast %get3A_714 : vector<1x16xf32> to vector<16xf32>
      %add3A_716 = arith.addf %add3A_707, %get3A_715 : vector<16xf32>
      %mul3A_717 = arith.constant 20 : i32
      %mul3A_718 = arith.muli %scan3A_428, %mul3A_717 : i32
      %add3A_719 = arith.constant 12 : i32
      %add3A_720 = arith.addi %mul3A_718, %add3A_719 : i32
      %get3A_721 = arith.index_cast %add3A_720 : i32 to index
      %get3A_722 = arith.constant 16 : index
      %get3A_723 = tpu.vector_load %arg6[%get3A_721, %get3A_722] {strides = array<i32>} : memref<640x64xf32, #tpu.memory_space<vmem>>, vector<1x16xf32>,
      %get3A_724 = vector.shape_cast %get3A_723 : vector<1x16xf32> to vector<16xf32>
      %add3A_725 = arith.addf %add3A_716, %get3A_724 : vector<16xf32>
      %mul3A_726 = arith.constant 20 : i32
      %mul3A_727 = arith.muli %scan3A_428, %mul3A_726 : i32
      %add3A_728 = arith.constant 13 : i32
      %add3A_729 = arith.addi %mul3A_727, %add3A_728 : i32
      %get3A_730 = arith.index_cast %add3A_729 : i32 to index
      %get3A_731 = arith.constant 16 : index
      %get3A_732 = tpu.vector_load %arg6[%get3A_730, %get3A_731] {strides = array<i32>} : memref<640x64xf32, #tpu.memory_space<vmem>>, vector<1x16xf32>,
      %get3A_733 = vector.shape_cast %get3A_732 : vector<1x16xf32> to vector<16xf32>
      %add3A_734 = arith.addf %add3A_725, %get3A_733 : vector<16xf32>
      %mul3A_735 = arith.constant 20 : i32
      %mul3A_736 = arith.muli %scan3A_428, %mul3A_735 : i32
      %add3A_737 = arith.constant 14 : i32
      %add3A_738 = arith.addi %mul3A_736, %add3A_737 : i32
      %get3A_739 = arith.index_cast %add3A_738 : i32 to index
      %get3A_740 = arith.constant 16 : index
      %get3A_741 = tpu.vector_load %arg6[%get3A_739, %get3A_740] {strides = array<i32>} : memref<640x64xf32, #tpu.memory_space<vmem>>, vector<1x16xf32>,
      %get3A_742 = vector.shape_cast %get3A_741 : vector<1x16xf32> to vector<16xf32>
      %add3A_743 = arith.addf %add3A_734, %get3A_742 : vector<16xf32>
      %mul3A_744 = arith.constant 20 : i32
      %mul3A_745 = arith.muli %scan3A_428, %mul3A_744 : i32
      %add3A_746 = arith.constant 15 : i32
      %add3A_747 = arith.addi %mul3A_745, %add3A_746 : i32
      %get3A_748 = arith.index_cast %add3A_747 : i32 to index
      %get3A_749 = arith.constant 16 : index
      %get3A_750 = tpu.vector_load %arg6[%get3A_748, %get3A_749] {strides = array<i32>} : memref<640x64xf32, #tpu.memory_space<vmem>>, vector<1x16xf32>,
      %get3A_751 = vector.shape_cast %get3A_750 : vector<1x16xf32> to vector<16xf32>
      %add3A_752 = arith.addf %add3A_743, %get3A_751 : vector<16xf32>
      %mul3A_753 = arith.constant 20 : i32
      %mul3A_754 = arith.muli %scan3A_428, %mul3A_753 : i32
      %add3A_755 = arith.constant 16 : i32
      %add3A_756 = arith.addi %mul3A_754, %add3A_755 : i32
      %get3A_757 = arith.index_cast %add3A_756 : i32 to index
      %get3A_758 = arith.constant 16 : index
      %get3A_759 = tpu.vector_load %arg6[%get3A_757, %get3A_758] {strides = array<i32>} : memref<640x64xf32, #tpu.memory_space<vmem>>, vector<1x16xf32>,
      %get3A_760 = vector.shape_cast %get3A_759 : vector<1x16xf32> to vector<16xf32>
      %add3A_761 = arith.addf %add3A_752, %get3A_760 : vector<16xf32>
      %mul3A_762 = arith.constant 20 : i32
      %mul3A_763 = arith.muli %scan3A_428, %mul3A_762 : i32
      %add3A_764 = arith.constant 17 : i32
      %add3A_765 = arith.addi %mul3A_763, %add3A_764 : i32
      %get3A_766 = arith.index_cast %add3A_765 : i32 to index
      %get3A_767 = arith.constant 16 : index
      %get3A_768 = tpu.vector_load %arg6[%get3A_766, %get3A_767] {strides = array<i32>} : memref<640x64xf32, #tpu.memory_space<vmem>>, vector<1x16xf32>,
      %get3A_769 = vector.shape_cast %get3A_768 : vector<1x16xf32> to vector<16xf32>
      %add3A_770 = arith.addf %add3A_761, %get3A_769 : vector<16xf32>
      %mul3A_771 = arith.constant 20 : i32
      %mul3A_772 = arith.muli %scan3A_428, %mul3A_771 : i32
      %add3A_773 = arith.constant 18 : i32
      %add3A_774 = arith.addi %mul3A_772, %add3A_773 : i32
      %get3A_775 = arith.index_cast %add3A_774 : i32 to index
      %get3A_776 = arith.constant 16 : index
      %get3A_777 = tpu.vector_load %arg6[%get3A_775, %get3A_776] {strides = array<i32>} : memref<640x64xf32, #tpu.memory_space<vmem>>, vector<1x16xf32>,
      %get3A_778 = vector.shape_cast %get3A_777 : vector<1x16xf32> to vector<16xf32>
      %add3A_779 = arith.addf %add3A_770, %get3A_778 : vector<16xf32>
      %mul3A_780 = arith.constant 20 : i32
      %mul3A_781 = arith.muli %scan3A_428, %mul3A_780 : i32
      %add3A_782 = arith.constant 19 : i32
      %add3A_783 = arith.addi %mul3A_781, %add3A_782 : i32
      %get3A_784 = arith.index_cast %add3A_783 : i32 to index
      %get3A_785 = arith.constant 16 : index
      %get3A_786 = tpu.vector_load %arg6[%get3A_784, %get3A_785] {strides = array<i32>} : memref<640x64xf32, #tpu.memory_space<vmem>>, vector<1x16xf32>,
      %get3A_787 = vector.shape_cast %get3A_786 : vector<1x16xf32> to vector<16xf32>
      %add3A_788 = arith.addf %add3A_779, %get3A_787 : vector<16xf32>
      %add3A_789 = arith.constant 96 : i32
      %add3A_790 = arith.addi %add3A_789, %scan3A_428 : i32
      %swap3A_791 = arith.index_cast %add3A_790 : i32 to index
      %swap3A_792 = arith.constant 16 : index
      %swap3A_793 = tpu.vector_load %arg7[%swap3A_791, %swap3A_792] {strides = array<i32>} : memref<128x64xf32, #tpu.memory_space<vmem>>, vector<1x16xf32>,
      %swap3A_794 = vector.shape_cast %swap3A_793 : vector<1x16xf32> to vector<16xf32>
      %swap3A_795 = vector.shape_cast %add3A_788 : vector<16xf32> to vector<1x16xf32>
      tpu.vector_store %arg7[%swap3A_791, %swap3A_792], %swap3A_795 {strides = array<i32>} : memref<128x64xf32, #tpu.memory_space<vmem>>, vector<1x16xf32>,
      %mul3A_796 = arith.constant 20 : i32
      %mul3A_797 = arith.muli %scan3A_428, %mul3A_796 : i32
      %get3A_798 = arith.index_cast %mul3A_797 : i32 to index
      %get3A_799 = arith.constant 32 : index
      %get3A_800 = tpu.vector_load %arg6[%get3A_798, %get3A_799] {strides = array<i32>} : memref<640x64xf32, #tpu.memory_space<vmem>>, vector<1x16xf32>,
      %get3A_801 = vector.shape_cast %get3A_800 : vector<1x16xf32> to vector<16xf32>
      %mul3A_802 = arith.constant 20 : i32
      %mul3A_803 = arith.muli %scan3A_428, %mul3A_802 : i32
      %add3A_804 = arith.constant 1 : i32
      %add3A_805 = arith.addi %mul3A_803, %add3A_804 : i32
      %get3A_806 = arith.index_cast %add3A_805 : i32 to index
      %get3A_807 = arith.constant 32 : index
      %get3A_808 = tpu.vector_load %arg6[%get3A_806, %get3A_807] {strides = array<i32>} : memref<640x64xf32, #tpu.memory_space<vmem>>, vector<1x16xf32>,
      %get3A_809 = vector.shape_cast %get3A_808 : vector<1x16xf32> to vector<16xf32>
      %add3A_810 = arith.addf %get3A_801, %get3A_809 : vector<16xf32>
      %mul3A_811 = arith.constant 20 : i32
      %mul3A_812 = arith.muli %scan3A_428, %mul3A_811 : i32
      %add3A_813 = arith.constant 2 : i32
      %add3A_814 = arith.addi %mul3A_812, %add3A_813 : i32
      %get3A_815 = arith.index_cast %add3A_814 : i32 to index
      %get3A_816 = arith.constant 32 : index
      %get3A_817 = tpu.vector_load %arg6[%get3A_815, %get3A_816] {strides = array<i32>} : memref<640x64xf32, #tpu.memory_space<vmem>>, vector<1x16xf32>,
      %get3A_818 = vector.shape_cast %get3A_817 : vector<1x16xf32> to vector<16xf32>
      %add3A_819 = arith.addf %add3A_810, %get3A_818 : vector<16xf32>
      %mul3A_820 = arith.constant 20 : i32
      %mul3A_821 = arith.muli %scan3A_428, %mul3A_820 : i32
      %add3A_822 = arith.constant 3 : i32
      %add3A_823 = arith.addi %mul3A_821, %add3A_822 : i32
      %get3A_824 = arith.index_cast %add3A_823 : i32 to index
      %get3A_825 = arith.constant 32 : index
      %get3A_826 = tpu.vector_load %arg6[%get3A_824, %get3A_825] {strides = array<i32>} : memref<640x64xf32, #tpu.memory_space<vmem>>, vector<1x16xf32>,
      %get3A_827 = vector.shape_cast %get3A_826 : vector<1x16xf32> to vector<16xf32>
      %add3A_828 = arith.addf %add3A_819, %get3A_827 : vector<16xf32>
      %mul3A_829 = arith.constant 20 : i32
      %mul3A_830 = arith.muli %scan3A_428, %mul3A_829 : i32
      %add3A_831 = arith.constant 4 : i32
      %add3A_832 = arith.addi %mul3A_830, %add3A_831 : i32
      %get3A_833 = arith.index_cast %add3A_832 : i32 to index
      %get3A_834 = arith.constant 32 : index
      %get3A_835 = tpu.vector_load %arg6[%get3A_833, %get3A_834] {strides = array<i32>} : memref<640x64xf32, #tpu.memory_space<vmem>>, vector<1x16xf32>,
      %get3A_836 = vector.shape_cast %get3A_835 : vector<1x16xf32> to vector<16xf32>
      %add3A_837 = arith.addf %add3A_828, %get3A_836 : vector<16xf32>
      %mul3A_838 = arith.constant 20 : i32
      %mul3A_839 = arith.muli %scan3A_428, %mul3A_838 : i32
      %add3A_840 = arith.constant 5 : i32
      %add3A_841 = arith.addi %mul3A_839, %add3A_840 : i32
      %get3A_842 = arith.index_cast %add3A_841 : i32 to index
      %get3A_843 = arith.constant 32 : index
      %get3A_844 = tpu.vector_load %arg6[%get3A_842, %get3A_843] {strides = array<i32>} : memref<640x64xf32, #tpu.memory_space<vmem>>, vector<1x16xf32>,
      %get3A_845 = vector.shape_cast %get3A_844 : vector<1x16xf32> to vector<16xf32>
      %add3A_846 = arith.addf %add3A_837, %get3A_845 : vector<16xf32>
      %mul3A_847 = arith.constant 20 : i32
      %mul3A_848 = arith.muli %scan3A_428, %mul3A_847 : i32
      %add3A_849 = arith.constant 6 : i32
      %add3A_850 = arith.addi %mul3A_848, %add3A_849 : i32
      %get3A_851 = arith.index_cast %add3A_850 : i32 to index
      %get3A_852 = arith.constant 32 : index
      %get3A_853 = tpu.vector_load %arg6[%get3A_851, %get3A_852] {strides = array<i32>} : memref<640x64xf32, #tpu.memory_space<vmem>>, vector<1x16xf32>,
      %get3A_854 = vector.shape_cast %get3A_853 : vector<1x16xf32> to vector<16xf32>
      %add3A_855 = arith.addf %add3A_846, %get3A_854 : vector<16xf32>
      %mul3A_856 = arith.constant 20 : i32
      %mul3A_857 = arith.muli %scan3A_428, %mul3A_856 : i32
      %add3A_858 = arith.constant 7 : i32
      %add3A_859 = arith.addi %mul3A_857, %add3A_858 : i32
      %get3A_860 = arith.index_cast %add3A_859 : i32 to index
      %get3A_861 = arith.constant 32 : index
      %get3A_862 = tpu.vector_load %arg6[%get3A_860, %get3A_861] {strides = array<i32>} : memref<640x64xf32, #tpu.memory_space<vmem>>, vector<1x16xf32>,
      %get3A_863 = vector.shape_cast %get3A_862 : vector<1x16xf32> to vector<16xf32>
      %add3A_864 = arith.addf %add3A_855, %get3A_863 : vector<16xf32>
      %mul3A_865 = arith.constant 20 : i32
      %mul3A_866 = arith.muli %scan3A_428, %mul3A_865 : i32
      %add3A_867 = arith.constant 8 : i32
      %add3A_868 = arith.addi %mul3A_866, %add3A_867 : i32
      %get3A_869 = arith.index_cast %add3A_868 : i32 to index
      %get3A_870 = arith.constant 32 : index
      %get3A_871 = tpu.vector_load %arg6[%get3A_869, %get3A_870] {strides = array<i32>} : memref<640x64xf32, #tpu.memory_space<vmem>>, vector<1x16xf32>,
      %get3A_872 = vector.shape_cast %get3A_871 : vector<1x16xf32> to vector<16xf32>
      %add3A_873 = arith.addf %add3A_864, %get3A_872 : vector<16xf32>
      %mul3A_874 = arith.constant 20 : i32
      %mul3A_875 = arith.muli %scan3A_428, %mul3A_874 : i32
      %add3A_876 = arith.constant 9 : i32
      %add3A_877 = arith.addi %mul3A_875, %add3A_876 : i32
      %get3A_878 = arith.index_cast %add3A_877 : i32 to index
      %get3A_879 = arith.constant 32 : index
      %get3A_880 = tpu.vector_load %arg6[%get3A_878, %get3A_879] {strides = array<i32>} : memref<640x64xf32, #tpu.memory_space<vmem>>, vector<1x16xf32>,
      %get3A_881 = vector.shape_cast %get3A_880 : vector<1x16xf32> to vector<16xf32>
      %add3A_882 = arith.addf %add3A_873, %get3A_881 : vector<16xf32>
      %mul3A_883 = arith.constant 20 : i32
      %mul3A_884 = arith.muli %scan3A_428, %mul3A_883 : i32
      %add3A_885 = arith.constant 10 : i32
      %add3A_886 = arith.addi %mul3A_884, %add3A_885 : i32
      %get3A_887 = arith.index_cast %add3A_886 : i32 to index
      %get3A_888 = arith.constant 32 : index
      %get3A_889 = tpu.vector_load %arg6[%get3A_887, %get3A_888] {strides = array<i32>} : memref<640x64xf32, #tpu.memory_space<vmem>>, vector<1x16xf32>,
      %get3A_890 = vector.shape_cast %get3A_889 : vector<1x16xf32> to vector<16xf32>
      %add3A_891 = arith.addf %add3A_882, %get3A_890 : vector<16xf32>
      %mul3A_892 = arith.constant 20 : i32
      %mul3A_893 = arith.muli %scan3A_428, %mul3A_892 : i32
      %add3A_894 = arith.constant 11 : i32
      %add3A_895 = arith.addi %mul3A_893, %add3A_894 : i32
      %get3A_896 = arith.index_cast %add3A_895 : i32 to index
      %get3A_897 = arith.constant 32 : index
      %get3A_898 = tpu.vector_load %arg6[%get3A_896, %get3A_897] {strides = array<i32>} : memref<640x64xf32, #tpu.memory_space<vmem>>, vector<1x16xf32>,
      %get3A_899 = vector.shape_cast %get3A_898 : vector<1x16xf32> to vector<16xf32>
      %add3A_900 = arith.addf %add3A_891, %get3A_899 : vector<16xf32>
      %mul3A_901 = arith.constant 20 : i32
      %mul3A_902 = arith.muli %scan3A_428, %mul3A_901 : i32
      %add3A_903 = arith.constant 12 : i32
      %add3A_904 = arith.addi %mul3A_902, %add3A_903 : i32
      %get3A_905 = arith.index_cast %add3A_904 : i32 to index
      %get3A_906 = arith.constant 32 : index
      %get3A_907 = tpu.vector_load %arg6[%get3A_905, %get3A_906] {strides = array<i32>} : memref<640x64xf32, #tpu.memory_space<vmem>>, vector<1x16xf32>,
      %get3A_908 = vector.shape_cast %get3A_907 : vector<1x16xf32> to vector<16xf32>
      %add3A_909 = arith.addf %add3A_900, %get3A_908 : vector<16xf32>
      %mul3A_910 = arith.constant 20 : i32
      %mul3A_911 = arith.muli %scan3A_428, %mul3A_910 : i32
      %add3A_912 = arith.constant 13 : i32
      %add3A_913 = arith.addi %mul3A_911, %add3A_912 : i32
      %get3A_914 = arith.index_cast %add3A_913 : i32 to index
      %get3A_915 = arith.constant 32 : index
      %get3A_916 = tpu.vector_load %arg6[%get3A_914, %get3A_915] {strides = array<i32>} : memref<640x64xf32, #tpu.memory_space<vmem>>, vector<1x16xf32>,
      %get3A_917 = vector.shape_cast %get3A_916 : vector<1x16xf32> to vector<16xf32>
      %add3A_918 = arith.addf %add3A_909, %get3A_917 : vector<16xf32>
      %mul3A_919 = arith.constant 20 : i32
      %mul3A_920 = arith.muli %scan3A_428, %mul3A_919 : i32
      %add3A_921 = arith.constant 14 : i32
      %add3A_922 = arith.addi %mul3A_920, %add3A_921 : i32
      %get3A_923 = arith.index_cast %add3A_922 : i32 to index
      %get3A_924 = arith.constant 32 : index
      %get3A_925 = tpu.vector_load %arg6[%get3A_923, %get3A_924] {strides = array<i32>} : memref<640x64xf32, #tpu.memory_space<vmem>>, vector<1x16xf32>,
      %get3A_926 = vector.shape_cast %get3A_925 : vector<1x16xf32> to vector<16xf32>
      %add3A_927 = arith.addf %add3A_918, %get3A_926 : vector<16xf32>
      %mul3A_928 = arith.constant 20 : i32
      %mul3A_929 = arith.muli %scan3A_428, %mul3A_928 : i32
      %add3A_930 = arith.constant 15 : i32
      %add3A_931 = arith.addi %mul3A_929, %add3A_930 : i32
      %get3A_932 = arith.index_cast %add3A_931 : i32 to index
      %get3A_933 = arith.constant 32 : index
      %get3A_934 = tpu.vector_load %arg6[%get3A_932, %get3A_933] {strides = array<i32>} : memref<640x64xf32, #tpu.memory_space<vmem>>, vector<1x16xf32>,
      %get3A_935 = vector.shape_cast %get3A_934 : vector<1x16xf32> to vector<16xf32>
      %add3A_936 = arith.addf %add3A_927, %get3A_935 : vector<16xf32>
      %mul3A_937 = arith.constant 20 : i32
      %mul3A_938 = arith.muli %scan3A_428, %mul3A_937 : i32
      %add3A_939 = arith.constant 16 : i32
      %add3A_940 = arith.addi %mul3A_938, %add3A_939 : i32
      %get3A_941 = arith.index_cast %add3A_940 : i32 to index
      %get3A_942 = arith.constant 32 : index
      %get3A_943 = tpu.vector_load %arg6[%get3A_941, %get3A_942] {strides = array<i32>} : memref<640x64xf32, #tpu.memory_space<vmem>>, vector<1x16xf32>,
      %get3A_944 = vector.shape_cast %get3A_943 : vector<1x16xf32> to vector<16xf32>
      %add3A_945 = arith.addf %add3A_936, %get3A_944 : vector<16xf32>
      %mul3A_946 = arith.constant 20 : i32
      %mul3A_947 = arith.muli %scan3A_428, %mul3A_946 : i32
      %add3A_948 = arith.constant 17 : i32
      %add3A_949 = arith.addi %mul3A_947, %add3A_948 : i32
      %get3A_950 = arith.index_cast %add3A_949 : i32 to index
      %get3A_951 = arith.constant 32 : index
      %get3A_952 = tpu.vector_load %arg6[%get3A_950, %get3A_951] {strides = array<i32>} : memref<640x64xf32, #tpu.memory_space<vmem>>, vector<1x16xf32>,
      %get3A_953 = vector.shape_cast %get3A_952 : vector<1x16xf32> to vector<16xf32>
      %add3A_954 = arith.addf %add3A_945, %get3A_953 : vector<16xf32>
      %mul3A_955 = arith.constant 20 : i32
      %mul3A_956 = arith.muli %scan3A_428, %mul3A_955 : i32
      %add3A_957 = arith.constant 18 : i32
      %add3A_958 = arith.addi %mul3A_956, %add3A_957 : i32
      %get3A_959 = arith.index_cast %add3A_958 : i32 to index
      %get3A_960 = arith.constant 32 : index
      %get3A_961 = tpu.vector_load %arg6[%get3A_959, %get3A_960] {strides = array<i32>} : memref<640x64xf32, #tpu.memory_space<vmem>>, vector<1x16xf32>,
      %get3A_962 = vector.shape_cast %get3A_961 : vector<1x16xf32> to vector<16xf32>
      %add3A_963 = arith.addf %add3A_954, %get3A_962 : vector<16xf32>
      %mul3A_964 = arith.constant 20 : i32
      %mul3A_965 = arith.muli %scan3A_428, %mul3A_964 : i32
      %add3A_966 = arith.constant 19 : i32
      %add3A_967 = arith.addi %mul3A_965, %add3A_966 : i32
      %get3A_968 = arith.index_cast %add3A_967 : i32 to index
      %get3A_969 = arith.constant 32 : index
      %get3A_970 = tpu.vector_load %arg6[%get3A_968, %get3A_969] {strides = array<i32>} : memref<640x64xf32, #tpu.memory_space<vmem>>, vector<1x16xf32>,
      %get3A_971 = vector.shape_cast %get3A_970 : vector<1x16xf32> to vector<16xf32>
      %add3A_972 = arith.addf %add3A_963, %get3A_971 : vector<16xf32>
      %add3A_973 = arith.constant 96 : i32
      %add3A_974 = arith.addi %add3A_973, %scan3A_428 : i32
      %swap3A_975 = arith.index_cast %add3A_974 : i32 to index
      %swap3A_976 = arith.constant 32 : index
      %swap3A_977 = tpu.vector_load %arg7[%swap3A_975, %swap3A_976] {strides = array<i32>} : memref<128x64xf32, #tpu.memory_space<vmem>>, vector<1x16xf32>,
      %swap3A_978 = vector.shape_cast %swap3A_977 : vector<1x16xf32> to vector<16xf32>
      %swap3A_979 = vector.shape_cast %add3A_972 : vector<16xf32> to vector<1x16xf32>
      tpu.vector_store %arg7[%swap3A_975, %swap3A_976], %swap3A_979 {strides = array<i32>} : memref<128x64xf32, #tpu.memory_space<vmem>>, vector<1x16xf32>,
      %mul3A_980 = arith.constant 20 : i32
      %mul3A_981 = arith.muli %scan3A_428, %mul3A_980 : i32
      %get3A_982 = arith.index_cast %mul3A_981 : i32 to index
      %get3A_983 = arith.constant 48 : index
      %get3A_984 = tpu.vector_load %arg6[%get3A_982, %get3A_983] {strides = array<i32>} : memref<640x64xf32, #tpu.memory_space<vmem>>, vector<1x16xf32>,
      %get3A_985 = vector.shape_cast %get3A_984 : vector<1x16xf32> to vector<16xf32>
      %mul3A_986 = arith.constant 20 : i32
      %mul3A_987 = arith.muli %scan3A_428, %mul3A_986 : i32
      %add3A_988 = arith.constant 1 : i32
      %add3A_989 = arith.addi %mul3A_987, %add3A_988 : i32
      %get3A_990 = arith.index_cast %add3A_989 : i32 to index
      %get3A_991 = arith.constant 48 : index
      %get3A_992 = tpu.vector_load %arg6[%get3A_990, %get3A_991] {strides = array<i32>} : memref<640x64xf32, #tpu.memory_space<vmem>>, vector<1x16xf32>,
      %get3A_993 = vector.shape_cast %get3A_992 : vector<1x16xf32> to vector<16xf32>
      %add3A_994 = arith.addf %get3A_985, %get3A_993 : vector<16xf32>
      %mul3A_995 = arith.constant 20 : i32
      %mul3A_996 = arith.muli %scan3A_428, %mul3A_995 : i32
      %add3A_997 = arith.constant 2 : i32
      %add3A_998 = arith.addi %mul3A_996, %add3A_997 : i32
      %get3A_999 = arith.index_cast %add3A_998 : i32 to index
      %get3A_1000 = arith.constant 48 : index
      %get3A_1001 = tpu.vector_load %arg6[%get3A_999, %get3A_1000] {strides = array<i32>} : memref<640x64xf32, #tpu.memory_space<vmem>>, vector<1x16xf32>,
      %get3A_1002 = vector.shape_cast %get3A_1001 : vector<1x16xf32> to vector<16xf32>
      %add3A_1003 = arith.addf %add3A_994, %get3A_1002 : vector<16xf32>
      %mul3A_1004 = arith.constant 20 : i32
      %mul3A_1005 = arith.muli %scan3A_428, %mul3A_1004 : i32
      %add3A_1006 = arith.constant 3 : i32
      %add3A_1007 = arith.addi %mul3A_1005, %add3A_1006 : i32
      %get3A_1008 = arith.index_cast %add3A_1007 : i32 to index
      %get3A_1009 = arith.constant 48 : index
      %get3A_1010 = tpu.vector_load %arg6[%get3A_1008, %get3A_1009] {strides = array<i32>} : memref<640x64xf32, #tpu.memory_space<vmem>>, vector<1x16xf32>,
      %get3A_1011 = vector.shape_cast %get3A_1010 : vector<1x16xf32> to vector<16xf32>
      %add3A_1012 = arith.addf %add3A_1003, %get3A_1011 : vector<16xf32>
      %mul3A_1013 = arith.constant 20 : i32
      %mul3A_1014 = arith.muli %scan3A_428, %mul3A_1013 : i32
      %add3A_1015 = arith.constant 4 : i32
      %add3A_1016 = arith.addi %mul3A_1014, %add3A_1015 : i32
      %get3A_1017 = arith.index_cast %add3A_1016 : i32 to index
      %get3A_1018 = arith.constant 48 : index
      %get3A_1019 = tpu.vector_load %arg6[%get3A_1017, %get3A_1018] {strides = array<i32>} : memref<640x64xf32, #tpu.memory_space<vmem>>, vector<1x16xf32>,
      %get3A_1020 = vector.shape_cast %get3A_1019 : vector<1x16xf32> to vector<16xf32>
      %add3A_1021 = arith.addf %add3A_1012, %get3A_1020 : vector<16xf32>
      %mul3A_1022 = arith.constant 20 : i32
      %mul3A_1023 = arith.muli %scan3A_428, %mul3A_1022 : i32
      %add3A_1024 = arith.constant 5 : i32
      %add3A_1025 = arith.addi %mul3A_1023, %add3A_1024 : i32
      %get3A_1026 = arith.index_cast %add3A_1025 : i32 to index
      %get3A_1027 = arith.constant 48 : index
      %get3A_1028 = tpu.vector_load %arg6[%get3A_1026, %get3A_1027] {strides = array<i32>} : memref<640x64xf32, #tpu.memory_space<vmem>>, vector<1x16xf32>,
      %get3A_1029 = vector.shape_cast %get3A_1028 : vector<1x16xf32> to vector<16xf32>
      %add3A_1030 = arith.addf %add3A_1021, %get3A_1029 : vector<16xf32>
      %mul3A_1031 = arith.constant 20 : i32
      %mul3A_1032 = arith.muli %scan3A_428, %mul3A_1031 : i32
      %add3A_1033 = arith.constant 6 : i32
      %add3A_1034 = arith.addi %mul3A_1032, %add3A_1033 : i32
      %get3A_1035 = arith.index_cast %add3A_1034 : i32 to index
      %get3A_1036 = arith.constant 48 : index
      %get3A_1037 = tpu.vector_load %arg6[%get3A_1035, %get3A_1036] {strides = array<i32>} : memref<640x64xf32, #tpu.memory_space<vmem>>, vector<1x16xf32>,
      %get3A_1038 = vector.shape_cast %get3A_1037 : vector<1x16xf32> to vector<16xf32>
      %add3A_1039 = arith.addf %add3A_1030, %get3A_1038 : vector<16xf32>
      %mul3A_1040 = arith.constant 20 : i32
      %mul3A_1041 = arith.muli %scan3A_428, %mul3A_1040 : i32
      %add3A_1042 = arith.constant 7 : i32
      %add3A_1043 = arith.addi %mul3A_1041, %add3A_1042 : i32
      %get3A_1044 = arith.index_cast %add3A_1043 : i32 to index
      %get3A_1045 = arith.constant 48 : index
      %get3A_1046 = tpu.vector_load %arg6[%get3A_1044, %get3A_1045] {strides = array<i32>} : memref<640x64xf32, #tpu.memory_space<vmem>>, vector<1x16xf32>,
      %get3A_1047 = vector.shape_cast %get3A_1046 : vector<1x16xf32> to vector<16xf32>
      %add3A_1048 = arith.addf %add3A_1039, %get3A_1047 : vector<16xf32>
      %mul3A_1049 = arith.constant 20 : i32
      %mul3A_1050 = arith.muli %scan3A_428, %mul3A_1049 : i32
      %add3A_1051 = arith.constant 8 : i32
      %add3A_1052 = arith.addi %mul3A_1050, %add3A_1051 : i32
      %get3A_1053 = arith.index_cast %add3A_1052 : i32 to index
      %get3A_1054 = arith.constant 48 : index
      %get3A_1055 = tpu.vector_load %arg6[%get3A_1053, %get3A_1054] {strides = array<i32>} : memref<640x64xf32, #tpu.memory_space<vmem>>, vector<1x16xf32>,
      %get3A_1056 = vector.shape_cast %get3A_1055 : vector<1x16xf32> to vector<16xf32>
      %add3A_1057 = arith.addf %add3A_1048, %get3A_1056 : vector<16xf32>
      %mul3A_1058 = arith.constant 20 : i32
      %mul3A_1059 = arith.muli %scan3A_428, %mul3A_1058 : i32
      %add3A_1060 = arith.constant 9 : i32
      %add3A_1061 = arith.addi %mul3A_1059, %add3A_1060 : i32
      %get3A_1062 = arith.index_cast %add3A_1061 : i32 to index
      %get3A_1063 = arith.constant 48 : index
      %get3A_1064 = tpu.vector_load %arg6[%get3A_1062, %get3A_1063] {strides = array<i32>} : memref<640x64xf32, #tpu.memory_space<vmem>>, vector<1x16xf32>,
      %get3A_1065 = vector.shape_cast %get3A_1064 : vector<1x16xf32> to vector<16xf32>
      %add3A_1066 = arith.addf %add3A_1057, %get3A_1065 : vector<16xf32>
      %mul3A_1067 = arith.constant 20 : i32
      %mul3A_1068 = arith.muli %scan3A_428, %mul3A_1067 : i32
      %add3A_1069 = arith.constant 10 : i32
      %add3A_1070 = arith.addi %mul3A_1068, %add3A_1069 : i32
      %get3A_1071 = arith.index_cast %add3A_1070 : i32 to index
      %get3A_1072 = arith.constant 48 : index
      %get3A_1073 = tpu.vector_load %arg6[%get3A_1071, %get3A_1072] {strides = array<i32>} : memref<640x64xf32, #tpu.memory_space<vmem>>, vector<1x16xf32>,
      %get3A_1074 = vector.shape_cast %get3A_1073 : vector<1x16xf32> to vector<16xf32>
      %add3A_1075 = arith.addf %add3A_1066, %get3A_1074 : vector<16xf32>
      %mul3A_1076 = arith.constant 20 : i32
      %mul3A_1077 = arith.muli %scan3A_428, %mul3A_1076 : i32
      %add3A_1078 = arith.constant 11 : i32
      %add3A_1079 = arith.addi %mul3A_1077, %add3A_1078 : i32
      %get3A_1080 = arith.index_cast %add3A_1079 : i32 to index
      %get3A_1081 = arith.constant 48 : index
      %get3A_1082 = tpu.vector_load %arg6[%get3A_1080, %get3A_1081] {strides = array<i32>} : memref<640x64xf32, #tpu.memory_space<vmem>>, vector<1x16xf32>,
      %get3A_1083 = vector.shape_cast %get3A_1082 : vector<1x16xf32> to vector<16xf32>
      %add3A_1084 = arith.addf %add3A_1075, %get3A_1083 : vector<16xf32>
      %mul3A_1085 = arith.constant 20 : i32
      %mul3A_1086 = arith.muli %scan3A_428, %mul3A_1085 : i32
      %add3A_1087 = arith.constant 12 : i32
      %add3A_1088 = arith.addi %mul3A_1086, %add3A_1087 : i32
      %get3A_1089 = arith.index_cast %add3A_1088 : i32 to index
      %get3A_1090 = arith.constant 48 : index
      %get3A_1091 = tpu.vector_load %arg6[%get3A_1089, %get3A_1090] {strides = array<i32>} : memref<640x64xf32, #tpu.memory_space<vmem>>, vector<1x16xf32>,
      %get3A_1092 = vector.shape_cast %get3A_1091 : vector<1x16xf32> to vector<16xf32>
      %add3A_1093 = arith.addf %add3A_1084, %get3A_1092 : vector<16xf32>
      %mul3A_1094 = arith.constant 20 : i32
      %mul3A_1095 = arith.muli %scan3A_428, %mul3A_1094 : i32
      %add3A_1096 = arith.constant 13 : i32
      %add3A_1097 = arith.addi %mul3A_1095, %add3A_1096 : i32
      %get3A_1098 = arith.index_cast %add3A_1097 : i32 to index
      %get3A_1099 = arith.constant 48 : index
      %get3A_1100 = tpu.vector_load %arg6[%get3A_1098, %get3A_1099] {strides = array<i32>} : memref<640x64xf32, #tpu.memory_space<vmem>>, vector<1x16xf32>,
      %get3A_1101 = vector.shape_cast %get3A_1100 : vector<1x16xf32> to vector<16xf32>
      %add3A_1102 = arith.addf %add3A_1093, %get3A_1101 : vector<16xf32>
      %mul3A_1103 = arith.constant 20 : i32
      %mul3A_1104 = arith.muli %scan3A_428, %mul3A_1103 : i32
      %add3A_1105 = arith.constant 14 : i32
      %add3A_1106 = arith.addi %mul3A_1104, %add3A_1105 : i32
      %get3A_1107 = arith.index_cast %add3A_1106 : i32 to index
      %get3A_1108 = arith.constant 48 : index
      %get3A_1109 = tpu.vector_load %arg6[%get3A_1107, %get3A_1108] {strides = array<i32>} : memref<640x64xf32, #tpu.memory_space<vmem>>, vector<1x16xf32>,
      %get3A_1110 = vector.shape_cast %get3A_1109 : vector<1x16xf32> to vector<16xf32>
      %add3A_1111 = arith.addf %add3A_1102, %get3A_1110 : vector<16xf32>
      %mul3A_1112 = arith.constant 20 : i32
      %mul3A_1113 = arith.muli %scan3A_428, %mul3A_1112 : i32
      %add3A_1114 = arith.constant 15 : i32
      %add3A_1115 = arith.addi %mul3A_1113, %add3A_1114 : i32
      %get3A_1116 = arith.index_cast %add3A_1115 : i32 to index
      %get3A_1117 = arith.constant 48 : index
      %get3A_1118 = tpu.vector_load %arg6[%get3A_1116, %get3A_1117] {strides = array<i32>} : memref<640x64xf32, #tpu.memory_space<vmem>>, vector<1x16xf32>,
      %get3A_1119 = vector.shape_cast %get3A_1118 : vector<1x16xf32> to vector<16xf32>
      %add3A_1120 = arith.addf %add3A_1111, %get3A_1119 : vector<16xf32>
      %mul3A_1121 = arith.constant 20 : i32
      %mul3A_1122 = arith.muli %scan3A_428, %mul3A_1121 : i32
      %add3A_1123 = arith.constant 16 : i32
      %add3A_1124 = arith.addi %mul3A_1122, %add3A_1123 : i32
      %get3A_1125 = arith.index_cast %add3A_1124 : i32 to index
      %get3A_1126 = arith.constant 48 : index
      %get3A_1127 = tpu.vector_load %arg6[%get3A_1125, %get3A_1126] {strides = array<i32>} : memref<640x64xf32, #tpu.memory_space<vmem>>, vector<1x16xf32>,
      %get3A_1128 = vector.shape_cast %get3A_1127 : vector<1x16xf32> to vector<16xf32>
      %add3A_1129 = arith.addf %add3A_1120, %get3A_1128 : vector<16xf32>
      %mul3A_1130 = arith.constant 20 : i32
      %mul3A_1131 = arith.muli %scan3A_428, %mul3A_1130 : i32
      %add3A_1132 = arith.constant 17 : i32
      %add3A_1133 = arith.addi %mul3A_1131, %add3A_1132 : i32
      %get3A_1134 = arith.index_cast %add3A_1133 : i32 to index
      %get3A_1135 = arith.constant 48 : index
      %get3A_1136 = tpu.vector_load %arg6[%get3A_1134, %get3A_1135] {strides = array<i32>} : memref<640x64xf32, #tpu.memory_space<vmem>>, vector<1x16xf32>,
      %get3A_1137 = vector.shape_cast %get3A_1136 : vector<1x16xf32> to vector<16xf32>
      %add3A_1138 = arith.addf %add3A_1129, %get3A_1137 : vector<16xf32>
      %mul3A_1139 = arith.constant 20 : i32
      %mul3A_1140 = arith.muli %scan3A_428, %mul3A_1139 : i32
      %add3A_1141 = arith.constant 18 : i32
      %add3A_1142 = arith.addi %mul3A_1140, %add3A_1141 : i32
      %get3A_1143 = arith.index_cast %add3A_1142 : i32 to index
      %get3A_1144 = arith.constant 48 : index
      %get3A_1145 = tpu.vector_load %arg6[%get3A_1143, %get3A_1144] {strides = array<i32>} : memref<640x64xf32, #tpu.memory_space<vmem>>, vector<1x16xf32>,
      %get3A_1146 = vector.shape_cast %get3A_1145 : vector<1x16xf32> to vector<16xf32>
      %add3A_1147 = arith.addf %add3A_1138, %get3A_1146 : vector<16xf32>
      %mul3A_1148 = arith.constant 20 : i32
      %mul3A_1149 = arith.muli %scan3A_428, %mul3A_1148 : i32
      %add3A_1150 = arith.constant 19 : i32
      %add3A_1151 = arith.addi %mul3A_1149, %add3A_1150 : i32
      %get3A_1152 = arith.index_cast %add3A_1151 : i32 to index
      %get3A_1153 = arith.constant 48 : index
      %get3A_1154 = tpu.vector_load %arg6[%get3A_1152, %get3A_1153] {strides = array<i32>} : memref<640x64xf32, #tpu.memory_space<vmem>>, vector<1x16xf32>,
      %get3A_1155 = vector.shape_cast %get3A_1154 : vector<1x16xf32> to vector<16xf32>
      %add3A_1156 = arith.addf %add3A_1147, %get3A_1155 : vector<16xf32>
      %add3A_1157 = arith.constant 96 : i32
      %add3A_1158 = arith.addi %add3A_1157, %scan3A_428 : i32
      %swap3A_1159 = arith.index_cast %add3A_1158 : i32 to index
      %swap3A_1160 = arith.constant 48 : index
      %swap3A_1161 = tpu.vector_load %arg7[%swap3A_1159, %swap3A_1160] {strides = array<i32>} : memref<128x64xf32, #tpu.memory_space<vmem>>, vector<1x16xf32>,
      %swap3A_1162 = vector.shape_cast %swap3A_1161 : vector<1x16xf32> to vector<16xf32>
      %swap3A_1163 = vector.shape_cast %add3A_1156 : vector<16xf32> to vector<1x16xf32>
      tpu.vector_store %arg7[%swap3A_1159, %swap3A_1160], %swap3A_1163 {strides = array<i32>} : memref<128x64xf32, #tpu.memory_space<vmem>>, vector<1x16xf32>,
      %scan3A_1164 = arith.constant 0 : i32
      scf.yield %scan3A_1164 : i32
    }
    %scan3A_425 = arith.constant 32 : i32
    %mul3A_426 = arith.constant 128 : i32
    %mul3A_427 = arith.muli %add3A, %mul3A_426 : i32
    "tpu.region"() ({
      %run_scoped3A = tpu.sem_alloc : memref<!tpu.dma_semaphore, #tpu.memory_space<semaphore_mem>>
      %dma_start3A_428 = arith.constant 0 : i32
      %dma_start3A_429 = tpu.memref_slice %arg4[%mul3A_427, %dma_start3A_428] : memref<4096x64xf32, #tpu.memory_space<hbm>> -> memref<128x64xf32, #tpu.memory_space<hbm>>
      %dma_start3A_430 = arith.constant 0 : i32
      %dma_start3A_431 = tpu.memref_slice %arg4[%mul3A_427, %dma_start3A_430] : memref<4096x64xf32, #tpu.memory_space<hbm>> -> memref<128x64xf32, #tpu.memory_space<hbm>>
      tpu.enqueue_dma source(%arg7 : memref<128x64xf32, #tpu.memory_space<vmem>>) target(%dma_start3A_431 : memref<128x64xf32, #tpu.memory_space<hbm>>) target_semaphore(%run_scoped3A : memref<!tpu.dma_semaphore, #tpu.memory_space<semaphore_mem>>)
      %dma_wait3A_432 = arith.constant 0 : i32
      %dma_wait3A_433 = tpu.memref_slice %arg4[%mul3A_427, %dma_wait3A_432] : memref<4096x64xf32, #tpu.memory_space<hbm>> -> memref<128x64xf32, #tpu.memory_space<hbm>>
      %dma_wait3A_434 = arith.constant 0 : i32
      %dma_wait3A_435 = tpu.memref_slice %arg4[%mul3A_427, %dma_wait3A_434] : memref<4096x64xf32, #tpu.memory_space<hbm>> -> memref<128x64xf32, #tpu.memory_space<hbm>>
      tpu.wait_dma2 semaphore(%run_scoped3A : memref<!tpu.dma_semaphore, #tpu.memory_space<semaphore_mem>>) src(%arg7 : memref<128x64xf32, #tpu.memory_space<vmem>>) dst(%dma_wait3A_435 : memref<128x64xf32, #tpu.memory_space<hbm>>)
      tpu.yield
    }) : () -> ()
    return
  }
}

module attributes {stable_mosaic.version = 14 : i64} {
  func.func @body(%arg0: i32, %arg1: memref<32x64xf32, #tpu.memory_space<vmem>>, %arg2: memref<64x100000xf32, #tpu.memory_space<vmem>>, %arg3: memref<32x100000xf32, #tpu.memory_space<vmem>>) attributes {dimension_semantics = [#tpu.dimension_semantics<parallel>], iteration_bounds = array<i64: 128>, scalar_prefetch = 0 : i64, scratch_operands = 0 : i64, tpu.core_type = #tpu.core_type<tc>, window_params = [{transform_indices = @transform_0, window_bounds = array<i64: 32, 64>}, {pipeline_mode = #tpu.pipeline_mode<synchronous>, transform_indices = @transform_1, window_bounds = array<i64: 64, 100000>}, {transform_indices = @transform_2, window_bounds = array<i64: 32, 100000>}]} {
    %get3A = arith.constant 0 : index
    %get3A_0 = arith.constant 0 : index
    %get3A_1 = vector.load %arg1[%get3A, %get3A_0] : memref<32x64xf32, #tpu.memory_space<vmem>>, vector<32x64xf32>
    %get3A_2 = arith.constant 0 : index
    %get3A_3 = arith.constant 0 : index
    %get3A_4 = vector.load %arg2[%get3A_2, %get3A_3] : memref<64x100000xf32, #tpu.memory_space<vmem>>, vector<64x100000xf32>
    %dot_general3A = arith.constant dense<0.000000e+00> : vector<32x100000xf32>
    %dot_general3A_5 = tpu.matmul %get3A_1, %get3A_4, %dot_general3A {dimension_numbers = #tpu.dot_dimension_numbers<[1], [0], [0], [1], [0, 0, 1, 1], [], []>, transpose_lhs_hint = false} : vector<32x64xf32>, vector<64x100000xf32>, vector<32x100000xf32> -> vector<32x100000xf32>
    %swap3A = arith.constant 0 : index
    %swap3A_6 = arith.constant 0 : index
    %swap3A_7 = vector.load %arg3[%swap3A, %swap3A_6] : memref<32x100000xf32, #tpu.memory_space<vmem>>, vector<32x100000xf32>
    tpu.vector_store %arg3[%swap3A, %swap3A_6], %dot_general3A_5 {strides = array<i32>} : memref<32x100000xf32, #tpu.memory_space<vmem>>, vector<32x100000xf32>,
    return
  }
  func.func @transform_0(%arg0: i32) -> (i32, i32) {
    %c0_i32 = arith.constant 0 : i32
    %c0_i32_0 = arith.constant 0 : i32
    return %arg0, %c0_i32 : i32, i32
  }
  func.func @transform_1(%arg0: i32) -> (i32, i32) {
    %c0_i32 = arith.constant 0 : i32
    %c0_i32_0 = arith.constant 0 : i32
    %c0_i32_1 = arith.constant 0 : i32
    return %c0_i32, %c0_i32_0 : i32, i32
  }
  func.func @transform_2(%arg0: i32) -> (i32, i32) {
    %c0_i32 = arith.constant 0 : i32
    %c0_i32_0 = arith.constant 0 : i32
    return %arg0, %c0_i32 : i32, i32
  }
}

</mosaic_0001>

<sc_bundles>
// kernel: kernel.4.cloned.1.call-start
scs
__scs_entry_jumppad:
0x0: {  	(pc) =	sbr.rel $0x88, $3  }
0x1: {  	(tag) =	ssettag $0x0;
	lr =	simm.s32 $0x1  }
0x2: {  	[smem:$0x3F9E] =	sst lr;
	_ =	strace $0xD0000000  }
0x3: {  	_ = 	snop  }
0x4: {  	_ = 	snop  }
0x5: {  	_ = 	snop  }
0x6: {  	_ = 	snop  }
0x7: {  	_ = 	snop  }
__scs_overlays_trampoline_lowered:
0x8: {  	[smem:$0x3FAD] =	sst s0  }
0x9: {  	[smem:$0x3FAE] =	sst s1  }
0xa: {  	[smem:$0x3FAF] =	sst s2  }
0xb: {  	[smem:$0x3FB0] =	sst s3  }
0xc: {  	[smem:$0x3FB1] =	sst s4  }
0xd: {  	[smem:$0x3FB2] =	sst s5  }
0xe: {  	[smem:$0x3FB3] =	sst s6  }
0xf: {  	[smem:$0x3FB4] =	sst s7  }
0x10: {  	[smem:$0x3FB5] =	sst s8  }
0x11: {  	[smem:$0x3FB6] =	sst s9;
	s0 =	simm.s32 @!p0 $0x0  }
0x12: {  	s1 =	sld [smem:$0x3F9C];
	s0 =	simm.s32 @p0 $0x1  }
0x13: {  	[smem:$0x3FB7] =	sst s0;
	s0 =	simm.s32 @!p1 $0x0  }
0x14: {  	s2 =	sld [smem:$0x3F9B];
	s0 =	simm.s32 @p1 $0x1  }
0x15: {  	[smem:$0x3FB8] =	sst s0;
	s0 =	simm.s32 @!p2 $0x0  }
0x16: {  	s3 =	sld [smem:$0x3FDB];
	s0 =	simm.s32 @p2 $0x1  }
0x17: {  	s4 =	simm.s32 $0x1BF5;
	[smem:$0x3FBA] =	sst s0  }
0x18: {  	s0 =	sld [smem:$0x3F9D];
	_ =	swait.ge [sflag:s4], $0x0  }
0x19: {  	s7 =	sld [smem:$0x3F9E]  }
0x1a: {  	s8 =	sadd.s32 $0xFFFFE003, lr  }
0x1b: {  	s9 =	sadd.s32 $0xFFFFFEF7, lr;
	s5 =	simm.s32 $0xFFFFFFFF;
	p2 =	slt.u32 s8, $0xFFFFF086  }
0x1c: {  	p1 =	slt.u32 s9, $0xF7A;
	s5 =	simm.s32 @!p2 $0x0  }
0x1d: {  	s5 =	simm.s32 @p1 $0x1;
	p0 =	seq.s32 s7, s2  }
0x1e: {  	s7 =	smul.u32 @!p0 $0xF7A, s2;
	p2 =	seq.s32 @!p0 s5, $0x0  }
0x1f: {  	s9 =	smul.u32 $0xF7A, s1;
	s8 =	simm.s32 @!p0 $0x1BF5;
	p2 =	por !p2, p0  }
0x20: {  	[sflag:s8] =	ssyncset.s32 @!p0 $0xFFFFF086;
	s6 =	sadd.s32 @!p0 s3, s7;
	s7 =	simm.s32 @!p0 $0x108  }
0x21: {  	s3 =	sadd.s32 s3, s9;
	s6 =	sadd.s32 @!p0 $0x88, s6;
	s7 =	simm.s32 @p2 $0x1082  }
0x22: {  	[simem:s7], [sflag:s8] =	dma.local @!p0 [hbm:s6], $0xF7A  }
0x23: {  	s9 =	sor.u32 $0xD0000000, s2;
	s6 =	simm.s32 $0x108;
	_ =	swait.ge @!p0 [sflag:s8], $0x0  }
0x24: {  	s3 =	sadd.s32 $0x88, s3;
	s6 =	simm.s32 @!p1 $0x1082;
	[sflag:s4] =	ssyncset.s32 $0xFFFFF086  }
0x25: {  	[simem:s6], [sflag:s4] =	dma.local [hbm:s3], $0xF7A  }
0x26: {  	[smem:$0x3F9E] =	sst s1;
	(tag) =	ssettag s2;
	_ =	strace s9  }
0x27: {  	s1 =	sld [smem:$0x3FAE]  }
0x28: {  	s2 =	sld [smem:$0x3FAF]  }
0x29: {  	s4 =	sld [smem:$0x3FB1]  }
0x2a: {  	p0 =	seq.s32 s5, $0x0;
	s5 =	sld [smem:$0x3FB2]  }
0x2b: {  	s6 =	sld [smem:$0x3FB3]  }
0x2c: {  	s7 =	sld [smem:$0x3FB4]  }
0x2d: {  	s3 =	simm.s32 $0x108;
	s8 =	sld [smem:$0x3FB5]  }
0x2e: {  	s3 =	simm.s32 @!p0 $0x1082;
	s9 =	sld [smem:$0x3FB6]  }
0x2f: {  	lr =	sadd.s32 s0, s3;
	s0 =	sld [smem:$0x3FAD]  }
0x30: {  	s3 =	sld [smem:$0x3FB0]  }
0x31: {  	[smem:$0x3FB9] =	sst s10  }
0x32: {  	s10 =	sld [smem:$0x3FB7];
	_ =	sdelay $0x3  }
0x33: {  	p0 =	seq.s32 s10, $0x1;
	s10 =	sld [smem:$0x3FB9];
	_ =	sdelay $0x3  }
0x34: {  	[smem:$0x3FB9] =	sst s10  }
0x35: {  	s10 =	sld [smem:$0x3FB8];
	_ =	sdelay $0x3  }
0x36: {  	p1 =	seq.s32 s10, $0x1;
	s10 =	sld [smem:$0x3FB9];
	_ =	sdelay $0x3  }
0x37: {  	[smem:$0x3FB9] =	sst s10  }
0x38: {  	s10 =	sld [smem:$0x3FBA]  }
0x39: {  	_ = 	snop;
	(pc) =	sbr.ind lr, $3  }
0x3a: {  	_ = 	snop  }
0x3b: {  	_ = 	snop  }
0x3c: {  	p2 =	seq.s32 s10, $0x1;
	s10 =	sld [smem:$0x3FB9]  }
0x3d: {  	_ =	shalt  }
0x3e: {  	_ =	shalt  }
0x3f: {  	_ =	shalt  }
0x40: {  	_ =	shalt  }
0x41: {  	_ =	shalt  }
0x42: {  	_ =	shalt  }
0x43: {  	_ =	shalt  }
0x44: {  	_ =	shalt  }
0x45: {  	_ =	shalt  }
0x46: {  	_ =	shalt  }
0x47: {  	_ =	shalt  }
0x48: {  	_ =	shalt  }
0x49: {  	_ =	shalt  }
0x4a: {  	_ =	shalt  }
0x4b: {  	_ =	shalt  }
0x4c: {  	_ =	shalt  }
0x4d: {  	_ =	shalt  }
0x4e: {  	_ =	shalt  }
0x4f: {  	_ =	shalt  }
0x50: {  	_ =	shalt  }
0x51: {  	_ =	shalt  }
0x52: {  	_ =	shalt  }
0x53: {  	_ =	shalt  }
0x54: {  	_ =	shalt  }
0x55: {  	_ =	shalt  }
0x56: {  	_ =	shalt  }
0x57: {  	_ =	shalt  }
0x58: {  	_ =	shalt  }
0x59: {  	_ =	shalt  }
0x5a: {  	_ =	shalt  }
0x5b: {  	_ =	shalt  }
0x5c: {  	_ =	shalt  }
0x5d: {  	_ =	shalt  }
0x5e: {  	_ =	shalt  }
0x5f: {  	_ =	shalt  }
0x60: {  	_ =	shalt  }
0x61: {  	_ =	shalt  }
0x62: {  	_ =	shalt  }
0x63: {  	_ =	shalt  }
0x64: {  	_ =	shalt  }
0x65: {  	_ =	shalt  }
0x66: {  	_ =	shalt  }
0x67: {  	_ =	shalt  }
0x68: {  	_ =	shalt  }
0x69: {  	_ =	shalt  }
0x6a: {  	_ =	shalt  }
0x6b: {  	_ =	shalt  }
0x6c: {  	_ =	shalt  }
0x6d: {  	_ =	shalt  }
0x6e: {  	_ =	shalt  }
0x6f: {  	_ =	shalt  }
0x70: {  	_ =	shalt  }
0x71: {  	_ =	shalt  }
0x72: {  	_ =	shalt  }
0x73: {  	_ =	shalt  }
0x74: {  	_ =	shalt  }
0x75: {  	_ =	shalt  }
0x76: {  	_ =	shalt  }
0x77: {  	_ =	shalt  }
0x78: {  	_ =	shalt  }
0x79: {  	_ =	shalt  }
0x7a: {  	_ =	shalt  }
0x7b: {  	_ =	shalt  }
0x7c: {  	_ =	shalt  }
0x7d: {  	_ =	shalt  }
0x7e: {  	_ =	shalt  }
0x7f: {  	_ =	shalt  }
0x80: {  	_ =	shalt  }
0x81: {  	_ =	shalt  }
0x82: {  	_ =	shalt  }
0x83: {  	_ =	shalt  }
0x84: {  	_ =	shalt  }
0x85: {  	_ =	shalt  }
0x86: {  	_ =	shalt  }
0x87: {  	_ =	shalt  }
.Lfunc_end0:
.L_simem_size_0:
called_computation_lowered:
.L_overlay_start_0:
0x88: {  	s2 =	sld [smem:$0x3FD9]  }
0x89: {  	s3 =	sld [smem:$0x3FFE];
	_ =	sdelay $0x1  }
0x8a: {  	s1 =	srdreg.scid  }
0x8b: {  	s0 =	sand.u32 $0x1, s1  }
0x8c: {  	s16 =	sshll.u32 s0, $0xA;
	s2 =	sadd.s32 s3, s2  }
0x8d: {  	s2 =	sadd.s32 s2, s16  }
0x8e: {  	[smem:$0x3FC5] =	sst s2  }
0x8f: {  	_ = 	snop  }
0x90: {  	(tm) =	ssettm $0x1  }
0x91: {  	s17 =	sld [smem:$0x3FFB];
	_ =	sdelay $0x3  }
0x92: {  	_ =	strace s17  }
0x93: {  	s2 =	sld [smem:$0x3FFC];
	_ =	sdelay $0x3  }
0x94: {  	_ =	strace s2  }
0x95: {  	s2 =	sld [smem:$0x3FFD];
	_ =	sdelay $0x3  }
0x96: {  	_ =	strace s2  }
0x97: {  	_ =	strace $0x8FFFFFFF  }
0x98: {  	s18 =	sld [smem:$0x3FDB];
	_ =	sdelay $0x1  }
0x99: {  	s19 =	simm.s32 $_scs_section_size  }
0x9a: {  	s4 =	simm.s32 $_size__tile_overlayer_lowered;
	s5 =	simm.s32 $_tile_overlayer_lowered  }
0x9b: {  	s22 =	simm.s32 $0x1BFF;
	s21 =	sshll.u32 s5, $0x1;
	s2 =	sadd.s32 s19, s18  }
0x9c: {  	s6 =	simm.s32 $0x0;
	s20 =	sshll.u32 s4, $0x1;
	s4 =	sadd.s32 s21, s2  }
0x9d: {  	[timem:s6], [sflag:s22] =	dma.local [hbm:s4], s20  }
0x9e: {  	_ =	swait.ge [sflag:s22], s20  }
0x9f: {  	s3 =	ssub.s32 $0x0, s20;
	[sflag:s22] =	ssyncset.done $0x0  }
0xa0: {  	[sflag:s22] =	ssyncadd.s32 s3;
	_ =	sdelay $0x1  }
0xa1: {  	s23 =	simm.s32 $0x1B8B  }
0xa2: {  	_ =	swait.ge [sflag:s23], $0x1  }
0xa3: {  	[sflag:s23] =	ssyncset.done $0x0  }
0xa4: {  	s25 =	simm.s32 $0x1B8E;
	s24 =	sld [smem:$0x3FFE];
	[sflag:s23] =	ssyncadd.s32 $0xFFFFFFFF  }
0xa5: {  	s26 =	simm.s32 $execute0_lowered;
	[smem:$0x3FD2] =	sst s25  }
0xa6: {  	s4 =	sshll.u32 s26, $0x1;
	_ =	strace $0x80000046;
	[dreg:$0x1] =	wrdreg $0xFFFFFFFF  }
0xa7: {  	s28 =	simm.s32 $_size_execute0_lowered;
	s2 =	sadd.s32 s2, s4;
	[dreg:$0x0] =	wrdreg $0x0  }
0xa8: {  	s4 =	sshll.u32 s28, $0x1;
	[dreg:$0x2] =	wrdreg s2  }
0xa9: {  	[dreg:$0x3] =	wrdreg s4  }
0xaa: {  	[dreg:$0x4] =	wrdreg $0xC0  }
0xab: {  	_ =	task [dreg:s6], $0x5FFFF  }
0xac: {  	[dreg:$0x1] =	wrdreg $0xFFFFFFFF  }
0xad: {  	[dreg:$0x0] =	wrdreg $0x60  }
0xae: {  	[dreg:$0x2] =	wrdreg s24  }
0xaf: {  	[dreg:$0x3] =	wrdreg $0x9  }
0xb0: {  	_ =	task.clear_ibuf [dreg:s6], $0x4FFFF;
	_ =	strace $0x90000046  }
0xb1: {  	s29 =	simm.s32 $0x9;
	_ =	strace $0x80000048  }
0xb2: {  	_ =	swait.ge [sflag:s29], $0x1  }
0xb3: {  	[sflag:s29] =	ssyncadd.s32 $0xFFFFFFFF  }
0xb4: {  	_ =	strace $0x90000048  }
0xb5: {  	_ =	sfence  }
0xb6: {  	s30 =	sld [smem:$0x0];
	_ =	sdelay $0x2  }
0xb7: {  	s31 =	sshll.u32 s1, $0xD;
	s1 =	sshrl.u32 s1, $0x2  }
0xb8: {  	s3 =	sand.u32 $0x4000, s31;
	s1 =	sadd.s32 s1, s30  }
0xb9: {  	s0 =	sor.u32 s3, s0;
	s1 =	sshll.u32 s1, $0x11  }
0xba: {  	s0 =	sor.u32 s1, s0  }
0xbb: {  	s0 =	sadd.s32 $0x8F2B, s0  }
0xbc: {  	[sflag:s0] =	ssyncadd.remote.s32 $0x1  }
0xbd: {  	_ =	sfence.sel $0xFFFF  }
0xbe: {  	[dreg:$0x0] =	wrdreg $0xFFFFFFFF;
	(pc) =	sbr.abs _section_cstart, $3  }
0xbf: {  	[dreg:$0x1] =	wrdreg $0xFFFFFFFF  }
0xc0: {  	_ =	task.clear_ibuf [dreg:s6], $0x2FFFF;
	_ =	strace $0x9FFFFFFF  }
0xc1: {  	(tm) =	ssettm $0x7FFFFFFF  }
tec
execute0_lowered:
.L_overlay_start_1:
0x0: {  	(tag) =	ssettag $0x1  }
0x1: {  	s0 =	srdreg.scid  }
0x2: {  	s1 =	stileid.u32;
	s4 =	rddreg [dreg:$0x0]  }
0x3: {  	s2 =	simm.s32 $0x0;
	s7 =	simm.s32 $0x2;
	s8 =	simm.s32 $0x80  }
0x4: {  	s9 =	simm.s32 $0xA00;
	s10 =	simm.s32 $0x2A00;
	s12 =	simm.s32 $0x4A00  }
0x5: {  	s14 =	simm.s32 $0x6A00;
	s16 =	simm.s32 $0x8A00;
	s17 =	simm.s32 $0x1  }
0x6: {  	s21 =	simm.s32 $0x400;
	s22 =	simm.s32 $0x480;
	s23 =	simm.s32 $0x500  }
0x7: {  	s24 =	simm.s32 $0x580;
	s25 =	simm.s32 $0x600;
	s26 =	simm.s32 $0x680  }
0x8: {  	s28 =	simm.s32 $0x700;
	s29 =	simm.s32 $0x780;
	s30 =	simm.s32 $0x800  }
0x9: {  	s31 =	simm.s32 $0x880;
	s0 =	sand.u32 $0x1, s0;
	s1 =	sshll.u32 s1, $0x1  }
0xa: {  	s11 =	simm.s32 $0xAA00;
	s13 =	simm.s32 $0x0;
	s1 =	sor.u32 s0, s1  }
0xb: {  	[smem:$0x7FF] =	sst s2;
	s0 =	ssub.s32 $0x2, s0;
	s3 =	smul.u32 $0x140, s1  }
0xc: {  	_ =	strace $0x80000047;
	s1 =	sshll.u32 s1, $0xA;
	s6 =	sshrl.u32 s0, $0x1  }
0xd: {  	s1 =	sadd.s32 s1, s4;
	s0 =	ssub.s32 s0, s6;
	s5 =	sadd.s32 s3, s4  }
0xe: {  	s3 =	sadd.s32 $0x2C00, s4;
	s6 =	smax.u32 s0, $0x1;
	s0 =	simm.s32 $0x980  }
0xf: {  	s4 =	sadd.s32 $0x400, s5;
	s5 =	sadd.s32 $0xC6200, s1;
	s1 =	simm.s32 $0x900  }
.LBB2_1:
0x10: {  	[tilespmem:s2], [sflag:$0x2] =	stream.linear.gather [hbm4b:s4+s2], $0xA00, $0x38;
	[tilespmem:$0xCA00] =	vst v63  }
0x11: {  	_ =	swait.ge [sflag:s7], $0xA00  }
0x12: {  	[sflag:s7] =	ssyncset.done $0x0  }
0x13: {  	[sflag:s7] =	ssyncadd.s32 $0xFFFFF600  }
0x14: {  	[tilespmem:s9], [sflag:$0x1] =	stream.indirect.gather [hbm4b:s3+s8], $0x40, s2, s8, $0xb8;
	[tilespmem:$0xCA00] =	vst v63  }
0x15: {  	_ = 	snop  }
0x16: {  	[tilespmem:s10], [sflag:$0x1] =	stream.indirect.gather [hbm4b:s3+s8], $0x40, s8, s8, $0xb8;
	[tilespmem:$0xCA00] =	vst v63  }
0x17: {  	s15 =	simm.s32 $0x100  }
0x18: {  	[tilespmem:s12], [sflag:$0x1] =	stream.indirect.gather [hbm4b:s3+s8], $0x40, s15, s8, $0xb8;
	[tilespmem:$0xCA00] =	vst v63  }
0x19: {  	s19 =	simm.s32 $0x180  }
0x1a: {  	[tilespmem:s14], [sflag:$0x1] =	stream.indirect.gather [hbm4b:s3+s8], $0x40, s19, s8, $0xb8;
	[tilespmem:$0xCA00] =	vst v63  }
0x1b: {  	s20 =	simm.s32 $0x200  }
0x1c: {  	[tilespmem:s16], [sflag:$0x1] =	stream.indirect.gather [hbm4b:s3+s8], $0x40, s20, s8, $0xb8;
	[tilespmem:$0xCA00] =	vst v63  }
0x1d: {  	_ =	swait.ge [sflag:s17], $0x2000  }
0x1e: {  	[sflag:s17] =	ssyncset.done $0x0  }
0x1f: {  	[sflag:s17] =	ssyncadd.s32 $0xFFFFE000  }
0x20: {  	_ =	swait.ge [sflag:s17], $0x2000  }
0x21: {  	[sflag:s17] =	ssyncset.done $0x0  }
0x22: {  	[sflag:s17] =	ssyncadd.s32 $0xFFFFE000  }
0x23: {  	_ =	swait.ge [sflag:s17], $0x2000  }
0x24: {  	[sflag:s17] =	ssyncset.done $0x0  }
0x25: {  	[sflag:s17] =	ssyncadd.s32 $0xFFFFE000  }
0x26: {  	_ =	swait.ge [sflag:s17], $0x2000  }
0x27: {  	[sflag:s17] =	ssyncset.done $0x0  }
0x28: {  	[sflag:s17] =	ssyncadd.s32 $0xFFFFE000  }
0x29: {  	_ =	swait.ge [sflag:s17], $0x2000  }
0x2a: {  	[sflag:s17] =	ssyncset.done $0x0  }
0x2b: {  	s15 =	simm.s32 $0xC80;
	[sflag:s17] =	ssyncadd.s32 $0xFFFFE000  }
0x2c: {  	v0 =	vld [tilespmem:s15+$0xFFFFFDC0]  }
0x2d: {  	v1 =	vld [tilespmem:s15+$0xFFFFFD80];
	_ =	sdelay $0x1  }
0x2e: {  	v2 =	vld [tilespmem:s15+$0xFFFFFE00];
	_ =	sdelay $0x1  }
0x2f: {  	v3 =	vld [tilespmem:s15+$0xFFFFFE40]  }
0x30: {  	v0 =	vadd.f32 v0, v1  }
0x31: {  	v1 =	vld [tilespmem:s15+$0xFFFFFE80]  }
0x32: {  	v0 =	vadd.f32 v2, v0  }
0x33: {  	v2 =	vld [tilespmem:s15+$0xFFFFFEC0]  }
0x34: {  	v0 =	vadd.f32 v3, v0  }
0x35: {  	v3 =	vld [tilespmem:s15+$0xFFFFFF00]  }
0x36: {  	v0 =	vadd.f32 v1, v0  }
0x37: {  	v1 =	vld [tilespmem:s15+$0xFFFFFF40]  }
0x38: {  	v0 =	vadd.f32 v2, v0  }
0x39: {  	v2 =	vld [tilespmem:s15+$0xFFFFFF80]  }
0x3a: {  	v0 =	vadd.f32 v3, v0  }
0x3b: {  	v3 =	vld [tilespmem:s15+$0xFFFFFFC0]  }
0x3c: {  	v0 =	vadd.f32 v1, v0  }
0x3d: {  	v1 =	vld [tilespmem:s15+$0x0]  }
0x3e: {  	v0 =	vadd.f32 v2, v0  }
0x3f: {  	v2 =	vld [tilespmem:s15+$0x40]  }
0x40: {  	v0 =	vadd.f32 v3, v0  }
0x41: {  	v3 =	vld [tilespmem:s15+$0x80]  }
0x42: {  	v0 =	vadd.f32 v1, v0  }
0x43: {  	v1 =	vld [tilespmem:s15+$0xC0]  }
0x44: {  	v0 =	vadd.f32 v2, v0  }
0x45: {  	v2 =	vld [tilespmem:s15+$0x100]  }
0x46: {  	v0 =	vadd.f32 v3, v0  }
0x47: {  	v3 =	vld [tilespmem:s15+$0x140]  }
0x48: {  	v0 =	vadd.f32 v1, v0  }
0x49: {  	v1 =	vld [tilespmem:s15+$0x180]  }
0x4a: {  	v0 =	vadd.f32 v2, v0  }
0x4b: {  	v2 =	vld [tilespmem:s15+$0x1C0]  }
0x4c: {  	v0 =	vadd.f32 v3, v0  }
0x4d: {  	v3 =	vld [tilespmem:s15+$0x200]  }
0x4e: {  	v0 =	vadd.f32 v1, v0  }
0x4f: {  	v1 =	vld [tilespmem:s15+$0x240]  }
0x50: {  	v0 =	vadd.f32 v2, v0;
	_ =	sdelay $0x1  }
0x51: {  	v0 =	vadd.f32 v3, v0;
	_ =	sdelay $0x1  }
0x52: {  	v0 =	vadd.f32 v1, v0  }
0x53: {  	s18 =	simm.s32 $0x0  }
0x54: {  	[tilespmem:s18+$0xAA00] =	vst v0  }
0x55: {  	v0 =	vld [tilespmem:s15+$0xFFFFFD90]  }
0x56: {  	v1 =	vld [tilespmem:s15+$0xFFFFFDD0];
	_ =	sdelay $0x1  }
0x57: {  	v2 =	vld [tilespmem:s15+$0xFFFFFE10];
	_ =	sdelay $0x1  }
0x58: {  	v3 =	vld [tilespmem:s15+$0xFFFFFE50]  }
0x59: {  	v0 =	vadd.f32 v1, v0  }
0x5a: {  	v1 =	vld [tilespmem:s15+$0xFFFFFE90]  }
0x5b: {  	v0 =	vadd.f32 v2, v0  }
0x5c: {  	v2 =	vld [tilespmem:s15+$0xFFFFFED0]  }
0x5d: {  	v0 =	vadd.f32 v3, v0  }
0x5e: {  	v3 =	vld [tilespmem:s15+$0xFFFFFF10]  }
0x5f: {  	v0 =	vadd.f32 v1, v0  }
0x60: {  	v1 =	vld [tilespmem:s15+$0xFFFFFF50]  }
0x61: {  	v0 =	vadd.f32 v2, v0  }
0x62: {  	v2 =	vld [tilespmem:s15+$0xFFFFFF90]  }
0x63: {  	v0 =	vadd.f32 v3, v0  }
0x64: {  	v3 =	vld [tilespmem:s15+$0xFFFFFFD0]  }
0x65: {  	v0 =	vadd.f32 v1, v0  }
0x66: {  	v1 =	vld [tilespmem:s15+$0x10]  }
0x67: {  	v0 =	vadd.f32 v2, v0  }
0x68: {  	v2 =	vld [tilespmem:s15+$0x50]  }
0x69: {  	v0 =	vadd.f32 v3, v0  }
0x6a: {  	v3 =	vld [tilespmem:s15+$0x90]  }
0x6b: {  	v0 =	vadd.f32 v1, v0  }
0x6c: {  	v1 =	vld [tilespmem:s15+$0xD0]  }
0x6d: {  	v0 =	vadd.f32 v2, v0  }
0x6e: {  	v2 =	vld [tilespmem:s15+$0x110]  }
0x6f: {  	v0 =	vadd.f32 v3, v0  }
0x70: {  	v3 =	vld [tilespmem:s15+$0x150]  }
0x71: {  	v0 =	vadd.f32 v1, v0  }
0x72: {  	v1 =	vld [tilespmem:s15+$0x190]  }
0x73: {  	v0 =	vadd.f32 v2, v0  }
0x74: {  	v2 =	vld [tilespmem:s15+$0x1D0]  }
0x75: {  	v0 =	vadd.f32 v3, v0  }
0x76: {  	v3 =	vld [tilespmem:s15+$0x210]  }
0x77: {  	v0 =	vadd.f32 v1, v0  }
0x78: {  	v1 =	vld [tilespmem:s15+$0x250]  }
0x79: {  	v0 =	vadd.f32 v2, v0;
	_ =	sdelay $0x1  }
0x7a: {  	v0 =	vadd.f32 v3, v0;
	_ =	sdelay $0x1  }
0x7b: {  	v0 =	vadd.f32 v1, v0;
	_ =	sdelay $0x1  }
0x7c: {  	[tilespmem:s18+$0xAA10] =	vst v0  }
0x7d: {  	v0 =	vld [tilespmem:s15+$0xFFFFFDA0]  }
0x7e: {  	v1 =	vld [tilespmem:s15+$0xFFFFFDE0];
	_ =	sdelay $0x1  }
0x7f: {  	v2 =	vld [tilespmem:s15+$0xFFFFFE20];
	_ =	sdelay $0x1  }
0x80: {  	v3 =	vld [tilespmem:s15+$0xFFFFFE60]  }
0x81: {  	v0 =	vadd.f32 v1, v0  }
0x82: {  	v1 =	vld [tilespmem:s15+$0xFFFFFEA0]  }
0x83: {  	v0 =	vadd.f32 v2, v0  }
0x84: {  	v2 =	vld [tilespmem:s15+$0xFFFFFEE0]  }
0x85: {  	v0 =	vadd.f32 v3, v0  }
0x86: {  	v3 =	vld [tilespmem:s15+$0xFFFFFF20]  }
0x87: {  	v0 =	vadd.f32 v1, v0  }
0x88: {  	v1 =	vld [tilespmem:s15+$0xFFFFFF60]  }
0x89: {  	v0 =	vadd.f32 v2, v0  }
0x8a: {  	v2 =	vld [tilespmem:s15+$0xFFFFFFA0]  }
0x8b: {  	v0 =	vadd.f32 v3, v0  }
0x8c: {  	v3 =	vld [tilespmem:s15+$0xFFFFFFE0]  }
0x8d: {  	v0 =	vadd.f32 v1, v0  }
0x8e: {  	v1 =	vld [tilespmem:s15+$0x20]  }
0x8f: {  	v0 =	vadd.f32 v2, v0  }
0x90: {  	v2 =	vld [tilespmem:s15+$0x60]  }
0x91: {  	v0 =	vadd.f32 v3, v0  }
0x92: {  	v3 =	vld [tilespmem:s15+$0xA0]  }
0x93: {  	v0 =	vadd.f32 v1, v0  }
0x94: {  	v1 =	vld [tilespmem:s15+$0xE0]  }
0x95: {  	v0 =	vadd.f32 v2, v0  }
0x96: {  	v2 =	vld [tilespmem:s15+$0x120]  }
0x97: {  	v0 =	vadd.f32 v3, v0  }
0x98: {  	v3 =	vld [tilespmem:s15+$0x160]  }
0x99: {  	v0 =	vadd.f32 v1, v0  }
0x9a: {  	v1 =	vld [tilespmem:s15+$0x1A0]  }
0x9b: {  	v0 =	vadd.f32 v2, v0  }
0x9c: {  	v2 =	vld [tilespmem:s15+$0x1E0]  }
0x9d: {  	v0 =	vadd.f32 v3, v0  }
0x9e: {  	v3 =	vld [tilespmem:s15+$0x220]  }
0x9f: {  	v0 =	vadd.f32 v1, v0  }
0xa0: {  	v1 =	vld [tilespmem:s15+$0x260]  }
0xa1: {  	v0 =	vadd.f32 v2, v0;
	_ =	sdelay $0x1  }
0xa2: {  	v0 =	vadd.f32 v3, v0;
	_ =	sdelay $0x1  }
0xa3: {  	v0 =	vadd.f32 v1, v0;
	_ =	sdelay $0x1  }
0xa4: {  	[tilespmem:s18+$0xAA20] =	vst v0  }
0xa5: {  	v0 =	vld [tilespmem:s15+$0xFFFFFDB0]  }
0xa6: {  	v1 =	vld [tilespmem:s15+$0xFFFFFDF0];
	_ =	sdelay $0x1  }
0xa7: {  	v2 =	vld [tilespmem:s15+$0xFFFFFE30];
	_ =	sdelay $0x1  }
0xa8: {  	v3 =	vld [tilespmem:s15+$0xFFFFFE70]  }
0xa9: {  	v0 =	vadd.f32 v1, v0  }
0xaa: {  	v1 =	vld [tilespmem:s15+$0xFFFFFEB0]  }
0xab: {  	v0 =	vadd.f32 v2, v0  }
0xac: {  	v2 =	vld [tilespmem:s15+$0xFFFFFEF0]  }
0xad: {  	v0 =	vadd.f32 v3, v0  }
0xae: {  	v3 =	vld [tilespmem:s15+$0xFFFFFF30]  }
0xaf: {  	v0 =	vadd.f32 v1, v0  }
0xb0: {  	v1 =	vld [tilespmem:s15+$0xFFFFFF70]  }
0xb1: {  	v0 =	vadd.f32 v2, v0  }
0xb2: {  	v2 =	vld [tilespmem:s15+$0xFFFFFFB0]  }
0xb3: {  	v0 =	vadd.f32 v3, v0  }
0xb4: {  	v3 =	vld [tilespmem:s15+$0xFFFFFFF0]  }
0xb5: {  	v0 =	vadd.f32 v1, v0  }
0xb6: {  	v1 =	vld [tilespmem:s15+$0x30]  }
0xb7: {  	v0 =	vadd.f32 v2, v0  }
0xb8: {  	v2 =	vld [tilespmem:s15+$0x70]  }
0xb9: {  	v0 =	vadd.f32 v3, v0  }
0xba: {  	v3 =	vld [tilespmem:s15+$0xB0]  }
0xbb: {  	v0 =	vadd.f32 v1, v0  }
0xbc: {  	v1 =	vld [tilespmem:s15+$0xF0]  }
0xbd: {  	v0 =	vadd.f32 v2, v0  }
0xbe: {  	v2 =	vld [tilespmem:s15+$0x130]  }
0xbf: {  	v0 =	vadd.f32 v3, v0  }
0xc0: {  	v3 =	vld [tilespmem:s15+$0x170]  }
0xc1: {  	v0 =	vadd.f32 v1, v0  }
0xc2: {  	v1 =	vld [tilespmem:s15+$0x1B0]  }
0xc3: {  	v0 =	vadd.f32 v2, v0;
	_ =	sdelay $0x1  }
0xc4: {  	v2 =	vld [tilespmem:s15+$0x1F0];
	v0 =	vadd.f32 v3, v0;
	_ =	sdelay $0x1  }
0xc5: {  	v3 =	vadd.f32 v1, v0;
	v1 =	vld [tilespmem:s15+$0x230];
	_ =	sdelay $0x1  }
0xc6: {  	v0 =	vld [tilespmem:s15+$0x270]  }
0xc7: {  	s19 =	simm.s32 $0x100;
	v2 =	vadd.f32 v2, v3  }
.LBB2_2:
0xc8: {  	p0 =	sne.s32 s19, $0x1F00  }
0xc9: {  	s15 =	sadd.s32 $0x500, s15;
	s20 =	smov.u32 s19;
	s19 =	sadd.s32 $0x100, s19;
	v1 =	vadd.f32 v1, v2  }
0xca: {  	_ = 	snop  }
0xcb: {  	v0 =	vadd.f32 v0, v1;
	_ =	sdelay $0x1  }
0xcc: {  	[tilespmem:s18+$0xAA30] =	vst v0  }
0xcd: {  	v0 =	vld [tilespmem:s15+$0xFFFFFDC0]  }
0xce: {  	v1 =	vld [tilespmem:s15+$0xFFFFFD80];
	_ =	sdelay $0x1  }
0xcf: {  	v2 =	vld [tilespmem:s15+$0xFFFFFE00];
	_ =	sdelay $0x1  }
0xd0: {  	v3 =	vld [tilespmem:s15+$0xFFFFFE40]  }
0xd1: {  	v0 =	vadd.f32 v0, v1  }
0xd2: {  	v1 =	vld [tilespmem:s15+$0xFFFFFE80]  }
0xd3: {  	v0 =	vadd.f32 v2, v0  }
0xd4: {  	v2 =	vld [tilespmem:s15+$0xFFFFFEC0]  }
0xd5: {  	v0 =	vadd.f32 v3, v0  }
0xd6: {  	v3 =	vld [tilespmem:s15+$0xFFFFFF00]  }
0xd7: {  	v0 =	vadd.f32 v1, v0  }
0xd8: {  	v1 =	vld [tilespmem:s15+$0xFFFFFF40]  }
0xd9: {  	v0 =	vadd.f32 v2, v0  }
0xda: {  	v2 =	vld [tilespmem:s15+$0xFFFFFF80]  }
0xdb: {  	v0 =	vadd.f32 v3, v0  }
0xdc: {  	v3 =	vld [tilespmem:s15+$0xFFFFFFC0]  }
0xdd: {  	v0 =	vadd.f32 v1, v0  }
0xde: {  	v1 =	vld [tilespmem:s15+$0x0]  }
0xdf: {  	v0 =	vadd.f32 v2, v0  }
0xe0: {  	v2 =	vld [tilespmem:s15+$0x40]  }
0xe1: {  	v0 =	vadd.f32 v3, v0  }
0xe2: {  	v3 =	vld [tilespmem:s15+$0x80]  }
0xe3: {  	v0 =	vadd.f32 v1, v0  }
0xe4: {  	v1 =	vld [tilespmem:s15+$0xC0]  }
0xe5: {  	v0 =	vadd.f32 v2, v0  }
0xe6: {  	v2 =	vld [tilespmem:s15+$0x100]  }
0xe7: {  	v0 =	vadd.f32 v3, v0  }
0xe8: {  	v3 =	vld [tilespmem:s15+$0x140]  }
0xe9: {  	v0 =	vadd.f32 v1, v0  }
0xea: {  	v1 =	vld [tilespmem:s15+$0x180]  }
0xeb: {  	v0 =	vadd.f32 v2, v0  }
0xec: {  	v2 =	vld [tilespmem:s15+$0x1C0]  }
0xed: {  	v0 =	vadd.f32 v3, v0  }
0xee: {  	v3 =	vld [tilespmem:s15+$0x200]  }
0xef: {  	v0 =	vadd.f32 v1, v0  }
0xf0: {  	v1 =	vld [tilespmem:s15+$0x240]  }
0xf1: {  	v0 =	vadd.f32 v2, v0;
	_ =	sdelay $0x1  }
0xf2: {  	v0 =	vadd.f32 v3, v0;
	_ =	sdelay $0x1  }
0xf3: {  	v0 =	vadd.f32 v1, v0  }
0xf4: {  	s18 =	sshra.s32 s20, $0x2  }
0xf5: {  	[tilespmem:s18+$0xAA00] =	vst v0  }
0xf6: {  	v0 =	vld [tilespmem:s15+$0xFFFFFD90]  }
0xf7: {  	v1 =	vld [tilespmem:s15+$0xFFFFFDD0];
	_ =	sdelay $0x1  }
0xf8: {  	v2 =	vld [tilespmem:s15+$0xFFFFFE10];
	_ =	sdelay $0x1  }
0xf9: {  	v3 =	vld [tilespmem:s15+$0xFFFFFE50]  }
0xfa: {  	v0 =	vadd.f32 v1, v0  }
0xfb: {  	v1 =	vld [tilespmem:s15+$0xFFFFFE90]  }
0xfc: {  	v0 =	vadd.f32 v2, v0  }
0xfd: {  	v2 =	vld [tilespmem:s15+$0xFFFFFED0]  }
0xfe: {  	v0 =	vadd.f32 v3, v0  }
0xff: {  	v3 =	vld [tilespmem:s15+$0xFFFFFF10]  }
0x100: {  	v0 =	vadd.f32 v1, v0  }
0x101: {  	v1 =	vld [tilespmem:s15+$0xFFFFFF50]  }
0x102: {  	v0 =	vadd.f32 v2, v0  }
0x103: {  	v2 =	vld [tilespmem:s15+$0xFFFFFF90]  }
0x104: {  	v0 =	vadd.f32 v3, v0  }
0x105: {  	v3 =	vld [tilespmem:s15+$0xFFFFFFD0]  }
0x106: {  	v0 =	vadd.f32 v1, v0  }
0x107: {  	v1 =	vld [tilespmem:s15+$0x10]  }
0x108: {  	v0 =	vadd.f32 v2, v0  }
0x109: {  	v2 =	vld [tilespmem:s15+$0x50]  }
0x10a: {  	v0 =	vadd.f32 v3, v0  }
0x10b: {  	v3 =	vld [tilespmem:s15+$0x90]  }
0x10c: {  	v0 =	vadd.f32 v1, v0  }
0x10d: {  	v1 =	vld [tilespmem:s15+$0xD0]  }
0x10e: {  	v0 =	vadd.f32 v2, v0  }
0x10f: {  	v2 =	vld [tilespmem:s15+$0x110]  }
0x110: {  	v0 =	vadd.f32 v3, v0  }
0x111: {  	v3 =	vld [tilespmem:s15+$0x150]  }
0x112: {  	v0 =	vadd.f32 v1, v0  }
0x113: {  	v1 =	vld [tilespmem:s15+$0x190]  }
0x114: {  	v0 =	vadd.f32 v2, v0  }
0x115: {  	v2 =	vld [tilespmem:s15+$0x1D0]  }
0x116: {  	v0 =	vadd.f32 v3, v0  }
0x117: {  	v3 =	vld [tilespmem:s15+$0x210]  }
0x118: {  	v0 =	vadd.f32 v1, v0  }
0x119: {  	v1 =	vld [tilespmem:s15+$0x250]  }
0x11a: {  	v0 =	vadd.f32 v2, v0;
	_ =	sdelay $0x1  }
0x11b: {  	v0 =	vadd.f32 v3, v0;
	_ =	sdelay $0x1  }
0x11c: {  	v0 =	vadd.f32 v1, v0;
	_ =	sdelay $0x1  }
0x11d: {  	[tilespmem:s18+$0xAA10] =	vst v0  }
0x11e: {  	v0 =	vld [tilespmem:s15+$0xFFFFFDA0]  }
0x11f: {  	v1 =	vld [tilespmem:s15+$0xFFFFFDE0];
	_ =	sdelay $0x1  }
0x120: {  	v2 =	vld [tilespmem:s15+$0xFFFFFE20];
	_ =	sdelay $0x1  }
0x121: {  	v3 =	vld [tilespmem:s15+$0xFFFFFE60]  }
0x122: {  	v0 =	vadd.f32 v1, v0  }
0x123: {  	v1 =	vld [tilespmem:s15+$0xFFFFFEA0]  }
0x124: {  	v0 =	vadd.f32 v2, v0  }
0x125: {  	v2 =	vld [tilespmem:s15+$0xFFFFFEE0]  }
0x126: {  	v0 =	vadd.f32 v3, v0  }
0x127: {  	v3 =	vld [tilespmem:s15+$0xFFFFFF20]  }
0x128: {  	v0 =	vadd.f32 v1, v0  }
0x129: {  	v1 =	vld [tilespmem:s15+$0xFFFFFF60]  }
0x12a: {  	v0 =	vadd.f32 v2, v0  }
0x12b: {  	v2 =	vld [tilespmem:s15+$0xFFFFFFA0]  }
0x12c: {  	v0 =	vadd.f32 v3, v0  }
0x12d: {  	v3 =	vld [tilespmem:s15+$0xFFFFFFE0]  }
0x12e: {  	v0 =	vadd.f32 v1, v0  }
0x12f: {  	v1 =	vld [tilespmem:s15+$0x20]  }
0x130: {  	v0 =	vadd.f32 v2, v0  }
0x131: {  	v2 =	vld [tilespmem:s15+$0x60]  }
0x132: {  	v0 =	vadd.f32 v3, v0  }
0x133: {  	v3 =	vld [tilespmem:s15+$0xA0]  }
0x134: {  	v0 =	vadd.f32 v1, v0  }
0x135: {  	v1 =	vld [tilespmem:s15+$0xE0]  }
0x136: {  	v0 =	vadd.f32 v2, v0  }
0x137: {  	v2 =	vld [tilespmem:s15+$0x120]  }
0x138: {  	v0 =	vadd.f32 v3, v0  }
0x139: {  	v3 =	vld [tilespmem:s15+$0x160]  }
0x13a: {  	v0 =	vadd.f32 v1, v0  }
0x13b: {  	v1 =	vld [tilespmem:s15+$0x1A0]  }
0x13c: {  	v0 =	vadd.f32 v2, v0  }
0x13d: {  	v2 =	vld [tilespmem:s15+$0x1E0]  }
0x13e: {  	v0 =	vadd.f32 v3, v0  }
0x13f: {  	v3 =	vld [tilespmem:s15+$0x220]  }
0x140: {  	v0 =	vadd.f32 v1, v0  }
0x141: {  	v1 =	vld [tilespmem:s15+$0x260]  }
0x142: {  	v0 =	vadd.f32 v2, v0;
	_ =	sdelay $0x1  }
0x143: {  	v0 =	vadd.f32 v3, v0;
	_ =	sdelay $0x1  }
0x144: {  	v0 =	vadd.f32 v1, v0;
	_ =	sdelay $0x1  }
0x145: {  	[tilespmem:s18+$0xAA20] =	vst v0  }
0x146: {  	v0 =	vld [tilespmem:s15+$0xFFFFFDB0]  }
0x147: {  	v1 =	vld [tilespmem:s15+$0xFFFFFDF0]  }
0x148: {  	v2 =	vld [tilespmem:s15+$0xFFFFFE30]  }
0x149: {  	v3 =	vld [tilespmem:s15+$0xFFFFFE70]  }
0x14a: {  	v4 =	vld [tilespmem:s15+$0xFFFFFEB0]  }
0x14b: {  	v5 =	vld [tilespmem:s15+$0xFFFFFEF0]  }
0x14c: {  	v0 =	vadd.f32 v1, v0;
	v1 =	vld [tilespmem:s15+$0xFFFFFF30]  }
0x14d: {  	v6 =	vld [tilespmem:s15+$0xFFFFFF70]  }
0x14e: {  	v0 =	vadd.f32 v2, v0;
	v2 =	vld [tilespmem:s15+$0xFFFFFFB0]  }
0x14f: {  	v7 =	vld [tilespmem:s15+$0xFFFFFFF0]  }
0x150: {  	v0 =	vadd.f32 v3, v0;
	v3 =	vld [tilespmem:s15+$0x30]  }
0x151: {  	v8 =	vld [tilespmem:s15+$0x70]  }
0x152: {  	v0 =	vadd.f32 v4, v0;
	v4 =	vld [tilespmem:s15+$0xB0]  }
0x153: {  	v9 =	vld [tilespmem:s15+$0xF0]  }
0x154: {  	v0 =	vadd.f32 v5, v0;
	v5 =	vld [tilespmem:s15+$0x130]  }
0x155: {  	v10 =	vld [tilespmem:s15+$0x170]  }
0x156: {  	v0 =	vadd.f32 v1, v0;
	v11 =	vld [tilespmem:s15+$0x1B0]  }
0x157: {  	v12 =	vld [tilespmem:s15+$0x1F0]  }
0x158: {  	v6 =	vadd.f32 v6, v0;
	v1 =	vld [tilespmem:s15+$0x230]  }
0x159: {  	v0 =	vld [tilespmem:s15+$0x270]  }
0x15a: {  	v2 =	vadd.f32 v2, v6;
	_ =	sdelay $0x1  }
0x15b: {  	v2 =	vadd.f32 v7, v2;
	_ =	sdelay $0x1  }
0x15c: {  	v2 =	vadd.f32 v3, v2;
	_ =	sdelay $0x1  }
0x15d: {  	v2 =	vadd.f32 v8, v2;
	_ =	sdelay $0x1  }
0x15e: {  	v2 =	vadd.f32 v4, v2;
	_ =	sdelay $0x1  }
0x15f: {  	v2 =	vadd.f32 v9, v2;
	_ =	sdelay $0x1  }
0x160: {  	v2 =	vadd.f32 v5, v2;
	_ =	sdelay $0x1  }
.Ltmp0:
0x161: {  	v2 =	vadd.f32 v10, v2;
	(pc) =	sbr.rel @p0 .LBB2_2-.Ltmp0, $3  }
0x162: {  	_ = 	snop  }
0x163: {  	v2 =	vadd.f32 v11, v2;
	_ =	sdelay $0x1  }
0x164: {  	v2 =	vadd.f32 v12, v2  }
0x165: {  	_ = 	snop  }
0x166: {  	v1 =	vadd.f32 v1, v2;
	_ =	sdelay $0x1  }
0x167: {  	v0 =	vadd.f32 v0, v1;
	_ =	sdelay $0x1  }
0x168: {  	s15 =	simm.s32 $0x280;
	[tilespmem:s18+$0xAA30] =	vst v0  }
0x169: {  	[tilespmem:s9], [sflag:$0x1] =	stream.indirect.gather [hbm4b:s3+s8], $0x40, s15, s8, $0xb8;
	[tilespmem:$0xCA00] =	vst v63  }
0x16a: {  	s19 =	simm.s32 $0x300  }
0x16b: {  	[tilespmem:s10], [sflag:$0x1] =	stream.indirect.gather [hbm4b:s3+s8], $0x40, s19, s8, $0xb8;
	[tilespmem:$0xCA00] =	vst v63  }
0x16c: {  	s20 =	simm.s32 $0x380  }
0x16d: {  	[tilespmem:s12], [sflag:$0x1] =	stream.indirect.gather [hbm4b:s3+s8], $0x40, s20, s8, $0xb8;
	[tilespmem:$0xCA00] =	vst v63  }
0x16e: {  	_ = 	snop  }
0x16f: {  	[tilespmem:s14], [sflag:$0x1] =	stream.indirect.gather [hbm4b:s3+s8], $0x40, s21, s8, $0xb8;
	[tilespmem:$0xCA00] =	vst v63  }
0x170: {  	_ = 	snop  }
0x171: {  	[tilespmem:s16], [sflag:$0x1] =	stream.indirect.gather [hbm4b:s3+s8], $0x40, s22, s8, $0xb8;
	[tilespmem:$0xCA00] =	vst v63  }
0x172: {  	_ =	swait.ge [sflag:s17], $0x2000  }
0x173: {  	[sflag:s17] =	ssyncset.done $0x0  }
0x174: {  	[sflag:s17] =	ssyncadd.s32 $0xFFFFE000  }
0x175: {  	_ =	swait.ge [sflag:s17], $0x2000  }
0x176: {  	[sflag:s17] =	ssyncset.done $0x0  }
0x177: {  	[sflag:s17] =	ssyncadd.s32 $0xFFFFE000  }
0x178: {  	_ =	swait.ge [sflag:s17], $0x2000  }
0x179: {  	[sflag:s17] =	ssyncset.done $0x0  }
0x17a: {  	[sflag:s17] =	ssyncadd.s32 $0xFFFFE000  }
0x17b: {  	_ =	swait.ge [sflag:s17], $0x2000  }
0x17c: {  	[sflag:s17] =	ssyncset.done $0x0  }
0x17d: {  	[sflag:s17] =	ssyncadd.s32 $0xFFFFE000  }
0x17e: {  	_ =	swait.ge [sflag:s17], $0x2000  }
0x17f: {  	[sflag:s17] =	ssyncset.done $0x0  }
0x180: {  	s15 =	simm.s32 $0xC80;
	[sflag:s17] =	ssyncadd.s32 $0xFFFFE000  }
0x181: {  	v0 =	vld [tilespmem:s15+$0xFFFFFDC0]  }
0x182: {  	v1 =	vld [tilespmem:s15+$0xFFFFFD80];
	_ =	sdelay $0x1  }
0x183: {  	v2 =	vld [tilespmem:s15+$0xFFFFFE00];
	_ =	sdelay $0x1  }
0x184: {  	v3 =	vld [tilespmem:s15+$0xFFFFFE40]  }
0x185: {  	v0 =	vadd.f32 v0, v1  }
0x186: {  	v1 =	vld [tilespmem:s15+$0xFFFFFE80]  }
0x187: {  	v0 =	vadd.f32 v2, v0  }
0x188: {  	v2 =	vld [tilespmem:s15+$0xFFFFFEC0]  }
0x189: {  	v0 =	vadd.f32 v3, v0  }
0x18a: {  	v3 =	vld [tilespmem:s15+$0xFFFFFF00]  }
0x18b: {  	v0 =	vadd.f32 v1, v0  }
0x18c: {  	v1 =	vld [tilespmem:s15+$0xFFFFFF40]  }
0x18d: {  	v0 =	vadd.f32 v2, v0  }
0x18e: {  	v2 =	vld [tilespmem:s15+$0xFFFFFF80]  }
0x18f: {  	v0 =	vadd.f32 v3, v0  }
0x190: {  	v3 =	vld [tilespmem:s15+$0xFFFFFFC0]  }
0x191: {  	v0 =	vadd.f32 v1, v0  }
0x192: {  	v1 =	vld [tilespmem:s15+$0x0]  }
0x193: {  	v0 =	vadd.f32 v2, v0  }
0x194: {  	v2 =	vld [tilespmem:s15+$0x40]  }
0x195: {  	v0 =	vadd.f32 v3, v0  }
0x196: {  	v3 =	vld [tilespmem:s15+$0x80]  }
0x197: {  	v0 =	vadd.f32 v1, v0  }
0x198: {  	v1 =	vld [tilespmem:s15+$0xC0]  }
0x199: {  	v0 =	vadd.f32 v2, v0  }
0x19a: {  	v2 =	vld [tilespmem:s15+$0x100]  }
0x19b: {  	v0 =	vadd.f32 v3, v0  }
0x19c: {  	v3 =	vld [tilespmem:s15+$0x140]  }
0x19d: {  	v0 =	vadd.f32 v1, v0  }
0x19e: {  	v1 =	vld [tilespmem:s15+$0x180]  }
0x19f: {  	v0 =	vadd.f32 v2, v0  }
0x1a0: {  	v2 =	vld [tilespmem:s15+$0x1C0]  }
0x1a1: {  	v0 =	vadd.f32 v3, v0  }
0x1a2: {  	v3 =	vld [tilespmem:s15+$0x200]  }
0x1a3: {  	v0 =	vadd.f32 v1, v0  }
0x1a4: {  	v1 =	vld [tilespmem:s15+$0x240]  }
0x1a5: {  	v0 =	vadd.f32 v2, v0;
	_ =	sdelay $0x1  }
0x1a6: {  	v0 =	vadd.f32 v3, v0;
	_ =	sdelay $0x1  }
0x1a7: {  	v0 =	vadd.f32 v1, v0  }
0x1a8: {  	s18 =	simm.s32 $0x0  }
0x1a9: {  	[tilespmem:s18+$0xB200] =	vst v0  }
0x1aa: {  	v0 =	vld [tilespmem:s15+$0xFFFFFD90]  }
0x1ab: {  	v1 =	vld [tilespmem:s15+$0xFFFFFDD0];
	_ =	sdelay $0x1  }
0x1ac: {  	v2 =	vld [tilespmem:s15+$0xFFFFFE10];
	_ =	sdelay $0x1  }
0x1ad: {  	v3 =	vld [tilespmem:s15+$0xFFFFFE50]  }
0x1ae: {  	v0 =	vadd.f32 v1, v0  }
0x1af: {  	v1 =	vld [tilespmem:s15+$0xFFFFFE90]  }
0x1b0: {  	v0 =	vadd.f32 v2, v0  }
0x1b1: {  	v2 =	vld [tilespmem:s15+$0xFFFFFED0]  }
0x1b2: {  	v0 =	vadd.f32 v3, v0  }
0x1b3: {  	v3 =	vld [tilespmem:s15+$0xFFFFFF10]  }
0x1b4: {  	v0 =	vadd.f32 v1, v0  }
0x1b5: {  	v1 =	vld [tilespmem:s15+$0xFFFFFF50]  }
0x1b6: {  	v0 =	vadd.f32 v2, v0  }
0x1b7: {  	v2 =	vld [tilespmem:s15+$0xFFFFFF90]  }
0x1b8: {  	v0 =	vadd.f32 v3, v0  }
0x1b9: {  	v3 =	vld [tilespmem:s15+$0xFFFFFFD0]  }
0x1ba: {  	v0 =	vadd.f32 v1, v0  }
0x1bb: {  	v1 =	vld [tilespmem:s15+$0x10]  }
0x1bc: {  	v0 =	vadd.f32 v2, v0  }
0x1bd: {  	v2 =	vld [tilespmem:s15+$0x50]  }
0x1be: {  	v0 =	vadd.f32 v3, v0  }
0x1bf: {  	v3 =	vld [tilespmem:s15+$0x90]  }
0x1c0: {  	v0 =	vadd.f32 v1, v0  }
0x1c1: {  	v1 =	vld [tilespmem:s15+$0xD0]  }
0x1c2: {  	v0 =	vadd.f32 v2, v0  }
0x1c3: {  	v2 =	vld [tilespmem:s15+$0x110]  }
0x1c4: {  	v0 =	vadd.f32 v3, v0  }
0x1c5: {  	v3 =	vld [tilespmem:s15+$0x150]  }
0x1c6: {  	v0 =	vadd.f32 v1, v0  }
0x1c7: {  	v1 =	vld [tilespmem:s15+$0x190]  }
0x1c8: {  	v0 =	vadd.f32 v2, v0  }
0x1c9: {  	v2 =	vld [tilespmem:s15+$0x1D0]  }
0x1ca: {  	v0 =	vadd.f32 v3, v0  }
0x1cb: {  	v3 =	vld [tilespmem:s15+$0x210]  }
0x1cc: {  	v0 =	vadd.f32 v1, v0  }
0x1cd: {  	v1 =	vld [tilespmem:s15+$0x250]  }
0x1ce: {  	v0 =	vadd.f32 v2, v0;
	_ =	sdelay $0x1  }
0x1cf: {  	v0 =	vadd.f32 v3, v0;
	_ =	sdelay $0x1  }
0x1d0: {  	v0 =	vadd.f32 v1, v0;
	_ =	sdelay $0x1  }
0x1d1: {  	[tilespmem:s18+$0xB210] =	vst v0  }
0x1d2: {  	v0 =	vld [tilespmem:s15+$0xFFFFFDA0]  }
0x1d3: {  	v1 =	vld [tilespmem:s15+$0xFFFFFDE0];
	_ =	sdelay $0x1  }
0x1d4: {  	v2 =	vld [tilespmem:s15+$0xFFFFFE20];
	_ =	sdelay $0x1  }
0x1d5: {  	v3 =	vld [tilespmem:s15+$0xFFFFFE60]  }
0x1d6: {  	v0 =	vadd.f32 v1, v0  }
0x1d7: {  	v1 =	vld [tilespmem:s15+$0xFFFFFEA0]  }
0x1d8: {  	v0 =	vadd.f32 v2, v0  }
0x1d9: {  	v2 =	vld [tilespmem:s15+$0xFFFFFEE0]  }
0x1da: {  	v0 =	vadd.f32 v3, v0  }
0x1db: {  	v3 =	vld [tilespmem:s15+$0xFFFFFF20]  }
0x1dc: {  	v0 =	vadd.f32 v1, v0  }
0x1dd: {  	v1 =	vld [tilespmem:s15+$0xFFFFFF60]  }
0x1de: {  	v0 =	vadd.f32 v2, v0  }
0x1df: {  	v2 =	vld [tilespmem:s15+$0xFFFFFFA0]  }
0x1e0: {  	v0 =	vadd.f32 v3, v0  }
0x1e1: {  	v3 =	vld [tilespmem:s15+$0xFFFFFFE0]  }
0x1e2: {  	v0 =	vadd.f32 v1, v0  }
0x1e3: {  	v1 =	vld [tilespmem:s15+$0x20]  }
0x1e4: {  	v0 =	vadd.f32 v2, v0  }
0x1e5: {  	v2 =	vld [tilespmem:s15+$0x60]  }
0x1e6: {  	v0 =	vadd.f32 v3, v0  }
0x1e7: {  	v3 =	vld [tilespmem:s15+$0xA0]  }
0x1e8: {  	v0 =	vadd.f32 v1, v0  }
0x1e9: {  	v1 =	vld [tilespmem:s15+$0xE0]  }
0x1ea: {  	v0 =	vadd.f32 v2, v0  }
0x1eb: {  	v2 =	vld [tilespmem:s15+$0x120]  }
0x1ec: {  	v0 =	vadd.f32 v3, v0  }
0x1ed: {  	v3 =	vld [tilespmem:s15+$0x160]  }
0x1ee: {  	v0 =	vadd.f32 v1, v0  }
0x1ef: {  	v1 =	vld [tilespmem:s15+$0x1A0]  }
0x1f0: {  	v0 =	vadd.f32 v2, v0  }
0x1f1: {  	v2 =	vld [tilespmem:s15+$0x1E0]  }
0x1f2: {  	v0 =	vadd.f32 v3, v0  }
0x1f3: {  	v3 =	vld [tilespmem:s15+$0x220]  }
0x1f4: {  	v0 =	vadd.f32 v1, v0  }
0x1f5: {  	v1 =	vld [tilespmem:s15+$0x260]  }
0x1f6: {  	v0 =	vadd.f32 v2, v0;
	_ =	sdelay $0x1  }
0x1f7: {  	v0 =	vadd.f32 v3, v0;
	_ =	sdelay $0x1  }
0x1f8: {  	v0 =	vadd.f32 v1, v0;
	_ =	sdelay $0x1  }
0x1f9: {  	[tilespmem:s18+$0xB220] =	vst v0  }
0x1fa: {  	v0 =	vld [tilespmem:s15+$0xFFFFFDB0]  }
0x1fb: {  	v1 =	vld [tilespmem:s15+$0xFFFFFDF0];
	_ =	sdelay $0x1  }
0x1fc: {  	v2 =	vld [tilespmem:s15+$0xFFFFFE30];
	_ =	sdelay $0x1  }
0x1fd: {  	v3 =	vld [tilespmem:s15+$0xFFFFFE70]  }
0x1fe: {  	v0 =	vadd.f32 v1, v0  }
0x1ff: {  	v1 =	vld [tilespmem:s15+$0xFFFFFEB0]  }
0x200: {  	v0 =	vadd.f32 v2, v0  }
0x201: {  	v2 =	vld [tilespmem:s15+$0xFFFFFEF0]  }
0x202: {  	v0 =	vadd.f32 v3, v0  }
0x203: {  	v3 =	vld [tilespmem:s15+$0xFFFFFF30]  }
0x204: {  	v0 =	vadd.f32 v1, v0  }
0x205: {  	v1 =	vld [tilespmem:s15+$0xFFFFFF70]  }
0x206: {  	v0 =	vadd.f32 v2, v0  }
0x207: {  	v2 =	vld [tilespmem:s15+$0xFFFFFFB0]  }
0x208: {  	v0 =	vadd.f32 v3, v0  }
0x209: {  	v3 =	vld [tilespmem:s15+$0xFFFFFFF0]  }
0x20a: {  	v0 =	vadd.f32 v1, v0  }
0x20b: {  	v1 =	vld [tilespmem:s15+$0x30]  }
0x20c: {  	v0 =	vadd.f32 v2, v0  }
0x20d: {  	v2 =	vld [tilespmem:s15+$0x70]  }
0x20e: {  	v0 =	vadd.f32 v3, v0  }
0x20f: {  	v3 =	vld [tilespmem:s15+$0xB0]  }
0x210: {  	v0 =	vadd.f32 v1, v0  }
0x211: {  	v1 =	vld [tilespmem:s15+$0xF0]  }
0x212: {  	v0 =	vadd.f32 v2, v0  }
0x213: {  	v2 =	vld [tilespmem:s15+$0x130]  }
0x214: {  	v0 =	vadd.f32 v3, v0  }
0x215: {  	v3 =	vld [tilespmem:s15+$0x170]  }
0x216: {  	v0 =	vadd.f32 v1, v0  }
0x217: {  	v1 =	vld [tilespmem:s15+$0x1B0]  }
0x218: {  	v0 =	vadd.f32 v2, v0;
	_ =	sdelay $0x1  }
0x219: {  	v2 =	vld [tilespmem:s15+$0x1F0];
	v0 =	vadd.f32 v3, v0;
	_ =	sdelay $0x1  }
0x21a: {  	v3 =	vadd.f32 v1, v0;
	v1 =	vld [tilespmem:s15+$0x230];
	_ =	sdelay $0x1  }
0x21b: {  	v0 =	vld [tilespmem:s15+$0x270]  }
0x21c: {  	s19 =	simm.s32 $0x100;
	v2 =	vadd.f32 v2, v3  }
.LBB2_4:
0x21d: {  	p0 =	sne.s32 s19, $0x1F00  }
0x21e: {  	s15 =	sadd.s32 $0x500, s15;
	s20 =	smov.u32 s19;
	s19 =	sadd.s32 $0x100, s19;
	v1 =	vadd.f32 v1, v2  }
0x21f: {  	_ = 	snop  }
0x220: {  	v0 =	vadd.f32 v0, v1;
	_ =	sdelay $0x1  }
0x221: {  	[tilespmem:s18+$0xB230] =	vst v0  }
0x222: {  	v0 =	vld [tilespmem:s15+$0xFFFFFDC0]  }
0x223: {  	v1 =	vld [tilespmem:s15+$0xFFFFFD80];
	_ =	sdelay $0x1  }
0x224: {  	v2 =	vld [tilespmem:s15+$0xFFFFFE00];
	_ =	sdelay $0x1  }
0x225: {  	v3 =	vld [tilespmem:s15+$0xFFFFFE40]  }
0x226: {  	v0 =	vadd.f32 v0, v1  }
0x227: {  	v1 =	vld [tilespmem:s15+$0xFFFFFE80]  }
0x228: {  	v0 =	vadd.f32 v2, v0  }
0x229: {  	v2 =	vld [tilespmem:s15+$0xFFFFFEC0]  }
0x22a: {  	v0 =	vadd.f32 v3, v0  }
0x22b: {  	v3 =	vld [tilespmem:s15+$0xFFFFFF00]  }
0x22c: {  	v0 =	vadd.f32 v1, v0  }
0x22d: {  	v1 =	vld [tilespmem:s15+$0xFFFFFF40]  }
0x22e: {  	v0 =	vadd.f32 v2, v0  }
0x22f: {  	v2 =	vld [tilespmem:s15+$0xFFFFFF80]  }
0x230: {  	v0 =	vadd.f32 v3, v0  }
0x231: {  	v3 =	vld [tilespmem:s15+$0xFFFFFFC0]  }
0x232: {  	v0 =	vadd.f32 v1, v0  }
0x233: {  	v1 =	vld [tilespmem:s15+$0x0]  }
0x234: {  	v0 =	vadd.f32 v2, v0  }
0x235: {  	v2 =	vld [tilespmem:s15+$0x40]  }
0x236: {  	v0 =	vadd.f32 v3, v0  }
0x237: {  	v3 =	vld [tilespmem:s15+$0x80]  }
0x238: {  	v0 =	vadd.f32 v1, v0  }
0x239: {  	v1 =	vld [tilespmem:s15+$0xC0]  }
0x23a: {  	v0 =	vadd.f32 v2, v0  }
0x23b: {  	v2 =	vld [tilespmem:s15+$0x100]  }
0x23c: {  	v0 =	vadd.f32 v3, v0  }
0x23d: {  	v3 =	vld [tilespmem:s15+$0x140]  }
0x23e: {  	v0 =	vadd.f32 v1, v0  }
0x23f: {  	v1 =	vld [tilespmem:s15+$0x180]  }
0x240: {  	v0 =	vadd.f32 v2, v0  }
0x241: {  	v2 =	vld [tilespmem:s15+$0x1C0]  }
0x242: {  	v0 =	vadd.f32 v3, v0  }
0x243: {  	v3 =	vld [tilespmem:s15+$0x200]  }
0x244: {  	v0 =	vadd.f32 v1, v0  }
0x245: {  	v1 =	vld [tilespmem:s15+$0x240]  }
0x246: {  	v0 =	vadd.f32 v2, v0;
	_ =	sdelay $0x1  }
0x247: {  	v0 =	vadd.f32 v3, v0;
	_ =	sdelay $0x1  }
0x248: {  	v0 =	vadd.f32 v1, v0  }
0x249: {  	s18 =	sshra.s32 s20, $0x2  }
0x24a: {  	[tilespmem:s18+$0xB200] =	vst v0  }
0x24b: {  	v0 =	vld [tilespmem:s15+$0xFFFFFD90]  }
0x24c: {  	v1 =	vld [tilespmem:s15+$0xFFFFFDD0];
	_ =	sdelay $0x1  }
0x24d: {  	v2 =	vld [tilespmem:s15+$0xFFFFFE10];
	_ =	sdelay $0x1  }
0x24e: {  	v3 =	vld [tilespmem:s15+$0xFFFFFE50]  }
0x24f: {  	v0 =	vadd.f32 v1, v0  }
0x250: {  	v1 =	vld [tilespmem:s15+$0xFFFFFE90]  }
0x251: {  	v0 =	vadd.f32 v2, v0  }
0x252: {  	v2 =	vld [tilespmem:s15+$0xFFFFFED0]  }
0x253: {  	v0 =	vadd.f32 v3, v0  }
0x254: {  	v3 =	vld [tilespmem:s15+$0xFFFFFF10]  }
0x255: {  	v0 =	vadd.f32 v1, v0  }
0x256: {  	v1 =	vld [tilespmem:s15+$0xFFFFFF50]  }
0x257: {  	v0 =	vadd.f32 v2, v0  }
0x258: {  	v2 =	vld [tilespmem:s15+$0xFFFFFF90]  }
0x259: {  	v0 =	vadd.f32 v3, v0  }
0x25a: {  	v3 =	vld [tilespmem:s15+$0xFFFFFFD0]  }
0x25b: {  	v0 =	vadd.f32 v1, v0  }
0x25c: {  	v1 =	vld [tilespmem:s15+$0x10]  }
0x25d: {  	v0 =	vadd.f32 v2, v0  }
0x25e: {  	v2 =	vld [tilespmem:s15+$0x50]  }
0x25f: {  	v0 =	vadd.f32 v3, v0  }
0x260: {  	v3 =	vld [tilespmem:s15+$0x90]  }
0x261: {  	v0 =	vadd.f32 v1, v0  }
0x262: {  	v1 =	vld [tilespmem:s15+$0xD0]  }
0x263: {  	v0 =	vadd.f32 v2, v0  }
0x264: {  	v2 =	vld [tilespmem:s15+$0x110]  }
0x265: {  	v0 =	vadd.f32 v3, v0  }
0x266: {  	v3 =	vld [tilespmem:s15+$0x150]  }
0x267: {  	v0 =	vadd.f32 v1, v0  }
0x268: {  	v1 =	vld [tilespmem:s15+$0x190]  }
0x269: {  	v0 =	vadd.f32 v2, v0  }
0x26a: {  	v2 =	vld [tilespmem:s15+$0x1D0]  }
0x26b: {  	v0 =	vadd.f32 v3, v0  }
0x26c: {  	v3 =	vld [tilespmem:s15+$0x210]  }
0x26d: {  	v0 =	vadd.f32 v1, v0  }
0x26e: {  	v1 =	vld [tilespmem:s15+$0x250]  }
0x26f: {  	v0 =	vadd.f32 v2, v0;
	_ =	sdelay $0x1  }
0x270: {  	v0 =	vadd.f32 v3, v0;
	_ =	sdelay $0x1  }
0x271: {  	v0 =	vadd.f32 v1, v0;
	_ =	sdelay $0x1  }
0x272: {  	[tilespmem:s18+$0xB210] =	vst v0  }
0x273: {  	v0 =	vld [tilespmem:s15+$0xFFFFFDA0]  }
0x274: {  	v1 =	vld [tilespmem:s15+$0xFFFFFDE0];
	_ =	sdelay $0x1  }
0x275: {  	v2 =	vld [tilespmem:s15+$0xFFFFFE20];
	_ =	sdelay $0x1  }
0x276: {  	v3 =	vld [tilespmem:s15+$0xFFFFFE60]  }
0x277: {  	v0 =	vadd.f32 v1, v0  }
0x278: {  	v1 =	vld [tilespmem:s15+$0xFFFFFEA0]  }
0x279: {  	v0 =	vadd.f32 v2, v0  }
0x27a: {  	v2 =	vld [tilespmem:s15+$0xFFFFFEE0]  }
0x27b: {  	v0 =	vadd.f32 v3, v0  }
0x27c: {  	v3 =	vld [tilespmem:s15+$0xFFFFFF20]  }
0x27d: {  	v0 =	vadd.f32 v1, v0  }
0x27e: {  	v1 =	vld [tilespmem:s15+$0xFFFFFF60]  }
0x27f: {  	v0 =	vadd.f32 v2, v0  }
0x280: {  	v2 =	vld [tilespmem:s15+$0xFFFFFFA0]  }
0x281: {  	v0 =	vadd.f32 v3, v0  }
0x282: {  	v3 =	vld [tilespmem:s15+$0xFFFFFFE0]  }
0x283: {  	v0 =	vadd.f32 v1, v0  }
0x284: {  	v1 =	vld [tilespmem:s15+$0x20]  }
0x285: {  	v0 =	vadd.f32 v2, v0  }
0x286: {  	v2 =	vld [tilespmem:s15+$0x60]  }
0x287: {  	v0 =	vadd.f32 v3, v0  }
0x288: {  	v3 =	vld [tilespmem:s15+$0xA0]  }
0x289: {  	v0 =	vadd.f32 v1, v0  }
0x28a: {  	v1 =	vld [tilespmem:s15+$0xE0]  }
0x28b: {  	v0 =	vadd.f32 v2, v0  }
0x28c: {  	v2 =	vld [tilespmem:s15+$0x120]  }
0x28d: {  	v0 =	vadd.f32 v3, v0  }
0x28e: {  	v3 =	vld [tilespmem:s15+$0x160]  }
0x28f: {  	v0 =	vadd.f32 v1, v0  }
0x290: {  	v1 =	vld [tilespmem:s15+$0x1A0]  }
0x291: {  	v0 =	vadd.f32 v2, v0  }
0x292: {  	v2 =	vld [tilespmem:s15+$0x1E0]  }
0x293: {  	v0 =	vadd.f32 v3, v0  }
0x294: {  	v3 =	vld [tilespmem:s15+$0x220]  }
0x295: {  	v0 =	vadd.f32 v1, v0  }
0x296: {  	v1 =	vld [tilespmem:s15+$0x260]  }
0x297: {  	v0 =	vadd.f32 v2, v0;
	_ =	sdelay $0x1  }
0x298: {  	v0 =	vadd.f32 v3, v0;
	_ =	sdelay $0x1  }
0x299: {  	v0 =	vadd.f32 v1, v0;
	_ =	sdelay $0x1  }
0x29a: {  	[tilespmem:s18+$0xB220] =	vst v0  }
0x29b: {  	v0 =	vld [tilespmem:s15+$0xFFFFFDB0]  }
0x29c: {  	v1 =	vld [tilespmem:s15+$0xFFFFFDF0]  }
0x29d: {  	v2 =	vld [tilespmem:s15+$0xFFFFFE30]  }
0x29e: {  	v3 =	vld [tilespmem:s15+$0xFFFFFE70]  }
0x29f: {  	v4 =	vld [tilespmem:s15+$0xFFFFFEB0]  }
0x2a0: {  	v5 =	vld [tilespmem:s15+$0xFFFFFEF0]  }
0x2a1: {  	v0 =	vadd.f32 v1, v0;
	v1 =	vld [tilespmem:s15+$0xFFFFFF30]  }
0x2a2: {  	v6 =	vld [tilespmem:s15+$0xFFFFFF70]  }
0x2a3: {  	v0 =	vadd.f32 v2, v0;
	v2 =	vld [tilespmem:s15+$0xFFFFFFB0]  }
0x2a4: {  	v7 =	vld [tilespmem:s15+$0xFFFFFFF0]  }
0x2a5: {  	v0 =	vadd.f32 v3, v0;
	v3 =	vld [tilespmem:s15+$0x30]  }
0x2a6: {  	v8 =	vld [tilespmem:s15+$0x70]  }
0x2a7: {  	v0 =	vadd.f32 v4, v0;
	v4 =	vld [tilespmem:s15+$0xB0]  }
0x2a8: {  	v9 =	vld [tilespmem:s15+$0xF0]  }
0x2a9: {  	v0 =	vadd.f32 v5, v0;
	v5 =	vld [tilespmem:s15+$0x130]  }
0x2aa: {  	v10 =	vld [tilespmem:s15+$0x170]  }
0x2ab: {  	v0 =	vadd.f32 v1, v0;
	v11 =	vld [tilespmem:s15+$0x1B0]  }
0x2ac: {  	v12 =	vld [tilespmem:s15+$0x1F0]  }
0x2ad: {  	v6 =	vadd.f32 v6, v0;
	v1 =	vld [tilespmem:s15+$0x230]  }
0x2ae: {  	v0 =	vld [tilespmem:s15+$0x270]  }
0x2af: {  	v2 =	vadd.f32 v2, v6;
	_ =	sdelay $0x1  }
0x2b0: {  	v2 =	vadd.f32 v7, v2;
	_ =	sdelay $0x1  }
0x2b1: {  	v2 =	vadd.f32 v3, v2;
	_ =	sdelay $0x1  }
0x2b2: {  	v2 =	vadd.f32 v8, v2;
	_ =	sdelay $0x1  }
0x2b3: {  	v2 =	vadd.f32 v4, v2;
	_ =	sdelay $0x1  }
0x2b4: {  	v2 =	vadd.f32 v9, v2;
	_ =	sdelay $0x1  }
0x2b5: {  	v2 =	vadd.f32 v5, v2;
	_ =	sdelay $0x1  }
.Ltmp1:
0x2b6: {  	v2 =	vadd.f32 v10, v2;
	(pc) =	sbr.rel @p0 .LBB2_4-.Ltmp1, $3  }
0x2b7: {  	_ = 	snop  }
0x2b8: {  	v2 =	vadd.f32 v11, v2;
	_ =	sdelay $0x1  }
0x2b9: {  	v2 =	vadd.f32 v12, v2  }
0x2ba: {  	_ = 	snop  }
0x2bb: {  	v1 =	vadd.f32 v1, v2;
	_ =	sdelay $0x1  }
0x2bc: {  	v0 =	vadd.f32 v0, v1;
	_ =	sdelay $0x1  }
0x2bd: {  	[tilespmem:s18+$0xB230] =	vst v0  }
0x2be: {  	[tilespmem:s9], [sflag:$0x1] =	stream.indirect.gather [hbm4b:s3+s8], $0x40, s23, s8, $0xb8;
	[tilespmem:$0xCA00] =	vst v63  }
0x2bf: {  	_ = 	snop  }
0x2c0: {  	[tilespmem:s10], [sflag:$0x1] =	stream.indirect.gather [hbm4b:s3+s8], $0x40, s24, s8, $0xb8;
	[tilespmem:$0xCA00] =	vst v63  }
0x2c1: {  	_ = 	snop  }
0x2c2: {  	[tilespmem:s12], [sflag:$0x1] =	stream.indirect.gather [hbm4b:s3+s8], $0x40, s25, s8, $0xb8;
	[tilespmem:$0xCA00] =	vst v63  }
0x2c3: {  	_ = 	snop  }
0x2c4: {  	[tilespmem:s14], [sflag:$0x1] =	stream.indirect.gather [hbm4b:s3+s8], $0x40, s26, s8, $0xb8;
	[tilespmem:$0xCA00] =	vst v63  }
0x2c5: {  	_ = 	snop  }
0x2c6: {  	[tilespmem:s16], [sflag:$0x1] =	stream.indirect.gather [hbm4b:s3+s8], $0x40, s28, s8, $0xb8;
	[tilespmem:$0xCA00] =	vst v63  }
0x2c7: {  	_ =	swait.ge [sflag:s17], $0x2000  }
0x2c8: {  	[sflag:s17] =	ssyncset.done $0x0  }
0x2c9: {  	[sflag:s17] =	ssyncadd.s32 $0xFFFFE000  }
0x2ca: {  	_ =	swait.ge [sflag:s17], $0x2000  }
0x2cb: {  	[sflag:s17] =	ssyncset.done $0x0  }
0x2cc: {  	[sflag:s17] =	ssyncadd.s32 $0xFFFFE000  }
0x2cd: {  	_ =	swait.ge [sflag:s17], $0x2000  }
0x2ce: {  	[sflag:s17] =	ssyncset.done $0x0  }
0x2cf: {  	[sflag:s17] =	ssyncadd.s32 $0xFFFFE000  }
0x2d0: {  	_ =	swait.ge [sflag:s17], $0x2000  }
0x2d1: {  	[sflag:s17] =	ssyncset.done $0x0  }
0x2d2: {  	[sflag:s17] =	ssyncadd.s32 $0xFFFFE000  }
0x2d3: {  	_ =	swait.ge [sflag:s17], $0x2000  }
0x2d4: {  	[sflag:s17] =	ssyncset.done $0x0  }
0x2d5: {  	s15 =	simm.s32 $0xC80;
	[sflag:s17] =	ssyncadd.s32 $0xFFFFE000  }
0x2d6: {  	v0 =	vld [tilespmem:s15+$0xFFFFFDC0]  }
0x2d7: {  	v1 =	vld [tilespmem:s15+$0xFFFFFD80];
	_ =	sdelay $0x1  }
0x2d8: {  	v2 =	vld [tilespmem:s15+$0xFFFFFE00];
	_ =	sdelay $0x1  }
0x2d9: {  	v3 =	vld [tilespmem:s15+$0xFFFFFE40]  }
0x2da: {  	v0 =	vadd.f32 v0, v1  }
0x2db: {  	v1 =	vld [tilespmem:s15+$0xFFFFFE80]  }
0x2dc: {  	v0 =	vadd.f32 v2, v0  }
0x2dd: {  	v2 =	vld [tilespmem:s15+$0xFFFFFEC0]  }
0x2de: {  	v0 =	vadd.f32 v3, v0  }
0x2df: {  	v3 =	vld [tilespmem:s15+$0xFFFFFF00]  }
0x2e0: {  	v0 =	vadd.f32 v1, v0  }
0x2e1: {  	v1 =	vld [tilespmem:s15+$0xFFFFFF40]  }
0x2e2: {  	v0 =	vadd.f32 v2, v0  }
0x2e3: {  	v2 =	vld [tilespmem:s15+$0xFFFFFF80]  }
0x2e4: {  	v0 =	vadd.f32 v3, v0  }
0x2e5: {  	v3 =	vld [tilespmem:s15+$0xFFFFFFC0]  }
0x2e6: {  	v0 =	vadd.f32 v1, v0  }
0x2e7: {  	v1 =	vld [tilespmem:s15+$0x0]  }
0x2e8: {  	v0 =	vadd.f32 v2, v0  }
0x2e9: {  	v2 =	vld [tilespmem:s15+$0x40]  }
0x2ea: {  	v0 =	vadd.f32 v3, v0  }
0x2eb: {  	v3 =	vld [tilespmem:s15+$0x80]  }
0x2ec: {  	v0 =	vadd.f32 v1, v0  }
0x2ed: {  	v1 =	vld [tilespmem:s15+$0xC0]  }
0x2ee: {  	v0 =	vadd.f32 v2, v0  }
0x2ef: {  	v2 =	vld [tilespmem:s15+$0x100]  }
0x2f0: {  	v0 =	vadd.f32 v3, v0  }
0x2f1: {  	v3 =	vld [tilespmem:s15+$0x140]  }
0x2f2: {  	v0 =	vadd.f32 v1, v0  }
0x2f3: {  	v1 =	vld [tilespmem:s15+$0x180]  }
0x2f4: {  	v0 =	vadd.f32 v2, v0  }
0x2f5: {  	v2 =	vld [tilespmem:s15+$0x1C0]  }
0x2f6: {  	v0 =	vadd.f32 v3, v0  }
0x2f7: {  	v3 =	vld [tilespmem:s15+$0x200]  }
0x2f8: {  	v0 =	vadd.f32 v1, v0  }
0x2f9: {  	v1 =	vld [tilespmem:s15+$0x240]  }
0x2fa: {  	v0 =	vadd.f32 v2, v0;
	_ =	sdelay $0x1  }
0x2fb: {  	v0 =	vadd.f32 v3, v0;
	_ =	sdelay $0x1  }
0x2fc: {  	v0 =	vadd.f32 v1, v0  }
0x2fd: {  	s18 =	simm.s32 $0x0  }
0x2fe: {  	[tilespmem:s18+$0xBA00] =	vst v0  }
0x2ff: {  	v0 =	vld [tilespmem:s15+$0xFFFFFD90]  }
0x300: {  	v1 =	vld [tilespmem:s15+$0xFFFFFDD0];
	_ =	sdelay $0x1  }
0x301: {  	v2 =	vld [tilespmem:s15+$0xFFFFFE10];
	_ =	sdelay $0x1  }
0x302: {  	v3 =	vld [tilespmem:s15+$0xFFFFFE50]  }
0x303: {  	v0 =	vadd.f32 v1, v0  }
0x304: {  	v1 =	vld [tilespmem:s15+$0xFFFFFE90]  }
0x305: {  	v0 =	vadd.f32 v2, v0  }
0x306: {  	v2 =	vld [tilespmem:s15+$0xFFFFFED0]  }
0x307: {  	v0 =	vadd.f32 v3, v0  }
0x308: {  	v3 =	vld [tilespmem:s15+$0xFFFFFF10]  }
0x309: {  	v0 =	vadd.f32 v1, v0  }
0x30a: {  	v1 =	vld [tilespmem:s15+$0xFFFFFF50]  }
0x30b: {  	v0 =	vadd.f32 v2, v0  }
0x30c: {  	v2 =	vld [tilespmem:s15+$0xFFFFFF90]  }
0x30d: {  	v0 =	vadd.f32 v3, v0  }
0x30e: {  	v3 =	vld [tilespmem:s15+$0xFFFFFFD0]  }
0x30f: {  	v0 =	vadd.f32 v1, v0  }
0x310: {  	v1 =	vld [tilespmem:s15+$0x10]  }
0x311: {  	v0 =	vadd.f32 v2, v0  }
0x312: {  	v2 =	vld [tilespmem:s15+$0x50]  }
0x313: {  	v0 =	vadd.f32 v3, v0  }
0x314: {  	v3 =	vld [tilespmem:s15+$0x90]  }
0x315: {  	v0 =	vadd.f32 v1, v0  }
0x316: {  	v1 =	vld [tilespmem:s15+$0xD0]  }
0x317: {  	v0 =	vadd.f32 v2, v0  }
0x318: {  	v2 =	vld [tilespmem:s15+$0x110]  }
0x319: {  	v0 =	vadd.f32 v3, v0  }
0x31a: {  	v3 =	vld [tilespmem:s15+$0x150]  }
0x31b: {  	v0 =	vadd.f32 v1, v0  }
0x31c: {  	v1 =	vld [tilespmem:s15+$0x190]  }
0x31d: {  	v0 =	vadd.f32 v2, v0  }
0x31e: {  	v2 =	vld [tilespmem:s15+$0x1D0]  }
0x31f: {  	v0 =	vadd.f32 v3, v0  }
0x320: {  	v3 =	vld [tilespmem:s15+$0x210]  }
0x321: {  	v0 =	vadd.f32 v1, v0  }
0x322: {  	v1 =	vld [tilespmem:s15+$0x250]  }
0x323: {  	v0 =	vadd.f32 v2, v0;
	_ =	sdelay $0x1  }
0x324: {  	v0 =	vadd.f32 v3, v0;
	_ =	sdelay $0x1  }
0x325: {  	v0 =	vadd.f32 v1, v0;
	_ =	sdelay $0x1  }
0x326: {  	[tilespmem:s18+$0xBA10] =	vst v0  }
0x327: {  	v0 =	vld [tilespmem:s15+$0xFFFFFDA0]  }
0x328: {  	v1 =	vld [tilespmem:s15+$0xFFFFFDE0];
	_ =	sdelay $0x1  }
0x329: {  	v2 =	vld [tilespmem:s15+$0xFFFFFE20];
	_ =	sdelay $0x1  }
0x32a: {  	v3 =	vld [tilespmem:s15+$0xFFFFFE60]  }
0x32b: {  	v0 =	vadd.f32 v1, v0  }
0x32c: {  	v1 =	vld [tilespmem:s15+$0xFFFFFEA0]  }
0x32d: {  	v0 =	vadd.f32 v2, v0  }
0x32e: {  	v2 =	vld [tilespmem:s15+$0xFFFFFEE0]  }
0x32f: {  	v0 =	vadd.f32 v3, v0  }
0x330: {  	v3 =	vld [tilespmem:s15+$0xFFFFFF20]  }
0x331: {  	v0 =	vadd.f32 v1, v0  }
0x332: {  	v1 =	vld [tilespmem:s15+$0xFFFFFF60]  }
0x333: {  	v0 =	vadd.f32 v2, v0  }
0x334: {  	v2 =	vld [tilespmem:s15+$0xFFFFFFA0]  }
0x335: {  	v0 =	vadd.f32 v3, v0  }
0x336: {  	v3 =	vld [tilespmem:s15+$0xFFFFFFE0]  }
0x337: {  	v0 =	vadd.f32 v1, v0  }
0x338: {  	v1 =	vld [tilespmem:s15+$0x20]  }
0x339: {  	v0 =	vadd.f32 v2, v0  }
0x33a: {  	v2 =	vld [tilespmem:s15+$0x60]  }
0x33b: {  	v0 =	vadd.f32 v3, v0  }
0x33c: {  	v3 =	vld [tilespmem:s15+$0xA0]  }
0x33d: {  	v0 =	vadd.f32 v1, v0  }
0x33e: {  	v1 =	vld [tilespmem:s15+$0xE0]  }
0x33f: {  	v0 =	vadd.f32 v2, v0  }
0x340: {  	v2 =	vld [tilespmem:s15+$0x120]  }
0x341: {  	v0 =	vadd.f32 v3, v0  }
0x342: {  	v3 =	vld [tilespmem:s15+$0x160]  }
0x343: {  	v0 =	vadd.f32 v1, v0  }
0x344: {  	v1 =	vld [tilespmem:s15+$0x1A0]  }
0x345: {  	v0 =	vadd.f32 v2, v0  }
0x346: {  	v2 =	vld [tilespmem:s15+$0x1E0]  }
0x347: {  	v0 =	vadd.f32 v3, v0  }
0x348: {  	v3 =	vld [tilespmem:s15+$0x220]  }
0x349: {  	v0 =	vadd.f32 v1, v0  }
0x34a: {  	v1 =	vld [tilespmem:s15+$0x260]  }
0x34b: {  	v0 =	vadd.f32 v2, v0;
	_ =	sdelay $0x1  }
0x34c: {  	v0 =	vadd.f32 v3, v0;
	_ =	sdelay $0x1  }
0x34d: {  	v0 =	vadd.f32 v1, v0;
	_ =	sdelay $0x1  }
0x34e: {  	[tilespmem:s18+$0xBA20] =	vst v0  }
0x34f: {  	v0 =	vld [tilespmem:s15+$0xFFFFFDB0]  }
0x350: {  	v1 =	vld [tilespmem:s15+$0xFFFFFDF0];
	_ =	sdelay $0x1  }
0x351: {  	v2 =	vld [tilespmem:s15+$0xFFFFFE30];
	_ =	sdelay $0x1  }
0x352: {  	v3 =	vld [tilespmem:s15+$0xFFFFFE70]  }
0x353: {  	v0 =	vadd.f32 v1, v0  }
0x354: {  	v1 =	vld [tilespmem:s15+$0xFFFFFEB0]  }
0x355: {  	v0 =	vadd.f32 v2, v0  }
0x356: {  	v2 =	vld [tilespmem:s15+$0xFFFFFEF0]  }
0x357: {  	v0 =	vadd.f32 v3, v0  }
0x358: {  	v3 =	vld [tilespmem:s15+$0xFFFFFF30]  }
0x359: {  	v0 =	vadd.f32 v1, v0  }
0x35a: {  	v1 =	vld [tilespmem:s15+$0xFFFFFF70]  }
0x35b: {  	v0 =	vadd.f32 v2, v0  }
0x35c: {  	v2 =	vld [tilespmem:s15+$0xFFFFFFB0]  }
0x35d: {  	v0 =	vadd.f32 v3, v0  }
0x35e: {  	v3 =	vld [tilespmem:s15+$0xFFFFFFF0]  }
0x35f: {  	v0 =	vadd.f32 v1, v0  }
0x360: {  	v1 =	vld [tilespmem:s15+$0x30]  }
0x361: {  	v0 =	vadd.f32 v2, v0  }
0x362: {  	v2 =	vld [tilespmem:s15+$0x70]  }
0x363: {  	v0 =	vadd.f32 v3, v0  }
0x364: {  	v3 =	vld [tilespmem:s15+$0xB0]  }
0x365: {  	v0 =	vadd.f32 v1, v0  }
0x366: {  	v1 =	vld [tilespmem:s15+$0xF0]  }
0x367: {  	v0 =	vadd.f32 v2, v0  }
0x368: {  	v2 =	vld [tilespmem:s15+$0x130]  }
0x369: {  	v0 =	vadd.f32 v3, v0  }
0x36a: {  	v3 =	vld [tilespmem:s15+$0x170]  }
0x36b: {  	v0 =	vadd.f32 v1, v0  }
0x36c: {  	v1 =	vld [tilespmem:s15+$0x1B0]  }
0x36d: {  	v0 =	vadd.f32 v2, v0;
	_ =	sdelay $0x1  }
0x36e: {  	v2 =	vld [tilespmem:s15+$0x1F0];
	v0 =	vadd.f32 v3, v0;
	_ =	sdelay $0x1  }
0x36f: {  	v3 =	vadd.f32 v1, v0;
	v1 =	vld [tilespmem:s15+$0x230];
	_ =	sdelay $0x1  }
0x370: {  	v0 =	vld [tilespmem:s15+$0x270]  }
0x371: {  	s19 =	simm.s32 $0x100;
	v2 =	vadd.f32 v2, v3  }
.LBB2_6:
0x372: {  	p0 =	sne.s32 s19, $0x1F00  }
0x373: {  	s15 =	sadd.s32 $0x500, s15;
	s20 =	smov.u32 s19;
	s19 =	sadd.s32 $0x100, s19;
	v1 =	vadd.f32 v1, v2  }
0x374: {  	_ = 	snop  }
0x375: {  	v0 =	vadd.f32 v0, v1;
	_ =	sdelay $0x1  }
0x376: {  	[tilespmem:s18+$0xBA30] =	vst v0  }
0x377: {  	v0 =	vld [tilespmem:s15+$0xFFFFFDC0]  }
0x378: {  	v1 =	vld [tilespmem:s15+$0xFFFFFD80];
	_ =	sdelay $0x1  }
0x379: {  	v2 =	vld [tilespmem:s15+$0xFFFFFE00];
	_ =	sdelay $0x1  }
0x37a: {  	v3 =	vld [tilespmem:s15+$0xFFFFFE40]  }
0x37b: {  	v0 =	vadd.f32 v0, v1  }
0x37c: {  	v1 =	vld [tilespmem:s15+$0xFFFFFE80]  }
0x37d: {  	v0 =	vadd.f32 v2, v0  }
0x37e: {  	v2 =	vld [tilespmem:s15+$0xFFFFFEC0]  }
0x37f: {  	v0 =	vadd.f32 v3, v0  }
0x380: {  	v3 =	vld [tilespmem:s15+$0xFFFFFF00]  }
0x381: {  	v0 =	vadd.f32 v1, v0  }
0x382: {  	v1 =	vld [tilespmem:s15+$0xFFFFFF40]  }
0x383: {  	v0 =	vadd.f32 v2, v0  }
0x384: {  	v2 =	vld [tilespmem:s15+$0xFFFFFF80]  }
0x385: {  	v0 =	vadd.f32 v3, v0  }
0x386: {  	v3 =	vld [tilespmem:s15+$0xFFFFFFC0]  }
0x387: {  	v0 =	vadd.f32 v1, v0  }
0x388: {  	v1 =	vld [tilespmem:s15+$0x0]  }
0x389: {  	v0 =	vadd.f32 v2, v0  }
0x38a: {  	v2 =	vld [tilespmem:s15+$0x40]  }
0x38b: {  	v0 =	vadd.f32 v3, v0  }
0x38c: {  	v3 =	vld [tilespmem:s15+$0x80]  }
0x38d: {  	v0 =	vadd.f32 v1, v0  }
0x38e: {  	v1 =	vld [tilespmem:s15+$0xC0]  }
0x38f: {  	v0 =	vadd.f32 v2, v0  }
0x390: {  	v2 =	vld [tilespmem:s15+$0x100]  }
0x391: {  	v0 =	vadd.f32 v3, v0  }
0x392: {  	v3 =	vld [tilespmem:s15+$0x140]  }
0x393: {  	v0 =	vadd.f32 v1, v0  }
0x394: {  	v1 =	vld [tilespmem:s15+$0x180]  }
0x395: {  	v0 =	vadd.f32 v2, v0  }
0x396: {  	v2 =	vld [tilespmem:s15+$0x1C0]  }
0x397: {  	v0 =	vadd.f32 v3, v0  }
0x398: {  	v3 =	vld [tilespmem:s15+$0x200]  }
0x399: {  	v0 =	vadd.f32 v1, v0  }
0x39a: {  	v1 =	vld [tilespmem:s15+$0x240]  }
0x39b: {  	v0 =	vadd.f32 v2, v0;
	_ =	sdelay $0x1  }
0x39c: {  	v0 =	vadd.f32 v3, v0;
	_ =	sdelay $0x1  }
0x39d: {  	v0 =	vadd.f32 v1, v0  }
0x39e: {  	s18 =	sshra.s32 s20, $0x2  }
0x39f: {  	[tilespmem:s18+$0xBA00] =	vst v0  }
0x3a0: {  	v0 =	vld [tilespmem:s15+$0xFFFFFD90]  }
0x3a1: {  	v1 =	vld [tilespmem:s15+$0xFFFFFDD0];
	_ =	sdelay $0x1  }
0x3a2: {  	v2 =	vld [tilespmem:s15+$0xFFFFFE10];
	_ =	sdelay $0x1  }
0x3a3: {  	v3 =	vld [tilespmem:s15+$0xFFFFFE50]  }
0x3a4: {  	v0 =	vadd.f32 v1, v0  }
0x3a5: {  	v1 =	vld [tilespmem:s15+$0xFFFFFE90]  }
0x3a6: {  	v0 =	vadd.f32 v2, v0  }
0x3a7: {  	v2 =	vld [tilespmem:s15+$0xFFFFFED0]  }
0x3a8: {  	v0 =	vadd.f32 v3, v0  }
0x3a9: {  	v3 =	vld [tilespmem:s15+$0xFFFFFF10]  }
0x3aa: {  	v0 =	vadd.f32 v1, v0  }
0x3ab: {  	v1 =	vld [tilespmem:s15+$0xFFFFFF50]  }
0x3ac: {  	v0 =	vadd.f32 v2, v0  }
0x3ad: {  	v2 =	vld [tilespmem:s15+$0xFFFFFF90]  }
0x3ae: {  	v0 =	vadd.f32 v3, v0  }
0x3af: {  	v3 =	vld [tilespmem:s15+$0xFFFFFFD0]  }
0x3b0: {  	v0 =	vadd.f32 v1, v0  }
0x3b1: {  	v1 =	vld [tilespmem:s15+$0x10]  }
0x3b2: {  	v0 =	vadd.f32 v2, v0  }
0x3b3: {  	v2 =	vld [tilespmem:s15+$0x50]  }
0x3b4: {  	v0 =	vadd.f32 v3, v0  }
0x3b5: {  	v3 =	vld [tilespmem:s15+$0x90]  }
0x3b6: {  	v0 =	vadd.f32 v1, v0  }
0x3b7: {  	v1 =	vld [tilespmem:s15+$0xD0]  }
0x3b8: {  	v0 =	vadd.f32 v2, v0  }
0x3b9: {  	v2 =	vld [tilespmem:s15+$0x110]  }
0x3ba: {  	v0 =	vadd.f32 v3, v0  }
0x3bb: {  	v3 =	vld [tilespmem:s15+$0x150]  }
0x3bc: {  	v0 =	vadd.f32 v1, v0  }
0x3bd: {  	v1 =	vld [tilespmem:s15+$0x190]  }
0x3be: {  	v0 =	vadd.f32 v2, v0  }
0x3bf: {  	v2 =	vld [tilespmem:s15+$0x1D0]  }
0x3c0: {  	v0 =	vadd.f32 v3, v0  }
0x3c1: {  	v3 =	vld [tilespmem:s15+$0x210]  }
0x3c2: {  	v0 =	vadd.f32 v1, v0  }
0x3c3: {  	v1 =	vld [tilespmem:s15+$0x250]  }
0x3c4: {  	v0 =	vadd.f32 v2, v0;
	_ =	sdelay $0x1  }
0x3c5: {  	v0 =	vadd.f32 v3, v0;
	_ =	sdelay $0x1  }
0x3c6: {  	v0 =	vadd.f32 v1, v0;
	_ =	sdelay $0x1  }
0x3c7: {  	[tilespmem:s18+$0xBA10] =	vst v0  }
0x3c8: {  	v0 =	vld [tilespmem:s15+$0xFFFFFDA0]  }
0x3c9: {  	v1 =	vld [tilespmem:s15+$0xFFFFFDE0];
	_ =	sdelay $0x1  }
0x3ca: {  	v2 =	vld [tilespmem:s15+$0xFFFFFE20];
	_ =	sdelay $0x1  }
0x3cb: {  	v3 =	vld [tilespmem:s15+$0xFFFFFE60]  }
0x3cc: {  	v0 =	vadd.f32 v1, v0  }
0x3cd: {  	v1 =	vld [tilespmem:s15+$0xFFFFFEA0]  }
0x3ce: {  	v0 =	vadd.f32 v2, v0  }
0x3cf: {  	v2 =	vld [tilespmem:s15+$0xFFFFFEE0]  }
0x3d0: {  	v0 =	vadd.f32 v3, v0  }
0x3d1: {  	v3 =	vld [tilespmem:s15+$0xFFFFFF20]  }
0x3d2: {  	v0 =	vadd.f32 v1, v0  }
0x3d3: {  	v1 =	vld [tilespmem:s15+$0xFFFFFF60]  }
0x3d4: {  	v0 =	vadd.f32 v2, v0  }
0x3d5: {  	v2 =	vld [tilespmem:s15+$0xFFFFFFA0]  }
0x3d6: {  	v0 =	vadd.f32 v3, v0  }
0x3d7: {  	v3 =	vld [tilespmem:s15+$0xFFFFFFE0]  }
0x3d8: {  	v0 =	vadd.f32 v1, v0  }
0x3d9: {  	v1 =	vld [tilespmem:s15+$0x20]  }
0x3da: {  	v0 =	vadd.f32 v2, v0  }
0x3db: {  	v2 =	vld [tilespmem:s15+$0x60]  }
0x3dc: {  	v0 =	vadd.f32 v3, v0  }
0x3dd: {  	v3 =	vld [tilespmem:s15+$0xA0]  }
0x3de: {  	v0 =	vadd.f32 v1, v0  }
0x3df: {  	v1 =	vld [tilespmem:s15+$0xE0]  }
0x3e0: {  	v0 =	vadd.f32 v2, v0  }
0x3e1: {  	v2 =	vld [tilespmem:s15+$0x120]  }
0x3e2: {  	v0 =	vadd.f32 v3, v0  }
0x3e3: {  	v3 =	vld [tilespmem:s15+$0x160]  }
0x3e4: {  	v0 =	vadd.f32 v1, v0  }
0x3e5: {  	v1 =	vld [tilespmem:s15+$0x1A0]  }
0x3e6: {  	v0 =	vadd.f32 v2, v0  }
0x3e7: {  	v2 =	vld [tilespmem:s15+$0x1E0]  }
0x3e8: {  	v0 =	vadd.f32 v3, v0  }
0x3e9: {  	v3 =	vld [tilespmem:s15+$0x220]  }
0x3ea: {  	v0 =	vadd.f32 v1, v0  }
0x3eb: {  	v1 =	vld [tilespmem:s15+$0x260]  }
0x3ec: {  	v0 =	vadd.f32 v2, v0;
	_ =	sdelay $0x1  }
0x3ed: {  	v0 =	vadd.f32 v3, v0;
	_ =	sdelay $0x1  }
0x3ee: {  	v0 =	vadd.f32 v1, v0;
	_ =	sdelay $0x1  }
0x3ef: {  	[tilespmem:s18+$0xBA20] =	vst v0  }
0x3f0: {  	v0 =	vld [tilespmem:s15+$0xFFFFFDB0]  }
0x3f1: {  	v1 =	vld [tilespmem:s15+$0xFFFFFDF0]  }
0x3f2: {  	v2 =	vld [tilespmem:s15+$0xFFFFFE30]  }
0x3f3: {  	v3 =	vld [tilespmem:s15+$0xFFFFFE70]  }
0x3f4: {  	v4 =	vld [tilespmem:s15+$0xFFFFFEB0]  }
0x3f5: {  	v5 =	vld [tilespmem:s15+$0xFFFFFEF0]  }
0x3f6: {  	v0 =	vadd.f32 v1, v0;
	v1 =	vld [tilespmem:s15+$0xFFFFFF30]  }
0x3f7: {  	v6 =	vld [tilespmem:s15+$0xFFFFFF70]  }
0x3f8: {  	v0 =	vadd.f32 v2, v0;
	v2 =	vld [tilespmem:s15+$0xFFFFFFB0]  }
0x3f9: {  	v7 =	vld [tilespmem:s15+$0xFFFFFFF0]  }
0x3fa: {  	v0 =	vadd.f32 v3, v0;
	v3 =	vld [tilespmem:s15+$0x30]  }
0x3fb: {  	v8 =	vld [tilespmem:s15+$0x70]  }
0x3fc: {  	v0 =	vadd.f32 v4, v0;
	v4 =	vld [tilespmem:s15+$0xB0]  }
0x3fd: {  	v9 =	vld [tilespmem:s15+$0xF0]  }
0x3fe: {  	v0 =	vadd.f32 v5, v0;
	v5 =	vld [tilespmem:s15+$0x130]  }
0x3ff: {  	v10 =	vld [tilespmem:s15+$0x170]  }
0x400: {  	v0 =	vadd.f32 v1, v0;
	v11 =	vld [tilespmem:s15+$0x1B0]  }
0x401: {  	v12 =	vld [tilespmem:s15+$0x1F0]  }
0x402: {  	v6 =	vadd.f32 v6, v0;
	v1 =	vld [tilespmem:s15+$0x230]  }
0x403: {  	v0 =	vld [tilespmem:s15+$0x270]  }
0x404: {  	v2 =	vadd.f32 v2, v6;
	_ =	sdelay $0x1  }
0x405: {  	v2 =	vadd.f32 v7, v2;
	_ =	sdelay $0x1  }
0x406: {  	v2 =	vadd.f32 v3, v2;
	_ =	sdelay $0x1  }
0x407: {  	v2 =	vadd.f32 v8, v2;
	_ =	sdelay $0x1  }
0x408: {  	v2 =	vadd.f32 v4, v2;
	_ =	sdelay $0x1  }
0x409: {  	v2 =	vadd.f32 v9, v2;
	_ =	sdelay $0x1  }
0x40a: {  	v2 =	vadd.f32 v5, v2;
	_ =	sdelay $0x1  }
.Ltmp2:
0x40b: {  	v2 =	vadd.f32 v10, v2;
	(pc) =	sbr.rel @p0 .LBB2_6-.Ltmp2, $3  }
0x40c: {  	_ = 	snop  }
0x40d: {  	v2 =	vadd.f32 v11, v2;
	_ =	sdelay $0x1  }
0x40e: {  	v2 =	vadd.f32 v12, v2  }
0x40f: {  	_ = 	snop  }
0x410: {  	v1 =	vadd.f32 v1, v2;
	_ =	sdelay $0x1  }
0x411: {  	v0 =	vadd.f32 v0, v1;
	_ =	sdelay $0x1  }
0x412: {  	[tilespmem:s18+$0xBA30] =	vst v0  }
0x413: {  	[tilespmem:s9], [sflag:$0x1] =	stream.indirect.gather [hbm4b:s3+s8], $0x40, s29, s8, $0xb8;
	[tilespmem:$0xCA00] =	vst v63  }
0x414: {  	_ = 	snop  }
0x415: {  	[tilespmem:s10], [sflag:$0x1] =	stream.indirect.gather [hbm4b:s3+s8], $0x40, s30, s8, $0xb8;
	[tilespmem:$0xCA00] =	vst v63  }
0x416: {  	_ = 	snop  }
0x417: {  	[tilespmem:s12], [sflag:$0x1] =	stream.indirect.gather [hbm4b:s3+s8], $0x40, s31, s8, $0xb8;
	[tilespmem:$0xCA00] =	vst v63  }
0x418: {  	_ = 	snop  }
0x419: {  	[tilespmem:s14], [sflag:$0x1] =	stream.indirect.gather [hbm4b:s3+s8], $0x40, s1, s8, $0xb8;
	[tilespmem:$0xCA00] =	vst v63  }
0x41a: {  	_ = 	snop  }
0x41b: {  	[tilespmem:s16], [sflag:$0x1] =	stream.indirect.gather [hbm4b:s3+s8], $0x40, s0, s8, $0xb8;
	[tilespmem:$0xCA00] =	vst v63  }
0x41c: {  	_ =	swait.ge [sflag:s17], $0x2000  }
0x41d: {  	[sflag:s17] =	ssyncset.done $0x0  }
0x41e: {  	[sflag:s17] =	ssyncadd.s32 $0xFFFFE000  }
0x41f: {  	_ =	swait.ge [sflag:s17], $0x2000  }
0x420: {  	[sflag:s17] =	ssyncset.done $0x0  }
0x421: {  	[sflag:s17] =	ssyncadd.s32 $0xFFFFE000  }
0x422: {  	_ =	swait.ge [sflag:s17], $0x2000  }
0x423: {  	[sflag:s17] =	ssyncset.done $0x0  }
0x424: {  	[sflag:s17] =	ssyncadd.s32 $0xFFFFE000  }
0x425: {  	_ =	swait.ge [sflag:s17], $0x2000  }
0x426: {  	[sflag:s17] =	ssyncset.done $0x0  }
0x427: {  	[sflag:s17] =	ssyncadd.s32 $0xFFFFE000  }
0x428: {  	_ =	swait.ge [sflag:s17], $0x2000  }
0x429: {  	[sflag:s17] =	ssyncset.done $0x0  }
0x42a: {  	s15 =	simm.s32 $0xC80;
	[sflag:s17] =	ssyncadd.s32 $0xFFFFE000  }
0x42b: {  	v0 =	vld [tilespmem:s15+$0xFFFFFDC0]  }
0x42c: {  	v1 =	vld [tilespmem:s15+$0xFFFFFD80];
	_ =	sdelay $0x1  }
0x42d: {  	v2 =	vld [tilespmem:s15+$0xFFFFFE00];
	_ =	sdelay $0x1  }
0x42e: {  	v3 =	vld [tilespmem:s15+$0xFFFFFE40]  }
0x42f: {  	v0 =	vadd.f32 v0, v1  }
0x430: {  	v1 =	vld [tilespmem:s15+$0xFFFFFE80]  }
0x431: {  	v0 =	vadd.f32 v2, v0  }
0x432: {  	v2 =	vld [tilespmem:s15+$0xFFFFFEC0]  }
0x433: {  	v0 =	vadd.f32 v3, v0  }
0x434: {  	v3 =	vld [tilespmem:s15+$0xFFFFFF00]  }
0x435: {  	v0 =	vadd.f32 v1, v0  }
0x436: {  	v1 =	vld [tilespmem:s15+$0xFFFFFF40]  }
0x437: {  	v0 =	vadd.f32 v2, v0  }
0x438: {  	v2 =	vld [tilespmem:s15+$0xFFFFFF80]  }
0x439: {  	v0 =	vadd.f32 v3, v0  }
0x43a: {  	v3 =	vld [tilespmem:s15+$0xFFFFFFC0]  }
0x43b: {  	v0 =	vadd.f32 v1, v0  }
0x43c: {  	v1 =	vld [tilespmem:s15+$0x0]  }
0x43d: {  	v0 =	vadd.f32 v2, v0  }
0x43e: {  	v2 =	vld [tilespmem:s15+$0x40]  }
0x43f: {  	v0 =	vadd.f32 v3, v0  }
0x440: {  	v3 =	vld [tilespmem:s15+$0x80]  }
0x441: {  	v0 =	vadd.f32 v1, v0  }
0x442: {  	v1 =	vld [tilespmem:s15+$0xC0]  }
0x443: {  	v0 =	vadd.f32 v2, v0  }
0x444: {  	v2 =	vld [tilespmem:s15+$0x100]  }
0x445: {  	v0 =	vadd.f32 v3, v0  }
0x446: {  	v3 =	vld [tilespmem:s15+$0x140]  }
0x447: {  	v0 =	vadd.f32 v1, v0  }
0x448: {  	v1 =	vld [tilespmem:s15+$0x180]  }
0x449: {  	v0 =	vadd.f32 v2, v0  }
0x44a: {  	v2 =	vld [tilespmem:s15+$0x1C0]  }
0x44b: {  	v0 =	vadd.f32 v3, v0  }
0x44c: {  	v3 =	vld [tilespmem:s15+$0x200]  }
0x44d: {  	v0 =	vadd.f32 v1, v0  }
0x44e: {  	v1 =	vld [tilespmem:s15+$0x240]  }
0x44f: {  	v0 =	vadd.f32 v2, v0;
	_ =	sdelay $0x1  }
0x450: {  	v0 =	vadd.f32 v3, v0;
	_ =	sdelay $0x1  }
0x451: {  	v0 =	vadd.f32 v1, v0  }
0x452: {  	s18 =	simm.s32 $0x0  }
0x453: {  	[tilespmem:s18+$0xC200] =	vst v0  }
0x454: {  	v0 =	vld [tilespmem:s15+$0xFFFFFD90]  }
0x455: {  	v1 =	vld [tilespmem:s15+$0xFFFFFDD0];
	_ =	sdelay $0x1  }
0x456: {  	v2 =	vld [tilespmem:s15+$0xFFFFFE10];
	_ =	sdelay $0x1  }
0x457: {  	v3 =	vld [tilespmem:s15+$0xFFFFFE50]  }
0x458: {  	v0 =	vadd.f32 v1, v0  }
0x459: {  	v1 =	vld [tilespmem:s15+$0xFFFFFE90]  }
0x45a: {  	v0 =	vadd.f32 v2, v0  }
0x45b: {  	v2 =	vld [tilespmem:s15+$0xFFFFFED0]  }
0x45c: {  	v0 =	vadd.f32 v3, v0  }
0x45d: {  	v3 =	vld [tilespmem:s15+$0xFFFFFF10]  }
0x45e: {  	v0 =	vadd.f32 v1, v0  }
0x45f: {  	v1 =	vld [tilespmem:s15+$0xFFFFFF50]  }
0x460: {  	v0 =	vadd.f32 v2, v0  }
0x461: {  	v2 =	vld [tilespmem:s15+$0xFFFFFF90]  }
0x462: {  	v0 =	vadd.f32 v3, v0  }
0x463: {  	v3 =	vld [tilespmem:s15+$0xFFFFFFD0]  }
0x464: {  	v0 =	vadd.f32 v1, v0  }
0x465: {  	v1 =	vld [tilespmem:s15+$0x10]  }
0x466: {  	v0 =	vadd.f32 v2, v0  }
0x467: {  	v2 =	vld [tilespmem:s15+$0x50]  }
0x468: {  	v0 =	vadd.f32 v3, v0  }
0x469: {  	v3 =	vld [tilespmem:s15+$0x90]  }
0x46a: {  	v0 =	vadd.f32 v1, v0  }
0x46b: {  	v1 =	vld [tilespmem:s15+$0xD0]  }
0x46c: {  	v0 =	vadd.f32 v2, v0  }
0x46d: {  	v2 =	vld [tilespmem:s15+$0x110]  }
0x46e: {  	v0 =	vadd.f32 v3, v0  }
0x46f: {  	v3 =	vld [tilespmem:s15+$0x150]  }
0x470: {  	v0 =	vadd.f32 v1, v0  }
0x471: {  	v1 =	vld [tilespmem:s15+$0x190]  }
0x472: {  	v0 =	vadd.f32 v2, v0  }
0x473: {  	v2 =	vld [tilespmem:s15+$0x1D0]  }
0x474: {  	v0 =	vadd.f32 v3, v0  }
0x475: {  	v3 =	vld [tilespmem:s15+$0x210]  }
0x476: {  	v0 =	vadd.f32 v1, v0  }
0x477: {  	v1 =	vld [tilespmem:s15+$0x250]  }
0x478: {  	v0 =	vadd.f32 v2, v0;
	_ =	sdelay $0x1  }
0x479: {  	v0 =	vadd.f32 v3, v0;
	_ =	sdelay $0x1  }
0x47a: {  	v0 =	vadd.f32 v1, v0;
	_ =	sdelay $0x1  }
0x47b: {  	[tilespmem:s18+$0xC210] =	vst v0  }
0x47c: {  	v0 =	vld [tilespmem:s15+$0xFFFFFDA0]  }
0x47d: {  	v1 =	vld [tilespmem:s15+$0xFFFFFDE0];
	_ =	sdelay $0x1  }
0x47e: {  	v2 =	vld [tilespmem:s15+$0xFFFFFE20];
	_ =	sdelay $0x1  }
0x47f: {  	v3 =	vld [tilespmem:s15+$0xFFFFFE60]  }
0x480: {  	v0 =	vadd.f32 v1, v0  }
0x481: {  	v1 =	vld [tilespmem:s15+$0xFFFFFEA0]  }
0x482: {  	v0 =	vadd.f32 v2, v0  }
0x483: {  	v2 =	vld [tilespmem:s15+$0xFFFFFEE0]  }
0x484: {  	v0 =	vadd.f32 v3, v0  }
0x485: {  	v3 =	vld [tilespmem:s15+$0xFFFFFF20]  }
0x486: {  	v0 =	vadd.f32 v1, v0  }
0x487: {  	v1 =	vld [tilespmem:s15+$0xFFFFFF60]  }
0x488: {  	v0 =	vadd.f32 v2, v0  }
0x489: {  	v2 =	vld [tilespmem:s15+$0xFFFFFFA0]  }
0x48a: {  	v0 =	vadd.f32 v3, v0  }
0x48b: {  	v3 =	vld [tilespmem:s15+$0xFFFFFFE0]  }
0x48c: {  	v0 =	vadd.f32 v1, v0  }
0x48d: {  	v1 =	vld [tilespmem:s15+$0x20]  }
0x48e: {  	v0 =	vadd.f32 v2, v0  }
0x48f: {  	v2 =	vld [tilespmem:s15+$0x60]  }
0x490: {  	v0 =	vadd.f32 v3, v0  }
0x491: {  	v3 =	vld [tilespmem:s15+$0xA0]  }
0x492: {  	v0 =	vadd.f32 v1, v0  }
0x493: {  	v1 =	vld [tilespmem:s15+$0xE0]  }
0x494: {  	v0 =	vadd.f32 v2, v0  }
0x495: {  	v2 =	vld [tilespmem:s15+$0x120]  }
0x496: {  	v0 =	vadd.f32 v3, v0  }
0x497: {  	v3 =	vld [tilespmem:s15+$0x160]  }
0x498: {  	v0 =	vadd.f32 v1, v0  }
0x499: {  	v1 =	vld [tilespmem:s15+$0x1A0]  }
0x49a: {  	v0 =	vadd.f32 v2, v0  }
0x49b: {  	v2 =	vld [tilespmem:s15+$0x1E0]  }
0x49c: {  	v0 =	vadd.f32 v3, v0  }
0x49d: {  	v3 =	vld [tilespmem:s15+$0x220]  }
0x49e: {  	v0 =	vadd.f32 v1, v0  }
0x49f: {  	v1 =	vld [tilespmem:s15+$0x260]  }
0x4a0: {  	v0 =	vadd.f32 v2, v0;
	_ =	sdelay $0x1  }
0x4a1: {  	v0 =	vadd.f32 v3, v0;
	_ =	sdelay $0x1  }
0x4a2: {  	v0 =	vadd.f32 v1, v0;
	_ =	sdelay $0x1  }
0x4a3: {  	[tilespmem:s18+$0xC220] =	vst v0  }
0x4a4: {  	v0 =	vld [tilespmem:s15+$0xFFFFFDB0]  }
0x4a5: {  	v1 =	vld [tilespmem:s15+$0xFFFFFDF0];
	_ =	sdelay $0x1  }
0x4a6: {  	v2 =	vld [tilespmem:s15+$0xFFFFFE30];
	_ =	sdelay $0x1  }
0x4a7: {  	v3 =	vld [tilespmem:s15+$0xFFFFFE70]  }
0x4a8: {  	v0 =	vadd.f32 v1, v0  }
0x4a9: {  	v1 =	vld [tilespmem:s15+$0xFFFFFEB0]  }
0x4aa: {  	v0 =	vadd.f32 v2, v0  }
0x4ab: {  	v2 =	vld [tilespmem:s15+$0xFFFFFEF0]  }
0x4ac: {  	v0 =	vadd.f32 v3, v0  }
0x4ad: {  	v3 =	vld [tilespmem:s15+$0xFFFFFF30]  }
0x4ae: {  	v0 =	vadd.f32 v1, v0  }
0x4af: {  	v1 =	vld [tilespmem:s15+$0xFFFFFF70]  }
0x4b0: {  	v0 =	vadd.f32 v2, v0  }
0x4b1: {  	v2 =	vld [tilespmem:s15+$0xFFFFFFB0]  }
0x4b2: {  	v0 =	vadd.f32 v3, v0  }
0x4b3: {  	v3 =	vld [tilespmem:s15+$0xFFFFFFF0]  }
0x4b4: {  	v0 =	vadd.f32 v1, v0  }
0x4b5: {  	v1 =	vld [tilespmem:s15+$0x30]  }
0x4b6: {  	v0 =	vadd.f32 v2, v0  }
0x4b7: {  	v2 =	vld [tilespmem:s15+$0x70]  }
0x4b8: {  	v0 =	vadd.f32 v3, v0  }
0x4b9: {  	v3 =	vld [tilespmem:s15+$0xB0]  }
0x4ba: {  	v0 =	vadd.f32 v1, v0  }
0x4bb: {  	v1 =	vld [tilespmem:s15+$0xF0]  }
0x4bc: {  	v0 =	vadd.f32 v2, v0  }
0x4bd: {  	v2 =	vld [tilespmem:s15+$0x130]  }
0x4be: {  	v0 =	vadd.f32 v3, v0  }
0x4bf: {  	v3 =	vld [tilespmem:s15+$0x170]  }
0x4c0: {  	v0 =	vadd.f32 v1, v0  }
0x4c1: {  	v1 =	vld [tilespmem:s15+$0x1B0]  }
0x4c2: {  	v0 =	vadd.f32 v2, v0;
	_ =	sdelay $0x1  }
0x4c3: {  	v2 =	vld [tilespmem:s15+$0x1F0];
	v0 =	vadd.f32 v3, v0;
	_ =	sdelay $0x1  }
0x4c4: {  	v3 =	vadd.f32 v1, v0;
	v1 =	vld [tilespmem:s15+$0x230];
	_ =	sdelay $0x1  }
0x4c5: {  	v0 =	vld [tilespmem:s15+$0x270]  }
0x4c6: {  	s19 =	simm.s32 $0x100;
	v2 =	vadd.f32 v2, v3  }
.LBB2_8:
0x4c7: {  	p0 =	sne.s32 s19, $0x1F00  }
0x4c8: {  	s15 =	sadd.s32 $0x500, s15;
	s20 =	smov.u32 s19;
	s19 =	sadd.s32 $0x100, s19;
	v1 =	vadd.f32 v1, v2  }
0x4c9: {  	_ = 	snop  }
0x4ca: {  	v0 =	vadd.f32 v0, v1;
	_ =	sdelay $0x1  }
0x4cb: {  	[tilespmem:s18+$0xC230] =	vst v0  }
0x4cc: {  	v0 =	vld [tilespmem:s15+$0xFFFFFDC0]  }
0x4cd: {  	v1 =	vld [tilespmem:s15+$0xFFFFFD80];
	_ =	sdelay $0x1  }
0x4ce: {  	v2 =	vld [tilespmem:s15+$0xFFFFFE00];
	_ =	sdelay $0x1  }
0x4cf: {  	v3 =	vld [tilespmem:s15+$0xFFFFFE40]  }
0x4d0: {  	v0 =	vadd.f32 v0, v1  }
0x4d1: {  	v1 =	vld [tilespmem:s15+$0xFFFFFE80]  }
0x4d2: {  	v0 =	vadd.f32 v2, v0  }
0x4d3: {  	v2 =	vld [tilespmem:s15+$0xFFFFFEC0]  }
0x4d4: {  	v0 =	vadd.f32 v3, v0  }
0x4d5: {  	v3 =	vld [tilespmem:s15+$0xFFFFFF00]  }
0x4d6: {  	v0 =	vadd.f32 v1, v0  }
0x4d7: {  	v1 =	vld [tilespmem:s15+$0xFFFFFF40]  }
0x4d8: {  	v0 =	vadd.f32 v2, v0  }
0x4d9: {  	v2 =	vld [tilespmem:s15+$0xFFFFFF80]  }
0x4da: {  	v0 =	vadd.f32 v3, v0  }
0x4db: {  	v3 =	vld [tilespmem:s15+$0xFFFFFFC0]  }
0x4dc: {  	v0 =	vadd.f32 v1, v0  }
0x4dd: {  	v1 =	vld [tilespmem:s15+$0x0]  }
0x4de: {  	v0 =	vadd.f32 v2, v0  }
0x4df: {  	v2 =	vld [tilespmem:s15+$0x40]  }
0x4e0: {  	v0 =	vadd.f32 v3, v0  }
0x4e1: {  	v3 =	vld [tilespmem:s15+$0x80]  }
0x4e2: {  	v0 =	vadd.f32 v1, v0  }
0x4e3: {  	v1 =	vld [tilespmem:s15+$0xC0]  }
0x4e4: {  	v0 =	vadd.f32 v2, v0  }
0x4e5: {  	v2 =	vld [tilespmem:s15+$0x100]  }
0x4e6: {  	v0 =	vadd.f32 v3, v0  }
0x4e7: {  	v3 =	vld [tilespmem:s15+$0x140]  }
0x4e8: {  	v0 =	vadd.f32 v1, v0  }
0x4e9: {  	v1 =	vld [tilespmem:s15+$0x180]  }
0x4ea: {  	v0 =	vadd.f32 v2, v0  }
0x4eb: {  	v2 =	vld [tilespmem:s15+$0x1C0]  }
0x4ec: {  	v0 =	vadd.f32 v3, v0  }
0x4ed: {  	v3 =	vld [tilespmem:s15+$0x200]  }
0x4ee: {  	v0 =	vadd.f32 v1, v0  }
0x4ef: {  	v1 =	vld [tilespmem:s15+$0x240]  }
0x4f0: {  	v0 =	vadd.f32 v2, v0;
	_ =	sdelay $0x1  }
0x4f1: {  	v0 =	vadd.f32 v3, v0;
	_ =	sdelay $0x1  }
0x4f2: {  	v0 =	vadd.f32 v1, v0  }
0x4f3: {  	s18 =	sshra.s32 s20, $0x2  }
0x4f4: {  	[tilespmem:s18+$0xC200] =	vst v0  }
0x4f5: {  	v0 =	vld [tilespmem:s15+$0xFFFFFD90]  }
0x4f6: {  	v1 =	vld [tilespmem:s15+$0xFFFFFDD0];
	_ =	sdelay $0x1  }
0x4f7: {  	v2 =	vld [tilespmem:s15+$0xFFFFFE10];
	_ =	sdelay $0x1  }
0x4f8: {  	v3 =	vld [tilespmem:s15+$0xFFFFFE50]  }
0x4f9: {  	v0 =	vadd.f32 v1, v0  }
0x4fa: {  	v1 =	vld [tilespmem:s15+$0xFFFFFE90]  }
0x4fb: {  	v0 =	vadd.f32 v2, v0  }
0x4fc: {  	v2 =	vld [tilespmem:s15+$0xFFFFFED0]  }
0x4fd: {  	v0 =	vadd.f32 v3, v0  }
0x4fe: {  	v3 =	vld [tilespmem:s15+$0xFFFFFF10]  }
0x4ff: {  	v0 =	vadd.f32 v1, v0  }
0x500: {  	v1 =	vld [tilespmem:s15+$0xFFFFFF50]  }
0x501: {  	v0 =	vadd.f32 v2, v0  }
0x502: {  	v2 =	vld [tilespmem:s15+$0xFFFFFF90]  }
0x503: {  	v0 =	vadd.f32 v3, v0  }
0x504: {  	v3 =	vld [tilespmem:s15+$0xFFFFFFD0]  }
0x505: {  	v0 =	vadd.f32 v1, v0  }
0x506: {  	v1 =	vld [tilespmem:s15+$0x10]  }
0x507: {  	v0 =	vadd.f32 v2, v0  }
0x508: {  	v2 =	vld [tilespmem:s15+$0x50]  }
0x509: {  	v0 =	vadd.f32 v3, v0  }
0x50a: {  	v3 =	vld [tilespmem:s15+$0x90]  }
0x50b: {  	v0 =	vadd.f32 v1, v0  }
0x50c: {  	v1 =	vld [tilespmem:s15+$0xD0]  }
0x50d: {  	v0 =	vadd.f32 v2, v0  }
0x50e: {  	v2 =	vld [tilespmem:s15+$0x110]  }
0x50f: {  	v0 =	vadd.f32 v3, v0  }
0x510: {  	v3 =	vld [tilespmem:s15+$0x150]  }
0x511: {  	v0 =	vadd.f32 v1, v0  }
0x512: {  	v1 =	vld [tilespmem:s15+$0x190]  }
0x513: {  	v0 =	vadd.f32 v2, v0  }
0x514: {  	v2 =	vld [tilespmem:s15+$0x1D0]  }
0x515: {  	v0 =	vadd.f32 v3, v0  }
0x516: {  	v3 =	vld [tilespmem:s15+$0x210]  }
0x517: {  	v0 =	vadd.f32 v1, v0  }
0x518: {  	v1 =	vld [tilespmem:s15+$0x250]  }
0x519: {  	v0 =	vadd.f32 v2, v0;
	_ =	sdelay $0x1  }
0x51a: {  	v0 =	vadd.f32 v3, v0;
	_ =	sdelay $0x1  }
0x51b: {  	v0 =	vadd.f32 v1, v0;
	_ =	sdelay $0x1  }
0x51c: {  	[tilespmem:s18+$0xC210] =	vst v0  }
0x51d: {  	v0 =	vld [tilespmem:s15+$0xFFFFFDA0]  }
0x51e: {  	v1 =	vld [tilespmem:s15+$0xFFFFFDE0];
	_ =	sdelay $0x1  }
0x51f: {  	v2 =	vld [tilespmem:s15+$0xFFFFFE20];
	_ =	sdelay $0x1  }
0x520: {  	v3 =	vld [tilespmem:s15+$0xFFFFFE60]  }
0x521: {  	v0 =	vadd.f32 v1, v0  }
0x522: {  	v1 =	vld [tilespmem:s15+$0xFFFFFEA0]  }
0x523: {  	v0 =	vadd.f32 v2, v0  }
0x524: {  	v2 =	vld [tilespmem:s15+$0xFFFFFEE0]  }
0x525: {  	v0 =	vadd.f32 v3, v0  }
0x526: {  	v3 =	vld [tilespmem:s15+$0xFFFFFF20]  }
0x527: {  	v0 =	vadd.f32 v1, v0  }
0x528: {  	v1 =	vld [tilespmem:s15+$0xFFFFFF60]  }
0x529: {  	v0 =	vadd.f32 v2, v0  }
0x52a: {  	v2 =	vld [tilespmem:s15+$0xFFFFFFA0]  }
0x52b: {  	v0 =	vadd.f32 v3, v0  }
0x52c: {  	v3 =	vld [tilespmem:s15+$0xFFFFFFE0]  }
0x52d: {  	v0 =	vadd.f32 v1, v0  }
0x52e: {  	v1 =	vld [tilespmem:s15+$0x20]  }
0x52f: {  	v0 =	vadd.f32 v2, v0  }
0x530: {  	v2 =	vld [tilespmem:s15+$0x60]  }
0x531: {  	v0 =	vadd.f32 v3, v0  }
0x532: {  	v3 =	vld [tilespmem:s15+$0xA0]  }
0x533: {  	v0 =	vadd.f32 v1, v0  }
0x534: {  	v1 =	vld [tilespmem:s15+$0xE0]  }
0x535: {  	v0 =	vadd.f32 v2, v0  }
0x536: {  	v2 =	vld [tilespmem:s15+$0x120]  }
0x537: {  	v0 =	vadd.f32 v3, v0  }
0x538: {  	v3 =	vld [tilespmem:s15+$0x160]  }
0x539: {  	v0 =	vadd.f32 v1, v0  }
0x53a: {  	v1 =	vld [tilespmem:s15+$0x1A0]  }
0x53b: {  	v0 =	vadd.f32 v2, v0  }
0x53c: {  	v2 =	vld [tilespmem:s15+$0x1E0]  }
0x53d: {  	v0 =	vadd.f32 v3, v0  }
0x53e: {  	v3 =	vld [tilespmem:s15+$0x220]  }
0x53f: {  	v0 =	vadd.f32 v1, v0  }
0x540: {  	v1 =	vld [tilespmem:s15+$0x260]  }
0x541: {  	v0 =	vadd.f32 v2, v0;
	_ =	sdelay $0x1  }
0x542: {  	v0 =	vadd.f32 v3, v0;
	_ =	sdelay $0x1  }
0x543: {  	v0 =	vadd.f32 v1, v0;
	_ =	sdelay $0x1  }
0x544: {  	[tilespmem:s18+$0xC220] =	vst v0  }
0x545: {  	v0 =	vld [tilespmem:s15+$0xFFFFFDB0]  }
0x546: {  	v1 =	vld [tilespmem:s15+$0xFFFFFDF0]  }
0x547: {  	v2 =	vld [tilespmem:s15+$0xFFFFFE30]  }
0x548: {  	v3 =	vld [tilespmem:s15+$0xFFFFFE70]  }
0x549: {  	v4 =	vld [tilespmem:s15+$0xFFFFFEB0]  }
0x54a: {  	v5 =	vld [tilespmem:s15+$0xFFFFFEF0]  }
0x54b: {  	v0 =	vadd.f32 v1, v0;
	v1 =	vld [tilespmem:s15+$0xFFFFFF30]  }
0x54c: {  	v6 =	vld [tilespmem:s15+$0xFFFFFF70]  }
0x54d: {  	v0 =	vadd.f32 v2, v0;
	v2 =	vld [tilespmem:s15+$0xFFFFFFB0]  }
0x54e: {  	v7 =	vld [tilespmem:s15+$0xFFFFFFF0]  }
0x54f: {  	v0 =	vadd.f32 v3, v0;
	v3 =	vld [tilespmem:s15+$0x30]  }
0x550: {  	v8 =	vld [tilespmem:s15+$0x70]  }
0x551: {  	v0 =	vadd.f32 v4, v0;
	v4 =	vld [tilespmem:s15+$0xB0]  }
0x552: {  	v9 =	vld [tilespmem:s15+$0xF0]  }
0x553: {  	v0 =	vadd.f32 v5, v0;
	v5 =	vld [tilespmem:s15+$0x130]  }
0x554: {  	v10 =	vld [tilespmem:s15+$0x170]  }
0x555: {  	v0 =	vadd.f32 v1, v0;
	v11 =	vld [tilespmem:s15+$0x1B0]  }
0x556: {  	v12 =	vld [tilespmem:s15+$0x1F0]  }
0x557: {  	v6 =	vadd.f32 v6, v0;
	v1 =	vld [tilespmem:s15+$0x230]  }
0x558: {  	v0 =	vld [tilespmem:s15+$0x270]  }
0x559: {  	v2 =	vadd.f32 v2, v6;
	_ =	sdelay $0x1  }
0x55a: {  	v2 =	vadd.f32 v7, v2;
	_ =	sdelay $0x1  }
0x55b: {  	v2 =	vadd.f32 v3, v2;
	_ =	sdelay $0x1  }
0x55c: {  	v2 =	vadd.f32 v8, v2;
	_ =	sdelay $0x1  }
0x55d: {  	v2 =	vadd.f32 v4, v2;
	_ =	sdelay $0x1  }
0x55e: {  	v2 =	vadd.f32 v9, v2;
	_ =	sdelay $0x1  }
0x55f: {  	v2 =	vadd.f32 v5, v2;
	_ =	sdelay $0x1  }
.Ltmp3:
0x560: {  	v2 =	vadd.f32 v10, v2;
	(pc) =	sbr.rel @p0 .LBB2_8-.Ltmp3, $3  }
0x561: {  	_ = 	snop  }
0x562: {  	v2 =	vadd.f32 v11, v2;
	_ =	sdelay $0x1  }
0x563: {  	v2 =	vadd.f32 v12, v2  }
0x564: {  	_ = 	snop  }
0x565: {  	v1 =	vadd.f32 v1, v2;
	_ =	sdelay $0x1  }
0x566: {  	s13 =	sadd.s32 $0x1, s13;
	v0 =	vadd.f32 v0, v1  }
0x567: {  	p0 =	sne.s32 s13, s6  }
.Ltmp4:
0x568: {  	[tilespmem:s18+$0xC230] =	vst v0;
	(pc) =	sbr.rel @p0 .LBB2_1-.Ltmp4, $4  }
0x569: {  	[hbm4b:s5+s2] =	stream.linear.scatter [tilespmem:s11], [sflag:$0x2], $0x2000, $0x38;
	[tilespmem:$0xCA00] =	vst v63  }
0x56a: {  	_ =	swait.ge [sflag:s7], $0x2000  }
0x56b: {  	[sflag:s7] =	ssyncset.done $0x0  }
0x56c: {  	[sflag:s7] =	ssyncadd.s32 $0xFFFFE000  }
0x56d: {  	_ =	sfence.sel $0x180000  }
0x56e: {  	[bflag:$0x0] =	sbarrier.arrive $0xFFFF  }
0x56f: {  	_ =	strace $0x90000047  }
0x570: {  	s0 =	stileid.u32;
	[bflag:$0x2] =	sbarrier.arrive $0xFFFF  }
0x571: {  	p0 =	sne.s32 s0, $0x0;
	s0 =	rddreg [dreg:$0x1]  }
0x572: {  	s0 =	sadd.s32 @!p0 $0x100000, s0  }
0x573: {  	[sflag:s0] =	ssyncadd.tile.s32 @!p0 $0x1;
	_ =	shalt  }
.Lfunc_end2:
_tile_overlayer_lowered:
.L_overlay_start_2:
0x574: {  	(tag) =	ssettag $0x2  }
0x575: {  	s0 =	rddreg [dreg:$0x0];
	s2 =	stileid.u32  }
0x576: {  	s1 =	rddreg [dreg:$0x1];
	p0 =	sne.s32 s2, $0x0  }
0x577: {  	s3 =	rddreg [dreg:$0x2];
	[bflag:$0x3] =	sbarrier.arrive $0xFFFF;
	s2 =	simm.s32 @!p0 $0x1C02  }
0x578: {  	[timem:s3], [sflag:s2] =	dma.local @!p0 [hbm:s0], s1  }
0x579: {  	s0 =	simm.s32 @!p0 $0x2  }
0x57a: {  	_ =	swait.ge @!p0 [sflag:s0], s1  }
0x57b: {  	s1 =	ssub.s32 @!p0 $0x0, s1;
	[sflag:s0] =	ssyncset.done @!p0 $0x0  }
0x57c: {  	[sflag:s0] =	ssyncadd.s32 @!p0 s1  }
0x57d: {  	[bflag:$0x3] =	sbarrier.arrive $0xFFFF  }
0x57e: {  	_ =	shalt  }

</sc_bundles>
